<compile_context>
chip_gen: v7x
topology: tpu7x:2x2x1
jax: 0.10.2.dev20260603
libtpu: 0.0.44.dev20260713+nightly
codegen_flags: <defaults>
</compile_context>

<pallas_src>
import functools

import jax
import jax.numpy as jnp
from jax import lax
from jax.experimental import pallas as pl
from jax.experimental.pallas import tpu as pltpu
from jax.experimental.pallas import tpu_sc as plsc

N_NODES = 10000
E = 320000
IN_DIM = 128
HID = 64

NC = 2
NS = 16
NW = NC * NS
SUB = 128
K = 8
CHUNK = SUB * K
CHUNKS_PER_W = 10
DW = 8
E_PAD = NW * CHUNK * CHUNKS_PER_W
IDXROWS_PER_W = E_PAD // SUB // NW
N_PAD = 10240
ROWS_PER_TILE = N_PAD // NS
DUMMY = N_NODES
RBLK = 512
VDT = jnp.bfloat16



EBLK = E_PAD // (N_PAD // RBLK)


def _tc_pre_body(x_ref, wl_ref, wr_ref, b_ref, e_ref, p_ref, q_ref, ei_ref):
    xb = x_ref[...]
    p_ref[...] = jnp.dot(
        xb, wl_ref[...], preferred_element_type=jnp.float32).astype(VDT)
    q_ref[...] = (jnp.dot(xb, wr_ref[...], preferred_element_type=jnp.float32)
                  + b_ref[...])
    i = pl.program_id(0)
    col = jax.lax.broadcasted_iota(jnp.int32, (2, EBLK), 1) + i * EBLK
    e = jnp.where(col < E, e_ref[...], DUMMY)
    ei_ref[...] = e.reshape(2, EBLK // SUB, SUB)


def _tc_pre(x, W_l, W_r, b, e):
    grid = (N_PAD // RBLK,)
    return pl.pallas_call(
        _tc_pre_body,
        grid=grid,
        in_specs=[
            pl.BlockSpec((RBLK, IN_DIM), lambda i: (i, 0)),
            pl.BlockSpec((IN_DIM, HID), lambda i: (0, 0)),
            pl.BlockSpec((IN_DIM, HID), lambda i: (0, 0)),
            pl.BlockSpec((1, HID), lambda i: (0, 0)),
            pl.BlockSpec((2, EBLK), lambda i: (0, i)),
        ],
        out_specs=[
            pl.BlockSpec((RBLK, HID), lambda i: (i, 0)),
            pl.BlockSpec((RBLK, HID), lambda i: (i, 0)),
            pl.BlockSpec((2, EBLK // SUB, SUB), lambda i: (0, i, 0)),
        ],
        out_shape=[
            jax.ShapeDtypeStruct((N_PAD, HID), VDT),
            jax.ShapeDtypeStruct((N_PAD, HID), jnp.float32),
            jax.ShapeDtypeStruct((2, E_PAD // SUB, SUB), jnp.int32),
        ],
    )(x, W_l, W_r, b, e)


def _tc_mid_body(part_ref, degp_ref, q1_ref, wl_ref, wr_ref, b_ref,
                 p2_ref, q2_ref):
    agg = (part_ref[0].astype(jnp.float32)
           + part_ref[1].astype(jnp.float32))
    deg = degp_ref[0, :, 0] + degp_ref[1, :, 0]
    mean = agg / jnp.maximum(deg, 1.0)[:, None]
    h = jnp.maximum(mean + q1_ref[...], 0.0)
    p2_ref[...] = jnp.dot(
        h, wl_ref[...], preferred_element_type=jnp.float32).astype(VDT)
    q2_ref[...] = (jnp.dot(h, wr_ref[...], preferred_element_type=jnp.float32)
                   + b_ref[...])


def _tc_mid(part, degp, q1, W_l, W_r, b):
    grid = (N_PAD // RBLK,)
    return pl.pallas_call(
        _tc_mid_body,
        grid=grid,
        in_specs=[
            pl.BlockSpec((NC, RBLK, HID), lambda i: (0, i, 0)),
            pl.BlockSpec((NC, RBLK, DW), lambda i: (0, i, 0)),
            pl.BlockSpec((RBLK, HID), lambda i: (i, 0)),
            pl.BlockSpec((HID, HID), lambda i: (0, 0)),
            pl.BlockSpec((HID, HID), lambda i: (0, 0)),
            pl.BlockSpec((1, HID), lambda i: (0, 0)),
        ],
        out_specs=[
            pl.BlockSpec((RBLK, HID), lambda i: (i, 0)),
            pl.BlockSpec((RBLK, HID), lambda i: (i, 0)),
        ],
        out_shape=[
            jax.ShapeDtypeStruct((N_PAD, HID), VDT),
            jax.ShapeDtypeStruct((N_PAD, HID), jnp.float32),
        ],
    )(part, degp, q1, W_l, W_r, b)


def _tc_out_body(part_ref, degp_ref, q2_ref, z_ref):
    agg = (part_ref[0].astype(jnp.float32)
           + part_ref[1].astype(jnp.float32))
    deg = degp_ref[0, :, 0] + degp_ref[1, :, 0]
    z_ref[...] = agg / jnp.maximum(deg, 1.0)[:, None] + q2_ref[...]


def _tc_out(part, degp, q2):
    oblk = 400
    grid = (N_NODES // oblk,)
    return pl.pallas_call(
        _tc_out_body,
        grid=grid,
        in_specs=[
            pl.BlockSpec((NC, oblk, HID), lambda i: (0, i, 0)),
            pl.BlockSpec((NC, oblk, DW), lambda i: (0, i, 0)),
            pl.BlockSpec((oblk, HID), lambda i: (i, 0)),
        ],
        out_specs=pl.BlockSpec((oblk, HID), lambda i: (i, 0)),
        out_shape=jax.ShapeDtypeStruct((N_NODES, HID), jnp.float32),
    )(part, degp, q2)



def _make_sc_agg(with_deg):
    mesh = plsc.VectorSubcoreMesh(core_axis_name="c", subcore_axis_name="s")
    out_type = [jax.ShapeDtypeStruct((NC, N_PAD, HID), VDT)]
    scratch = [
        pltpu.VMEM((2, K, SUB), jnp.int32),
        pltpu.VMEM((2, K, SUB), jnp.int32),
        pltpu.VMEM((CHUNK, HID), VDT),
        pltpu.VMEM((CHUNK, HID), VDT),
        pltpu.VMEM_SHARED((N_PAD, HID), VDT),
        pltpu.VMEM_SHARED((N_PAD, HID), VDT),
        pltpu.SemaphoreType.DMA,
        pltpu.SemaphoreType.DMA,
        pltpu.SemaphoreType.DMA,
        pltpu.SemaphoreType.DMA,
    ]
    if with_deg:
        out_type.append(jax.ShapeDtypeStruct((NC, N_PAD, DW), jnp.float32))
        scratch += [
            pltpu.VMEM((SUB, DW), jnp.float32),
            pltpu.VMEM_SHARED((N_PAD, DW), jnp.float32),
        ]

    @functools.partial(
        pl.kernel,
        mesh=mesh,
        out_type=out_type,
        scratch_types=scratch,
        compiler_params=pltpu.CompilerParams(use_tc_tiling_on_sc=False),
    )
    def k(*refs):
        if with_deg:
            (table_h, ei_h, z64_h, z16_h, ones_h, part_out, deg_out,
             idx0, idx1, rows0, rows1, acc, table_sp, sg0, sg1, ss0, ss1,
             ones_v, dacc) = refs
        else:
            (table_h, ei_h, z64_h, part_out,
             idx0, idx1, rows0, rows1, acc, table_sp, sg0, sg1, ss0,
             ss1) = refs
        c = lax.axis_index("c")
        s = lax.axis_index("s")
        w = s * NC + c
        tile_rows = pl.ds(s * ROWS_PER_TILE, ROWS_PER_TILE)
        pro = [
            pltpu.async_copy(z64_h, acc.at[tile_rows], sg0),
            pltpu.async_copy(table_h.at[tile_rows], table_sp.at[tile_rows],
                             sg1),
        ]
        if with_deg:
            pro.append(pltpu.async_copy(z16_h, dacc.at[tile_rows], ss0))
            pro.append(pltpu.async_copy(ones_h, ones_v, ss1))
        for d in pro:
            d.wait()
        plsc.subcore_barrier()

        idx = (idx0, idx1)
        rows = (rows0, rows1)
        sg = (sg0, sg1)
        ss = (ss0, ss1)

        def copy_idx(b, t):
            row0 = w * IDXROWS_PER_W + t * K
            pltpu.sync_copy(ei_h.at[:, pl.ds(row0, K)], idx[b])

        def issue_gathers(b):
            return [
                pltpu.async_copy(table_sp.at[idx[b].at[0, j]],
                                 rows[b].at[pl.ds(j * SUB, SUB)], sg[b])
                for j in range(K)
            ]

        def issue_scatters(b):
            ds = []
            for j in range(K):
                ds.append(pltpu.async_copy(rows[b].at[pl.ds(j * SUB, SUB)],
                                           acc.at[idx[b].at[1, j]], ss[b],
                                           add=True))
                if with_deg:
                    ds.append(pltpu.async_copy(ones_v,
                                               dacc.at[idx[b].at[1, j]],
                                               ss[b], add=True))
            return ds

        def wait_gathers(b):
            for j in range(K):
                pltpu.make_async_copy(
                    table_sp.at[idx[b].at[0, j]],
                    rows[b].at[pl.ds(j * SUB, SUB)], sg[b]).wait()

        def wait_scatters(b):
            for j in range(K):
                pltpu.make_async_copy(
                    rows[b].at[pl.ds(j * SUB, SUB)],
                    acc.at[idx[b].at[1, j]], ss[b]).wait()
                if with_deg:
                    pltpu.make_async_copy(
                        ones_v, dacc.at[idx[b].at[1, j]], ss[b]).wait()

        npair = CHUNKS_PER_W // 2
        copy_idx(0, 0)
        issue_gathers(0)

        def pair_body(i, carry):
            @pl.when(i > 0)
            def _():
                wait_scatters(1)
            copy_idx(1, 2 * i + 1)
            issue_gathers(1)
            wait_gathers(0)
            issue_scatters(0)
            wait_scatters(0)
            @pl.when(i < npair - 1)
            def _():
                copy_idx(0, 2 * i + 2)
                issue_gathers(0)
            wait_gathers(1)
            issue_scatters(1)
            return carry

        lax.fori_loop(0, npair, pair_body, 0)
        wait_scatters(1)
        plsc.subcore_barrier()
        epi = [pltpu.async_copy(acc.at[tile_rows],
                                part_out.at[c].at[tile_rows], sg0)]
        if with_deg:
            epi.append(pltpu.async_copy(dacc.at[tile_rows],
                                        deg_out.at[c].at[tile_rows], sg1))
        for d in epi:
            d.wait()

    return k


_sc_agg_deg = _make_sc_agg(True)
_sc_agg = _make_sc_agg(False)



def kernel(x, edge_index, W1_l, b1_l, W1_r, W2_l, b2_l, W2_r):
    e32 = edge_index.astype(jnp.int32)
    z64 = jnp.zeros((ROWS_PER_TILE, HID), VDT)
    z16 = jnp.zeros((ROWS_PER_TILE, DW), jnp.float32)
    ones16 = jnp.ones((SUB, DW), jnp.float32)
    b1 = b1_l.reshape(1, HID)
    b2 = b2_l.reshape(1, HID)

    p1, q1, ei2 = _tc_pre(x, W1_l, W1_r, b1, e32)
    part1, degp = _sc_agg_deg(p1, ei2, z64, z16, ones16)
    p2, q2 = _tc_mid(part1, degp, q1, W2_l, W2_r, b2)
    (part2,) = _sc_agg(p2, ei2, z64)
    return _tc_out(part2, degp, q2)

# --- scband reference (transcript-rebuilt; emitter-appended) ---
"""Pipeline reference for scband-graph-sage-19636590477698 (READ-ONLY COPY).

The authoritative reference and input builder live on the scoring server;
editing this copy changes nothing except your own understanding.
"""

import jax, jax.numpy as jnp
import numpy as np

N_NODES = 10000
N_EDGES = 320000
IN_DIM = 128
HID = 64


def setup_inputs(seed: int = 0) -> dict:
    key = jax.random.key(seed)
    ks = jax.random.split(key, 8)
    x = jax.random.normal(ks[0], (N_NODES, IN_DIM), dtype=jnp.float32)
    edge_index = jax.random.randint(ks[1], (2, N_EDGES), 0, N_NODES, dtype=jnp.int64)
    s1 = 1.0 / np.sqrt(IN_DIM)
    s2 = 1.0 / np.sqrt(HID)
    W1_l = jax.random.normal(ks[2], (IN_DIM, HID), dtype=jnp.float32) * s1
    b1_l = jnp.zeros((HID,), dtype=jnp.float32)
    W1_r = jax.random.normal(ks[3], (IN_DIM, HID), dtype=jnp.float32) * s1
    W2_l = jax.random.normal(ks[4], (HID, HID), dtype=jnp.float32) * s2
    b2_l = jnp.zeros((HID,), dtype=jnp.float32)
    W2_r = jax.random.normal(ks[5], (HID, HID), dtype=jnp.float32) * s2
    return {"x": x, "edge_index": edge_index, "W1_l": W1_l, "b1_l": b1_l,
            "W1_r": W1_r, "W2_l": W2_l, "b2_l": b2_l, "W2_r": W2_r}


def _sage_conv(x, edge_index, W_l, b_l, W_r):
    # PyG SAGEConv (mean aggregation): out = lin_l(mean_j x_j) + lin_r(x_i)
    src = edge_index[0]
    dst = edge_index[1]
    msgs = jnp.take(x, src, axis=0)                      # gather [E, d]
    agg = jax.ops.segment_sum(msgs, dst, num_segments=x.shape[0])  # scatter-add
    deg = jax.ops.segment_sum(jnp.ones((edge_index.shape[1],), dtype=x.dtype),
                              dst, num_segments=x.shape[0])
    mean = agg / jnp.clip(deg, 1.0)[:, None]
    return mean @ W_l + b_l + x @ W_r


def reference(x, edge_index, W1_l, b1_l, W1_r, W2_l, b2_l, W2_r):
    h = _sage_conv(x, edge_index, W1_l, b1_l, W1_r)
    h = jax.nn.relu(h)
    # dropout is identity in eval mode
    z = _sage_conv(h, edge_index, W2_l, b2_l, W2_r)
    return z

if __name__ == "__main__":
    import jax
    _d = setup_inputs()
    print(jax.jit(kernel)(*tuple(_d.values())))

</pallas_src>

<mosaic_0001>
#map = affine_map<(d0, d1) -> (0, 0)>
#map1 = affine_map<(d0, d1) -> (0, 0, 0)>
module attributes {stable_mosaic.version = 14 : i64} {
  func.func @k(%arg0: i32, %arg1: i32, %arg2: memref<10240x64xbf16, #tpu.memory_space<hbm>>, %arg3: memref<2x2560x128xi32, #tpu.memory_space<hbm>>, %arg4: memref<640x64xbf16, #tpu.memory_space<hbm>>, %arg5: memref<640x8xf32, #tpu.memory_space<hbm>>, %arg6: memref<128x8xf32, #tpu.memory_space<hbm>>, %arg7: memref<2x10240x64xbf16, #tpu.memory_space<hbm>>, %arg8: memref<2x10240x8xf32, #tpu.memory_space<hbm>>, %arg9: memref<2x8x128xi32, #tpu.memory_space<vmem>>, %arg10: memref<2x8x128xi32, #tpu.memory_space<vmem>>, %arg11: memref<1024x64xbf16, #tpu.memory_space<vmem>>, %arg12: memref<1024x64xbf16, #tpu.memory_space<vmem>>, %arg13: memref<10240x64xbf16, #tpu.memory_space<vmem_shared>>, %arg14: memref<10240x64xbf16, #tpu.memory_space<vmem_shared>>, %arg15: memref<!tpu.dma_semaphore, #tpu.memory_space<semaphore_mem>>, %arg16: memref<!tpu.dma_semaphore, #tpu.memory_space<semaphore_mem>>, %arg17: memref<!tpu.dma_semaphore, #tpu.memory_space<semaphore_mem>>, %arg18: memref<!tpu.dma_semaphore, #tpu.memory_space<semaphore_mem>>, %arg19: memref<128x8xf32, #tpu.memory_space<vmem>>, %arg20: memref<10240x8xf32, #tpu.memory_space<vmem_shared>>) attributes {dimension_semantics = [#tpu.dimension_semantics<core_parallel>, #tpu.dimension_semantics<subcore_parallel>], iteration_bounds = array<i64: 2, 16>, scalar_prefetch = 0 : i64, scratch_operands = 12 : i64, tpu.core_type = #tpu.core_type<sc_vector_subcore>, window_params = [{transform_indices = #map}, {transform_indices = #map1}, {transform_indices = #map}, {transform_indices = #map}, {transform_indices = #map}, {transform_indices = #map1}, {transform_indices = #map1}]} {
    %mul3A = arith.constant 2 : i32
    %mul3A_0 = arith.muli %arg1, %mul3A : i32
    %add3A = arith.addi %mul3A_0, %arg0 : i32
    %mul3A_1 = arith.constant 640 : i32
    %mul3A_2 = arith.muli %arg1, %mul3A_1 : i32
    %dma_start3A = arith.constant 0 : i32
    %dma_start3A_3 = tpu.memref_slice %arg13[%mul3A_2, %dma_start3A] : memref<10240x64xbf16, #tpu.memory_space<vmem_shared>> -> memref<640x64xbf16, #tpu.memory_space<vmem_shared>>
    tpu.enqueue_dma source(%arg4 : memref<640x64xbf16, #tpu.memory_space<hbm>>) target(%dma_start3A_3 : memref<640x64xbf16, #tpu.memory_space<vmem_shared>>) target_semaphore(%arg15 : memref<!tpu.dma_semaphore, #tpu.memory_space<semaphore_mem>>)
    %dma_start3A_4 = arith.constant 0 : i32
    %dma_start3A_5 = tpu.memref_slice %arg14[%mul3A_2, %dma_start3A_4] : memref<10240x64xbf16, #tpu.memory_space<vmem_shared>> -> memref<640x64xbf16, #tpu.memory_space<vmem_shared>>
    %dma_start3A_6 = arith.constant 0 : i32
    %dma_start3A_7 = tpu.memref_slice %arg2[%mul3A_2, %dma_start3A_6] : memref<10240x64xbf16, #tpu.memory_space<hbm>> -> memref<640x64xbf16, #tpu.memory_space<hbm>>
    tpu.enqueue_dma source(%dma_start3A_7 : memref<640x64xbf16, #tpu.memory_space<hbm>>) target(%dma_start3A_5 : memref<640x64xbf16, #tpu.memory_space<vmem_shared>>) target_semaphore(%arg16 : memref<!tpu.dma_semaphore, #tpu.memory_space<semaphore_mem>>)
    %dma_start3A_8 = arith.constant 0 : i32
    %dma_start3A_9 = tpu.memref_slice %arg20[%mul3A_2, %dma_start3A_8] : memref<10240x8xf32, #tpu.memory_space<vmem_shared>> -> memref<640x8xf32, #tpu.memory_space<vmem_shared>>
    tpu.enqueue_dma source(%arg5 : memref<640x8xf32, #tpu.memory_space<hbm>>) target(%dma_start3A_9 : memref<640x8xf32, #tpu.memory_space<vmem_shared>>) target_semaphore(%arg17 : memref<!tpu.dma_semaphore, #tpu.memory_space<semaphore_mem>>)
    tpu.enqueue_dma source(%arg6 : memref<128x8xf32, #tpu.memory_space<hbm>>) target(%arg19 : memref<128x8xf32, #tpu.memory_space<vmem>>) target_semaphore(%arg18 : memref<!tpu.dma_semaphore, #tpu.memory_space<semaphore_mem>>)
    %dma_wait3A = arith.constant 0 : i32
    %dma_wait3A_10 = tpu.memref_slice %arg13[%mul3A_2, %dma_wait3A] : memref<10240x64xbf16, #tpu.memory_space<vmem_shared>> -> memref<640x64xbf16, #tpu.memory_space<vmem_shared>>
    tpu.wait_dma2 semaphore(%arg15 : memref<!tpu.dma_semaphore, #tpu.memory_space<semaphore_mem>>) src(%arg4 : memref<640x64xbf16, #tpu.memory_space<hbm>>) dst(%dma_wait3A_10 : memref<640x64xbf16, #tpu.memory_space<vmem_shared>>)
    %dma_wait3A_11 = arith.constant 0 : i32
    %dma_wait3A_12 = tpu.memref_slice %arg14[%mul3A_2, %dma_wait3A_11] : memref<10240x64xbf16, #tpu.memory_space<vmem_shared>> -> memref<640x64xbf16, #tpu.memory_space<vmem_shared>>
    %dma_wait3A_13 = arith.constant 0 : i32
    %dma_wait3A_14 = tpu.memref_slice %arg2[%mul3A_2, %dma_wait3A_13] : memref<10240x64xbf16, #tpu.memory_space<hbm>> -> memref<640x64xbf16, #tpu.memory_space<hbm>>
    tpu.wait_dma2 semaphore(%arg16 : memref<!tpu.dma_semaphore, #tpu.memory_space<semaphore_mem>>) src(%dma_wait3A_14 : memref<640x64xbf16, #tpu.memory_space<hbm>>) dst(%dma_wait3A_12 : memref<640x64xbf16, #tpu.memory_space<vmem_shared>>)
    %dma_wait3A_15 = arith.constant 0 : i32
    %dma_wait3A_16 = tpu.memref_slice %arg20[%mul3A_2, %dma_wait3A_15] : memref<10240x8xf32, #tpu.memory_space<vmem_shared>> -> memref<640x8xf32, #tpu.memory_space<vmem_shared>>
    tpu.wait_dma2 semaphore(%arg17 : memref<!tpu.dma_semaphore, #tpu.memory_space<semaphore_mem>>) src(%arg5 : memref<640x8xf32, #tpu.memory_space<hbm>>) dst(%dma_wait3A_16 : memref<640x8xf32, #tpu.memory_space<vmem_shared>>)
    tpu.wait_dma2 semaphore(%arg18 : memref<!tpu.dma_semaphore, #tpu.memory_space<semaphore_mem>>) src(%arg6 : memref<128x8xf32, #tpu.memory_space<hbm>>) dst(%arg19 : memref<128x8xf32, #tpu.memory_space<vmem>>)
    %barrier3A = arith.constant 0 : index
    tpu.barrier barrier_id(%barrier3A)
    %mul3A_17 = arith.constant 80 : i32
    %mul3A_18 = arith.muli %add3A, %mul3A_17 : i32
    %add3A_19 = arith.constant 0 : i32
    %add3A_20 = arith.addi %mul3A_18, %add3A_19 : i32
    "tpu.region"() ({
      %run_scoped3A = tpu.sem_alloc : memref<!tpu.dma_semaphore, #tpu.memory_space<semaphore_mem>>
      %dma_start3A_299 = arith.constant 0 : i32
      %dma_start3A_300 = arith.constant 0 : i32
      %dma_start3A_301 = tpu.memref_slice %arg3[%dma_start3A_299, %add3A_20, %dma_start3A_300] : memref<2x2560x128xi32, #tpu.memory_space<hbm>> -> memref<2x8x128xi32, #tpu.memory_space<hbm>>
      %dma_start3A_302 = arith.constant 0 : i32
      %dma_start3A_303 = arith.constant 0 : i32
      %dma_start3A_304 = tpu.memref_slice %arg3[%dma_start3A_302, %add3A_20, %dma_start3A_303] : memref<2x2560x128xi32, #tpu.memory_space<hbm>> -> memref<2x8x128xi32, #tpu.memory_space<hbm>>
      tpu.enqueue_dma source(%dma_start3A_304 : memref<2x8x128xi32, #tpu.memory_space<hbm>>) target(%arg9 : memref<2x8x128xi32, #tpu.memory_space<vmem>>) target_semaphore(%run_scoped3A : memref<!tpu.dma_semaphore, #tpu.memory_space<semaphore_mem>>)
      %dma_wait3A_305 = arith.constant 0 : i32
      %dma_wait3A_306 = arith.constant 0 : i32
      %dma_wait3A_307 = tpu.memref_slice %arg3[%dma_wait3A_305, %add3A_20, %dma_wait3A_306] : memref<2x2560x128xi32, #tpu.memory_space<hbm>> -> memref<2x8x128xi32, #tpu.memory_space<hbm>>
      %dma_wait3A_308 = arith.constant 0 : i32
      %dma_wait3A_309 = arith.constant 0 : i32
      %dma_wait3A_310 = tpu.memref_slice %arg3[%dma_wait3A_308, %add3A_20, %dma_wait3A_309] : memref<2x2560x128xi32, #tpu.memory_space<hbm>> -> memref<2x8x128xi32, #tpu.memory_space<hbm>>
      tpu.wait_dma2 semaphore(%run_scoped3A : memref<!tpu.dma_semaphore, #tpu.memory_space<semaphore_mem>>) src(%dma_wait3A_310 : memref<2x8x128xi32, #tpu.memory_space<hbm>>) dst(%arg9 : memref<2x8x128xi32, #tpu.memory_space<vmem>>)
      tpu.yield
    }) : () -> ()
    %dma_start3A_21 = arith.constant 0 : i32
    %dma_start3A_22 = arith.constant 0 : i32
    %dma_start3A_23 = arith.constant 0 : i32
    %dma_start3A_24 = arith.constant 0 : i32
    %dma_start3A_25 = tpu.memref_slice %arg11[%dma_start3A_23, %dma_start3A_24] : memref<1024x64xbf16, #tpu.memory_space<vmem>> -> memref<128x64xbf16, #tpu.memory_space<vmem>>
    %dma_start3A_26 = arith.constant 0 : i32
    %dma_start3A_27 = tpu.memref_slice %arg9[%dma_start3A_21, %dma_start3A_22, %dma_start3A_26] : memref<2x8x128xi32, #tpu.memory_space<vmem>> -> memref<1x1x128xi32, #tpu.memory_space<vmem>>
    %dma_start3A_28 = tpu.memref_squeeze %dma_start3A_27 : memref<1x1x128xi32, #tpu.memory_space<vmem>> -> memref<128xi32, #tpu.memory_space<vmem>>
    %dma_start3A_29 = arith.constant 0 : i32
    %dma_start3A_30 = arith.constant 0 : i32
    %dma_start3A_31 = tpu.memref_slice %arg14[%dma_start3A_29, %dma_start3A_30] : memref<10240x64xbf16, #tpu.memory_space<vmem_shared>> -> memref<10240x64xbf16, #tpu.memory_space<vmem_shared>>
    tpu.enqueue_indirect_dma source(%dma_start3A_31 : memref<10240x64xbf16, #tpu.memory_space<vmem_shared>>) target(%dma_start3A_25 : memref<128x64xbf16, #tpu.memory_space<vmem>>) offsets(%dma_start3A_28 : memref<128xi32, #tpu.memory_space<vmem>>) semaphore(%arg15 : memref<!tpu.dma_semaphore, #tpu.memory_space<semaphore_mem>>)
    %dma_start3A_32 = arith.constant 0 : i32
    %dma_start3A_33 = arith.constant 1 : i32
    %dma_start3A_34 = arith.constant 128 : i32
    %dma_start3A_35 = arith.constant 0 : i32
    %dma_start3A_36 = tpu.memref_slice %arg11[%dma_start3A_34, %dma_start3A_35] : memref<1024x64xbf16, #tpu.memory_space<vmem>> -> memref<128x64xbf16, #tpu.memory_space<vmem>>
    %dma_start3A_37 = arith.constant 0 : i32
    %dma_start3A_38 = tpu.memref_slice %arg9[%dma_start3A_32, %dma_start3A_33, %dma_start3A_37] : memref<2x8x128xi32, #tpu.memory_space<vmem>> -> memref<1x1x128xi32, #tpu.memory_space<vmem>>
    %dma_start3A_39 = tpu.memref_squeeze %dma_start3A_38 : memref<1x1x128xi32, #tpu.memory_space<vmem>> -> memref<128xi32, #tpu.memory_space<vmem>>
    %dma_start3A_40 = arith.constant 0 : i32
    %dma_start3A_41 = arith.constant 0 : i32
    %dma_start3A_42 = tpu.memref_slice %arg14[%dma_start3A_40, %dma_start3A_41] : memref<10240x64xbf16, #tpu.memory_space<vmem_shared>> -> memref<10240x64xbf16, #tpu.memory_space<vmem_shared>>
    tpu.enqueue_indirect_dma source(%dma_start3A_42 : memref<10240x64xbf16, #tpu.memory_space<vmem_shared>>) target(%dma_start3A_36 : memref<128x64xbf16, #tpu.memory_space<vmem>>) offsets(%dma_start3A_39 : memref<128xi32, #tpu.memory_space<vmem>>) semaphore(%arg15 : memref<!tpu.dma_semaphore, #tpu.memory_space<semaphore_mem>>)
    %dma_start3A_43 = arith.constant 0 : i32
    %dma_start3A_44 = arith.constant 2 : i32
    %dma_start3A_45 = arith.constant 256 : i32
    %dma_start3A_46 = arith.constant 0 : i32
    %dma_start3A_47 = tpu.memref_slice %arg11[%dma_start3A_45, %dma_start3A_46] : memref<1024x64xbf16, #tpu.memory_space<vmem>> -> memref<128x64xbf16, #tpu.memory_space<vmem>>
    %dma_start3A_48 = arith.constant 0 : i32
    %dma_start3A_49 = tpu.memref_slice %arg9[%dma_start3A_43, %dma_start3A_44, %dma_start3A_48] : memref<2x8x128xi32, #tpu.memory_space<vmem>> -> memref<1x1x128xi32, #tpu.memory_space<vmem>>
    %dma_start3A_50 = tpu.memref_squeeze %dma_start3A_49 : memref<1x1x128xi32, #tpu.memory_space<vmem>> -> memref<128xi32, #tpu.memory_space<vmem>>
    %dma_start3A_51 = arith.constant 0 : i32
    %dma_start3A_52 = arith.constant 0 : i32
    %dma_start3A_53 = tpu.memref_slice %arg14[%dma_start3A_51, %dma_start3A_52] : memref<10240x64xbf16, #tpu.memory_space<vmem_shared>> -> memref<10240x64xbf16, #tpu.memory_space<vmem_shared>>
    tpu.enqueue_indirect_dma source(%dma_start3A_53 : memref<10240x64xbf16, #tpu.memory_space<vmem_shared>>) target(%dma_start3A_47 : memref<128x64xbf16, #tpu.memory_space<vmem>>) offsets(%dma_start3A_50 : memref<128xi32, #tpu.memory_space<vmem>>) semaphore(%arg15 : memref<!tpu.dma_semaphore, #tpu.memory_space<semaphore_mem>>)
    %dma_start3A_54 = arith.constant 0 : i32
    %dma_start3A_55 = arith.constant 3 : i32
    %dma_start3A_56 = arith.constant 384 : i32
    %dma_start3A_57 = arith.constant 0 : i32
    %dma_start3A_58 = tpu.memref_slice %arg11[%dma_start3A_56, %dma_start3A_57] : memref<1024x64xbf16, #tpu.memory_space<vmem>> -> memref<128x64xbf16, #tpu.memory_space<vmem>>
    %dma_start3A_59 = arith.constant 0 : i32
    %dma_start3A_60 = tpu.memref_slice %arg9[%dma_start3A_54, %dma_start3A_55, %dma_start3A_59] : memref<2x8x128xi32, #tpu.memory_space<vmem>> -> memref<1x1x128xi32, #tpu.memory_space<vmem>>
    %dma_start3A_61 = tpu.memref_squeeze %dma_start3A_60 : memref<1x1x128xi32, #tpu.memory_space<vmem>> -> memref<128xi32, #tpu.memory_space<vmem>>
    %dma_start3A_62 = arith.constant 0 : i32
    %dma_start3A_63 = arith.constant 0 : i32
    %dma_start3A_64 = tpu.memref_slice %arg14[%dma_start3A_62, %dma_start3A_63] : memref<10240x64xbf16, #tpu.memory_space<vmem_shared>> -> memref<10240x64xbf16, #tpu.memory_space<vmem_shared>>
    tpu.enqueue_indirect_dma source(%dma_start3A_64 : memref<10240x64xbf16, #tpu.memory_space<vmem_shared>>) target(%dma_start3A_58 : memref<128x64xbf16, #tpu.memory_space<vmem>>) offsets(%dma_start3A_61 : memref<128xi32, #tpu.memory_space<vmem>>) semaphore(%arg15 : memref<!tpu.dma_semaphore, #tpu.memory_space<semaphore_mem>>)
    %dma_start3A_65 = arith.constant 0 : i32
    %dma_start3A_66 = arith.constant 4 : i32
    %dma_start3A_67 = arith.constant 512 : i32
    %dma_start3A_68 = arith.constant 0 : i32
    %dma_start3A_69 = tpu.memref_slice %arg11[%dma_start3A_67, %dma_start3A_68] : memref<1024x64xbf16, #tpu.memory_space<vmem>> -> memref<128x64xbf16, #tpu.memory_space<vmem>>
    %dma_start3A_70 = arith.constant 0 : i32
    %dma_start3A_71 = tpu.memref_slice %arg9[%dma_start3A_65, %dma_start3A_66, %dma_start3A_70] : memref<2x8x128xi32, #tpu.memory_space<vmem>> -> memref<1x1x128xi32, #tpu.memory_space<vmem>>
    %dma_start3A_72 = tpu.memref_squeeze %dma_start3A_71 : memref<1x1x128xi32, #tpu.memory_space<vmem>> -> memref<128xi32, #tpu.memory_space<vmem>>
    %dma_start3A_73 = arith.constant 0 : i32
    %dma_start3A_74 = arith.constant 0 : i32
    %dma_start3A_75 = tpu.memref_slice %arg14[%dma_start3A_73, %dma_start3A_74] : memref<10240x64xbf16, #tpu.memory_space<vmem_shared>> -> memref<10240x64xbf16, #tpu.memory_space<vmem_shared>>
    tpu.enqueue_indirect_dma source(%dma_start3A_75 : memref<10240x64xbf16, #tpu.memory_space<vmem_shared>>) target(%dma_start3A_69 : memref<128x64xbf16, #tpu.memory_space<vmem>>) offsets(%dma_start3A_72 : memref<128xi32, #tpu.memory_space<vmem>>) semaphore(%arg15 : memref<!tpu.dma_semaphore, #tpu.memory_space<semaphore_mem>>)
    %dma_start3A_76 = arith.constant 0 : i32
    %dma_start3A_77 = arith.constant 5 : i32
    %dma_start3A_78 = arith.constant 640 : i32
    %dma_start3A_79 = arith.constant 0 : i32
    %dma_start3A_80 = tpu.memref_slice %arg11[%dma_start3A_78, %dma_start3A_79] : memref<1024x64xbf16, #tpu.memory_space<vmem>> -> memref<128x64xbf16, #tpu.memory_space<vmem>>
    %dma_start3A_81 = arith.constant 0 : i32
    %dma_start3A_82 = tpu.memref_slice %arg9[%dma_start3A_76, %dma_start3A_77, %dma_start3A_81] : memref<2x8x128xi32, #tpu.memory_space<vmem>> -> memref<1x1x128xi32, #tpu.memory_space<vmem>>
    %dma_start3A_83 = tpu.memref_squeeze %dma_start3A_82 : memref<1x1x128xi32, #tpu.memory_space<vmem>> -> memref<128xi32, #tpu.memory_space<vmem>>
    %dma_start3A_84 = arith.constant 0 : i32
    %dma_start3A_85 = arith.constant 0 : i32
    %dma_start3A_86 = tpu.memref_slice %arg14[%dma_start3A_84, %dma_start3A_85] : memref<10240x64xbf16, #tpu.memory_space<vmem_shared>> -> memref<10240x64xbf16, #tpu.memory_space<vmem_shared>>
    tpu.enqueue_indirect_dma source(%dma_start3A_86 : memref<10240x64xbf16, #tpu.memory_space<vmem_shared>>) target(%dma_start3A_80 : memref<128x64xbf16, #tpu.memory_space<vmem>>) offsets(%dma_start3A_83 : memref<128xi32, #tpu.memory_space<vmem>>) semaphore(%arg15 : memref<!tpu.dma_semaphore, #tpu.memory_space<semaphore_mem>>)
    %dma_start3A_87 = arith.constant 0 : i32
    %dma_start3A_88 = arith.constant 6 : i32
    %dma_start3A_89 = arith.constant 768 : i32
    %dma_start3A_90 = arith.constant 0 : i32
    %dma_start3A_91 = tpu.memref_slice %arg11[%dma_start3A_89, %dma_start3A_90] : memref<1024x64xbf16, #tpu.memory_space<vmem>> -> memref<128x64xbf16, #tpu.memory_space<vmem>>
    %dma_start3A_92 = arith.constant 0 : i32
    %dma_start3A_93 = tpu.memref_slice %arg9[%dma_start3A_87, %dma_start3A_88, %dma_start3A_92] : memref<2x8x128xi32, #tpu.memory_space<vmem>> -> memref<1x1x128xi32, #tpu.memory_space<vmem>>
    %dma_start3A_94 = tpu.memref_squeeze %dma_start3A_93 : memref<1x1x128xi32, #tpu.memory_space<vmem>> -> memref<128xi32, #tpu.memory_space<vmem>>
    %dma_start3A_95 = arith.constant 0 : i32
    %dma_start3A_96 = arith.constant 0 : i32
    %dma_start3A_97 = tpu.memref_slice %arg14[%dma_start3A_95, %dma_start3A_96] : memref<10240x64xbf16, #tpu.memory_space<vmem_shared>> -> memref<10240x64xbf16, #tpu.memory_space<vmem_shared>>
    tpu.enqueue_indirect_dma source(%dma_start3A_97 : memref<10240x64xbf16, #tpu.memory_space<vmem_shared>>) target(%dma_start3A_91 : memref<128x64xbf16, #tpu.memory_space<vmem>>) offsets(%dma_start3A_94 : memref<128xi32, #tpu.memory_space<vmem>>) semaphore(%arg15 : memref<!tpu.dma_semaphore, #tpu.memory_space<semaphore_mem>>)
    %dma_start3A_98 = arith.constant 0 : i32
    %dma_start3A_99 = arith.constant 7 : i32
    %dma_start3A_100 = arith.constant 896 : i32
    %dma_start3A_101 = arith.constant 0 : i32
    %dma_start3A_102 = tpu.memref_slice %arg11[%dma_start3A_100, %dma_start3A_101] : memref<1024x64xbf16, #tpu.memory_space<vmem>> -> memref<128x64xbf16, #tpu.memory_space<vmem>>
    %dma_start3A_103 = arith.constant 0 : i32
    %dma_start3A_104 = tpu.memref_slice %arg9[%dma_start3A_98, %dma_start3A_99, %dma_start3A_103] : memref<2x8x128xi32, #tpu.memory_space<vmem>> -> memref<1x1x128xi32, #tpu.memory_space<vmem>>
    %dma_start3A_105 = tpu.memref_squeeze %dma_start3A_104 : memref<1x1x128xi32, #tpu.memory_space<vmem>> -> memref<128xi32, #tpu.memory_space<vmem>>
    %dma_start3A_106 = arith.constant 0 : i32
    %dma_start3A_107 = arith.constant 0 : i32
    %dma_start3A_108 = tpu.memref_slice %arg14[%dma_start3A_106, %dma_start3A_107] : memref<10240x64xbf16, #tpu.memory_space<vmem_shared>> -> memref<10240x64xbf16, #tpu.memory_space<vmem_shared>>
    tpu.enqueue_indirect_dma source(%dma_start3A_108 : memref<10240x64xbf16, #tpu.memory_space<vmem_shared>>) target(%dma_start3A_102 : memref<128x64xbf16, #tpu.memory_space<vmem>>) offsets(%dma_start3A_105 : memref<128xi32, #tpu.memory_space<vmem>>) semaphore(%arg15 : memref<!tpu.dma_semaphore, #tpu.memory_space<semaphore_mem>>)
    %scan3A = arith.constant 0 : i32
    %scan3A_109 = arith.constant 0 : i32
    %scan3A_110 = arith.constant 5 : i32
    %scan3A_111 = arith.addi %scan3A_109, %scan3A_110 : i32
    %scan3A_112 = arith.constant 1 : i32
    scf.for %scan3A_299 = %scan3A_109 to %scan3A_111 step %scan3A_112  : i32 {
      %gt3A = arith.constant 0 : i32
      %gt3A_300 = arith.cmpi sgt, %scan3A_299, %gt3A : i32
      %convert_element_type3A = arith.extui %gt3A_300 : i1 to i32
      %cond3A = arith.constant 0 : i32
      %cond3A_301 = arith.cmpi ne, %convert_element_type3A, %cond3A : i32
      scf.if %cond3A_301 {
        %dma_wait3A_1035 = arith.constant 1 : i32
        %dma_wait3A_1036 = arith.constant 0 : i32
        %dma_wait3A_1037 = arith.constant 0 : i32
        %dma_wait3A_1038 = arith.constant 0 : i32
        %dma_wait3A_1039 = tpu.memref_slice %arg12[%dma_wait3A_1037, %dma_wait3A_1038] : memref<1024x64xbf16, #tpu.memory_space<vmem>> -> memref<128x64xbf16, #tpu.memory_space<vmem>>
        %dma_wait3A_1040 = arith.constant 0 : i32
        %dma_wait3A_1041 = tpu.memref_slice %arg10[%dma_wait3A_1035, %dma_wait3A_1036, %dma_wait3A_1040] : memref<2x8x128xi32, #tpu.memory_space<vmem>> -> memref<1x1x128xi32, #tpu.memory_space<vmem>>
        %dma_wait3A_1042 = tpu.memref_squeeze %dma_wait3A_1041 : memref<1x1x128xi32, #tpu.memory_space<vmem>> -> memref<128xi32, #tpu.memory_space<vmem>>
        %dma_wait3A_1043 = arith.constant 0 : i32
        %dma_wait3A_1044 = arith.constant 0 : i32
        %dma_wait3A_1045 = tpu.memref_slice %arg13[%dma_wait3A_1043, %dma_wait3A_1044] : memref<10240x64xbf16, #tpu.memory_space<vmem_shared>> -> memref<10240x64xbf16, #tpu.memory_space<vmem_shared>>
        tpu.wait_indirect_dma semaphore(%arg18 : memref<!tpu.dma_semaphore, #tpu.memory_space<semaphore_mem>>) src(%dma_wait3A_1039 : memref<128x64xbf16, #tpu.memory_space<vmem>>) dst(%dma_wait3A_1045 : memref<10240x64xbf16, #tpu.memory_space<vmem_shared>>)
        %dma_wait3A_1046 = arith.constant 1 : i32
        %dma_wait3A_1047 = arith.constant 0 : i32
        %dma_wait3A_1048 = arith.constant 0 : i32
        %dma_wait3A_1049 = tpu.memref_slice %arg10[%dma_wait3A_1046, %dma_wait3A_1047, %dma_wait3A_1048] : memref<2x8x128xi32, #tpu.memory_space<vmem>> -> memref<1x1x128xi32, #tpu.memory_space<vmem>>
        %dma_wait3A_1050 = tpu.memref_squeeze %dma_wait3A_1049 : memref<1x1x128xi32, #tpu.memory_space<vmem>> -> memref<128xi32, #tpu.memory_space<vmem>>
        %dma_wait3A_1051 = arith.constant 0 : i32
        %dma_wait3A_1052 = arith.constant 0 : i32
        %dma_wait3A_1053 = tpu.memref_slice %arg20[%dma_wait3A_1051, %dma_wait3A_1052] : memref<10240x8xf32, #tpu.memory_space<vmem_shared>> -> memref<10240x8xf32, #tpu.memory_space<vmem_shared>>
        tpu.wait_indirect_dma semaphore(%arg18 : memref<!tpu.dma_semaphore, #tpu.memory_space<semaphore_mem>>) src(%arg19 : memref<128x8xf32, #tpu.memory_space<vmem>>) dst(%dma_wait3A_1053 : memref<10240x8xf32, #tpu.memory_space<vmem_shared>>)
        %dma_wait3A_1054 = arith.constant 1 : i32
        %dma_wait3A_1055 = arith.constant 1 : i32
        %dma_wait3A_1056 = arith.constant 128 : i32
        %dma_wait3A_1057 = arith.constant 0 : i32
        %dma_wait3A_1058 = tpu.memref_slice %arg12[%dma_wait3A_1056, %dma_wait3A_1057] : memref<1024x64xbf16, #tpu.memory_space<vmem>> -> memref<128x64xbf16, #tpu.memory_space<vmem>>
        %dma_wait3A_1059 = arith.constant 0 : i32
        %dma_wait3A_1060 = tpu.memref_slice %arg10[%dma_wait3A_1054, %dma_wait3A_1055, %dma_wait3A_1059] : memref<2x8x128xi32, #tpu.memory_space<vmem>> -> memref<1x1x128xi32, #tpu.memory_space<vmem>>
        %dma_wait3A_1061 = tpu.memref_squeeze %dma_wait3A_1060 : memref<1x1x128xi32, #tpu.memory_space<vmem>> -> memref<128xi32, #tpu.memory_space<vmem>>
        %dma_wait3A_1062 = arith.constant 0 : i32
        %dma_wait3A_1063 = arith.constant 0 : i32
        %dma_wait3A_1064 = tpu.memref_slice %arg13[%dma_wait3A_1062, %dma_wait3A_1063] : memref<10240x64xbf16, #tpu.memory_space<vmem_shared>> -> memref<10240x64xbf16, #tpu.memory_space<vmem_shared>>
        tpu.wait_indirect_dma semaphore(%arg18 : memref<!tpu.dma_semaphore, #tpu.memory_space<semaphore_mem>>) src(%dma_wait3A_1058 : memref<128x64xbf16, #tpu.memory_space<vmem>>) dst(%dma_wait3A_1064 : memref<10240x64xbf16, #tpu.memory_space<vmem_shared>>)
        %dma_wait3A_1065 = arith.constant 1 : i32
        %dma_wait3A_1066 = arith.constant 1 : i32
        %dma_wait3A_1067 = arith.constant 0 : i32
        %dma_wait3A_1068 = tpu.memref_slice %arg10[%dma_wait3A_1065, %dma_wait3A_1066, %dma_wait3A_1067] : memref<2x8x128xi32, #tpu.memory_space<vmem>> -> memref<1x1x128xi32, #tpu.memory_space<vmem>>
        %dma_wait3A_1069 = tpu.memref_squeeze %dma_wait3A_1068 : memref<1x1x128xi32, #tpu.memory_space<vmem>> -> memref<128xi32, #tpu.memory_space<vmem>>
        %dma_wait3A_1070 = arith.constant 0 : i32
        %dma_wait3A_1071 = arith.constant 0 : i32
        %dma_wait3A_1072 = tpu.memref_slice %arg20[%dma_wait3A_1070, %dma_wait3A_1071] : memref<10240x8xf32, #tpu.memory_space<vmem_shared>> -> memref<10240x8xf32, #tpu.memory_space<vmem_shared>>
        tpu.wait_indirect_dma semaphore(%arg18 : memref<!tpu.dma_semaphore, #tpu.memory_space<semaphore_mem>>) src(%arg19 : memref<128x8xf32, #tpu.memory_space<vmem>>) dst(%dma_wait3A_1072 : memref<10240x8xf32, #tpu.memory_space<vmem_shared>>)
        %dma_wait3A_1073 = arith.constant 1 : i32
        %dma_wait3A_1074 = arith.constant 2 : i32
        %dma_wait3A_1075 = arith.constant 256 : i32
        %dma_wait3A_1076 = arith.constant 0 : i32
        %dma_wait3A_1077 = tpu.memref_slice %arg12[%dma_wait3A_1075, %dma_wait3A_1076] : memref<1024x64xbf16, #tpu.memory_space<vmem>> -> memref<128x64xbf16, #tpu.memory_space<vmem>>
        %dma_wait3A_1078 = arith.constant 0 : i32
        %dma_wait3A_1079 = tpu.memref_slice %arg10[%dma_wait3A_1073, %dma_wait3A_1074, %dma_wait3A_1078] : memref<2x8x128xi32, #tpu.memory_space<vmem>> -> memref<1x1x128xi32, #tpu.memory_space<vmem>>
        %dma_wait3A_1080 = tpu.memref_squeeze %dma_wait3A_1079 : memref<1x1x128xi32, #tpu.memory_space<vmem>> -> memref<128xi32, #tpu.memory_space<vmem>>
        %dma_wait3A_1081 = arith.constant 0 : i32
        %dma_wait3A_1082 = arith.constant 0 : i32
        %dma_wait3A_1083 = tpu.memref_slice %arg13[%dma_wait3A_1081, %dma_wait3A_1082] : memref<10240x64xbf16, #tpu.memory_space<vmem_shared>> -> memref<10240x64xbf16, #tpu.memory_space<vmem_shared>>
        tpu.wait_indirect_dma semaphore(%arg18 : memref<!tpu.dma_semaphore, #tpu.memory_space<semaphore_mem>>) src(%dma_wait3A_1077 : memref<128x64xbf16, #tpu.memory_space<vmem>>) dst(%dma_wait3A_1083 : memref<10240x64xbf16, #tpu.memory_space<vmem_shared>>)
        %dma_wait3A_1084 = arith.constant 1 : i32
        %dma_wait3A_1085 = arith.constant 2 : i32
        %dma_wait3A_1086 = arith.constant 0 : i32
        %dma_wait3A_1087 = tpu.memref_slice %arg10[%dma_wait3A_1084, %dma_wait3A_1085, %dma_wait3A_1086] : memref<2x8x128xi32, #tpu.memory_space<vmem>> -> memref<1x1x128xi32, #tpu.memory_space<vmem>>
        %dma_wait3A_1088 = tpu.memref_squeeze %dma_wait3A_1087 : memref<1x1x128xi32, #tpu.memory_space<vmem>> -> memref<128xi32, #tpu.memory_space<vmem>>
        %dma_wait3A_1089 = arith.constant 0 : i32
        %dma_wait3A_1090 = arith.constant 0 : i32
        %dma_wait3A_1091 = tpu.memref_slice %arg20[%dma_wait3A_1089, %dma_wait3A_1090] : memref<10240x8xf32, #tpu.memory_space<vmem_shared>> -> memref<10240x8xf32, #tpu.memory_space<vmem_shared>>
        tpu.wait_indirect_dma semaphore(%arg18 : memref<!tpu.dma_semaphore, #tpu.memory_space<semaphore_mem>>) src(%arg19 : memref<128x8xf32, #tpu.memory_space<vmem>>) dst(%dma_wait3A_1091 : memref<10240x8xf32, #tpu.memory_space<vmem_shared>>)
        %dma_wait3A_1092 = arith.constant 1 : i32
        %dma_wait3A_1093 = arith.constant 3 : i32
        %dma_wait3A_1094 = arith.constant 384 : i32
        %dma_wait3A_1095 = arith.constant 0 : i32
        %dma_wait3A_1096 = tpu.memref_slice %arg12[%dma_wait3A_1094, %dma_wait3A_1095] : memref<1024x64xbf16, #tpu.memory_space<vmem>> -> memref<128x64xbf16, #tpu.memory_space<vmem>>
        %dma_wait3A_1097 = arith.constant 0 : i32
        %dma_wait3A_1098 = tpu.memref_slice %arg10[%dma_wait3A_1092, %dma_wait3A_1093, %dma_wait3A_1097] : memref<2x8x128xi32, #tpu.memory_space<vmem>> -> memref<1x1x128xi32, #tpu.memory_space<vmem>>
        %dma_wait3A_1099 = tpu.memref_squeeze %dma_wait3A_1098 : memref<1x1x128xi32, #tpu.memory_space<vmem>> -> memref<128xi32, #tpu.memory_space<vmem>>
        %dma_wait3A_1100 = arith.constant 0 : i32
        %dma_wait3A_1101 = arith.constant 0 : i32
        %dma_wait3A_1102 = tpu.memref_slice %arg13[%dma_wait3A_1100, %dma_wait3A_1101] : memref<10240x64xbf16, #tpu.memory_space<vmem_shared>> -> memref<10240x64xbf16, #tpu.memory_space<vmem_shared>>
        tpu.wait_indirect_dma semaphore(%arg18 : memref<!tpu.dma_semaphore, #tpu.memory_space<semaphore_mem>>) src(%dma_wait3A_1096 : memref<128x64xbf16, #tpu.memory_space<vmem>>) dst(%dma_wait3A_1102 : memref<10240x64xbf16, #tpu.memory_space<vmem_shared>>)
        %dma_wait3A_1103 = arith.constant 1 : i32
        %dma_wait3A_1104 = arith.constant 3 : i32
        %dma_wait3A_1105 = arith.constant 0 : i32
        %dma_wait3A_1106 = tpu.memref_slice %arg10[%dma_wait3A_1103, %dma_wait3A_1104, %dma_wait3A_1105] : memref<2x8x128xi32, #tpu.memory_space<vmem>> -> memref<1x1x128xi32, #tpu.memory_space<vmem>>
        %dma_wait3A_1107 = tpu.memref_squeeze %dma_wait3A_1106 : memref<1x1x128xi32, #tpu.memory_space<vmem>> -> memref<128xi32, #tpu.memory_space<vmem>>
        %dma_wait3A_1108 = arith.constant 0 : i32
        %dma_wait3A_1109 = arith.constant 0 : i32
        %dma_wait3A_1110 = tpu.memref_slice %arg20[%dma_wait3A_1108, %dma_wait3A_1109] : memref<10240x8xf32, #tpu.memory_space<vmem_shared>> -> memref<10240x8xf32, #tpu.memory_space<vmem_shared>>
        tpu.wait_indirect_dma semaphore(%arg18 : memref<!tpu.dma_semaphore, #tpu.memory_space<semaphore_mem>>) src(%arg19 : memref<128x8xf32, #tpu.memory_space<vmem>>) dst(%dma_wait3A_1110 : memref<10240x8xf32, #tpu.memory_space<vmem_shared>>)
        %dma_wait3A_1111 = arith.constant 1 : i32
        %dma_wait3A_1112 = arith.constant 4 : i32
        %dma_wait3A_1113 = arith.constant 512 : i32
        %dma_wait3A_1114 = arith.constant 0 : i32
        %dma_wait3A_1115 = tpu.memref_slice %arg12[%dma_wait3A_1113, %dma_wait3A_1114] : memref<1024x64xbf16, #tpu.memory_space<vmem>> -> memref<128x64xbf16, #tpu.memory_space<vmem>>
        %dma_wait3A_1116 = arith.constant 0 : i32
        %dma_wait3A_1117 = tpu.memref_slice %arg10[%dma_wait3A_1111, %dma_wait3A_1112, %dma_wait3A_1116] : memref<2x8x128xi32, #tpu.memory_space<vmem>> -> memref<1x1x128xi32, #tpu.memory_space<vmem>>
        %dma_wait3A_1118 = tpu.memref_squeeze %dma_wait3A_1117 : memref<1x1x128xi32, #tpu.memory_space<vmem>> -> memref<128xi32, #tpu.memory_space<vmem>>
        %dma_wait3A_1119 = arith.constant 0 : i32
        %dma_wait3A_1120 = arith.constant 0 : i32
        %dma_wait3A_1121 = tpu.memref_slice %arg13[%dma_wait3A_1119, %dma_wait3A_1120] : memref<10240x64xbf16, #tpu.memory_space<vmem_shared>> -> memref<10240x64xbf16, #tpu.memory_space<vmem_shared>>
        tpu.wait_indirect_dma semaphore(%arg18 : memref<!tpu.dma_semaphore, #tpu.memory_space<semaphore_mem>>) src(%dma_wait3A_1115 : memref<128x64xbf16, #tpu.memory_space<vmem>>) dst(%dma_wait3A_1121 : memref<10240x64xbf16, #tpu.memory_space<vmem_shared>>)
        %dma_wait3A_1122 = arith.constant 1 : i32
        %dma_wait3A_1123 = arith.constant 4 : i32
        %dma_wait3A_1124 = arith.constant 0 : i32
        %dma_wait3A_1125 = tpu.memref_slice %arg10[%dma_wait3A_1122, %dma_wait3A_1123, %dma_wait3A_1124] : memref<2x8x128xi32, #tpu.memory_space<vmem>> -> memref<1x1x128xi32, #tpu.memory_space<vmem>>
        %dma_wait3A_1126 = tpu.memref_squeeze %dma_wait3A_1125 : memref<1x1x128xi32, #tpu.memory_space<vmem>> -> memref<128xi32, #tpu.memory_space<vmem>>
        %dma_wait3A_1127 = arith.constant 0 : i32
        %dma_wait3A_1128 = arith.constant 0 : i32
        %dma_wait3A_1129 = tpu.memref_slice %arg20[%dma_wait3A_1127, %dma_wait3A_1128] : memref<10240x8xf32, #tpu.memory_space<vmem_shared>> -> memref<10240x8xf32, #tpu.memory_space<vmem_shared>>
        tpu.wait_indirect_dma semaphore(%arg18 : memref<!tpu.dma_semaphore, #tpu.memory_space<semaphore_mem>>) src(%arg19 : memref<128x8xf32, #tpu.memory_space<vmem>>) dst(%dma_wait3A_1129 : memref<10240x8xf32, #tpu.memory_space<vmem_shared>>)
        %dma_wait3A_1130 = arith.constant 1 : i32
        %dma_wait3A_1131 = arith.constant 5 : i32
        %dma_wait3A_1132 = arith.constant 640 : i32
        %dma_wait3A_1133 = arith.constant 0 : i32
        %dma_wait3A_1134 = tpu.memref_slice %arg12[%dma_wait3A_1132, %dma_wait3A_1133] : memref<1024x64xbf16, #tpu.memory_space<vmem>> -> memref<128x64xbf16, #tpu.memory_space<vmem>>
        %dma_wait3A_1135 = arith.constant 0 : i32
        %dma_wait3A_1136 = tpu.memref_slice %arg10[%dma_wait3A_1130, %dma_wait3A_1131, %dma_wait3A_1135] : memref<2x8x128xi32, #tpu.memory_space<vmem>> -> memref<1x1x128xi32, #tpu.memory_space<vmem>>
        %dma_wait3A_1137 = tpu.memref_squeeze %dma_wait3A_1136 : memref<1x1x128xi32, #tpu.memory_space<vmem>> -> memref<128xi32, #tpu.memory_space<vmem>>
        %dma_wait3A_1138 = arith.constant 0 : i32
        %dma_wait3A_1139 = arith.constant 0 : i32
        %dma_wait3A_1140 = tpu.memref_slice %arg13[%dma_wait3A_1138, %dma_wait3A_1139] : memref<10240x64xbf16, #tpu.memory_space<vmem_shared>> -> memref<10240x64xbf16, #tpu.memory_space<vmem_shared>>
        tpu.wait_indirect_dma semaphore(%arg18 : memref<!tpu.dma_semaphore, #tpu.memory_space<semaphore_mem>>) src(%dma_wait3A_1134 : memref<128x64xbf16, #tpu.memory_space<vmem>>) dst(%dma_wait3A_1140 : memref<10240x64xbf16, #tpu.memory_space<vmem_shared>>)
        %dma_wait3A_1141 = arith.constant 1 : i32
        %dma_wait3A_1142 = arith.constant 5 : i32
        %dma_wait3A_1143 = arith.constant 0 : i32
        %dma_wait3A_1144 = tpu.memref_slice %arg10[%dma_wait3A_1141, %dma_wait3A_1142, %dma_wait3A_1143] : memref<2x8x128xi32, #tpu.memory_space<vmem>> -> memref<1x1x128xi32, #tpu.memory_space<vmem>>
        %dma_wait3A_1145 = tpu.memref_squeeze %dma_wait3A_1144 : memref<1x1x128xi32, #tpu.memory_space<vmem>> -> memref<128xi32, #tpu.memory_space<vmem>>
        %dma_wait3A_1146 = arith.constant 0 : i32
        %dma_wait3A_1147 = arith.constant 0 : i32
        %dma_wait3A_1148 = tpu.memref_slice %arg20[%dma_wait3A_1146, %dma_wait3A_1147] : memref<10240x8xf32, #tpu.memory_space<vmem_shared>> -> memref<10240x8xf32, #tpu.memory_space<vmem_shared>>
        tpu.wait_indirect_dma semaphore(%arg18 : memref<!tpu.dma_semaphore, #tpu.memory_space<semaphore_mem>>) src(%arg19 : memref<128x8xf32, #tpu.memory_space<vmem>>) dst(%dma_wait3A_1148 : memref<10240x8xf32, #tpu.memory_space<vmem_shared>>)
        %dma_wait3A_1149 = arith.constant 1 : i32
        %dma_wait3A_1150 = arith.constant 6 : i32
        %dma_wait3A_1151 = arith.constant 768 : i32
        %dma_wait3A_1152 = arith.constant 0 : i32
        %dma_wait3A_1153 = tpu.memref_slice %arg12[%dma_wait3A_1151, %dma_wait3A_1152] : memref<1024x64xbf16, #tpu.memory_space<vmem>> -> memref<128x64xbf16, #tpu.memory_space<vmem>>
        %dma_wait3A_1154 = arith.constant 0 : i32
        %dma_wait3A_1155 = tpu.memref_slice %arg10[%dma_wait3A_1149, %dma_wait3A_1150, %dma_wait3A_1154] : memref<2x8x128xi32, #tpu.memory_space<vmem>> -> memref<1x1x128xi32, #tpu.memory_space<vmem>>
        %dma_wait3A_1156 = tpu.memref_squeeze %dma_wait3A_1155 : memref<1x1x128xi32, #tpu.memory_space<vmem>> -> memref<128xi32, #tpu.memory_space<vmem>>
        %dma_wait3A_1157 = arith.constant 0 : i32
        %dma_wait3A_1158 = arith.constant 0 : i32
        %dma_wait3A_1159 = tpu.memref_slice %arg13[%dma_wait3A_1157, %dma_wait3A_1158] : memref<10240x64xbf16, #tpu.memory_space<vmem_shared>> -> memref<10240x64xbf16, #tpu.memory_space<vmem_shared>>
        tpu.wait_indirect_dma semaphore(%arg18 : memref<!tpu.dma_semaphore, #tpu.memory_space<semaphore_mem>>) src(%dma_wait3A_1153 : memref<128x64xbf16, #tpu.memory_space<vmem>>) dst(%dma_wait3A_1159 : memref<10240x64xbf16, #tpu.memory_space<vmem_shared>>)
        %dma_wait3A_1160 = arith.constant 1 : i32
        %dma_wait3A_1161 = arith.constant 6 : i32
        %dma_wait3A_1162 = arith.constant 0 : i32
        %dma_wait3A_1163 = tpu.memref_slice %arg10[%dma_wait3A_1160, %dma_wait3A_1161, %dma_wait3A_1162] : memref<2x8x128xi32, #tpu.memory_space<vmem>> -> memref<1x1x128xi32, #tpu.memory_space<vmem>>
        %dma_wait3A_1164 = tpu.memref_squeeze %dma_wait3A_1163 : memref<1x1x128xi32, #tpu.memory_space<vmem>> -> memref<128xi32, #tpu.memory_space<vmem>>
        %dma_wait3A_1165 = arith.constant 0 : i32
        %dma_wait3A_1166 = arith.constant 0 : i32
        %dma_wait3A_1167 = tpu.memref_slice %arg20[%dma_wait3A_1165, %dma_wait3A_1166] : memref<10240x8xf32, #tpu.memory_space<vmem_shared>> -> memref<10240x8xf32, #tpu.memory_space<vmem_shared>>
        tpu.wait_indirect_dma semaphore(%arg18 : memref<!tpu.dma_semaphore, #tpu.memory_space<semaphore_mem>>) src(%arg19 : memref<128x8xf32, #tpu.memory_space<vmem>>) dst(%dma_wait3A_1167 : memref<10240x8xf32, #tpu.memory_space<vmem_shared>>)
        %dma_wait3A_1168 = arith.constant 1 : i32
        %dma_wait3A_1169 = arith.constant 7 : i32
        %dma_wait3A_1170 = arith.constant 896 : i32
        %dma_wait3A_1171 = arith.constant 0 : i32
        %dma_wait3A_1172 = tpu.memref_slice %arg12[%dma_wait3A_1170, %dma_wait3A_1171] : memref<1024x64xbf16, #tpu.memory_space<vmem>> -> memref<128x64xbf16, #tpu.memory_space<vmem>>
        %dma_wait3A_1173 = arith.constant 0 : i32
        %dma_wait3A_1174 = tpu.memref_slice %arg10[%dma_wait3A_1168, %dma_wait3A_1169, %dma_wait3A_1173] : memref<2x8x128xi32, #tpu.memory_space<vmem>> -> memref<1x1x128xi32, #tpu.memory_space<vmem>>
        %dma_wait3A_1175 = tpu.memref_squeeze %dma_wait3A_1174 : memref<1x1x128xi32, #tpu.memory_space<vmem>> -> memref<128xi32, #tpu.memory_space<vmem>>
        %dma_wait3A_1176 = arith.constant 0 : i32
        %dma_wait3A_1177 = arith.constant 0 : i32
        %dma_wait3A_1178 = tpu.memref_slice %arg13[%dma_wait3A_1176, %dma_wait3A_1177] : memref<10240x64xbf16, #tpu.memory_space<vmem_shared>> -> memref<10240x64xbf16, #tpu.memory_space<vmem_shared>>
        tpu.wait_indirect_dma semaphore(%arg18 : memref<!tpu.dma_semaphore, #tpu.memory_space<semaphore_mem>>) src(%dma_wait3A_1172 : memref<128x64xbf16, #tpu.memory_space<vmem>>) dst(%dma_wait3A_1178 : memref<10240x64xbf16, #tpu.memory_space<vmem_shared>>)
        %dma_wait3A_1179 = arith.constant 1 : i32
        %dma_wait3A_1180 = arith.constant 7 : i32
        %dma_wait3A_1181 = arith.constant 0 : i32
        %dma_wait3A_1182 = tpu.memref_slice %arg10[%dma_wait3A_1179, %dma_wait3A_1180, %dma_wait3A_1181] : memref<2x8x128xi32, #tpu.memory_space<vmem>> -> memref<1x1x128xi32, #tpu.memory_space<vmem>>
        %dma_wait3A_1183 = tpu.memref_squeeze %dma_wait3A_1182 : memref<1x1x128xi32, #tpu.memory_space<vmem>> -> memref<128xi32, #tpu.memory_space<vmem>>
        %dma_wait3A_1184 = arith.constant 0 : i32
        %dma_wait3A_1185 = arith.constant 0 : i32
        %dma_wait3A_1186 = tpu.memref_slice %arg20[%dma_wait3A_1184, %dma_wait3A_1185] : memref<10240x8xf32, #tpu.memory_space<vmem_shared>> -> memref<10240x8xf32, #tpu.memory_space<vmem_shared>>
        tpu.wait_indirect_dma semaphore(%arg18 : memref<!tpu.dma_semaphore, #tpu.memory_space<semaphore_mem>>) src(%arg19 : memref<128x8xf32, #tpu.memory_space<vmem>>) dst(%dma_wait3A_1186 : memref<10240x8xf32, #tpu.memory_space<vmem_shared>>)
      } else {
      }
      %mul3A_302 = arith.constant 2 : i32
      %mul3A_303 = arith.muli %mul3A_302, %scan3A_299 : i32
      %add3A_304 = arith.constant 1 : i32
      %add3A_305 = arith.addi %mul3A_303, %add3A_304 : i32
      %mul3A_306 = arith.constant 80 : i32
      %mul3A_307 = arith.muli %add3A, %mul3A_306 : i32
      %mul3A_308 = arith.constant 8 : i32
      %mul3A_309 = arith.muli %add3A_305, %mul3A_308 : i32
      %add3A_310 = arith.addi %mul3A_307, %mul3A_309 : i32
      "tpu.region"() ({
        %run_scoped3A = tpu.sem_alloc : memref<!tpu.dma_semaphore, #tpu.memory_space<semaphore_mem>>
        %dma_start3A_1035 = arith.constant 0 : i32
        %dma_start3A_1036 = arith.constant 0 : i32
        %dma_start3A_1037 = tpu.memref_slice %arg3[%dma_start3A_1035, %add3A_310, %dma_start3A_1036] : memref<2x2560x128xi32, #tpu.memory_space<hbm>> -> memref<2x8x128xi32, #tpu.memory_space<hbm>>
        %dma_start3A_1038 = arith.constant 0 : i32
        %dma_start3A_1039 = arith.constant 0 : i32
        %dma_start3A_1040 = tpu.memref_slice %arg3[%dma_start3A_1038, %add3A_310, %dma_start3A_1039] : memref<2x2560x128xi32, #tpu.memory_space<hbm>> -> memref<2x8x128xi32, #tpu.memory_space<hbm>>
        tpu.enqueue_dma source(%dma_start3A_1040 : memref<2x8x128xi32, #tpu.memory_space<hbm>>) target(%arg10 : memref<2x8x128xi32, #tpu.memory_space<vmem>>) target_semaphore(%run_scoped3A : memref<!tpu.dma_semaphore, #tpu.memory_space<semaphore_mem>>)
        %dma_wait3A_1041 = arith.constant 0 : i32
        %dma_wait3A_1042 = arith.constant 0 : i32
        %dma_wait3A_1043 = tpu.memref_slice %arg3[%dma_wait3A_1041, %add3A_310, %dma_wait3A_1042] : memref<2x2560x128xi32, #tpu.memory_space<hbm>> -> memref<2x8x128xi32, #tpu.memory_space<hbm>>
        %dma_wait3A_1044 = arith.constant 0 : i32
        %dma_wait3A_1045 = arith.constant 0 : i32
        %dma_wait3A_1046 = tpu.memref_slice %arg3[%dma_wait3A_1044, %add3A_310, %dma_wait3A_1045] : memref<2x2560x128xi32, #tpu.memory_space<hbm>> -> memref<2x8x128xi32, #tpu.memory_space<hbm>>
        tpu.wait_dma2 semaphore(%run_scoped3A : memref<!tpu.dma_semaphore, #tpu.memory_space<semaphore_mem>>) src(%dma_wait3A_1046 : memref<2x8x128xi32, #tpu.memory_space<hbm>>) dst(%arg10 : memref<2x8x128xi32, #tpu.memory_space<vmem>>)
        tpu.yield
      }) : () -> ()
      %dma_start3A_311 = arith.constant 0 : i32
      %dma_start3A_312 = arith.constant 0 : i32
      %dma_start3A_313 = arith.constant 0 : i32
      %dma_start3A_314 = arith.constant 0 : i32
      %dma_start3A_315 = tpu.memref_slice %arg12[%dma_start3A_313, %dma_start3A_314] : memref<1024x64xbf16, #tpu.memory_space<vmem>> -> memref<128x64xbf16, #tpu.memory_space<vmem>>
      %dma_start3A_316 = arith.constant 0 : i32
      %dma_start3A_317 = tpu.memref_slice %arg10[%dma_start3A_311, %dma_start3A_312, %dma_start3A_316] : memref<2x8x128xi32, #tpu.memory_space<vmem>> -> memref<1x1x128xi32, #tpu.memory_space<vmem>>
      %dma_start3A_318 = tpu.memref_squeeze %dma_start3A_317 : memref<1x1x128xi32, #tpu.memory_space<vmem>> -> memref<128xi32, #tpu.memory_space<vmem>>
      %dma_start3A_319 = arith.constant 0 : i32
      %dma_start3A_320 = arith.constant 0 : i32
      %dma_start3A_321 = tpu.memref_slice %arg14[%dma_start3A_319, %dma_start3A_320] : memref<10240x64xbf16, #tpu.memory_space<vmem_shared>> -> memref<10240x64xbf16, #tpu.memory_space<vmem_shared>>
      tpu.enqueue_indirect_dma source(%dma_start3A_321 : memref<10240x64xbf16, #tpu.memory_space<vmem_shared>>) target(%dma_start3A_315 : memref<128x64xbf16, #tpu.memory_space<vmem>>) offsets(%dma_start3A_318 : memref<128xi32, #tpu.memory_space<vmem>>) semaphore(%arg16 : memref<!tpu.dma_semaphore, #tpu.memory_space<semaphore_mem>>)
      %dma_start3A_322 = arith.constant 0 : i32
      %dma_start3A_323 = arith.constant 1 : i32
      %dma_start3A_324 = arith.constant 128 : i32
      %dma_start3A_325 = arith.constant 0 : i32
      %dma_start3A_326 = tpu.memref_slice %arg12[%dma_start3A_324, %dma_start3A_325] : memref<1024x64xbf16, #tpu.memory_space<vmem>> -> memref<128x64xbf16, #tpu.memory_space<vmem>>
      %dma_start3A_327 = arith.constant 0 : i32
      %dma_start3A_328 = tpu.memref_slice %arg10[%dma_start3A_322, %dma_start3A_323, %dma_start3A_327] : memref<2x8x128xi32, #tpu.memory_space<vmem>> -> memref<1x1x128xi32, #tpu.memory_space<vmem>>
      %dma_start3A_329 = tpu.memref_squeeze %dma_start3A_328 : memref<1x1x128xi32, #tpu.memory_space<vmem>> -> memref<128xi32, #tpu.memory_space<vmem>>
      %dma_start3A_330 = arith.constant 0 : i32
      %dma_start3A_331 = arith.constant 0 : i32
      %dma_start3A_332 = tpu.memref_slice %arg14[%dma_start3A_330, %dma_start3A_331] : memref<10240x64xbf16, #tpu.memory_space<vmem_shared>> -> memref<10240x64xbf16, #tpu.memory_space<vmem_shared>>
      tpu.enqueue_indirect_dma source(%dma_start3A_332 : memref<10240x64xbf16, #tpu.memory_space<vmem_shared>>) target(%dma_start3A_326 : memref<128x64xbf16, #tpu.memory_space<vmem>>) offsets(%dma_start3A_329 : memref<128xi32, #tpu.memory_space<vmem>>) semaphore(%arg16 : memref<!tpu.dma_semaphore, #tpu.memory_space<semaphore_mem>>)
      %dma_start3A_333 = arith.constant 0 : i32
      %dma_start3A_334 = arith.constant 2 : i32
      %dma_start3A_335 = arith.constant 256 : i32
      %dma_start3A_336 = arith.constant 0 : i32
      %dma_start3A_337 = tpu.memref_slice %arg12[%dma_start3A_335, %dma_start3A_336] : memref<1024x64xbf16, #tpu.memory_space<vmem>> -> memref<128x64xbf16, #tpu.memory_space<vmem>>
      %dma_start3A_338 = arith.constant 0 : i32
      %dma_start3A_339 = tpu.memref_slice %arg10[%dma_start3A_333, %dma_start3A_334, %dma_start3A_338] : memref<2x8x128xi32, #tpu.memory_space<vmem>> -> memref<1x1x128xi32, #tpu.memory_space<vmem>>
      %dma_start3A_340 = tpu.memref_squeeze %dma_start3A_339 : memref<1x1x128xi32, #tpu.memory_space<vmem>> -> memref<128xi32, #tpu.memory_space<vmem>>
      %dma_start3A_341 = arith.constant 0 : i32
      %dma_start3A_342 = arith.constant 0 : i32
      %dma_start3A_343 = tpu.memref_slice %arg14[%dma_start3A_341, %dma_start3A_342] : memref<10240x64xbf16, #tpu.memory_space<vmem_shared>> -> memref<10240x64xbf16, #tpu.memory_space<vmem_shared>>
      tpu.enqueue_indirect_dma source(%dma_start3A_343 : memref<10240x64xbf16, #tpu.memory_space<vmem_shared>>) target(%dma_start3A_337 : memref<128x64xbf16, #tpu.memory_space<vmem>>) offsets(%dma_start3A_340 : memref<128xi32, #tpu.memory_space<vmem>>) semaphore(%arg16 : memref<!tpu.dma_semaphore, #tpu.memory_space<semaphore_mem>>)
      %dma_start3A_344 = arith.constant 0 : i32
      %dma_start3A_345 = arith.constant 3 : i32
      %dma_start3A_346 = arith.constant 384 : i32
      %dma_start3A_347 = arith.constant 0 : i32
      %dma_start3A_348 = tpu.memref_slice %arg12[%dma_start3A_346, %dma_start3A_347] : memref<1024x64xbf16, #tpu.memory_space<vmem>> -> memref<128x64xbf16, #tpu.memory_space<vmem>>
      %dma_start3A_349 = arith.constant 0 : i32
      %dma_start3A_350 = tpu.memref_slice %arg10[%dma_start3A_344, %dma_start3A_345, %dma_start3A_349] : memref<2x8x128xi32, #tpu.memory_space<vmem>> -> memref<1x1x128xi32, #tpu.memory_space<vmem>>
      %dma_start3A_351 = tpu.memref_squeeze %dma_start3A_350 : memref<1x1x128xi32, #tpu.memory_space<vmem>> -> memref<128xi32, #tpu.memory_space<vmem>>
      %dma_start3A_352 = arith.constant 0 : i32
      %dma_start3A_353 = arith.constant 0 : i32
      %dma_start3A_354 = tpu.memref_slice %arg14[%dma_start3A_352, %dma_start3A_353] : memref<10240x64xbf16, #tpu.memory_space<vmem_shared>> -> memref<10240x64xbf16, #tpu.memory_space<vmem_shared>>
      tpu.enqueue_indirect_dma source(%dma_start3A_354 : memref<10240x64xbf16, #tpu.memory_space<vmem_shared>>) target(%dma_start3A_348 : memref<128x64xbf16, #tpu.memory_space<vmem>>) offsets(%dma_start3A_351 : memref<128xi32, #tpu.memory_space<vmem>>) semaphore(%arg16 : memref<!tpu.dma_semaphore, #tpu.memory_space<semaphore_mem>>)
      %dma_start3A_355 = arith.constant 0 : i32
      %dma_start3A_356 = arith.constant 4 : i32
      %dma_start3A_357 = arith.constant 512 : i32
      %dma_start3A_358 = arith.constant 0 : i32
      %dma_start3A_359 = tpu.memref_slice %arg12[%dma_start3A_357, %dma_start3A_358] : memref<1024x64xbf16, #tpu.memory_space<vmem>> -> memref<128x64xbf16, #tpu.memory_space<vmem>>
      %dma_start3A_360 = arith.constant 0 : i32
      %dma_start3A_361 = tpu.memref_slice %arg10[%dma_start3A_355, %dma_start3A_356, %dma_start3A_360] : memref<2x8x128xi32, #tpu.memory_space<vmem>> -> memref<1x1x128xi32, #tpu.memory_space<vmem>>
      %dma_start3A_362 = tpu.memref_squeeze %dma_start3A_361 : memref<1x1x128xi32, #tpu.memory_space<vmem>> -> memref<128xi32, #tpu.memory_space<vmem>>
      %dma_start3A_363 = arith.constant 0 : i32
      %dma_start3A_364 = arith.constant 0 : i32
      %dma_start3A_365 = tpu.memref_slice %arg14[%dma_start3A_363, %dma_start3A_364] : memref<10240x64xbf16, #tpu.memory_space<vmem_shared>> -> memref<10240x64xbf16, #tpu.memory_space<vmem_shared>>
      tpu.enqueue_indirect_dma source(%dma_start3A_365 : memref<10240x64xbf16, #tpu.memory_space<vmem_shared>>) target(%dma_start3A_359 : memref<128x64xbf16, #tpu.memory_space<vmem>>) offsets(%dma_start3A_362 : memref<128xi32, #tpu.memory_space<vmem>>) semaphore(%arg16 : memref<!tpu.dma_semaphore, #tpu.memory_space<semaphore_mem>>)
      %dma_start3A_366 = arith.constant 0 : i32
      %dma_start3A_367 = arith.constant 5 : i32
      %dma_start3A_368 = arith.constant 640 : i32
      %dma_start3A_369 = arith.constant 0 : i32
      %dma_start3A_370 = tpu.memref_slice %arg12[%dma_start3A_368, %dma_start3A_369] : memref<1024x64xbf16, #tpu.memory_space<vmem>> -> memref<128x64xbf16, #tpu.memory_space<vmem>>
      %dma_start3A_371 = arith.constant 0 : i32
      %dma_start3A_372 = tpu.memref_slice %arg10[%dma_start3A_366, %dma_start3A_367, %dma_start3A_371] : memref<2x8x128xi32, #tpu.memory_space<vmem>> -> memref<1x1x128xi32, #tpu.memory_space<vmem>>
      %dma_start3A_373 = tpu.memref_squeeze %dma_start3A_372 : memref<1x1x128xi32, #tpu.memory_space<vmem>> -> memref<128xi32, #tpu.memory_space<vmem>>
      %dma_start3A_374 = arith.constant 0 : i32
      %dma_start3A_375 = arith.constant 0 : i32
      %dma_start3A_376 = tpu.memref_slice %arg14[%dma_start3A_374, %dma_start3A_375] : memref<10240x64xbf16, #tpu.memory_space<vmem_shared>> -> memref<10240x64xbf16, #tpu.memory_space<vmem_shared>>
      tpu.enqueue_indirect_dma source(%dma_start3A_376 : memref<10240x64xbf16, #tpu.memory_space<vmem_shared>>) target(%dma_start3A_370 : memref<128x64xbf16, #tpu.memory_space<vmem>>) offsets(%dma_start3A_373 : memref<128xi32, #tpu.memory_space<vmem>>) semaphore(%arg16 : memref<!tpu.dma_semaphore, #tpu.memory_space<semaphore_mem>>)
      %dma_start3A_377 = arith.constant 0 : i32
      %dma_start3A_378 = arith.constant 6 : i32
      %dma_start3A_379 = arith.constant 768 : i32
      %dma_start3A_380 = arith.constant 0 : i32
      %dma_start3A_381 = tpu.memref_slice %arg12[%dma_start3A_379, %dma_start3A_380] : memref<1024x64xbf16, #tpu.memory_space<vmem>> -> memref<128x64xbf16, #tpu.memory_space<vmem>>
      %dma_start3A_382 = arith.constant 0 : i32
      %dma_start3A_383 = tpu.memref_slice %arg10[%dma_start3A_377, %dma_start3A_378, %dma_start3A_382] : memref<2x8x128xi32, #tpu.memory_space<vmem>> -> memref<1x1x128xi32, #tpu.memory_space<vmem>>
      %dma_start3A_384 = tpu.memref_squeeze %dma_start3A_383 : memref<1x1x128xi32, #tpu.memory_space<vmem>> -> memref<128xi32, #tpu.memory_space<vmem>>
      %dma_start3A_385 = arith.constant 0 : i32
      %dma_start3A_386 = arith.constant 0 : i32
      %dma_start3A_387 = tpu.memref_slice %arg14[%dma_start3A_385, %dma_start3A_386] : memref<10240x64xbf16, #tpu.memory_space<vmem_shared>> -> memref<10240x64xbf16, #tpu.memory_space<vmem_shared>>
      tpu.enqueue_indirect_dma source(%dma_start3A_387 : memref<10240x64xbf16, #tpu.memory_space<vmem_shared>>) target(%dma_start3A_381 : memref<128x64xbf16, #tpu.memory_space<vmem>>) offsets(%dma_start3A_384 : memref<128xi32, #tpu.memory_space<vmem>>) semaphore(%arg16 : memref<!tpu.dma_semaphore, #tpu.memory_space<semaphore_mem>>)
      %dma_start3A_388 = arith.constant 0 : i32
      %dma_start3A_389 = arith.constant 7 : i32
      %dma_start3A_390 = arith.constant 896 : i32
      %dma_start3A_391 = arith.constant 0 : i32
      %dma_start3A_392 = tpu.memref_slice %arg12[%dma_start3A_390, %dma_start3A_391] : memref<1024x64xbf16, #tpu.memory_space<vmem>> -> memref<128x64xbf16, #tpu.memory_space<vmem>>
      %dma_start3A_393 = arith.constant 0 : i32
      %dma_start3A_394 = tpu.memref_slice %arg10[%dma_start3A_388, %dma_start3A_389, %dma_start3A_393] : memref<2x8x128xi32, #tpu.memory_space<vmem>> -> memref<1x1x128xi32, #tpu.memory_space<vmem>>
      %dma_start3A_395 = tpu.memref_squeeze %dma_start3A_394 : memref<1x1x128xi32, #tpu.memory_space<vmem>> -> memref<128xi32, #tpu.memory_space<vmem>>
      %dma_start3A_396 = arith.constant 0 : i32
      %dma_start3A_397 = arith.constant 0 : i32
      %dma_start3A_398 = tpu.memref_slice %arg14[%dma_start3A_396, %dma_start3A_397] : memref<10240x64xbf16, #tpu.memory_space<vmem_shared>> -> memref<10240x64xbf16, #tpu.memory_space<vmem_shared>>
      tpu.enqueue_indirect_dma source(%dma_start3A_398 : memref<10240x64xbf16, #tpu.memory_space<vmem_shared>>) target(%dma_start3A_392 : memref<128x64xbf16, #tpu.memory_space<vmem>>) offsets(%dma_start3A_395 : memref<128xi32, #tpu.memory_space<vmem>>) semaphore(%arg16 : memref<!tpu.dma_semaphore, #tpu.memory_space<semaphore_mem>>)
      %dma_wait3A_399 = arith.constant 0 : i32
      %dma_wait3A_400 = arith.constant 0 : i32
      %dma_wait3A_401 = arith.constant 0 : i32
      %dma_wait3A_402 = arith.constant 0 : i32
      %dma_wait3A_403 = tpu.memref_slice %arg11[%dma_wait3A_401, %dma_wait3A_402] : memref<1024x64xbf16, #tpu.memory_space<vmem>> -> memref<128x64xbf16, #tpu.memory_space<vmem>>
      %dma_wait3A_404 = arith.constant 0 : i32
      %dma_wait3A_405 = tpu.memref_slice %arg9[%dma_wait3A_399, %dma_wait3A_400, %dma_wait3A_404] : memref<2x8x128xi32, #tpu.memory_space<vmem>> -> memref<1x1x128xi32, #tpu.memory_space<vmem>>
      %dma_wait3A_406 = tpu.memref_squeeze %dma_wait3A_405 : memref<1x1x128xi32, #tpu.memory_space<vmem>> -> memref<128xi32, #tpu.memory_space<vmem>>
      %dma_wait3A_407 = arith.constant 0 : i32
      %dma_wait3A_408 = arith.constant 0 : i32
      %dma_wait3A_409 = tpu.memref_slice %arg14[%dma_wait3A_407, %dma_wait3A_408] : memref<10240x64xbf16, #tpu.memory_space<vmem_shared>> -> memref<10240x64xbf16, #tpu.memory_space<vmem_shared>>
      tpu.wait_indirect_dma semaphore(%arg15 : memref<!tpu.dma_semaphore, #tpu.memory_space<semaphore_mem>>) src(%dma_wait3A_409 : memref<10240x64xbf16, #tpu.memory_space<vmem_shared>>) dst(%dma_wait3A_403 : memref<128x64xbf16, #tpu.memory_space<vmem>>)
      %dma_wait3A_410 = arith.constant 0 : i32
      %dma_wait3A_411 = arith.constant 1 : i32
      %dma_wait3A_412 = arith.constant 128 : i32
      %dma_wait3A_413 = arith.constant 0 : i32
      %dma_wait3A_414 = tpu.memref_slice %arg11[%dma_wait3A_412, %dma_wait3A_413] : memref<1024x64xbf16, #tpu.memory_space<vmem>> -> memref<128x64xbf16, #tpu.memory_space<vmem>>
      %dma_wait3A_415 = arith.constant 0 : i32
      %dma_wait3A_416 = tpu.memref_slice %arg9[%dma_wait3A_410, %dma_wait3A_411, %dma_wait3A_415] : memref<2x8x128xi32, #tpu.memory_space<vmem>> -> memref<1x1x128xi32, #tpu.memory_space<vmem>>
      %dma_wait3A_417 = tpu.memref_squeeze %dma_wait3A_416 : memref<1x1x128xi32, #tpu.memory_space<vmem>> -> memref<128xi32, #tpu.memory_space<vmem>>
      %dma_wait3A_418 = arith.constant 0 : i32
      %dma_wait3A_419 = arith.constant 0 : i32
      %dma_wait3A_420 = tpu.memref_slice %arg14[%dma_wait3A_418, %dma_wait3A_419] : memref<10240x64xbf16, #tpu.memory_space<vmem_shared>> -> memref<10240x64xbf16, #tpu.memory_space<vmem_shared>>
      tpu.wait_indirect_dma semaphore(%arg15 : memref<!tpu.dma_semaphore, #tpu.memory_space<semaphore_mem>>) src(%dma_wait3A_420 : memref<10240x64xbf16, #tpu.memory_space<vmem_shared>>) dst(%dma_wait3A_414 : memref<128x64xbf16, #tpu.memory_space<vmem>>)
      %dma_wait3A_421 = arith.constant 0 : i32
      %dma_wait3A_422 = arith.constant 2 : i32
      %dma_wait3A_423 = arith.constant 256 : i32
      %dma_wait3A_424 = arith.constant 0 : i32
      %dma_wait3A_425 = tpu.memref_slice %arg11[%dma_wait3A_423, %dma_wait3A_424] : memref<1024x64xbf16, #tpu.memory_space<vmem>> -> memref<128x64xbf16, #tpu.memory_space<vmem>>
      %dma_wait3A_426 = arith.constant 0 : i32
      %dma_wait3A_427 = tpu.memref_slice %arg9[%dma_wait3A_421, %dma_wait3A_422, %dma_wait3A_426] : memref<2x8x128xi32, #tpu.memory_space<vmem>> -> memref<1x1x128xi32, #tpu.memory_space<vmem>>
      %dma_wait3A_428 = tpu.memref_squeeze %dma_wait3A_427 : memref<1x1x128xi32, #tpu.memory_space<vmem>> -> memref<128xi32, #tpu.memory_space<vmem>>
      %dma_wait3A_429 = arith.constant 0 : i32
      %dma_wait3A_430 = arith.constant 0 : i32
      %dma_wait3A_431 = tpu.memref_slice %arg14[%dma_wait3A_429, %dma_wait3A_430] : memref<10240x64xbf16, #tpu.memory_space<vmem_shared>> -> memref<10240x64xbf16, #tpu.memory_space<vmem_shared>>
      tpu.wait_indirect_dma semaphore(%arg15 : memref<!tpu.dma_semaphore, #tpu.memory_space<semaphore_mem>>) src(%dma_wait3A_431 : memref<10240x64xbf16, #tpu.memory_space<vmem_shared>>) dst(%dma_wait3A_425 : memref<128x64xbf16, #tpu.memory_space<vmem>>)
      %dma_wait3A_432 = arith.constant 0 : i32
      %dma_wait3A_433 = arith.constant 3 : i32
      %dma_wait3A_434 = arith.constant 384 : i32
      %dma_wait3A_435 = arith.constant 0 : i32
      %dma_wait3A_436 = tpu.memref_slice %arg11[%dma_wait3A_434, %dma_wait3A_435] : memref<1024x64xbf16, #tpu.memory_space<vmem>> -> memref<128x64xbf16, #tpu.memory_space<vmem>>
      %dma_wait3A_437 = arith.constant 0 : i32
      %dma_wait3A_438 = tpu.memref_slice %arg9[%dma_wait3A_432, %dma_wait3A_433, %dma_wait3A_437] : memref<2x8x128xi32, #tpu.memory_space<vmem>> -> memref<1x1x128xi32, #tpu.memory_space<vmem>>
      %dma_wait3A_439 = tpu.memref_squeeze %dma_wait3A_438 : memref<1x1x128xi32, #tpu.memory_space<vmem>> -> memref<128xi32, #tpu.memory_space<vmem>>
      %dma_wait3A_440 = arith.constant 0 : i32
      %dma_wait3A_441 = arith.constant 0 : i32
      %dma_wait3A_442 = tpu.memref_slice %arg14[%dma_wait3A_440, %dma_wait3A_441] : memref<10240x64xbf16, #tpu.memory_space<vmem_shared>> -> memref<10240x64xbf16, #tpu.memory_space<vmem_shared>>
      tpu.wait_indirect_dma semaphore(%arg15 : memref<!tpu.dma_semaphore, #tpu.memory_space<semaphore_mem>>) src(%dma_wait3A_442 : memref<10240x64xbf16, #tpu.memory_space<vmem_shared>>) dst(%dma_wait3A_436 : memref<128x64xbf16, #tpu.memory_space<vmem>>)
      %dma_wait3A_443 = arith.constant 0 : i32
      %dma_wait3A_444 = arith.constant 4 : i32
      %dma_wait3A_445 = arith.constant 512 : i32
      %dma_wait3A_446 = arith.constant 0 : i32
      %dma_wait3A_447 = tpu.memref_slice %arg11[%dma_wait3A_445, %dma_wait3A_446] : memref<1024x64xbf16, #tpu.memory_space<vmem>> -> memref<128x64xbf16, #tpu.memory_space<vmem>>
      %dma_wait3A_448 = arith.constant 0 : i32
      %dma_wait3A_449 = tpu.memref_slice %arg9[%dma_wait3A_443, %dma_wait3A_444, %dma_wait3A_448] : memref<2x8x128xi32, #tpu.memory_space<vmem>> -> memref<1x1x128xi32, #tpu.memory_space<vmem>>
      %dma_wait3A_450 = tpu.memref_squeeze %dma_wait3A_449 : memref<1x1x128xi32, #tpu.memory_space<vmem>> -> memref<128xi32, #tpu.memory_space<vmem>>
      %dma_wait3A_451 = arith.constant 0 : i32
      %dma_wait3A_452 = arith.constant 0 : i32
      %dma_wait3A_453 = tpu.memref_slice %arg14[%dma_wait3A_451, %dma_wait3A_452] : memref<10240x64xbf16, #tpu.memory_space<vmem_shared>> -> memref<10240x64xbf16, #tpu.memory_space<vmem_shared>>
      tpu.wait_indirect_dma semaphore(%arg15 : memref<!tpu.dma_semaphore, #tpu.memory_space<semaphore_mem>>) src(%dma_wait3A_453 : memref<10240x64xbf16, #tpu.memory_space<vmem_shared>>) dst(%dma_wait3A_447 : memref<128x64xbf16, #tpu.memory_space<vmem>>)
      %dma_wait3A_454 = arith.constant 0 : i32
      %dma_wait3A_455 = arith.constant 5 : i32
      %dma_wait3A_456 = arith.constant 640 : i32
      %dma_wait3A_457 = arith.constant 0 : i32
      %dma_wait3A_458 = tpu.memref_slice %arg11[%dma_wait3A_456, %dma_wait3A_457] : memref<1024x64xbf16, #tpu.memory_space<vmem>> -> memref<128x64xbf16, #tpu.memory_space<vmem>>
      %dma_wait3A_459 = arith.constant 0 : i32
      %dma_wait3A_460 = tpu.memref_slice %arg9[%dma_wait3A_454, %dma_wait3A_455, %dma_wait3A_459] : memref<2x8x128xi32, #tpu.memory_space<vmem>> -> memref<1x1x128xi32, #tpu.memory_space<vmem>>
      %dma_wait3A_461 = tpu.memref_squeeze %dma_wait3A_460 : memref<1x1x128xi32, #tpu.memory_space<vmem>> -> memref<128xi32, #tpu.memory_space<vmem>>
      %dma_wait3A_462 = arith.constant 0 : i32
      %dma_wait3A_463 = arith.constant 0 : i32
      %dma_wait3A_464 = tpu.memref_slice %arg14[%dma_wait3A_462, %dma_wait3A_463] : memref<10240x64xbf16, #tpu.memory_space<vmem_shared>> -> memref<10240x64xbf16, #tpu.memory_space<vmem_shared>>
      tpu.wait_indirect_dma semaphore(%arg15 : memref<!tpu.dma_semaphore, #tpu.memory_space<semaphore_mem>>) src(%dma_wait3A_464 : memref<10240x64xbf16, #tpu.memory_space<vmem_shared>>) dst(%dma_wait3A_458 : memref<128x64xbf16, #tpu.memory_space<vmem>>)
      %dma_wait3A_465 = arith.constant 0 : i32
      %dma_wait3A_466 = arith.constant 6 : i32
      %dma_wait3A_467 = arith.constant 768 : i32
      %dma_wait3A_468 = arith.constant 0 : i32
      %dma_wait3A_469 = tpu.memref_slice %arg11[%dma_wait3A_467, %dma_wait3A_468] : memref<1024x64xbf16, #tpu.memory_space<vmem>> -> memref<128x64xbf16, #tpu.memory_space<vmem>>
      %dma_wait3A_470 = arith.constant 0 : i32
      %dma_wait3A_471 = tpu.memref_slice %arg9[%dma_wait3A_465, %dma_wait3A_466, %dma_wait3A_470] : memref<2x8x128xi32, #tpu.memory_space<vmem>> -> memref<1x1x128xi32, #tpu.memory_space<vmem>>
      %dma_wait3A_472 = tpu.memref_squeeze %dma_wait3A_471 : memref<1x1x128xi32, #tpu.memory_space<vmem>> -> memref<128xi32, #tpu.memory_space<vmem>>
      %dma_wait3A_473 = arith.constant 0 : i32
      %dma_wait3A_474 = arith.constant 0 : i32
      %dma_wait3A_475 = tpu.memref_slice %arg14[%dma_wait3A_473, %dma_wait3A_474] : memref<10240x64xbf16, #tpu.memory_space<vmem_shared>> -> memref<10240x64xbf16, #tpu.memory_space<vmem_shared>>
      tpu.wait_indirect_dma semaphore(%arg15 : memref<!tpu.dma_semaphore, #tpu.memory_space<semaphore_mem>>) src(%dma_wait3A_475 : memref<10240x64xbf16, #tpu.memory_space<vmem_shared>>) dst(%dma_wait3A_469 : memref<128x64xbf16, #tpu.memory_space<vmem>>)
      %dma_wait3A_476 = arith.constant 0 : i32
      %dma_wait3A_477 = arith.constant 7 : i32
      %dma_wait3A_478 = arith.constant 896 : i32
      %dma_wait3A_479 = arith.constant 0 : i32
      %dma_wait3A_480 = tpu.memref_slice %arg11[%dma_wait3A_478, %dma_wait3A_479] : memref<1024x64xbf16, #tpu.memory_space<vmem>> -> memref<128x64xbf16, #tpu.memory_space<vmem>>
      %dma_wait3A_481 = arith.constant 0 : i32
      %dma_wait3A_482 = tpu.memref_slice %arg9[%dma_wait3A_476, %dma_wait3A_477, %dma_wait3A_481] : memref<2x8x128xi32, #tpu.memory_space<vmem>> -> memref<1x1x128xi32, #tpu.memory_space<vmem>>
      %dma_wait3A_483 = tpu.memref_squeeze %dma_wait3A_482 : memref<1x1x128xi32, #tpu.memory_space<vmem>> -> memref<128xi32, #tpu.memory_space<vmem>>
      %dma_wait3A_484 = arith.constant 0 : i32
      %dma_wait3A_485 = arith.constant 0 : i32
      %dma_wait3A_486 = tpu.memref_slice %arg14[%dma_wait3A_484, %dma_wait3A_485] : memref<10240x64xbf16, #tpu.memory_space<vmem_shared>> -> memref<10240x64xbf16, #tpu.memory_space<vmem_shared>>
      tpu.wait_indirect_dma semaphore(%arg15 : memref<!tpu.dma_semaphore, #tpu.memory_space<semaphore_mem>>) src(%dma_wait3A_486 : memref<10240x64xbf16, #tpu.memory_space<vmem_shared>>) dst(%dma_wait3A_480 : memref<128x64xbf16, #tpu.memory_space<vmem>>)
      %dma_start3A_487 = arith.constant 1 : i32
      %dma_start3A_488 = arith.constant 0 : i32
      %dma_start3A_489 = arith.constant 0 : i32
      %dma_start3A_490 = arith.constant 0 : i32
      %dma_start3A_491 = tpu.memref_slice %arg11[%dma_start3A_489, %dma_start3A_490] : memref<1024x64xbf16, #tpu.memory_space<vmem>> -> memref<128x64xbf16, #tpu.memory_space<vmem>>
      %dma_start3A_492 = arith.constant 0 : i32
      %dma_start3A_493 = tpu.memref_slice %arg9[%dma_start3A_487, %dma_start3A_488, %dma_start3A_492] : memref<2x8x128xi32, #tpu.memory_space<vmem>> -> memref<1x1x128xi32, #tpu.memory_space<vmem>>
      %dma_start3A_494 = tpu.memref_squeeze %dma_start3A_493 : memref<1x1x128xi32, #tpu.memory_space<vmem>> -> memref<128xi32, #tpu.memory_space<vmem>>
      %dma_start3A_495 = arith.constant 0 : i32
      %dma_start3A_496 = arith.constant 0 : i32
      %dma_start3A_497 = tpu.memref_slice %arg13[%dma_start3A_495, %dma_start3A_496] : memref<10240x64xbf16, #tpu.memory_space<vmem_shared>> -> memref<10240x64xbf16, #tpu.memory_space<vmem_shared>>
      tpu.enqueue_indirect_dma source(%dma_start3A_491 : memref<128x64xbf16, #tpu.memory_space<vmem>>) target(%dma_start3A_497 : memref<10240x64xbf16, #tpu.memory_space<vmem_shared>>) offsets(%dma_start3A_494 : memref<128xi32, #tpu.memory_space<vmem>>) semaphore(%arg17 : memref<!tpu.dma_semaphore, #tpu.memory_space<semaphore_mem>>) {add = true}
      %dma_start3A_498 = arith.constant 1 : i32
      %dma_start3A_499 = arith.constant 0 : i32
      %dma_start3A_500 = arith.constant 0 : i32
      %dma_start3A_501 = tpu.memref_slice %arg9[%dma_start3A_498, %dma_start3A_499, %dma_start3A_500] : memref<2x8x128xi32, #tpu.memory_space<vmem>> -> memref<1x1x128xi32, #tpu.memory_space<vmem>>
      %dma_start3A_502 = tpu.memref_squeeze %dma_start3A_501 : memref<1x1x128xi32, #tpu.memory_space<vmem>> -> memref<128xi32, #tpu.memory_space<vmem>>
      %dma_start3A_503 = arith.constant 0 : i32
      %dma_start3A_504 = arith.constant 0 : i32
      %dma_start3A_505 = tpu.memref_slice %arg20[%dma_start3A_503, %dma_start3A_504] : memref<10240x8xf32, #tpu.memory_space<vmem_shared>> -> memref<10240x8xf32, #tpu.memory_space<vmem_shared>>
      tpu.enqueue_indirect_dma source(%arg19 : memref<128x8xf32, #tpu.memory_space<vmem>>) target(%dma_start3A_505 : memref<10240x8xf32, #tpu.memory_space<vmem_shared>>) offsets(%dma_start3A_502 : memref<128xi32, #tpu.memory_space<vmem>>) semaphore(%arg17 : memref<!tpu.dma_semaphore, #tpu.memory_space<semaphore_mem>>) {add = true}
      %dma_start3A_506 = arith.constant 1 : i32
      %dma_start3A_507 = arith.constant 1 : i32
      %dma_start3A_508 = arith.constant 128 : i32
      %dma_start3A_509 = arith.constant 0 : i32
      %dma_start3A_510 = tpu.memref_slice %arg11[%dma_start3A_508, %dma_start3A_509] : memref<1024x64xbf16, #tpu.memory_space<vmem>> -> memref<128x64xbf16, #tpu.memory_space<vmem>>
      %dma_start3A_511 = arith.constant 0 : i32
      %dma_start3A_512 = tpu.memref_slice %arg9[%dma_start3A_506, %dma_start3A_507, %dma_start3A_511] : memref<2x8x128xi32, #tpu.memory_space<vmem>> -> memref<1x1x128xi32, #tpu.memory_space<vmem>>
      %dma_start3A_513 = tpu.memref_squeeze %dma_start3A_512 : memref<1x1x128xi32, #tpu.memory_space<vmem>> -> memref<128xi32, #tpu.memory_space<vmem>>
      %dma_start3A_514 = arith.constant 0 : i32
      %dma_start3A_515 = arith.constant 0 : i32
      %dma_start3A_516 = tpu.memref_slice %arg13[%dma_start3A_514, %dma_start3A_515] : memref<10240x64xbf16, #tpu.memory_space<vmem_shared>> -> memref<10240x64xbf16, #tpu.memory_space<vmem_shared>>
      tpu.enqueue_indirect_dma source(%dma_start3A_510 : memref<128x64xbf16, #tpu.memory_space<vmem>>) target(%dma_start3A_516 : memref<10240x64xbf16, #tpu.memory_space<vmem_shared>>) offsets(%dma_start3A_513 : memref<128xi32, #tpu.memory_space<vmem>>) semaphore(%arg17 : memref<!tpu.dma_semaphore, #tpu.memory_space<semaphore_mem>>) {add = true}
      %dma_start3A_517 = arith.constant 1 : i32
      %dma_start3A_518 = arith.constant 1 : i32
      %dma_start3A_519 = arith.constant 0 : i32
      %dma_start3A_520 = tpu.memref_slice %arg9[%dma_start3A_517, %dma_start3A_518, %dma_start3A_519] : memref<2x8x128xi32, #tpu.memory_space<vmem>> -> memref<1x1x128xi32, #tpu.memory_space<vmem>>
      %dma_start3A_521 = tpu.memref_squeeze %dma_start3A_520 : memref<1x1x128xi32, #tpu.memory_space<vmem>> -> memref<128xi32, #tpu.memory_space<vmem>>
      %dma_start3A_522 = arith.constant 0 : i32
      %dma_start3A_523 = arith.constant 0 : i32
      %dma_start3A_524 = tpu.memref_slice %arg20[%dma_start3A_522, %dma_start3A_523] : memref<10240x8xf32, #tpu.memory_space<vmem_shared>> -> memref<10240x8xf32, #tpu.memory_space<vmem_shared>>
      tpu.enqueue_indirect_dma source(%arg19 : memref<128x8xf32, #tpu.memory_space<vmem>>) target(%dma_start3A_524 : memref<10240x8xf32, #tpu.memory_space<vmem_shared>>) offsets(%dma_start3A_521 : memref<128xi32, #tpu.memory_space<vmem>>) semaphore(%arg17 : memref<!tpu.dma_semaphore, #tpu.memory_space<semaphore_mem>>) {add = true}
      %dma_start3A_525 = arith.constant 1 : i32
      %dma_start3A_526 = arith.constant 2 : i32
      %dma_start3A_527 = arith.constant 256 : i32
      %dma_start3A_528 = arith.constant 0 : i32
      %dma_start3A_529 = tpu.memref_slice %arg11[%dma_start3A_527, %dma_start3A_528] : memref<1024x64xbf16, #tpu.memory_space<vmem>> -> memref<128x64xbf16, #tpu.memory_space<vmem>>
      %dma_start3A_530 = arith.constant 0 : i32
      %dma_start3A_531 = tpu.memref_slice %arg9[%dma_start3A_525, %dma_start3A_526, %dma_start3A_530] : memref<2x8x128xi32, #tpu.memory_space<vmem>> -> memref<1x1x128xi32, #tpu.memory_space<vmem>>
      %dma_start3A_532 = tpu.memref_squeeze %dma_start3A_531 : memref<1x1x128xi32, #tpu.memory_space<vmem>> -> memref<128xi32, #tpu.memory_space<vmem>>
      %dma_start3A_533 = arith.constant 0 : i32
      %dma_start3A_534 = arith.constant 0 : i32
      %dma_start3A_535 = tpu.memref_slice %arg13[%dma_start3A_533, %dma_start3A_534] : memref<10240x64xbf16, #tpu.memory_space<vmem_shared>> -> memref<10240x64xbf16, #tpu.memory_space<vmem_shared>>
      tpu.enqueue_indirect_dma source(%dma_start3A_529 : memref<128x64xbf16, #tpu.memory_space<vmem>>) target(%dma_start3A_535 : memref<10240x64xbf16, #tpu.memory_space<vmem_shared>>) offsets(%dma_start3A_532 : memref<128xi32, #tpu.memory_space<vmem>>) semaphore(%arg17 : memref<!tpu.dma_semaphore, #tpu.memory_space<semaphore_mem>>) {add = true}
      %dma_start3A_536 = arith.constant 1 : i32
      %dma_start3A_537 = arith.constant 2 : i32
      %dma_start3A_538 = arith.constant 0 : i32
      %dma_start3A_539 = tpu.memref_slice %arg9[%dma_start3A_536, %dma_start3A_537, %dma_start3A_538] : memref<2x8x128xi32, #tpu.memory_space<vmem>> -> memref<1x1x128xi32, #tpu.memory_space<vmem>>
      %dma_start3A_540 = tpu.memref_squeeze %dma_start3A_539 : memref<1x1x128xi32, #tpu.memory_space<vmem>> -> memref<128xi32, #tpu.memory_space<vmem>>
      %dma_start3A_541 = arith.constant 0 : i32
      %dma_start3A_542 = arith.constant 0 : i32
      %dma_start3A_543 = tpu.memref_slice %arg20[%dma_start3A_541, %dma_start3A_542] : memref<10240x8xf32, #tpu.memory_space<vmem_shared>> -> memref<10240x8xf32, #tpu.memory_space<vmem_shared>>
      tpu.enqueue_indirect_dma source(%arg19 : memref<128x8xf32, #tpu.memory_space<vmem>>) target(%dma_start3A_543 : memref<10240x8xf32, #tpu.memory_space<vmem_shared>>) offsets(%dma_start3A_540 : memref<128xi32, #tpu.memory_space<vmem>>) semaphore(%arg17 : memref<!tpu.dma_semaphore, #tpu.memory_space<semaphore_mem>>) {add = true}
      %dma_start3A_544 = arith.constant 1 : i32
      %dma_start3A_545 = arith.constant 3 : i32
      %dma_start3A_546 = arith.constant 384 : i32
      %dma_start3A_547 = arith.constant 0 : i32
      %dma_start3A_548 = tpu.memref_slice %arg11[%dma_start3A_546, %dma_start3A_547] : memref<1024x64xbf16, #tpu.memory_space<vmem>> -> memref<128x64xbf16, #tpu.memory_space<vmem>>
      %dma_start3A_549 = arith.constant 0 : i32
      %dma_start3A_550 = tpu.memref_slice %arg9[%dma_start3A_544, %dma_start3A_545, %dma_start3A_549] : memref<2x8x128xi32, #tpu.memory_space<vmem>> -> memref<1x1x128xi32, #tpu.memory_space<vmem>>
      %dma_start3A_551 = tpu.memref_squeeze %dma_start3A_550 : memref<1x1x128xi32, #tpu.memory_space<vmem>> -> memref<128xi32, #tpu.memory_space<vmem>>
      %dma_start3A_552 = arith.constant 0 : i32
      %dma_start3A_553 = arith.constant 0 : i32
      %dma_start3A_554 = tpu.memref_slice %arg13[%dma_start3A_552, %dma_start3A_553] : memref<10240x64xbf16, #tpu.memory_space<vmem_shared>> -> memref<10240x64xbf16, #tpu.memory_space<vmem_shared>>
      tpu.enqueue_indirect_dma source(%dma_start3A_548 : memref<128x64xbf16, #tpu.memory_space<vmem>>) target(%dma_start3A_554 : memref<10240x64xbf16, #tpu.memory_space<vmem_shared>>) offsets(%dma_start3A_551 : memref<128xi32, #tpu.memory_space<vmem>>) semaphore(%arg17 : memref<!tpu.dma_semaphore, #tpu.memory_space<semaphore_mem>>) {add = true}
      %dma_start3A_555 = arith.constant 1 : i32
      %dma_start3A_556 = arith.constant 3 : i32
      %dma_start3A_557 = arith.constant 0 : i32
      %dma_start3A_558 = tpu.memref_slice %arg9[%dma_start3A_555, %dma_start3A_556, %dma_start3A_557] : memref<2x8x128xi32, #tpu.memory_space<vmem>> -> memref<1x1x128xi32, #tpu.memory_space<vmem>>
      %dma_start3A_559 = tpu.memref_squeeze %dma_start3A_558 : memref<1x1x128xi32, #tpu.memory_space<vmem>> -> memref<128xi32, #tpu.memory_space<vmem>>
      %dma_start3A_560 = arith.constant 0 : i32
      %dma_start3A_561 = arith.constant 0 : i32
      %dma_start3A_562 = tpu.memref_slice %arg20[%dma_start3A_560, %dma_start3A_561] : memref<10240x8xf32, #tpu.memory_space<vmem_shared>> -> memref<10240x8xf32, #tpu.memory_space<vmem_shared>>
      tpu.enqueue_indirect_dma source(%arg19 : memref<128x8xf32, #tpu.memory_space<vmem>>) target(%dma_start3A_562 : memref<10240x8xf32, #tpu.memory_space<vmem_shared>>) offsets(%dma_start3A_559 : memref<128xi32, #tpu.memory_space<vmem>>) semaphore(%arg17 : memref<!tpu.dma_semaphore, #tpu.memory_space<semaphore_mem>>) {add = true}
      %dma_start3A_563 = arith.constant 1 : i32
      %dma_start3A_564 = arith.constant 4 : i32
      %dma_start3A_565 = arith.constant 512 : i32
      %dma_start3A_566 = arith.constant 0 : i32
      %dma_start3A_567 = tpu.memref_slice %arg11[%dma_start3A_565, %dma_start3A_566] : memref<1024x64xbf16, #tpu.memory_space<vmem>> -> memref<128x64xbf16, #tpu.memory_space<vmem>>
      %dma_start3A_568 = arith.constant 0 : i32
      %dma_start3A_569 = tpu.memref_slice %arg9[%dma_start3A_563, %dma_start3A_564, %dma_start3A_568] : memref<2x8x128xi32, #tpu.memory_space<vmem>> -> memref<1x1x128xi32, #tpu.memory_space<vmem>>
      %dma_start3A_570 = tpu.memref_squeeze %dma_start3A_569 : memref<1x1x128xi32, #tpu.memory_space<vmem>> -> memref<128xi32, #tpu.memory_space<vmem>>
      %dma_start3A_571 = arith.constant 0 : i32
      %dma_start3A_572 = arith.constant 0 : i32
      %dma_start3A_573 = tpu.memref_slice %arg13[%dma_start3A_571, %dma_start3A_572] : memref<10240x64xbf16, #tpu.memory_space<vmem_shared>> -> memref<10240x64xbf16, #tpu.memory_space<vmem_shared>>
      tpu.enqueue_indirect_dma source(%dma_start3A_567 : memref<128x64xbf16, #tpu.memory_space<vmem>>) target(%dma_start3A_573 : memref<10240x64xbf16, #tpu.memory_space<vmem_shared>>) offsets(%dma_start3A_570 : memref<128xi32, #tpu.memory_space<vmem>>) semaphore(%arg17 : memref<!tpu.dma_semaphore, #tpu.memory_space<semaphore_mem>>) {add = true}
      %dma_start3A_574 = arith.constant 1 : i32
      %dma_start3A_575 = arith.constant 4 : i32
      %dma_start3A_576 = arith.constant 0 : i32
      %dma_start3A_577 = tpu.memref_slice %arg9[%dma_start3A_574, %dma_start3A_575, %dma_start3A_576] : memref<2x8x128xi32, #tpu.memory_space<vmem>> -> memref<1x1x128xi32, #tpu.memory_space<vmem>>
      %dma_start3A_578 = tpu.memref_squeeze %dma_start3A_577 : memref<1x1x128xi32, #tpu.memory_space<vmem>> -> memref<128xi32, #tpu.memory_space<vmem>>
      %dma_start3A_579 = arith.constant 0 : i32
      %dma_start3A_580 = arith.constant 0 : i32
      %dma_start3A_581 = tpu.memref_slice %arg20[%dma_start3A_579, %dma_start3A_580] : memref<10240x8xf32, #tpu.memory_space<vmem_shared>> -> memref<10240x8xf32, #tpu.memory_space<vmem_shared>>
      tpu.enqueue_indirect_dma source(%arg19 : memref<128x8xf32, #tpu.memory_space<vmem>>) target(%dma_start3A_581 : memref<10240x8xf32, #tpu.memory_space<vmem_shared>>) offsets(%dma_start3A_578 : memref<128xi32, #tpu.memory_space<vmem>>) semaphore(%arg17 : memref<!tpu.dma_semaphore, #tpu.memory_space<semaphore_mem>>) {add = true}
      %dma_start3A_582 = arith.constant 1 : i32
      %dma_start3A_583 = arith.constant 5 : i32
      %dma_start3A_584 = arith.constant 640 : i32
      %dma_start3A_585 = arith.constant 0 : i32
      %dma_start3A_586 = tpu.memref_slice %arg11[%dma_start3A_584, %dma_start3A_585] : memref<1024x64xbf16, #tpu.memory_space<vmem>> -> memref<128x64xbf16, #tpu.memory_space<vmem>>
      %dma_start3A_587 = arith.constant 0 : i32
      %dma_start3A_588 = tpu.memref_slice %arg9[%dma_start3A_582, %dma_start3A_583, %dma_start3A_587] : memref<2x8x128xi32, #tpu.memory_space<vmem>> -> memref<1x1x128xi32, #tpu.memory_space<vmem>>
      %dma_start3A_589 = tpu.memref_squeeze %dma_start3A_588 : memref<1x1x128xi32, #tpu.memory_space<vmem>> -> memref<128xi32, #tpu.memory_space<vmem>>
      %dma_start3A_590 = arith.constant 0 : i32
      %dma_start3A_591 = arith.constant 0 : i32
      %dma_start3A_592 = tpu.memref_slice %arg13[%dma_start3A_590, %dma_start3A_591] : memref<10240x64xbf16, #tpu.memory_space<vmem_shared>> -> memref<10240x64xbf16, #tpu.memory_space<vmem_shared>>
      tpu.enqueue_indirect_dma source(%dma_start3A_586 : memref<128x64xbf16, #tpu.memory_space<vmem>>) target(%dma_start3A_592 : memref<10240x64xbf16, #tpu.memory_space<vmem_shared>>) offsets(%dma_start3A_589 : memref<128xi32, #tpu.memory_space<vmem>>) semaphore(%arg17 : memref<!tpu.dma_semaphore, #tpu.memory_space<semaphore_mem>>) {add = true}
      %dma_start3A_593 = arith.constant 1 : i32
      %dma_start3A_594 = arith.constant 5 : i32
      %dma_start3A_595 = arith.constant 0 : i32
      %dma_start3A_596 = tpu.memref_slice %arg9[%dma_start3A_593, %dma_start3A_594, %dma_start3A_595] : memref<2x8x128xi32, #tpu.memory_space<vmem>> -> memref<1x1x128xi32, #tpu.memory_space<vmem>>
      %dma_start3A_597 = tpu.memref_squeeze %dma_start3A_596 : memref<1x1x128xi32, #tpu.memory_space<vmem>> -> memref<128xi32, #tpu.memory_space<vmem>>
      %dma_start3A_598 = arith.constant 0 : i32
      %dma_start3A_599 = arith.constant 0 : i32
      %dma_start3A_600 = tpu.memref_slice %arg20[%dma_start3A_598, %dma_start3A_599] : memref<10240x8xf32, #tpu.memory_space<vmem_shared>> -> memref<10240x8xf32, #tpu.memory_space<vmem_shared>>
      tpu.enqueue_indirect_dma source(%arg19 : memref<128x8xf32, #tpu.memory_space<vmem>>) target(%dma_start3A_600 : memref<10240x8xf32, #tpu.memory_space<vmem_shared>>) offsets(%dma_start3A_597 : memref<128xi32, #tpu.memory_space<vmem>>) semaphore(%arg17 : memref<!tpu.dma_semaphore, #tpu.memory_space<semaphore_mem>>) {add = true}
      %dma_start3A_601 = arith.constant 1 : i32
      %dma_start3A_602 = arith.constant 6 : i32
      %dma_start3A_603 = arith.constant 768 : i32
      %dma_start3A_604 = arith.constant 0 : i32
      %dma_start3A_605 = tpu.memref_slice %arg11[%dma_start3A_603, %dma_start3A_604] : memref<1024x64xbf16, #tpu.memory_space<vmem>> -> memref<128x64xbf16, #tpu.memory_space<vmem>>
      %dma_start3A_606 = arith.constant 0 : i32
      %dma_start3A_607 = tpu.memref_slice %arg9[%dma_start3A_601, %dma_start3A_602, %dma_start3A_606] : memref<2x8x128xi32, #tpu.memory_space<vmem>> -> memref<1x1x128xi32, #tpu.memory_space<vmem>>
      %dma_start3A_608 = tpu.memref_squeeze %dma_start3A_607 : memref<1x1x128xi32, #tpu.memory_space<vmem>> -> memref<128xi32, #tpu.memory_space<vmem>>
      %dma_start3A_609 = arith.constant 0 : i32
      %dma_start3A_610 = arith.constant 0 : i32
      %dma_start3A_611 = tpu.memref_slice %arg13[%dma_start3A_609, %dma_start3A_610] : memref<10240x64xbf16, #tpu.memory_space<vmem_shared>> -> memref<10240x64xbf16, #tpu.memory_space<vmem_shared>>
      tpu.enqueue_indirect_dma source(%dma_start3A_605 : memref<128x64xbf16, #tpu.memory_space<vmem>>) target(%dma_start3A_611 : memref<10240x64xbf16, #tpu.memory_space<vmem_shared>>) offsets(%dma_start3A_608 : memref<128xi32, #tpu.memory_space<vmem>>) semaphore(%arg17 : memref<!tpu.dma_semaphore, #tpu.memory_space<semaphore_mem>>) {add = true}
      %dma_start3A_612 = arith.constant 1 : i32
      %dma_start3A_613 = arith.constant 6 : i32
      %dma_start3A_614 = arith.constant 0 : i32
      %dma_start3A_615 = tpu.memref_slice %arg9[%dma_start3A_612, %dma_start3A_613, %dma_start3A_614] : memref<2x8x128xi32, #tpu.memory_space<vmem>> -> memref<1x1x128xi32, #tpu.memory_space<vmem>>
      %dma_start3A_616 = tpu.memref_squeeze %dma_start3A_615 : memref<1x1x128xi32, #tpu.memory_space<vmem>> -> memref<128xi32, #tpu.memory_space<vmem>>
      %dma_start3A_617 = arith.constant 0 : i32
      %dma_start3A_618 = arith.constant 0 : i32
      %dma_start3A_619 = tpu.memref_slice %arg20[%dma_start3A_617, %dma_start3A_618] : memref<10240x8xf32, #tpu.memory_space<vmem_shared>> -> memref<10240x8xf32, #tpu.memory_space<vmem_shared>>
      tpu.enqueue_indirect_dma source(%arg19 : memref<128x8xf32, #tpu.memory_space<vmem>>) target(%dma_start3A_619 : memref<10240x8xf32, #tpu.memory_space<vmem_shared>>) offsets(%dma_start3A_616 : memref<128xi32, #tpu.memory_space<vmem>>) semaphore(%arg17 : memref<!tpu.dma_semaphore, #tpu.memory_space<semaphore_mem>>) {add = true}
      %dma_start3A_620 = arith.constant 1 : i32
      %dma_start3A_621 = arith.constant 7 : i32
      %dma_start3A_622 = arith.constant 896 : i32
      %dma_start3A_623 = arith.constant 0 : i32
      %dma_start3A_624 = tpu.memref_slice %arg11[%dma_start3A_622, %dma_start3A_623] : memref<1024x64xbf16, #tpu.memory_space<vmem>> -> memref<128x64xbf16, #tpu.memory_space<vmem>>
      %dma_start3A_625 = arith.constant 0 : i32
      %dma_start3A_626 = tpu.memref_slice %arg9[%dma_start3A_620, %dma_start3A_621, %dma_start3A_625] : memref<2x8x128xi32, #tpu.memory_space<vmem>> -> memref<1x1x128xi32, #tpu.memory_space<vmem>>
      %dma_start3A_627 = tpu.memref_squeeze %dma_start3A_626 : memref<1x1x128xi32, #tpu.memory_space<vmem>> -> memref<128xi32, #tpu.memory_space<vmem>>
      %dma_start3A_628 = arith.constant 0 : i32
      %dma_start3A_629 = arith.constant 0 : i32
      %dma_start3A_630 = tpu.memref_slice %arg13[%dma_start3A_628, %dma_start3A_629] : memref<10240x64xbf16, #tpu.memory_space<vmem_shared>> -> memref<10240x64xbf16, #tpu.memory_space<vmem_shared>>
      tpu.enqueue_indirect_dma source(%dma_start3A_624 : memref<128x64xbf16, #tpu.memory_space<vmem>>) target(%dma_start3A_630 : memref<10240x64xbf16, #tpu.memory_space<vmem_shared>>) offsets(%dma_start3A_627 : memref<128xi32, #tpu.memory_space<vmem>>) semaphore(%arg17 : memref<!tpu.dma_semaphore, #tpu.memory_space<semaphore_mem>>) {add = true}
      %dma_start3A_631 = arith.constant 1 : i32
      %dma_start3A_632 = arith.constant 7 : i32
      %dma_start3A_633 = arith.constant 0 : i32
      %dma_start3A_634 = tpu.memref_slice %arg9[%dma_start3A_631, %dma_start3A_632, %dma_start3A_633] : memref<2x8x128xi32, #tpu.memory_space<vmem>> -> memref<1x1x128xi32, #tpu.memory_space<vmem>>
      %dma_start3A_635 = tpu.memref_squeeze %dma_start3A_634 : memref<1x1x128xi32, #tpu.memory_space<vmem>> -> memref<128xi32, #tpu.memory_space<vmem>>
      %dma_start3A_636 = arith.constant 0 : i32
      %dma_start3A_637 = arith.constant 0 : i32
      %dma_start3A_638 = tpu.memref_slice %arg20[%dma_start3A_636, %dma_start3A_637] : memref<10240x8xf32, #tpu.memory_space<vmem_shared>> -> memref<10240x8xf32, #tpu.memory_space<vmem_shared>>
      tpu.enqueue_indirect_dma source(%arg19 : memref<128x8xf32, #tpu.memory_space<vmem>>) target(%dma_start3A_638 : memref<10240x8xf32, #tpu.memory_space<vmem_shared>>) offsets(%dma_start3A_635 : memref<128xi32, #tpu.memory_space<vmem>>) semaphore(%arg17 : memref<!tpu.dma_semaphore, #tpu.memory_space<semaphore_mem>>) {add = true}
      %dma_wait3A_639 = arith.constant 1 : i32
      %dma_wait3A_640 = arith.constant 0 : i32
      %dma_wait3A_641 = arith.constant 0 : i32
      %dma_wait3A_642 = arith.constant 0 : i32
      %dma_wait3A_643 = tpu.memref_slice %arg11[%dma_wait3A_641, %dma_wait3A_642] : memref<1024x64xbf16, #tpu.memory_space<vmem>> -> memref<128x64xbf16, #tpu.memory_space<vmem>>
      %dma_wait3A_644 = arith.constant 0 : i32
      %dma_wait3A_645 = tpu.memref_slice %arg9[%dma_wait3A_639, %dma_wait3A_640, %dma_wait3A_644] : memref<2x8x128xi32, #tpu.memory_space<vmem>> -> memref<1x1x128xi32, #tpu.memory_space<vmem>>
      %dma_wait3A_646 = tpu.memref_squeeze %dma_wait3A_645 : memref<1x1x128xi32, #tpu.memory_space<vmem>> -> memref<128xi32, #tpu.memory_space<vmem>>
      %dma_wait3A_647 = arith.constant 0 : i32
      %dma_wait3A_648 = arith.constant 0 : i32
      %dma_wait3A_649 = tpu.memref_slice %arg13[%dma_wait3A_647, %dma_wait3A_648] : memref<10240x64xbf16, #tpu.memory_space<vmem_shared>> -> memref<10240x64xbf16, #tpu.memory_space<vmem_shared>>
      tpu.wait_indirect_dma semaphore(%arg17 : memref<!tpu.dma_semaphore, #tpu.memory_space<semaphore_mem>>) src(%dma_wait3A_643 : memref<128x64xbf16, #tpu.memory_space<vmem>>) dst(%dma_wait3A_649 : memref<10240x64xbf16, #tpu.memory_space<vmem_shared>>)
      %dma_wait3A_650 = arith.constant 1 : i32
      %dma_wait3A_651 = arith.constant 0 : i32
      %dma_wait3A_652 = arith.constant 0 : i32
      %dma_wait3A_653 = tpu.memref_slice %arg9[%dma_wait3A_650, %dma_wait3A_651, %dma_wait3A_652] : memref<2x8x128xi32, #tpu.memory_space<vmem>> -> memref<1x1x128xi32, #tpu.memory_space<vmem>>
      %dma_wait3A_654 = tpu.memref_squeeze %dma_wait3A_653 : memref<1x1x128xi32, #tpu.memory_space<vmem>> -> memref<128xi32, #tpu.memory_space<vmem>>
      %dma_wait3A_655 = arith.constant 0 : i32
      %dma_wait3A_656 = arith.constant 0 : i32
      %dma_wait3A_657 = tpu.memref_slice %arg20[%dma_wait3A_655, %dma_wait3A_656] : memref<10240x8xf32, #tpu.memory_space<vmem_shared>> -> memref<10240x8xf32, #tpu.memory_space<vmem_shared>>
      tpu.wait_indirect_dma semaphore(%arg17 : memref<!tpu.dma_semaphore, #tpu.memory_space<semaphore_mem>>) src(%arg19 : memref<128x8xf32, #tpu.memory_space<vmem>>) dst(%dma_wait3A_657 : memref<10240x8xf32, #tpu.memory_space<vmem_shared>>)
      %dma_wait3A_658 = arith.constant 1 : i32
      %dma_wait3A_659 = arith.constant 1 : i32
      %dma_wait3A_660 = arith.constant 128 : i32
      %dma_wait3A_661 = arith.constant 0 : i32
      %dma_wait3A_662 = tpu.memref_slice %arg11[%dma_wait3A_660, %dma_wait3A_661] : memref<1024x64xbf16, #tpu.memory_space<vmem>> -> memref<128x64xbf16, #tpu.memory_space<vmem>>
      %dma_wait3A_663 = arith.constant 0 : i32
      %dma_wait3A_664 = tpu.memref_slice %arg9[%dma_wait3A_658, %dma_wait3A_659, %dma_wait3A_663] : memref<2x8x128xi32, #tpu.memory_space<vmem>> -> memref<1x1x128xi32, #tpu.memory_space<vmem>>
      %dma_wait3A_665 = tpu.memref_squeeze %dma_wait3A_664 : memref<1x1x128xi32, #tpu.memory_space<vmem>> -> memref<128xi32, #tpu.memory_space<vmem>>
      %dma_wait3A_666 = arith.constant 0 : i32
      %dma_wait3A_667 = arith.constant 0 : i32
      %dma_wait3A_668 = tpu.memref_slice %arg13[%dma_wait3A_666, %dma_wait3A_667] : memref<10240x64xbf16, #tpu.memory_space<vmem_shared>> -> memref<10240x64xbf16, #tpu.memory_space<vmem_shared>>
      tpu.wait_indirect_dma semaphore(%arg17 : memref<!tpu.dma_semaphore, #tpu.memory_space<semaphore_mem>>) src(%dma_wait3A_662 : memref<128x64xbf16, #tpu.memory_space<vmem>>) dst(%dma_wait3A_668 : memref<10240x64xbf16, #tpu.memory_space<vmem_shared>>)
      %dma_wait3A_669 = arith.constant 1 : i32
      %dma_wait3A_670 = arith.constant 1 : i32
      %dma_wait3A_671 = arith.constant 0 : i32
      %dma_wait3A_672 = tpu.memref_slice %arg9[%dma_wait3A_669, %dma_wait3A_670, %dma_wait3A_671] : memref<2x8x128xi32, #tpu.memory_space<vmem>> -> memref<1x1x128xi32, #tpu.memory_space<vmem>>
      %dma_wait3A_673 = tpu.memref_squeeze %dma_wait3A_672 : memref<1x1x128xi32, #tpu.memory_space<vmem>> -> memref<128xi32, #tpu.memory_space<vmem>>
      %dma_wait3A_674 = arith.constant 0 : i32
      %dma_wait3A_675 = arith.constant 0 : i32
      %dma_wait3A_676 = tpu.memref_slice %arg20[%dma_wait3A_674, %dma_wait3A_675] : memref<10240x8xf32, #tpu.memory_space<vmem_shared>> -> memref<10240x8xf32, #tpu.memory_space<vmem_shared>>
      tpu.wait_indirect_dma semaphore(%arg17 : memref<!tpu.dma_semaphore, #tpu.memory_space<semaphore_mem>>) src(%arg19 : memref<128x8xf32, #tpu.memory_space<vmem>>) dst(%dma_wait3A_676 : memref<10240x8xf32, #tpu.memory_space<vmem_shared>>)
      %dma_wait3A_677 = arith.constant 1 : i32
      %dma_wait3A_678 = arith.constant 2 : i32
      %dma_wait3A_679 = arith.constant 256 : i32
      %dma_wait3A_680 = arith.constant 0 : i32
      %dma_wait3A_681 = tpu.memref_slice %arg11[%dma_wait3A_679, %dma_wait3A_680] : memref<1024x64xbf16, #tpu.memory_space<vmem>> -> memref<128x64xbf16, #tpu.memory_space<vmem>>
      %dma_wait3A_682 = arith.constant 0 : i32
      %dma_wait3A_683 = tpu.memref_slice %arg9[%dma_wait3A_677, %dma_wait3A_678, %dma_wait3A_682] : memref<2x8x128xi32, #tpu.memory_space<vmem>> -> memref<1x1x128xi32, #tpu.memory_space<vmem>>
      %dma_wait3A_684 = tpu.memref_squeeze %dma_wait3A_683 : memref<1x1x128xi32, #tpu.memory_space<vmem>> -> memref<128xi32, #tpu.memory_space<vmem>>
      %dma_wait3A_685 = arith.constant 0 : i32
      %dma_wait3A_686 = arith.constant 0 : i32
      %dma_wait3A_687 = tpu.memref_slice %arg13[%dma_wait3A_685, %dma_wait3A_686] : memref<10240x64xbf16, #tpu.memory_space<vmem_shared>> -> memref<10240x64xbf16, #tpu.memory_space<vmem_shared>>
      tpu.wait_indirect_dma semaphore(%arg17 : memref<!tpu.dma_semaphore, #tpu.memory_space<semaphore_mem>>) src(%dma_wait3A_681 : memref<128x64xbf16, #tpu.memory_space<vmem>>) dst(%dma_wait3A_687 : memref<10240x64xbf16, #tpu.memory_space<vmem_shared>>)
      %dma_wait3A_688 = arith.constant 1 : i32
      %dma_wait3A_689 = arith.constant 2 : i32
      %dma_wait3A_690 = arith.constant 0 : i32
      %dma_wait3A_691 = tpu.memref_slice %arg9[%dma_wait3A_688, %dma_wait3A_689, %dma_wait3A_690] : memref<2x8x128xi32, #tpu.memory_space<vmem>> -> memref<1x1x128xi32, #tpu.memory_space<vmem>>
      %dma_wait3A_692 = tpu.memref_squeeze %dma_wait3A_691 : memref<1x1x128xi32, #tpu.memory_space<vmem>> -> memref<128xi32, #tpu.memory_space<vmem>>
      %dma_wait3A_693 = arith.constant 0 : i32
      %dma_wait3A_694 = arith.constant 0 : i32
      %dma_wait3A_695 = tpu.memref_slice %arg20[%dma_wait3A_693, %dma_wait3A_694] : memref<10240x8xf32, #tpu.memory_space<vmem_shared>> -> memref<10240x8xf32, #tpu.memory_space<vmem_shared>>
      tpu.wait_indirect_dma semaphore(%arg17 : memref<!tpu.dma_semaphore, #tpu.memory_space<semaphore_mem>>) src(%arg19 : memref<128x8xf32, #tpu.memory_space<vmem>>) dst(%dma_wait3A_695 : memref<10240x8xf32, #tpu.memory_space<vmem_shared>>)
      %dma_wait3A_696 = arith.constant 1 : i32
      %dma_wait3A_697 = arith.constant 3 : i32
      %dma_wait3A_698 = arith.constant 384 : i32
      %dma_wait3A_699 = arith.constant 0 : i32
      %dma_wait3A_700 = tpu.memref_slice %arg11[%dma_wait3A_698, %dma_wait3A_699] : memref<1024x64xbf16, #tpu.memory_space<vmem>> -> memref<128x64xbf16, #tpu.memory_space<vmem>>
      %dma_wait3A_701 = arith.constant 0 : i32
      %dma_wait3A_702 = tpu.memref_slice %arg9[%dma_wait3A_696, %dma_wait3A_697, %dma_wait3A_701] : memref<2x8x128xi32, #tpu.memory_space<vmem>> -> memref<1x1x128xi32, #tpu.memory_space<vmem>>
      %dma_wait3A_703 = tpu.memref_squeeze %dma_wait3A_702 : memref<1x1x128xi32, #tpu.memory_space<vmem>> -> memref<128xi32, #tpu.memory_space<vmem>>
      %dma_wait3A_704 = arith.constant 0 : i32
      %dma_wait3A_705 = arith.constant 0 : i32
      %dma_wait3A_706 = tpu.memref_slice %arg13[%dma_wait3A_704, %dma_wait3A_705] : memref<10240x64xbf16, #tpu.memory_space<vmem_shared>> -> memref<10240x64xbf16, #tpu.memory_space<vmem_shared>>
      tpu.wait_indirect_dma semaphore(%arg17 : memref<!tpu.dma_semaphore, #tpu.memory_space<semaphore_mem>>) src(%dma_wait3A_700 : memref<128x64xbf16, #tpu.memory_space<vmem>>) dst(%dma_wait3A_706 : memref<10240x64xbf16, #tpu.memory_space<vmem_shared>>)
      %dma_wait3A_707 = arith.constant 1 : i32
      %dma_wait3A_708 = arith.constant 3 : i32
      %dma_wait3A_709 = arith.constant 0 : i32
      %dma_wait3A_710 = tpu.memref_slice %arg9[%dma_wait3A_707, %dma_wait3A_708, %dma_wait3A_709] : memref<2x8x128xi32, #tpu.memory_space<vmem>> -> memref<1x1x128xi32, #tpu.memory_space<vmem>>
      %dma_wait3A_711 = tpu.memref_squeeze %dma_wait3A_710 : memref<1x1x128xi32, #tpu.memory_space<vmem>> -> memref<128xi32, #tpu.memory_space<vmem>>
      %dma_wait3A_712 = arith.constant 0 : i32
      %dma_wait3A_713 = arith.constant 0 : i32
      %dma_wait3A_714 = tpu.memref_slice %arg20[%dma_wait3A_712, %dma_wait3A_713] : memref<10240x8xf32, #tpu.memory_space<vmem_shared>> -> memref<10240x8xf32, #tpu.memory_space<vmem_shared>>
      tpu.wait_indirect_dma semaphore(%arg17 : memref<!tpu.dma_semaphore, #tpu.memory_space<semaphore_mem>>) src(%arg19 : memref<128x8xf32, #tpu.memory_space<vmem>>) dst(%dma_wait3A_714 : memref<10240x8xf32, #tpu.memory_space<vmem_shared>>)
      %dma_wait3A_715 = arith.constant 1 : i32
      %dma_wait3A_716 = arith.constant 4 : i32
      %dma_wait3A_717 = arith.constant 512 : i32
      %dma_wait3A_718 = arith.constant 0 : i32
      %dma_wait3A_719 = tpu.memref_slice %arg11[%dma_wait3A_717, %dma_wait3A_718] : memref<1024x64xbf16, #tpu.memory_space<vmem>> -> memref<128x64xbf16, #tpu.memory_space<vmem>>
      %dma_wait3A_720 = arith.constant 0 : i32
      %dma_wait3A_721 = tpu.memref_slice %arg9[%dma_wait3A_715, %dma_wait3A_716, %dma_wait3A_720] : memref<2x8x128xi32, #tpu.memory_space<vmem>> -> memref<1x1x128xi32, #tpu.memory_space<vmem>>
      %dma_wait3A_722 = tpu.memref_squeeze %dma_wait3A_721 : memref<1x1x128xi32, #tpu.memory_space<vmem>> -> memref<128xi32, #tpu.memory_space<vmem>>
      %dma_wait3A_723 = arith.constant 0 : i32
      %dma_wait3A_724 = arith.constant 0 : i32
      %dma_wait3A_725 = tpu.memref_slice %arg13[%dma_wait3A_723, %dma_wait3A_724] : memref<10240x64xbf16, #tpu.memory_space<vmem_shared>> -> memref<10240x64xbf16, #tpu.memory_space<vmem_shared>>
      tpu.wait_indirect_dma semaphore(%arg17 : memref<!tpu.dma_semaphore, #tpu.memory_space<semaphore_mem>>) src(%dma_wait3A_719 : memref<128x64xbf16, #tpu.memory_space<vmem>>) dst(%dma_wait3A_725 : memref<10240x64xbf16, #tpu.memory_space<vmem_shared>>)
      %dma_wait3A_726 = arith.constant 1 : i32
      %dma_wait3A_727 = arith.constant 4 : i32
      %dma_wait3A_728 = arith.constant 0 : i32
      %dma_wait3A_729 = tpu.memref_slice %arg9[%dma_wait3A_726, %dma_wait3A_727, %dma_wait3A_728] : memref<2x8x128xi32, #tpu.memory_space<vmem>> -> memref<1x1x128xi32, #tpu.memory_space<vmem>>
      %dma_wait3A_730 = tpu.memref_squeeze %dma_wait3A_729 : memref<1x1x128xi32, #tpu.memory_space<vmem>> -> memref<128xi32, #tpu.memory_space<vmem>>
      %dma_wait3A_731 = arith.constant 0 : i32
      %dma_wait3A_732 = arith.constant 0 : i32
      %dma_wait3A_733 = tpu.memref_slice %arg20[%dma_wait3A_731, %dma_wait3A_732] : memref<10240x8xf32, #tpu.memory_space<vmem_shared>> -> memref<10240x8xf32, #tpu.memory_space<vmem_shared>>
      tpu.wait_indirect_dma semaphore(%arg17 : memref<!tpu.dma_semaphore, #tpu.memory_space<semaphore_mem>>) src(%arg19 : memref<128x8xf32, #tpu.memory_space<vmem>>) dst(%dma_wait3A_733 : memref<10240x8xf32, #tpu.memory_space<vmem_shared>>)
      %dma_wait3A_734 = arith.constant 1 : i32
      %dma_wait3A_735 = arith.constant 5 : i32
      %dma_wait3A_736 = arith.constant 640 : i32
      %dma_wait3A_737 = arith.constant 0 : i32
      %dma_wait3A_738 = tpu.memref_slice %arg11[%dma_wait3A_736, %dma_wait3A_737] : memref<1024x64xbf16, #tpu.memory_space<vmem>> -> memref<128x64xbf16, #tpu.memory_space<vmem>>
      %dma_wait3A_739 = arith.constant 0 : i32
      %dma_wait3A_740 = tpu.memref_slice %arg9[%dma_wait3A_734, %dma_wait3A_735, %dma_wait3A_739] : memref<2x8x128xi32, #tpu.memory_space<vmem>> -> memref<1x1x128xi32, #tpu.memory_space<vmem>>
      %dma_wait3A_741 = tpu.memref_squeeze %dma_wait3A_740 : memref<1x1x128xi32, #tpu.memory_space<vmem>> -> memref<128xi32, #tpu.memory_space<vmem>>
      %dma_wait3A_742 = arith.constant 0 : i32
      %dma_wait3A_743 = arith.constant 0 : i32
      %dma_wait3A_744 = tpu.memref_slice %arg13[%dma_wait3A_742, %dma_wait3A_743] : memref<10240x64xbf16, #tpu.memory_space<vmem_shared>> -> memref<10240x64xbf16, #tpu.memory_space<vmem_shared>>
      tpu.wait_indirect_dma semaphore(%arg17 : memref<!tpu.dma_semaphore, #tpu.memory_space<semaphore_mem>>) src(%dma_wait3A_738 : memref<128x64xbf16, #tpu.memory_space<vmem>>) dst(%dma_wait3A_744 : memref<10240x64xbf16, #tpu.memory_space<vmem_shared>>)
      %dma_wait3A_745 = arith.constant 1 : i32
      %dma_wait3A_746 = arith.constant 5 : i32
      %dma_wait3A_747 = arith.constant 0 : i32
      %dma_wait3A_748 = tpu.memref_slice %arg9[%dma_wait3A_745, %dma_wait3A_746, %dma_wait3A_747] : memref<2x8x128xi32, #tpu.memory_space<vmem>> -> memref<1x1x128xi32, #tpu.memory_space<vmem>>
      %dma_wait3A_749 = tpu.memref_squeeze %dma_wait3A_748 : memref<1x1x128xi32, #tpu.memory_space<vmem>> -> memref<128xi32, #tpu.memory_space<vmem>>
      %dma_wait3A_750 = arith.constant 0 : i32
      %dma_wait3A_751 = arith.constant 0 : i32
      %dma_wait3A_752 = tpu.memref_slice %arg20[%dma_wait3A_750, %dma_wait3A_751] : memref<10240x8xf32, #tpu.memory_space<vmem_shared>> -> memref<10240x8xf32, #tpu.memory_space<vmem_shared>>
      tpu.wait_indirect_dma semaphore(%arg17 : memref<!tpu.dma_semaphore, #tpu.memory_space<semaphore_mem>>) src(%arg19 : memref<128x8xf32, #tpu.memory_space<vmem>>) dst(%dma_wait3A_752 : memref<10240x8xf32, #tpu.memory_space<vmem_shared>>)
      %dma_wait3A_753 = arith.constant 1 : i32
      %dma_wait3A_754 = arith.constant 6 : i32
      %dma_wait3A_755 = arith.constant 768 : i32
      %dma_wait3A_756 = arith.constant 0 : i32
      %dma_wait3A_757 = tpu.memref_slice %arg11[%dma_wait3A_755, %dma_wait3A_756] : memref<1024x64xbf16, #tpu.memory_space<vmem>> -> memref<128x64xbf16, #tpu.memory_space<vmem>>
      %dma_wait3A_758 = arith.constant 0 : i32
      %dma_wait3A_759 = tpu.memref_slice %arg9[%dma_wait3A_753, %dma_wait3A_754, %dma_wait3A_758] : memref<2x8x128xi32, #tpu.memory_space<vmem>> -> memref<1x1x128xi32, #tpu.memory_space<vmem>>
      %dma_wait3A_760 = tpu.memref_squeeze %dma_wait3A_759 : memref<1x1x128xi32, #tpu.memory_space<vmem>> -> memref<128xi32, #tpu.memory_space<vmem>>
      %dma_wait3A_761 = arith.constant 0 : i32
      %dma_wait3A_762 = arith.constant 0 : i32
      %dma_wait3A_763 = tpu.memref_slice %arg13[%dma_wait3A_761, %dma_wait3A_762] : memref<10240x64xbf16, #tpu.memory_space<vmem_shared>> -> memref<10240x64xbf16, #tpu.memory_space<vmem_shared>>
      tpu.wait_indirect_dma semaphore(%arg17 : memref<!tpu.dma_semaphore, #tpu.memory_space<semaphore_mem>>) src(%dma_wait3A_757 : memref<128x64xbf16, #tpu.memory_space<vmem>>) dst(%dma_wait3A_763 : memref<10240x64xbf16, #tpu.memory_space<vmem_shared>>)
      %dma_wait3A_764 = arith.constant 1 : i32
      %dma_wait3A_765 = arith.constant 6 : i32
      %dma_wait3A_766 = arith.constant 0 : i32
      %dma_wait3A_767 = tpu.memref_slice %arg9[%dma_wait3A_764, %dma_wait3A_765, %dma_wait3A_766] : memref<2x8x128xi32, #tpu.memory_space<vmem>> -> memref<1x1x128xi32, #tpu.memory_space<vmem>>
      %dma_wait3A_768 = tpu.memref_squeeze %dma_wait3A_767 : memref<1x1x128xi32, #tpu.memory_space<vmem>> -> memref<128xi32, #tpu.memory_space<vmem>>
      %dma_wait3A_769 = arith.constant 0 : i32
      %dma_wait3A_770 = arith.constant 0 : i32
      %dma_wait3A_771 = tpu.memref_slice %arg20[%dma_wait3A_769, %dma_wait3A_770] : memref<10240x8xf32, #tpu.memory_space<vmem_shared>> -> memref<10240x8xf32, #tpu.memory_space<vmem_shared>>
      tpu.wait_indirect_dma semaphore(%arg17 : memref<!tpu.dma_semaphore, #tpu.memory_space<semaphore_mem>>) src(%arg19 : memref<128x8xf32, #tpu.memory_space<vmem>>) dst(%dma_wait3A_771 : memref<10240x8xf32, #tpu.memory_space<vmem_shared>>)
      %dma_wait3A_772 = arith.constant 1 : i32
      %dma_wait3A_773 = arith.constant 7 : i32
      %dma_wait3A_774 = arith.constant 896 : i32
      %dma_wait3A_775 = arith.constant 0 : i32
      %dma_wait3A_776 = tpu.memref_slice %arg11[%dma_wait3A_774, %dma_wait3A_775] : memref<1024x64xbf16, #tpu.memory_space<vmem>> -> memref<128x64xbf16, #tpu.memory_space<vmem>>
      %dma_wait3A_777 = arith.constant 0 : i32
      %dma_wait3A_778 = tpu.memref_slice %arg9[%dma_wait3A_772, %dma_wait3A_773, %dma_wait3A_777] : memref<2x8x128xi32, #tpu.memory_space<vmem>> -> memref<1x1x128xi32, #tpu.memory_space<vmem>>
      %dma_wait3A_779 = tpu.memref_squeeze %dma_wait3A_778 : memref<1x1x128xi32, #tpu.memory_space<vmem>> -> memref<128xi32, #tpu.memory_space<vmem>>
      %dma_wait3A_780 = arith.constant 0 : i32
      %dma_wait3A_781 = arith.constant 0 : i32
      %dma_wait3A_782 = tpu.memref_slice %arg13[%dma_wait3A_780, %dma_wait3A_781] : memref<10240x64xbf16, #tpu.memory_space<vmem_shared>> -> memref<10240x64xbf16, #tpu.memory_space<vmem_shared>>
      tpu.wait_indirect_dma semaphore(%arg17 : memref<!tpu.dma_semaphore, #tpu.memory_space<semaphore_mem>>) src(%dma_wait3A_776 : memref<128x64xbf16, #tpu.memory_space<vmem>>) dst(%dma_wait3A_782 : memref<10240x64xbf16, #tpu.memory_space<vmem_shared>>)
      %dma_wait3A_783 = arith.constant 1 : i32
      %dma_wait3A_784 = arith.constant 7 : i32
      %dma_wait3A_785 = arith.constant 0 : i32
      %dma_wait3A_786 = tpu.memref_slice %arg9[%dma_wait3A_783, %dma_wait3A_784, %dma_wait3A_785] : memref<2x8x128xi32, #tpu.memory_space<vmem>> -> memref<1x1x128xi32, #tpu.memory_space<vmem>>
      %dma_wait3A_787 = tpu.memref_squeeze %dma_wait3A_786 : memref<1x1x128xi32, #tpu.memory_space<vmem>> -> memref<128xi32, #tpu.memory_space<vmem>>
      %dma_wait3A_788 = arith.constant 0 : i32
      %dma_wait3A_789 = arith.constant 0 : i32
      %dma_wait3A_790 = tpu.memref_slice %arg20[%dma_wait3A_788, %dma_wait3A_789] : memref<10240x8xf32, #tpu.memory_space<vmem_shared>> -> memref<10240x8xf32, #tpu.memory_space<vmem_shared>>
      tpu.wait_indirect_dma semaphore(%arg17 : memref<!tpu.dma_semaphore, #tpu.memory_space<semaphore_mem>>) src(%arg19 : memref<128x8xf32, #tpu.memory_space<vmem>>) dst(%dma_wait3A_790 : memref<10240x8xf32, #tpu.memory_space<vmem_shared>>)
      %lt3A = arith.constant 4 : i32
      %lt3A_791 = arith.cmpi slt, %scan3A_299, %lt3A : i32
      %convert_element_type3A_792 = arith.extui %lt3A_791 : i1 to i32
      %cond3A_793 = arith.constant 0 : i32
      %cond3A_794 = arith.cmpi ne, %convert_element_type3A_792, %cond3A_793 : i32
      scf.if %cond3A_794 {
        %mul3A_1035 = arith.constant 2 : i32
        %mul3A_1036 = arith.muli %mul3A_1035, %scan3A_299 : i32
        %add3A_1037 = arith.constant 2 : i32
        %add3A_1038 = arith.addi %mul3A_1036, %add3A_1037 : i32
        %mul3A_1039 = arith.constant 80 : i32
        %mul3A_1040 = arith.muli %add3A, %mul3A_1039 : i32
        %mul3A_1041 = arith.constant 8 : i32
        %mul3A_1042 = arith.muli %add3A_1038, %mul3A_1041 : i32
        %add3A_1043 = arith.addi %mul3A_1040, %mul3A_1042 : i32
        "tpu.region"() ({
          %run_scoped3A = tpu.sem_alloc : memref<!tpu.dma_semaphore, #tpu.memory_space<semaphore_mem>>
          %dma_start3A_1132 = arith.constant 0 : i32
          %dma_start3A_1133 = arith.constant 0 : i32
          %dma_start3A_1134 = tpu.memref_slice %arg3[%dma_start3A_1132, %add3A_1043, %dma_start3A_1133] : memref<2x2560x128xi32, #tpu.memory_space<hbm>> -> memref<2x8x128xi32, #tpu.memory_space<hbm>>
          %dma_start3A_1135 = arith.constant 0 : i32
          %dma_start3A_1136 = arith.constant 0 : i32
          %dma_start3A_1137 = tpu.memref_slice %arg3[%dma_start3A_1135, %add3A_1043, %dma_start3A_1136] : memref<2x2560x128xi32, #tpu.memory_space<hbm>> -> memref<2x8x128xi32, #tpu.memory_space<hbm>>
          tpu.enqueue_dma source(%dma_start3A_1137 : memref<2x8x128xi32, #tpu.memory_space<hbm>>) target(%arg9 : memref<2x8x128xi32, #tpu.memory_space<vmem>>) target_semaphore(%run_scoped3A : memref<!tpu.dma_semaphore, #tpu.memory_space<semaphore_mem>>)
          %dma_wait3A_1138 = arith.constant 0 : i32
          %dma_wait3A_1139 = arith.constant 0 : i32
          %dma_wait3A_1140 = tpu.memref_slice %arg3[%dma_wait3A_1138, %add3A_1043, %dma_wait3A_1139] : memref<2x2560x128xi32, #tpu.memory_space<hbm>> -> memref<2x8x128xi32, #tpu.memory_space<hbm>>
          %dma_wait3A_1141 = arith.constant 0 : i32
          %dma_wait3A_1142 = arith.constant 0 : i32
          %dma_wait3A_1143 = tpu.memref_slice %arg3[%dma_wait3A_1141, %add3A_1043, %dma_wait3A_1142] : memref<2x2560x128xi32, #tpu.memory_space<hbm>> -> memref<2x8x128xi32, #tpu.memory_space<hbm>>
          tpu.wait_dma2 semaphore(%run_scoped3A : memref<!tpu.dma_semaphore, #tpu.memory_space<semaphore_mem>>) src(%dma_wait3A_1143 : memref<2x8x128xi32, #tpu.memory_space<hbm>>) dst(%arg9 : memref<2x8x128xi32, #tpu.memory_space<vmem>>)
          tpu.yield
        }) : () -> ()
        %dma_start3A_1044 = arith.constant 0 : i32
        %dma_start3A_1045 = arith.constant 0 : i32
        %dma_start3A_1046 = arith.constant 0 : i32
        %dma_start3A_1047 = arith.constant 0 : i32
        %dma_start3A_1048 = tpu.memref_slice %arg11[%dma_start3A_1046, %dma_start3A_1047] : memref<1024x64xbf16, #tpu.memory_space<vmem>> -> memref<128x64xbf16, #tpu.memory_space<vmem>>
        %dma_start3A_1049 = arith.constant 0 : i32
        %dma_start3A_1050 = tpu.memref_slice %arg9[%dma_start3A_1044, %dma_start3A_1045, %dma_start3A_1049] : memref<2x8x128xi32, #tpu.memory_space<vmem>> -> memref<1x1x128xi32, #tpu.memory_space<vmem>>
        %dma_start3A_1051 = tpu.memref_squeeze %dma_start3A_1050 : memref<1x1x128xi32, #tpu.memory_space<vmem>> -> memref<128xi32, #tpu.memory_space<vmem>>
        %dma_start3A_1052 = arith.constant 0 : i32
        %dma_start3A_1053 = arith.constant 0 : i32
        %dma_start3A_1054 = tpu.memref_slice %arg14[%dma_start3A_1052, %dma_start3A_1053] : memref<10240x64xbf16, #tpu.memory_space<vmem_shared>> -> memref<10240x64xbf16, #tpu.memory_space<vmem_shared>>
        tpu.enqueue_indirect_dma source(%dma_start3A_1054 : memref<10240x64xbf16, #tpu.memory_space<vmem_shared>>) target(%dma_start3A_1048 : memref<128x64xbf16, #tpu.memory_space<vmem>>) offsets(%dma_start3A_1051 : memref<128xi32, #tpu.memory_space<vmem>>) semaphore(%arg15 : memref<!tpu.dma_semaphore, #tpu.memory_space<semaphore_mem>>)
        %dma_start3A_1055 = arith.constant 0 : i32
        %dma_start3A_1056 = arith.constant 1 : i32
        %dma_start3A_1057 = arith.constant 128 : i32
        %dma_start3A_1058 = arith.constant 0 : i32
        %dma_start3A_1059 = tpu.memref_slice %arg11[%dma_start3A_1057, %dma_start3A_1058] : memref<1024x64xbf16, #tpu.memory_space<vmem>> -> memref<128x64xbf16, #tpu.memory_space<vmem>>
        %dma_start3A_1060 = arith.constant 0 : i32
        %dma_start3A_1061 = tpu.memref_slice %arg9[%dma_start3A_1055, %dma_start3A_1056, %dma_start3A_1060] : memref<2x8x128xi32, #tpu.memory_space<vmem>> -> memref<1x1x128xi32, #tpu.memory_space<vmem>>
        %dma_start3A_1062 = tpu.memref_squeeze %dma_start3A_1061 : memref<1x1x128xi32, #tpu.memory_space<vmem>> -> memref<128xi32, #tpu.memory_space<vmem>>
        %dma_start3A_1063 = arith.constant 0 : i32
        %dma_start3A_1064 = arith.constant 0 : i32
        %dma_start3A_1065 = tpu.memref_slice %arg14[%dma_start3A_1063, %dma_start3A_1064] : memref<10240x64xbf16, #tpu.memory_space<vmem_shared>> -> memref<10240x64xbf16, #tpu.memory_space<vmem_shared>>
        tpu.enqueue_indirect_dma source(%dma_start3A_1065 : memref<10240x64xbf16, #tpu.memory_space<vmem_shared>>) target(%dma_start3A_1059 : memref<128x64xbf16, #tpu.memory_space<vmem>>) offsets(%dma_start3A_1062 : memref<128xi32, #tpu.memory_space<vmem>>) semaphore(%arg15 : memref<!tpu.dma_semaphore, #tpu.memory_space<semaphore_mem>>)
        %dma_start3A_1066 = arith.constant 0 : i32
        %dma_start3A_1067 = arith.constant 2 : i32
        %dma_start3A_1068 = arith.constant 256 : i32
        %dma_start3A_1069 = arith.constant 0 : i32
        %dma_start3A_1070 = tpu.memref_slice %arg11[%dma_start3A_1068, %dma_start3A_1069] : memref<1024x64xbf16, #tpu.memory_space<vmem>> -> memref<128x64xbf16, #tpu.memory_space<vmem>>
        %dma_start3A_1071 = arith.constant 0 : i32
        %dma_start3A_1072 = tpu.memref_slice %arg9[%dma_start3A_1066, %dma_start3A_1067, %dma_start3A_1071] : memref<2x8x128xi32, #tpu.memory_space<vmem>> -> memref<1x1x128xi32, #tpu.memory_space<vmem>>
        %dma_start3A_1073 = tpu.memref_squeeze %dma_start3A_1072 : memref<1x1x128xi32, #tpu.memory_space<vmem>> -> memref<128xi32, #tpu.memory_space<vmem>>
        %dma_start3A_1074 = arith.constant 0 : i32
        %dma_start3A_1075 = arith.constant 0 : i32
        %dma_start3A_1076 = tpu.memref_slice %arg14[%dma_start3A_1074, %dma_start3A_1075] : memref<10240x64xbf16, #tpu.memory_space<vmem_shared>> -> memref<10240x64xbf16, #tpu.memory_space<vmem_shared>>
        tpu.enqueue_indirect_dma source(%dma_start3A_1076 : memref<10240x64xbf16, #tpu.memory_space<vmem_shared>>) target(%dma_start3A_1070 : memref<128x64xbf16, #tpu.memory_space<vmem>>) offsets(%dma_start3A_1073 : memref<128xi32, #tpu.memory_space<vmem>>) semaphore(%arg15 : memref<!tpu.dma_semaphore, #tpu.memory_space<semaphore_mem>>)
        %dma_start3A_1077 = arith.constant 0 : i32
        %dma_start3A_1078 = arith.constant 3 : i32
        %dma_start3A_1079 = arith.constant 384 : i32
        %dma_start3A_1080 = arith.constant 0 : i32
        %dma_start3A_1081 = tpu.memref_slice %arg11[%dma_start3A_1079, %dma_start3A_1080] : memref<1024x64xbf16, #tpu.memory_space<vmem>> -> memref<128x64xbf16, #tpu.memory_space<vmem>>
        %dma_start3A_1082 = arith.constant 0 : i32
        %dma_start3A_1083 = tpu.memref_slice %arg9[%dma_start3A_1077, %dma_start3A_1078, %dma_start3A_1082] : memref<2x8x128xi32, #tpu.memory_space<vmem>> -> memref<1x1x128xi32, #tpu.memory_space<vmem>>
        %dma_start3A_1084 = tpu.memref_squeeze %dma_start3A_1083 : memref<1x1x128xi32, #tpu.memory_space<vmem>> -> memref<128xi32, #tpu.memory_space<vmem>>
        %dma_start3A_1085 = arith.constant 0 : i32
        %dma_start3A_1086 = arith.constant 0 : i32
        %dma_start3A_1087 = tpu.memref_slice %arg14[%dma_start3A_1085, %dma_start3A_1086] : memref<10240x64xbf16, #tpu.memory_space<vmem_shared>> -> memref<10240x64xbf16, #tpu.memory_space<vmem_shared>>
        tpu.enqueue_indirect_dma source(%dma_start3A_1087 : memref<10240x64xbf16, #tpu.memory_space<vmem_shared>>) target(%dma_start3A_1081 : memref<128x64xbf16, #tpu.memory_space<vmem>>) offsets(%dma_start3A_1084 : memref<128xi32, #tpu.memory_space<vmem>>) semaphore(%arg15 : memref<!tpu.dma_semaphore, #tpu.memory_space<semaphore_mem>>)
        %dma_start3A_1088 = arith.constant 0 : i32
        %dma_start3A_1089 = arith.constant 4 : i32
        %dma_start3A_1090 = arith.constant 512 : i32
        %dma_start3A_1091 = arith.constant 0 : i32
        %dma_start3A_1092 = tpu.memref_slice %arg11[%dma_start3A_1090, %dma_start3A_1091] : memref<1024x64xbf16, #tpu.memory_space<vmem>> -> memref<128x64xbf16, #tpu.memory_space<vmem>>
        %dma_start3A_1093 = arith.constant 0 : i32
        %dma_start3A_1094 = tpu.memref_slice %arg9[%dma_start3A_1088, %dma_start3A_1089, %dma_start3A_1093] : memref<2x8x128xi32, #tpu.memory_space<vmem>> -> memref<1x1x128xi32, #tpu.memory_space<vmem>>
        %dma_start3A_1095 = tpu.memref_squeeze %dma_start3A_1094 : memref<1x1x128xi32, #tpu.memory_space<vmem>> -> memref<128xi32, #tpu.memory_space<vmem>>
        %dma_start3A_1096 = arith.constant 0 : i32
        %dma_start3A_1097 = arith.constant 0 : i32
        %dma_start3A_1098 = tpu.memref_slice %arg14[%dma_start3A_1096, %dma_start3A_1097] : memref<10240x64xbf16, #tpu.memory_space<vmem_shared>> -> memref<10240x64xbf16, #tpu.memory_space<vmem_shared>>
        tpu.enqueue_indirect_dma source(%dma_start3A_1098 : memref<10240x64xbf16, #tpu.memory_space<vmem_shared>>) target(%dma_start3A_1092 : memref<128x64xbf16, #tpu.memory_space<vmem>>) offsets(%dma_start3A_1095 : memref<128xi32, #tpu.memory_space<vmem>>) semaphore(%arg15 : memref<!tpu.dma_semaphore, #tpu.memory_space<semaphore_mem>>)
        %dma_start3A_1099 = arith.constant 0 : i32
        %dma_start3A_1100 = arith.constant 5 : i32
        %dma_start3A_1101 = arith.constant 640 : i32
        %dma_start3A_1102 = arith.constant 0 : i32
        %dma_start3A_1103 = tpu.memref_slice %arg11[%dma_start3A_1101, %dma_start3A_1102] : memref<1024x64xbf16, #tpu.memory_space<vmem>> -> memref<128x64xbf16, #tpu.memory_space<vmem>>
        %dma_start3A_1104 = arith.constant 0 : i32
        %dma_start3A_1105 = tpu.memref_slice %arg9[%dma_start3A_1099, %dma_start3A_1100, %dma_start3A_1104] : memref<2x8x128xi32, #tpu.memory_space<vmem>> -> memref<1x1x128xi32, #tpu.memory_space<vmem>>
        %dma_start3A_1106 = tpu.memref_squeeze %dma_start3A_1105 : memref<1x1x128xi32, #tpu.memory_space<vmem>> -> memref<128xi32, #tpu.memory_space<vmem>>
        %dma_start3A_1107 = arith.constant 0 : i32
        %dma_start3A_1108 = arith.constant 0 : i32
        %dma_start3A_1109 = tpu.memref_slice %arg14[%dma_start3A_1107, %dma_start3A_1108] : memref<10240x64xbf16, #tpu.memory_space<vmem_shared>> -> memref<10240x64xbf16, #tpu.memory_space<vmem_shared>>
        tpu.enqueue_indirect_dma source(%dma_start3A_1109 : memref<10240x64xbf16, #tpu.memory_space<vmem_shared>>) target(%dma_start3A_1103 : memref<128x64xbf16, #tpu.memory_space<vmem>>) offsets(%dma_start3A_1106 : memref<128xi32, #tpu.memory_space<vmem>>) semaphore(%arg15 : memref<!tpu.dma_semaphore, #tpu.memory_space<semaphore_mem>>)
        %dma_start3A_1110 = arith.constant 0 : i32
        %dma_start3A_1111 = arith.constant 6 : i32
        %dma_start3A_1112 = arith.constant 768 : i32
        %dma_start3A_1113 = arith.constant 0 : i32
        %dma_start3A_1114 = tpu.memref_slice %arg11[%dma_start3A_1112, %dma_start3A_1113] : memref<1024x64xbf16, #tpu.memory_space<vmem>> -> memref<128x64xbf16, #tpu.memory_space<vmem>>
        %dma_start3A_1115 = arith.constant 0 : i32
        %dma_start3A_1116 = tpu.memref_slice %arg9[%dma_start3A_1110, %dma_start3A_1111, %dma_start3A_1115] : memref<2x8x128xi32, #tpu.memory_space<vmem>> -> memref<1x1x128xi32, #tpu.memory_space<vmem>>
        %dma_start3A_1117 = tpu.memref_squeeze %dma_start3A_1116 : memref<1x1x128xi32, #tpu.memory_space<vmem>> -> memref<128xi32, #tpu.memory_space<vmem>>
        %dma_start3A_1118 = arith.constant 0 : i32
        %dma_start3A_1119 = arith.constant 0 : i32
        %dma_start3A_1120 = tpu.memref_slice %arg14[%dma_start3A_1118, %dma_start3A_1119] : memref<10240x64xbf16, #tpu.memory_space<vmem_shared>> -> memref<10240x64xbf16, #tpu.memory_space<vmem_shared>>
        tpu.enqueue_indirect_dma source(%dma_start3A_1120 : memref<10240x64xbf16, #tpu.memory_space<vmem_shared>>) target(%dma_start3A_1114 : memref<128x64xbf16, #tpu.memory_space<vmem>>) offsets(%dma_start3A_1117 : memref<128xi32, #tpu.memory_space<vmem>>) semaphore(%arg15 : memref<!tpu.dma_semaphore, #tpu.memory_space<semaphore_mem>>)
        %dma_start3A_1121 = arith.constant 0 : i32
        %dma_start3A_1122 = arith.constant 7 : i32
        %dma_start3A_1123 = arith.constant 896 : i32
        %dma_start3A_1124 = arith.constant 0 : i32
        %dma_start3A_1125 = tpu.memref_slice %arg11[%dma_start3A_1123, %dma_start3A_1124] : memref<1024x64xbf16, #tpu.memory_space<vmem>> -> memref<128x64xbf16, #tpu.memory_space<vmem>>
        %dma_start3A_1126 = arith.constant 0 : i32
        %dma_start3A_1127 = tpu.memref_slice %arg9[%dma_start3A_1121, %dma_start3A_1122, %dma_start3A_1126] : memref<2x8x128xi32, #tpu.memory_space<vmem>> -> memref<1x1x128xi32, #tpu.memory_space<vmem>>
        %dma_start3A_1128 = tpu.memref_squeeze %dma_start3A_1127 : memref<1x1x128xi32, #tpu.memory_space<vmem>> -> memref<128xi32, #tpu.memory_space<vmem>>
        %dma_start3A_1129 = arith.constant 0 : i32
        %dma_start3A_1130 = arith.constant 0 : i32
        %dma_start3A_1131 = tpu.memref_slice %arg14[%dma_start3A_1129, %dma_start3A_1130] : memref<10240x64xbf16, #tpu.memory_space<vmem_shared>> -> memref<10240x64xbf16, #tpu.memory_space<vmem_shared>>
        tpu.enqueue_indirect_dma source(%dma_start3A_1131 : memref<10240x64xbf16, #tpu.memory_space<vmem_shared>>) target(%dma_start3A_1125 : memref<128x64xbf16, #tpu.memory_space<vmem>>) offsets(%dma_start3A_1128 : memref<128xi32, #tpu.memory_space<vmem>>) semaphore(%arg15 : memref<!tpu.dma_semaphore, #tpu.memory_space<semaphore_mem>>)
      } else {
      }
      %dma_wait3A_795 = arith.constant 0 : i32
      %dma_wait3A_796 = arith.constant 0 : i32
      %dma_wait3A_797 = arith.constant 0 : i32
      %dma_wait3A_798 = arith.constant 0 : i32
      %dma_wait3A_799 = tpu.memref_slice %arg12[%dma_wait3A_797, %dma_wait3A_798] : memref<1024x64xbf16, #tpu.memory_space<vmem>> -> memref<128x64xbf16, #tpu.memory_space<vmem>>
      %dma_wait3A_800 = arith.constant 0 : i32
      %dma_wait3A_801 = tpu.memref_slice %arg10[%dma_wait3A_795, %dma_wait3A_796, %dma_wait3A_800] : memref<2x8x128xi32, #tpu.memory_space<vmem>> -> memref<1x1x128xi32, #tpu.memory_space<vmem>>
      %dma_wait3A_802 = tpu.memref_squeeze %dma_wait3A_801 : memref<1x1x128xi32, #tpu.memory_space<vmem>> -> memref<128xi32, #tpu.memory_space<vmem>>
      %dma_wait3A_803 = arith.constant 0 : i32
      %dma_wait3A_804 = arith.constant 0 : i32
      %dma_wait3A_805 = tpu.memref_slice %arg14[%dma_wait3A_803, %dma_wait3A_804] : memref<10240x64xbf16, #tpu.memory_space<vmem_shared>> -> memref<10240x64xbf16, #tpu.memory_space<vmem_shared>>
      tpu.wait_indirect_dma semaphore(%arg16 : memref<!tpu.dma_semaphore, #tpu.memory_space<semaphore_mem>>) src(%dma_wait3A_805 : memref<10240x64xbf16, #tpu.memory_space<vmem_shared>>) dst(%dma_wait3A_799 : memref<128x64xbf16, #tpu.memory_space<vmem>>)
      %dma_wait3A_806 = arith.constant 0 : i32
      %dma_wait3A_807 = arith.constant 1 : i32
      %dma_wait3A_808 = arith.constant 128 : i32
      %dma_wait3A_809 = arith.constant 0 : i32
      %dma_wait3A_810 = tpu.memref_slice %arg12[%dma_wait3A_808, %dma_wait3A_809] : memref<1024x64xbf16, #tpu.memory_space<vmem>> -> memref<128x64xbf16, #tpu.memory_space<vmem>>
      %dma_wait3A_811 = arith.constant 0 : i32
      %dma_wait3A_812 = tpu.memref_slice %arg10[%dma_wait3A_806, %dma_wait3A_807, %dma_wait3A_811] : memref<2x8x128xi32, #tpu.memory_space<vmem>> -> memref<1x1x128xi32, #tpu.memory_space<vmem>>
      %dma_wait3A_813 = tpu.memref_squeeze %dma_wait3A_812 : memref<1x1x128xi32, #tpu.memory_space<vmem>> -> memref<128xi32, #tpu.memory_space<vmem>>
      %dma_wait3A_814 = arith.constant 0 : i32
      %dma_wait3A_815 = arith.constant 0 : i32
      %dma_wait3A_816 = tpu.memref_slice %arg14[%dma_wait3A_814, %dma_wait3A_815] : memref<10240x64xbf16, #tpu.memory_space<vmem_shared>> -> memref<10240x64xbf16, #tpu.memory_space<vmem_shared>>
      tpu.wait_indirect_dma semaphore(%arg16 : memref<!tpu.dma_semaphore, #tpu.memory_space<semaphore_mem>>) src(%dma_wait3A_816 : memref<10240x64xbf16, #tpu.memory_space<vmem_shared>>) dst(%dma_wait3A_810 : memref<128x64xbf16, #tpu.memory_space<vmem>>)
      %dma_wait3A_817 = arith.constant 0 : i32
      %dma_wait3A_818 = arith.constant 2 : i32
      %dma_wait3A_819 = arith.constant 256 : i32
      %dma_wait3A_820 = arith.constant 0 : i32
      %dma_wait3A_821 = tpu.memref_slice %arg12[%dma_wait3A_819, %dma_wait3A_820] : memref<1024x64xbf16, #tpu.memory_space<vmem>> -> memref<128x64xbf16, #tpu.memory_space<vmem>>
      %dma_wait3A_822 = arith.constant 0 : i32
      %dma_wait3A_823 = tpu.memref_slice %arg10[%dma_wait3A_817, %dma_wait3A_818, %dma_wait3A_822] : memref<2x8x128xi32, #tpu.memory_space<vmem>> -> memref<1x1x128xi32, #tpu.memory_space<vmem>>
      %dma_wait3A_824 = tpu.memref_squeeze %dma_wait3A_823 : memref<1x1x128xi32, #tpu.memory_space<vmem>> -> memref<128xi32, #tpu.memory_space<vmem>>
      %dma_wait3A_825 = arith.constant 0 : i32
      %dma_wait3A_826 = arith.constant 0 : i32
      %dma_wait3A_827 = tpu.memref_slice %arg14[%dma_wait3A_825, %dma_wait3A_826] : memref<10240x64xbf16, #tpu.memory_space<vmem_shared>> -> memref<10240x64xbf16, #tpu.memory_space<vmem_shared>>
      tpu.wait_indirect_dma semaphore(%arg16 : memref<!tpu.dma_semaphore, #tpu.memory_space<semaphore_mem>>) src(%dma_wait3A_827 : memref<10240x64xbf16, #tpu.memory_space<vmem_shared>>) dst(%dma_wait3A_821 : memref<128x64xbf16, #tpu.memory_space<vmem>>)
      %dma_wait3A_828 = arith.constant 0 : i32
      %dma_wait3A_829 = arith.constant 3 : i32
      %dma_wait3A_830 = arith.constant 384 : i32
      %dma_wait3A_831 = arith.constant 0 : i32
      %dma_wait3A_832 = tpu.memref_slice %arg12[%dma_wait3A_830, %dma_wait3A_831] : memref<1024x64xbf16, #tpu.memory_space<vmem>> -> memref<128x64xbf16, #tpu.memory_space<vmem>>
      %dma_wait3A_833 = arith.constant 0 : i32
      %dma_wait3A_834 = tpu.memref_slice %arg10[%dma_wait3A_828, %dma_wait3A_829, %dma_wait3A_833] : memref<2x8x128xi32, #tpu.memory_space<vmem>> -> memref<1x1x128xi32, #tpu.memory_space<vmem>>
      %dma_wait3A_835 = tpu.memref_squeeze %dma_wait3A_834 : memref<1x1x128xi32, #tpu.memory_space<vmem>> -> memref<128xi32, #tpu.memory_space<vmem>>
      %dma_wait3A_836 = arith.constant 0 : i32
      %dma_wait3A_837 = arith.constant 0 : i32
      %dma_wait3A_838 = tpu.memref_slice %arg14[%dma_wait3A_836, %dma_wait3A_837] : memref<10240x64xbf16, #tpu.memory_space<vmem_shared>> -> memref<10240x64xbf16, #tpu.memory_space<vmem_shared>>
      tpu.wait_indirect_dma semaphore(%arg16 : memref<!tpu.dma_semaphore, #tpu.memory_space<semaphore_mem>>) src(%dma_wait3A_838 : memref<10240x64xbf16, #tpu.memory_space<vmem_shared>>) dst(%dma_wait3A_832 : memref<128x64xbf16, #tpu.memory_space<vmem>>)
      %dma_wait3A_839 = arith.constant 0 : i32
      %dma_wait3A_840 = arith.constant 4 : i32
      %dma_wait3A_841 = arith.constant 512 : i32
      %dma_wait3A_842 = arith.constant 0 : i32
      %dma_wait3A_843 = tpu.memref_slice %arg12[%dma_wait3A_841, %dma_wait3A_842] : memref<1024x64xbf16, #tpu.memory_space<vmem>> -> memref<128x64xbf16, #tpu.memory_space<vmem>>
      %dma_wait3A_844 = arith.constant 0 : i32
      %dma_wait3A_845 = tpu.memref_slice %arg10[%dma_wait3A_839, %dma_wait3A_840, %dma_wait3A_844] : memref<2x8x128xi32, #tpu.memory_space<vmem>> -> memref<1x1x128xi32, #tpu.memory_space<vmem>>
      %dma_wait3A_846 = tpu.memref_squeeze %dma_wait3A_845 : memref<1x1x128xi32, #tpu.memory_space<vmem>> -> memref<128xi32, #tpu.memory_space<vmem>>
      %dma_wait3A_847 = arith.constant 0 : i32
      %dma_wait3A_848 = arith.constant 0 : i32
      %dma_wait3A_849 = tpu.memref_slice %arg14[%dma_wait3A_847, %dma_wait3A_848] : memref<10240x64xbf16, #tpu.memory_space<vmem_shared>> -> memref<10240x64xbf16, #tpu.memory_space<vmem_shared>>
      tpu.wait_indirect_dma semaphore(%arg16 : memref<!tpu.dma_semaphore, #tpu.memory_space<semaphore_mem>>) src(%dma_wait3A_849 : memref<10240x64xbf16, #tpu.memory_space<vmem_shared>>) dst(%dma_wait3A_843 : memref<128x64xbf16, #tpu.memory_space<vmem>>)
      %dma_wait3A_850 = arith.constant 0 : i32
      %dma_wait3A_851 = arith.constant 5 : i32
      %dma_wait3A_852 = arith.constant 640 : i32
      %dma_wait3A_853 = arith.constant 0 : i32
      %dma_wait3A_854 = tpu.memref_slice %arg12[%dma_wait3A_852, %dma_wait3A_853] : memref<1024x64xbf16, #tpu.memory_space<vmem>> -> memref<128x64xbf16, #tpu.memory_space<vmem>>
      %dma_wait3A_855 = arith.constant 0 : i32
      %dma_wait3A_856 = tpu.memref_slice %arg10[%dma_wait3A_850, %dma_wait3A_851, %dma_wait3A_855] : memref<2x8x128xi32, #tpu.memory_space<vmem>> -> memref<1x1x128xi32, #tpu.memory_space<vmem>>
      %dma_wait3A_857 = tpu.memref_squeeze %dma_wait3A_856 : memref<1x1x128xi32, #tpu.memory_space<vmem>> -> memref<128xi32, #tpu.memory_space<vmem>>
      %dma_wait3A_858 = arith.constant 0 : i32
      %dma_wait3A_859 = arith.constant 0 : i32
      %dma_wait3A_860 = tpu.memref_slice %arg14[%dma_wait3A_858, %dma_wait3A_859] : memref<10240x64xbf16, #tpu.memory_space<vmem_shared>> -> memref<10240x64xbf16, #tpu.memory_space<vmem_shared>>
      tpu.wait_indirect_dma semaphore(%arg16 : memref<!tpu.dma_semaphore, #tpu.memory_space<semaphore_mem>>) src(%dma_wait3A_860 : memref<10240x64xbf16, #tpu.memory_space<vmem_shared>>) dst(%dma_wait3A_854 : memref<128x64xbf16, #tpu.memory_space<vmem>>)
      %dma_wait3A_861 = arith.constant 0 : i32
      %dma_wait3A_862 = arith.constant 6 : i32
      %dma_wait3A_863 = arith.constant 768 : i32
      %dma_wait3A_864 = arith.constant 0 : i32
      %dma_wait3A_865 = tpu.memref_slice %arg12[%dma_wait3A_863, %dma_wait3A_864] : memref<1024x64xbf16, #tpu.memory_space<vmem>> -> memref<128x64xbf16, #tpu.memory_space<vmem>>
      %dma_wait3A_866 = arith.constant 0 : i32
      %dma_wait3A_867 = tpu.memref_slice %arg10[%dma_wait3A_861, %dma_wait3A_862, %dma_wait3A_866] : memref<2x8x128xi32, #tpu.memory_space<vmem>> -> memref<1x1x128xi32, #tpu.memory_space<vmem>>
      %dma_wait3A_868 = tpu.memref_squeeze %dma_wait3A_867 : memref<1x1x128xi32, #tpu.memory_space<vmem>> -> memref<128xi32, #tpu.memory_space<vmem>>
      %dma_wait3A_869 = arith.constant 0 : i32
      %dma_wait3A_870 = arith.constant 0 : i32
      %dma_wait3A_871 = tpu.memref_slice %arg14[%dma_wait3A_869, %dma_wait3A_870] : memref<10240x64xbf16, #tpu.memory_space<vmem_shared>> -> memref<10240x64xbf16, #tpu.memory_space<vmem_shared>>
      tpu.wait_indirect_dma semaphore(%arg16 : memref<!tpu.dma_semaphore, #tpu.memory_space<semaphore_mem>>) src(%dma_wait3A_871 : memref<10240x64xbf16, #tpu.memory_space<vmem_shared>>) dst(%dma_wait3A_865 : memref<128x64xbf16, #tpu.memory_space<vmem>>)
      %dma_wait3A_872 = arith.constant 0 : i32
      %dma_wait3A_873 = arith.constant 7 : i32
      %dma_wait3A_874 = arith.constant 896 : i32
      %dma_wait3A_875 = arith.constant 0 : i32
      %dma_wait3A_876 = tpu.memref_slice %arg12[%dma_wait3A_874, %dma_wait3A_875] : memref<1024x64xbf16, #tpu.memory_space<vmem>> -> memref<128x64xbf16, #tpu.memory_space<vmem>>
      %dma_wait3A_877 = arith.constant 0 : i32
      %dma_wait3A_878 = tpu.memref_slice %arg10[%dma_wait3A_872, %dma_wait3A_873, %dma_wait3A_877] : memref<2x8x128xi32, #tpu.memory_space<vmem>> -> memref<1x1x128xi32, #tpu.memory_space<vmem>>
      %dma_wait3A_879 = tpu.memref_squeeze %dma_wait3A_878 : memref<1x1x128xi32, #tpu.memory_space<vmem>> -> memref<128xi32, #tpu.memory_space<vmem>>
      %dma_wait3A_880 = arith.constant 0 : i32
      %dma_wait3A_881 = arith.constant 0 : i32
      %dma_wait3A_882 = tpu.memref_slice %arg14[%dma_wait3A_880, %dma_wait3A_881] : memref<10240x64xbf16, #tpu.memory_space<vmem_shared>> -> memref<10240x64xbf16, #tpu.memory_space<vmem_shared>>
      tpu.wait_indirect_dma semaphore(%arg16 : memref<!tpu.dma_semaphore, #tpu.memory_space<semaphore_mem>>) src(%dma_wait3A_882 : memref<10240x64xbf16, #tpu.memory_space<vmem_shared>>) dst(%dma_wait3A_876 : memref<128x64xbf16, #tpu.memory_space<vmem>>)
      %dma_start3A_883 = arith.constant 1 : i32
      %dma_start3A_884 = arith.constant 0 : i32
      %dma_start3A_885 = arith.constant 0 : i32
      %dma_start3A_886 = arith.constant 0 : i32
      %dma_start3A_887 = tpu.memref_slice %arg12[%dma_start3A_885, %dma_start3A_886] : memref<1024x64xbf16, #tpu.memory_space<vmem>> -> memref<128x64xbf16, #tpu.memory_space<vmem>>
      %dma_start3A_888 = arith.constant 0 : i32
      %dma_start3A_889 = tpu.memref_slice %arg10[%dma_start3A_883, %dma_start3A_884, %dma_start3A_888] : memref<2x8x128xi32, #tpu.memory_space<vmem>> -> memref<1x1x128xi32, #tpu.memory_space<vmem>>
      %dma_start3A_890 = tpu.memref_squeeze %dma_start3A_889 : memref<1x1x128xi32, #tpu.memory_space<vmem>> -> memref<128xi32, #tpu.memory_space<vmem>>
      %dma_start3A_891 = arith.constant 0 : i32
      %dma_start3A_892 = arith.constant 0 : i32
      %dma_start3A_893 = tpu.memref_slice %arg13[%dma_start3A_891, %dma_start3A_892] : memref<10240x64xbf16, #tpu.memory_space<vmem_shared>> -> memref<10240x64xbf16, #tpu.memory_space<vmem_shared>>
      tpu.enqueue_indirect_dma source(%dma_start3A_887 : memref<128x64xbf16, #tpu.memory_space<vmem>>) target(%dma_start3A_893 : memref<10240x64xbf16, #tpu.memory_space<vmem_shared>>) offsets(%dma_start3A_890 : memref<128xi32, #tpu.memory_space<vmem>>) semaphore(%arg18 : memref<!tpu.dma_semaphore, #tpu.memory_space<semaphore_mem>>) {add = true}
      %dma_start3A_894 = arith.constant 1 : i32
      %dma_start3A_895 = arith.constant 0 : i32
      %dma_start3A_896 = arith.constant 0 : i32
      %dma_start3A_897 = tpu.memref_slice %arg10[%dma_start3A_894, %dma_start3A_895, %dma_start3A_896] : memref<2x8x128xi32, #tpu.memory_space<vmem>> -> memref<1x1x128xi32, #tpu.memory_space<vmem>>
      %dma_start3A_898 = tpu.memref_squeeze %dma_start3A_897 : memref<1x1x128xi32, #tpu.memory_space<vmem>> -> memref<128xi32, #tpu.memory_space<vmem>>
      %dma_start3A_899 = arith.constant 0 : i32
      %dma_start3A_900 = arith.constant 0 : i32
      %dma_start3A_901 = tpu.memref_slice %arg20[%dma_start3A_899, %dma_start3A_900] : memref<10240x8xf32, #tpu.memory_space<vmem_shared>> -> memref<10240x8xf32, #tpu.memory_space<vmem_shared>>
      tpu.enqueue_indirect_dma source(%arg19 : memref<128x8xf32, #tpu.memory_space<vmem>>) target(%dma_start3A_901 : memref<10240x8xf32, #tpu.memory_space<vmem_shared>>) offsets(%dma_start3A_898 : memref<128xi32, #tpu.memory_space<vmem>>) semaphore(%arg18 : memref<!tpu.dma_semaphore, #tpu.memory_space<semaphore_mem>>) {add = true}
      %dma_start3A_902 = arith.constant 1 : i32
      %dma_start3A_903 = arith.constant 1 : i32
      %dma_start3A_904 = arith.constant 128 : i32
      %dma_start3A_905 = arith.constant 0 : i32
      %dma_start3A_906 = tpu.memref_slice %arg12[%dma_start3A_904, %dma_start3A_905] : memref<1024x64xbf16, #tpu.memory_space<vmem>> -> memref<128x64xbf16, #tpu.memory_space<vmem>>
      %dma_start3A_907 = arith.constant 0 : i32
      %dma_start3A_908 = tpu.memref_slice %arg10[%dma_start3A_902, %dma_start3A_903, %dma_start3A_907] : memref<2x8x128xi32, #tpu.memory_space<vmem>> -> memref<1x1x128xi32, #tpu.memory_space<vmem>>
      %dma_start3A_909 = tpu.memref_squeeze %dma_start3A_908 : memref<1x1x128xi32, #tpu.memory_space<vmem>> -> memref<128xi32, #tpu.memory_space<vmem>>
      %dma_start3A_910 = arith.constant 0 : i32
      %dma_start3A_911 = arith.constant 0 : i32
      %dma_start3A_912 = tpu.memref_slice %arg13[%dma_start3A_910, %dma_start3A_911] : memref<10240x64xbf16, #tpu.memory_space<vmem_shared>> -> memref<10240x64xbf16, #tpu.memory_space<vmem_shared>>
      tpu.enqueue_indirect_dma source(%dma_start3A_906 : memref<128x64xbf16, #tpu.memory_space<vmem>>) target(%dma_start3A_912 : memref<10240x64xbf16, #tpu.memory_space<vmem_shared>>) offsets(%dma_start3A_909 : memref<128xi32, #tpu.memory_space<vmem>>) semaphore(%arg18 : memref<!tpu.dma_semaphore, #tpu.memory_space<semaphore_mem>>) {add = true}
      %dma_start3A_913 = arith.constant 1 : i32
      %dma_start3A_914 = arith.constant 1 : i32
      %dma_start3A_915 = arith.constant 0 : i32
      %dma_start3A_916 = tpu.memref_slice %arg10[%dma_start3A_913, %dma_start3A_914, %dma_start3A_915] : memref<2x8x128xi32, #tpu.memory_space<vmem>> -> memref<1x1x128xi32, #tpu.memory_space<vmem>>
      %dma_start3A_917 = tpu.memref_squeeze %dma_start3A_916 : memref<1x1x128xi32, #tpu.memory_space<vmem>> -> memref<128xi32, #tpu.memory_space<vmem>>
      %dma_start3A_918 = arith.constant 0 : i32
      %dma_start3A_919 = arith.constant 0 : i32
      %dma_start3A_920 = tpu.memref_slice %arg20[%dma_start3A_918, %dma_start3A_919] : memref<10240x8xf32, #tpu.memory_space<vmem_shared>> -> memref<10240x8xf32, #tpu.memory_space<vmem_shared>>
      tpu.enqueue_indirect_dma source(%arg19 : memref<128x8xf32, #tpu.memory_space<vmem>>) target(%dma_start3A_920 : memref<10240x8xf32, #tpu.memory_space<vmem_shared>>) offsets(%dma_start3A_917 : memref<128xi32, #tpu.memory_space<vmem>>) semaphore(%arg18 : memref<!tpu.dma_semaphore, #tpu.memory_space<semaphore_mem>>) {add = true}
      %dma_start3A_921 = arith.constant 1 : i32
      %dma_start3A_922 = arith.constant 2 : i32
      %dma_start3A_923 = arith.constant 256 : i32
      %dma_start3A_924 = arith.constant 0 : i32
      %dma_start3A_925 = tpu.memref_slice %arg12[%dma_start3A_923, %dma_start3A_924] : memref<1024x64xbf16, #tpu.memory_space<vmem>> -> memref<128x64xbf16, #tpu.memory_space<vmem>>
      %dma_start3A_926 = arith.constant 0 : i32
      %dma_start3A_927 = tpu.memref_slice %arg10[%dma_start3A_921, %dma_start3A_922, %dma_start3A_926] : memref<2x8x128xi32, #tpu.memory_space<vmem>> -> memref<1x1x128xi32, #tpu.memory_space<vmem>>
      %dma_start3A_928 = tpu.memref_squeeze %dma_start3A_927 : memref<1x1x128xi32, #tpu.memory_space<vmem>> -> memref<128xi32, #tpu.memory_space<vmem>>
      %dma_start3A_929 = arith.constant 0 : i32
      %dma_start3A_930 = arith.constant 0 : i32
      %dma_start3A_931 = tpu.memref_slice %arg13[%dma_start3A_929, %dma_start3A_930] : memref<10240x64xbf16, #tpu.memory_space<vmem_shared>> -> memref<10240x64xbf16, #tpu.memory_space<vmem_shared>>
      tpu.enqueue_indirect_dma source(%dma_start3A_925 : memref<128x64xbf16, #tpu.memory_space<vmem>>) target(%dma_start3A_931 : memref<10240x64xbf16, #tpu.memory_space<vmem_shared>>) offsets(%dma_start3A_928 : memref<128xi32, #tpu.memory_space<vmem>>) semaphore(%arg18 : memref<!tpu.dma_semaphore, #tpu.memory_space<semaphore_mem>>) {add = true}
      %dma_start3A_932 = arith.constant 1 : i32
      %dma_start3A_933 = arith.constant 2 : i32
      %dma_start3A_934 = arith.constant 0 : i32
      %dma_start3A_935 = tpu.memref_slice %arg10[%dma_start3A_932, %dma_start3A_933, %dma_start3A_934] : memref<2x8x128xi32, #tpu.memory_space<vmem>> -> memref<1x1x128xi32, #tpu.memory_space<vmem>>
      %dma_start3A_936 = tpu.memref_squeeze %dma_start3A_935 : memref<1x1x128xi32, #tpu.memory_space<vmem>> -> memref<128xi32, #tpu.memory_space<vmem>>
      %dma_start3A_937 = arith.constant 0 : i32
      %dma_start3A_938 = arith.constant 0 : i32
      %dma_start3A_939 = tpu.memref_slice %arg20[%dma_start3A_937, %dma_start3A_938] : memref<10240x8xf32, #tpu.memory_space<vmem_shared>> -> memref<10240x8xf32, #tpu.memory_space<vmem_shared>>
      tpu.enqueue_indirect_dma source(%arg19 : memref<128x8xf32, #tpu.memory_space<vmem>>) target(%dma_start3A_939 : memref<10240x8xf32, #tpu.memory_space<vmem_shared>>) offsets(%dma_start3A_936 : memref<128xi32, #tpu.memory_space<vmem>>) semaphore(%arg18 : memref<!tpu.dma_semaphore, #tpu.memory_space<semaphore_mem>>) {add = true}
      %dma_start3A_940 = arith.constant 1 : i32
      %dma_start3A_941 = arith.constant 3 : i32
      %dma_start3A_942 = arith.constant 384 : i32
      %dma_start3A_943 = arith.constant 0 : i32
      %dma_start3A_944 = tpu.memref_slice %arg12[%dma_start3A_942, %dma_start3A_943] : memref<1024x64xbf16, #tpu.memory_space<vmem>> -> memref<128x64xbf16, #tpu.memory_space<vmem>>
      %dma_start3A_945 = arith.constant 0 : i32
      %dma_start3A_946 = tpu.memref_slice %arg10[%dma_start3A_940, %dma_start3A_941, %dma_start3A_945] : memref<2x8x128xi32, #tpu.memory_space<vmem>> -> memref<1x1x128xi32, #tpu.memory_space<vmem>>
      %dma_start3A_947 = tpu.memref_squeeze %dma_start3A_946 : memref<1x1x128xi32, #tpu.memory_space<vmem>> -> memref<128xi32, #tpu.memory_space<vmem>>
      %dma_start3A_948 = arith.constant 0 : i32
      %dma_start3A_949 = arith.constant 0 : i32
      %dma_start3A_950 = tpu.memref_slice %arg13[%dma_start3A_948, %dma_start3A_949] : memref<10240x64xbf16, #tpu.memory_space<vmem_shared>> -> memref<10240x64xbf16, #tpu.memory_space<vmem_shared>>
      tpu.enqueue_indirect_dma source(%dma_start3A_944 : memref<128x64xbf16, #tpu.memory_space<vmem>>) target(%dma_start3A_950 : memref<10240x64xbf16, #tpu.memory_space<vmem_shared>>) offsets(%dma_start3A_947 : memref<128xi32, #tpu.memory_space<vmem>>) semaphore(%arg18 : memref<!tpu.dma_semaphore, #tpu.memory_space<semaphore_mem>>) {add = true}
      %dma_start3A_951 = arith.constant 1 : i32
      %dma_start3A_952 = arith.constant 3 : i32
      %dma_start3A_953 = arith.constant 0 : i32
      %dma_start3A_954 = tpu.memref_slice %arg10[%dma_start3A_951, %dma_start3A_952, %dma_start3A_953] : memref<2x8x128xi32, #tpu.memory_space<vmem>> -> memref<1x1x128xi32, #tpu.memory_space<vmem>>
      %dma_start3A_955 = tpu.memref_squeeze %dma_start3A_954 : memref<1x1x128xi32, #tpu.memory_space<vmem>> -> memref<128xi32, #tpu.memory_space<vmem>>
      %dma_start3A_956 = arith.constant 0 : i32
      %dma_start3A_957 = arith.constant 0 : i32
      %dma_start3A_958 = tpu.memref_slice %arg20[%dma_start3A_956, %dma_start3A_957] : memref<10240x8xf32, #tpu.memory_space<vmem_shared>> -> memref<10240x8xf32, #tpu.memory_space<vmem_shared>>
      tpu.enqueue_indirect_dma source(%arg19 : memref<128x8xf32, #tpu.memory_space<vmem>>) target(%dma_start3A_958 : memref<10240x8xf32, #tpu.memory_space<vmem_shared>>) offsets(%dma_start3A_955 : memref<128xi32, #tpu.memory_space<vmem>>) semaphore(%arg18 : memref<!tpu.dma_semaphore, #tpu.memory_space<semaphore_mem>>) {add = true}
      %dma_start3A_959 = arith.constant 1 : i32
      %dma_start3A_960 = arith.constant 4 : i32
      %dma_start3A_961 = arith.constant 512 : i32
      %dma_start3A_962 = arith.constant 0 : i32
      %dma_start3A_963 = tpu.memref_slice %arg12[%dma_start3A_961, %dma_start3A_962] : memref<1024x64xbf16, #tpu.memory_space<vmem>> -> memref<128x64xbf16, #tpu.memory_space<vmem>>
      %dma_start3A_964 = arith.constant 0 : i32
      %dma_start3A_965 = tpu.memref_slice %arg10[%dma_start3A_959, %dma_start3A_960, %dma_start3A_964] : memref<2x8x128xi32, #tpu.memory_space<vmem>> -> memref<1x1x128xi32, #tpu.memory_space<vmem>>
      %dma_start3A_966 = tpu.memref_squeeze %dma_start3A_965 : memref<1x1x128xi32, #tpu.memory_space<vmem>> -> memref<128xi32, #tpu.memory_space<vmem>>
      %dma_start3A_967 = arith.constant 0 : i32
      %dma_start3A_968 = arith.constant 0 : i32
      %dma_start3A_969 = tpu.memref_slice %arg13[%dma_start3A_967, %dma_start3A_968] : memref<10240x64xbf16, #tpu.memory_space<vmem_shared>> -> memref<10240x64xbf16, #tpu.memory_space<vmem_shared>>
      tpu.enqueue_indirect_dma source(%dma_start3A_963 : memref<128x64xbf16, #tpu.memory_space<vmem>>) target(%dma_start3A_969 : memref<10240x64xbf16, #tpu.memory_space<vmem_shared>>) offsets(%dma_start3A_966 : memref<128xi32, #tpu.memory_space<vmem>>) semaphore(%arg18 : memref<!tpu.dma_semaphore, #tpu.memory_space<semaphore_mem>>) {add = true}
      %dma_start3A_970 = arith.constant 1 : i32
      %dma_start3A_971 = arith.constant 4 : i32
      %dma_start3A_972 = arith.constant 0 : i32
      %dma_start3A_973 = tpu.memref_slice %arg10[%dma_start3A_970, %dma_start3A_971, %dma_start3A_972] : memref<2x8x128xi32, #tpu.memory_space<vmem>> -> memref<1x1x128xi32, #tpu.memory_space<vmem>>
      %dma_start3A_974 = tpu.memref_squeeze %dma_start3A_973 : memref<1x1x128xi32, #tpu.memory_space<vmem>> -> memref<128xi32, #tpu.memory_space<vmem>>
      %dma_start3A_975 = arith.constant 0 : i32
      %dma_start3A_976 = arith.constant 0 : i32
      %dma_start3A_977 = tpu.memref_slice %arg20[%dma_start3A_975, %dma_start3A_976] : memref<10240x8xf32, #tpu.memory_space<vmem_shared>> -> memref<10240x8xf32, #tpu.memory_space<vmem_shared>>
      tpu.enqueue_indirect_dma source(%arg19 : memref<128x8xf32, #tpu.memory_space<vmem>>) target(%dma_start3A_977 : memref<10240x8xf32, #tpu.memory_space<vmem_shared>>) offsets(%dma_start3A_974 : memref<128xi32, #tpu.memory_space<vmem>>) semaphore(%arg18 : memref<!tpu.dma_semaphore, #tpu.memory_space<semaphore_mem>>) {add = true}
      %dma_start3A_978 = arith.constant 1 : i32
      %dma_start3A_979 = arith.constant 5 : i32
      %dma_start3A_980 = arith.constant 640 : i32
      %dma_start3A_981 = arith.constant 0 : i32
      %dma_start3A_982 = tpu.memref_slice %arg12[%dma_start3A_980, %dma_start3A_981] : memref<1024x64xbf16, #tpu.memory_space<vmem>> -> memref<128x64xbf16, #tpu.memory_space<vmem>>
      %dma_start3A_983 = arith.constant 0 : i32
      %dma_start3A_984 = tpu.memref_slice %arg10[%dma_start3A_978, %dma_start3A_979, %dma_start3A_983] : memref<2x8x128xi32, #tpu.memory_space<vmem>> -> memref<1x1x128xi32, #tpu.memory_space<vmem>>
      %dma_start3A_985 = tpu.memref_squeeze %dma_start3A_984 : memref<1x1x128xi32, #tpu.memory_space<vmem>> -> memref<128xi32, #tpu.memory_space<vmem>>
      %dma_start3A_986 = arith.constant 0 : i32
      %dma_start3A_987 = arith.constant 0 : i32
      %dma_start3A_988 = tpu.memref_slice %arg13[%dma_start3A_986, %dma_start3A_987] : memref<10240x64xbf16, #tpu.memory_space<vmem_shared>> -> memref<10240x64xbf16, #tpu.memory_space<vmem_shared>>
      tpu.enqueue_indirect_dma source(%dma_start3A_982 : memref<128x64xbf16, #tpu.memory_space<vmem>>) target(%dma_start3A_988 : memref<10240x64xbf16, #tpu.memory_space<vmem_shared>>) offsets(%dma_start3A_985 : memref<128xi32, #tpu.memory_space<vmem>>) semaphore(%arg18 : memref<!tpu.dma_semaphore, #tpu.memory_space<semaphore_mem>>) {add = true}
      %dma_start3A_989 = arith.constant 1 : i32
      %dma_start3A_990 = arith.constant 5 : i32
      %dma_start3A_991 = arith.constant 0 : i32
      %dma_start3A_992 = tpu.memref_slice %arg10[%dma_start3A_989, %dma_start3A_990, %dma_start3A_991] : memref<2x8x128xi32, #tpu.memory_space<vmem>> -> memref<1x1x128xi32, #tpu.memory_space<vmem>>
      %dma_start3A_993 = tpu.memref_squeeze %dma_start3A_992 : memref<1x1x128xi32, #tpu.memory_space<vmem>> -> memref<128xi32, #tpu.memory_space<vmem>>
      %dma_start3A_994 = arith.constant 0 : i32
      %dma_start3A_995 = arith.constant 0 : i32
      %dma_start3A_996 = tpu.memref_slice %arg20[%dma_start3A_994, %dma_start3A_995] : memref<10240x8xf32, #tpu.memory_space<vmem_shared>> -> memref<10240x8xf32, #tpu.memory_space<vmem_shared>>
      tpu.enqueue_indirect_dma source(%arg19 : memref<128x8xf32, #tpu.memory_space<vmem>>) target(%dma_start3A_996 : memref<10240x8xf32, #tpu.memory_space<vmem_shared>>) offsets(%dma_start3A_993 : memref<128xi32, #tpu.memory_space<vmem>>) semaphore(%arg18 : memref<!tpu.dma_semaphore, #tpu.memory_space<semaphore_mem>>) {add = true}
      %dma_start3A_997 = arith.constant 1 : i32
      %dma_start3A_998 = arith.constant 6 : i32
      %dma_start3A_999 = arith.constant 768 : i32
      %dma_start3A_1000 = arith.constant 0 : i32
      %dma_start3A_1001 = tpu.memref_slice %arg12[%dma_start3A_999, %dma_start3A_1000] : memref<1024x64xbf16, #tpu.memory_space<vmem>> -> memref<128x64xbf16, #tpu.memory_space<vmem>>
      %dma_start3A_1002 = arith.constant 0 : i32
      %dma_start3A_1003 = tpu.memref_slice %arg10[%dma_start3A_997, %dma_start3A_998, %dma_start3A_1002] : memref<2x8x128xi32, #tpu.memory_space<vmem>> -> memref<1x1x128xi32, #tpu.memory_space<vmem>>
      %dma_start3A_1004 = tpu.memref_squeeze %dma_start3A_1003 : memref<1x1x128xi32, #tpu.memory_space<vmem>> -> memref<128xi32, #tpu.memory_space<vmem>>
      %dma_start3A_1005 = arith.constant 0 : i32
      %dma_start3A_1006 = arith.constant 0 : i32
      %dma_start3A_1007 = tpu.memref_slice %arg13[%dma_start3A_1005, %dma_start3A_1006] : memref<10240x64xbf16, #tpu.memory_space<vmem_shared>> -> memref<10240x64xbf16, #tpu.memory_space<vmem_shared>>
      tpu.enqueue_indirect_dma source(%dma_start3A_1001 : memref<128x64xbf16, #tpu.memory_space<vmem>>) target(%dma_start3A_1007 : memref<10240x64xbf16, #tpu.memory_space<vmem_shared>>) offsets(%dma_start3A_1004 : memref<128xi32, #tpu.memory_space<vmem>>) semaphore(%arg18 : memref<!tpu.dma_semaphore, #tpu.memory_space<semaphore_mem>>) {add = true}
      %dma_start3A_1008 = arith.constant 1 : i32
      %dma_start3A_1009 = arith.constant 6 : i32
      %dma_start3A_1010 = arith.constant 0 : i32
      %dma_start3A_1011 = tpu.memref_slice %arg10[%dma_start3A_1008, %dma_start3A_1009, %dma_start3A_1010] : memref<2x8x128xi32, #tpu.memory_space<vmem>> -> memref<1x1x128xi32, #tpu.memory_space<vmem>>
      %dma_start3A_1012 = tpu.memref_squeeze %dma_start3A_1011 : memref<1x1x128xi32, #tpu.memory_space<vmem>> -> memref<128xi32, #tpu.memory_space<vmem>>
      %dma_start3A_1013 = arith.constant 0 : i32
      %dma_start3A_1014 = arith.constant 0 : i32
      %dma_start3A_1015 = tpu.memref_slice %arg20[%dma_start3A_1013, %dma_start3A_1014] : memref<10240x8xf32, #tpu.memory_space<vmem_shared>> -> memref<10240x8xf32, #tpu.memory_space<vmem_shared>>
      tpu.enqueue_indirect_dma source(%arg19 : memref<128x8xf32, #tpu.memory_space<vmem>>) target(%dma_start3A_1015 : memref<10240x8xf32, #tpu.memory_space<vmem_shared>>) offsets(%dma_start3A_1012 : memref<128xi32, #tpu.memory_space<vmem>>) semaphore(%arg18 : memref<!tpu.dma_semaphore, #tpu.memory_space<semaphore_mem>>) {add = true}
      %dma_start3A_1016 = arith.constant 1 : i32
      %dma_start3A_1017 = arith.constant 7 : i32
      %dma_start3A_1018 = arith.constant 896 : i32
      %dma_start3A_1019 = arith.constant 0 : i32
      %dma_start3A_1020 = tpu.memref_slice %arg12[%dma_start3A_1018, %dma_start3A_1019] : memref<1024x64xbf16, #tpu.memory_space<vmem>> -> memref<128x64xbf16, #tpu.memory_space<vmem>>
      %dma_start3A_1021 = arith.constant 0 : i32
      %dma_start3A_1022 = tpu.memref_slice %arg10[%dma_start3A_1016, %dma_start3A_1017, %dma_start3A_1021] : memref<2x8x128xi32, #tpu.memory_space<vmem>> -> memref<1x1x128xi32, #tpu.memory_space<vmem>>
      %dma_start3A_1023 = tpu.memref_squeeze %dma_start3A_1022 : memref<1x1x128xi32, #tpu.memory_space<vmem>> -> memref<128xi32, #tpu.memory_space<vmem>>
      %dma_start3A_1024 = arith.constant 0 : i32
      %dma_start3A_1025 = arith.constant 0 : i32
      %dma_start3A_1026 = tpu.memref_slice %arg13[%dma_start3A_1024, %dma_start3A_1025] : memref<10240x64xbf16, #tpu.memory_space<vmem_shared>> -> memref<10240x64xbf16, #tpu.memory_space<vmem_shared>>
      tpu.enqueue_indirect_dma source(%dma_start3A_1020 : memref<128x64xbf16, #tpu.memory_space<vmem>>) target(%dma_start3A_1026 : memref<10240x64xbf16, #tpu.memory_space<vmem_shared>>) offsets(%dma_start3A_1023 : memref<128xi32, #tpu.memory_space<vmem>>) semaphore(%arg18 : memref<!tpu.dma_semaphore, #tpu.memory_space<semaphore_mem>>) {add = true}
      %dma_start3A_1027 = arith.constant 1 : i32
      %dma_start3A_1028 = arith.constant 7 : i32
      %dma_start3A_1029 = arith.constant 0 : i32
      %dma_start3A_1030 = tpu.memref_slice %arg10[%dma_start3A_1027, %dma_start3A_1028, %dma_start3A_1029] : memref<2x8x128xi32, #tpu.memory_space<vmem>> -> memref<1x1x128xi32, #tpu.memory_space<vmem>>
      %dma_start3A_1031 = tpu.memref_squeeze %dma_start3A_1030 : memref<1x1x128xi32, #tpu.memory_space<vmem>> -> memref<128xi32, #tpu.memory_space<vmem>>
      %dma_start3A_1032 = arith.constant 0 : i32
      %dma_start3A_1033 = arith.constant 0 : i32
      %dma_start3A_1034 = tpu.memref_slice %arg20[%dma_start3A_1032, %dma_start3A_1033] : memref<10240x8xf32, #tpu.memory_space<vmem_shared>> -> memref<10240x8xf32, #tpu.memory_space<vmem_shared>>
      tpu.enqueue_indirect_dma source(%arg19 : memref<128x8xf32, #tpu.memory_space<vmem>>) target(%dma_start3A_1034 : memref<10240x8xf32, #tpu.memory_space<vmem_shared>>) offsets(%dma_start3A_1031 : memref<128xi32, #tpu.memory_space<vmem>>) semaphore(%arg18 : memref<!tpu.dma_semaphore, #tpu.memory_space<semaphore_mem>>) {add = true}
    }
    %scan3A_113 = arith.constant 5 : i32
    %dma_wait3A_114 = arith.constant 1 : i32
    %dma_wait3A_115 = arith.constant 0 : i32
    %dma_wait3A_116 = arith.constant 0 : i32
    %dma_wait3A_117 = arith.constant 0 : i32
    %dma_wait3A_118 = tpu.memref_slice %arg12[%dma_wait3A_116, %dma_wait3A_117] : memref<1024x64xbf16, #tpu.memory_space<vmem>> -> memref<128x64xbf16, #tpu.memory_space<vmem>>
    %dma_wait3A_119 = arith.constant 0 : i32
    %dma_wait3A_120 = tpu.memref_slice %arg10[%dma_wait3A_114, %dma_wait3A_115, %dma_wait3A_119] : memref<2x8x128xi32, #tpu.memory_space<vmem>> -> memref<1x1x128xi32, #tpu.memory_space<vmem>>
    %dma_wait3A_121 = tpu.memref_squeeze %dma_wait3A_120 : memref<1x1x128xi32, #tpu.memory_space<vmem>> -> memref<128xi32, #tpu.memory_space<vmem>>
    %dma_wait3A_122 = arith.constant 0 : i32
    %dma_wait3A_123 = arith.constant 0 : i32
    %dma_wait3A_124 = tpu.memref_slice %arg13[%dma_wait3A_122, %dma_wait3A_123] : memref<10240x64xbf16, #tpu.memory_space<vmem_shared>> -> memref<10240x64xbf16, #tpu.memory_space<vmem_shared>>
    tpu.wait_indirect_dma semaphore(%arg18 : memref<!tpu.dma_semaphore, #tpu.memory_space<semaphore_mem>>) src(%dma_wait3A_118 : memref<128x64xbf16, #tpu.memory_space<vmem>>) dst(%dma_wait3A_124 : memref<10240x64xbf16, #tpu.memory_space<vmem_shared>>)
    %dma_wait3A_125 = arith.constant 1 : i32
    %dma_wait3A_126 = arith.constant 0 : i32
    %dma_wait3A_127 = arith.constant 0 : i32
    %dma_wait3A_128 = tpu.memref_slice %arg10[%dma_wait3A_125, %dma_wait3A_126, %dma_wait3A_127] : memref<2x8x128xi32, #tpu.memory_space<vmem>> -> memref<1x1x128xi32, #tpu.memory_space<vmem>>
    %dma_wait3A_129 = tpu.memref_squeeze %dma_wait3A_128 : memref<1x1x128xi32, #tpu.memory_space<vmem>> -> memref<128xi32, #tpu.memory_space<vmem>>
    %dma_wait3A_130 = arith.constant 0 : i32
    %dma_wait3A_131 = arith.constant 0 : i32
    %dma_wait3A_132 = tpu.memref_slice %arg20[%dma_wait3A_130, %dma_wait3A_131] : memref<10240x8xf32, #tpu.memory_space<vmem_shared>> -> memref<10240x8xf32, #tpu.memory_space<vmem_shared>>
    tpu.wait_indirect_dma semaphore(%arg18 : memref<!tpu.dma_semaphore, #tpu.memory_space<semaphore_mem>>) src(%arg19 : memref<128x8xf32, #tpu.memory_space<vmem>>) dst(%dma_wait3A_132 : memref<10240x8xf32, #tpu.memory_space<vmem_shared>>)
    %dma_wait3A_133 = arith.constant 1 : i32
    %dma_wait3A_134 = arith.constant 1 : i32
    %dma_wait3A_135 = arith.constant 128 : i32
    %dma_wait3A_136 = arith.constant 0 : i32
    %dma_wait3A_137 = tpu.memref_slice %arg12[%dma_wait3A_135, %dma_wait3A_136] : memref<1024x64xbf16, #tpu.memory_space<vmem>> -> memref<128x64xbf16, #tpu.memory_space<vmem>>
    %dma_wait3A_138 = arith.constant 0 : i32
    %dma_wait3A_139 = tpu.memref_slice %arg10[%dma_wait3A_133, %dma_wait3A_134, %dma_wait3A_138] : memref<2x8x128xi32, #tpu.memory_space<vmem>> -> memref<1x1x128xi32, #tpu.memory_space<vmem>>
    %dma_wait3A_140 = tpu.memref_squeeze %dma_wait3A_139 : memref<1x1x128xi32, #tpu.memory_space<vmem>> -> memref<128xi32, #tpu.memory_space<vmem>>
    %dma_wait3A_141 = arith.constant 0 : i32
    %dma_wait3A_142 = arith.constant 0 : i32
    %dma_wait3A_143 = tpu.memref_slice %arg13[%dma_wait3A_141, %dma_wait3A_142] : memref<10240x64xbf16, #tpu.memory_space<vmem_shared>> -> memref<10240x64xbf16, #tpu.memory_space<vmem_shared>>
    tpu.wait_indirect_dma semaphore(%arg18 : memref<!tpu.dma_semaphore, #tpu.memory_space<semaphore_mem>>) src(%dma_wait3A_137 : memref<128x64xbf16, #tpu.memory_space<vmem>>) dst(%dma_wait3A_143 : memref<10240x64xbf16, #tpu.memory_space<vmem_shared>>)
    %dma_wait3A_144 = arith.constant 1 : i32
    %dma_wait3A_145 = arith.constant 1 : i32
    %dma_wait3A_146 = arith.constant 0 : i32
    %dma_wait3A_147 = tpu.memref_slice %arg10[%dma_wait3A_144, %dma_wait3A_145, %dma_wait3A_146] : memref<2x8x128xi32, #tpu.memory_space<vmem>> -> memref<1x1x128xi32, #tpu.memory_space<vmem>>
    %dma_wait3A_148 = tpu.memref_squeeze %dma_wait3A_147 : memref<1x1x128xi32, #tpu.memory_space<vmem>> -> memref<128xi32, #tpu.memory_space<vmem>>
    %dma_wait3A_149 = arith.constant 0 : i32
    %dma_wait3A_150 = arith.constant 0 : i32
    %dma_wait3A_151 = tpu.memref_slice %arg20[%dma_wait3A_149, %dma_wait3A_150] : memref<10240x8xf32, #tpu.memory_space<vmem_shared>> -> memref<10240x8xf32, #tpu.memory_space<vmem_shared>>
    tpu.wait_indirect_dma semaphore(%arg18 : memref<!tpu.dma_semaphore, #tpu.memory_space<semaphore_mem>>) src(%arg19 : memref<128x8xf32, #tpu.memory_space<vmem>>) dst(%dma_wait3A_151 : memref<10240x8xf32, #tpu.memory_space<vmem_shared>>)
    %dma_wait3A_152 = arith.constant 1 : i32
    %dma_wait3A_153 = arith.constant 2 : i32
    %dma_wait3A_154 = arith.constant 256 : i32
    %dma_wait3A_155 = arith.constant 0 : i32
    %dma_wait3A_156 = tpu.memref_slice %arg12[%dma_wait3A_154, %dma_wait3A_155] : memref<1024x64xbf16, #tpu.memory_space<vmem>> -> memref<128x64xbf16, #tpu.memory_space<vmem>>
    %dma_wait3A_157 = arith.constant 0 : i32
    %dma_wait3A_158 = tpu.memref_slice %arg10[%dma_wait3A_152, %dma_wait3A_153, %dma_wait3A_157] : memref<2x8x128xi32, #tpu.memory_space<vmem>> -> memref<1x1x128xi32, #tpu.memory_space<vmem>>
    %dma_wait3A_159 = tpu.memref_squeeze %dma_wait3A_158 : memref<1x1x128xi32, #tpu.memory_space<vmem>> -> memref<128xi32, #tpu.memory_space<vmem>>
    %dma_wait3A_160 = arith.constant 0 : i32
    %dma_wait3A_161 = arith.constant 0 : i32
    %dma_wait3A_162 = tpu.memref_slice %arg13[%dma_wait3A_160, %dma_wait3A_161] : memref<10240x64xbf16, #tpu.memory_space<vmem_shared>> -> memref<10240x64xbf16, #tpu.memory_space<vmem_shared>>
    tpu.wait_indirect_dma semaphore(%arg18 : memref<!tpu.dma_semaphore, #tpu.memory_space<semaphore_mem>>) src(%dma_wait3A_156 : memref<128x64xbf16, #tpu.memory_space<vmem>>) dst(%dma_wait3A_162 : memref<10240x64xbf16, #tpu.memory_space<vmem_shared>>)
    %dma_wait3A_163 = arith.constant 1 : i32
    %dma_wait3A_164 = arith.constant 2 : i32
    %dma_wait3A_165 = arith.constant 0 : i32
    %dma_wait3A_166 = tpu.memref_slice %arg10[%dma_wait3A_163, %dma_wait3A_164, %dma_wait3A_165] : memref<2x8x128xi32, #tpu.memory_space<vmem>> -> memref<1x1x128xi32, #tpu.memory_space<vmem>>
    %dma_wait3A_167 = tpu.memref_squeeze %dma_wait3A_166 : memref<1x1x128xi32, #tpu.memory_space<vmem>> -> memref<128xi32, #tpu.memory_space<vmem>>
    %dma_wait3A_168 = arith.constant 0 : i32
    %dma_wait3A_169 = arith.constant 0 : i32
    %dma_wait3A_170 = tpu.memref_slice %arg20[%dma_wait3A_168, %dma_wait3A_169] : memref<10240x8xf32, #tpu.memory_space<vmem_shared>> -> memref<10240x8xf32, #tpu.memory_space<vmem_shared>>
    tpu.wait_indirect_dma semaphore(%arg18 : memref<!tpu.dma_semaphore, #tpu.memory_space<semaphore_mem>>) src(%arg19 : memref<128x8xf32, #tpu.memory_space<vmem>>) dst(%dma_wait3A_170 : memref<10240x8xf32, #tpu.memory_space<vmem_shared>>)
    %dma_wait3A_171 = arith.constant 1 : i32
    %dma_wait3A_172 = arith.constant 3 : i32
    %dma_wait3A_173 = arith.constant 384 : i32
    %dma_wait3A_174 = arith.constant 0 : i32
    %dma_wait3A_175 = tpu.memref_slice %arg12[%dma_wait3A_173, %dma_wait3A_174] : memref<1024x64xbf16, #tpu.memory_space<vmem>> -> memref<128x64xbf16, #tpu.memory_space<vmem>>
    %dma_wait3A_176 = arith.constant 0 : i32
    %dma_wait3A_177 = tpu.memref_slice %arg10[%dma_wait3A_171, %dma_wait3A_172, %dma_wait3A_176] : memref<2x8x128xi32, #tpu.memory_space<vmem>> -> memref<1x1x128xi32, #tpu.memory_space<vmem>>
    %dma_wait3A_178 = tpu.memref_squeeze %dma_wait3A_177 : memref<1x1x128xi32, #tpu.memory_space<vmem>> -> memref<128xi32, #tpu.memory_space<vmem>>
    %dma_wait3A_179 = arith.constant 0 : i32
    %dma_wait3A_180 = arith.constant 0 : i32
    %dma_wait3A_181 = tpu.memref_slice %arg13[%dma_wait3A_179, %dma_wait3A_180] : memref<10240x64xbf16, #tpu.memory_space<vmem_shared>> -> memref<10240x64xbf16, #tpu.memory_space<vmem_shared>>
    tpu.wait_indirect_dma semaphore(%arg18 : memref<!tpu.dma_semaphore, #tpu.memory_space<semaphore_mem>>) src(%dma_wait3A_175 : memref<128x64xbf16, #tpu.memory_space<vmem>>) dst(%dma_wait3A_181 : memref<10240x64xbf16, #tpu.memory_space<vmem_shared>>)
    %dma_wait3A_182 = arith.constant 1 : i32
    %dma_wait3A_183 = arith.constant 3 : i32
    %dma_wait3A_184 = arith.constant 0 : i32
    %dma_wait3A_185 = tpu.memref_slice %arg10[%dma_wait3A_182, %dma_wait3A_183, %dma_wait3A_184] : memref<2x8x128xi32, #tpu.memory_space<vmem>> -> memref<1x1x128xi32, #tpu.memory_space<vmem>>
    %dma_wait3A_186 = tpu.memref_squeeze %dma_wait3A_185 : memref<1x1x128xi32, #tpu.memory_space<vmem>> -> memref<128xi32, #tpu.memory_space<vmem>>
    %dma_wait3A_187 = arith.constant 0 : i32
    %dma_wait3A_188 = arith.constant 0 : i32
    %dma_wait3A_189 = tpu.memref_slice %arg20[%dma_wait3A_187, %dma_wait3A_188] : memref<10240x8xf32, #tpu.memory_space<vmem_shared>> -> memref<10240x8xf32, #tpu.memory_space<vmem_shared>>
    tpu.wait_indirect_dma semaphore(%arg18 : memref<!tpu.dma_semaphore, #tpu.memory_space<semaphore_mem>>) src(%arg19 : memref<128x8xf32, #tpu.memory_space<vmem>>) dst(%dma_wait3A_189 : memref<10240x8xf32, #tpu.memory_space<vmem_shared>>)
    %dma_wait3A_190 = arith.constant 1 : i32
    %dma_wait3A_191 = arith.constant 4 : i32
    %dma_wait3A_192 = arith.constant 512 : i32
    %dma_wait3A_193 = arith.constant 0 : i32
    %dma_wait3A_194 = tpu.memref_slice %arg12[%dma_wait3A_192, %dma_wait3A_193] : memref<1024x64xbf16, #tpu.memory_space<vmem>> -> memref<128x64xbf16, #tpu.memory_space<vmem>>
    %dma_wait3A_195 = arith.constant 0 : i32
    %dma_wait3A_196 = tpu.memref_slice %arg10[%dma_wait3A_190, %dma_wait3A_191, %dma_wait3A_195] : memref<2x8x128xi32, #tpu.memory_space<vmem>> -> memref<1x1x128xi32, #tpu.memory_space<vmem>>
    %dma_wait3A_197 = tpu.memref_squeeze %dma_wait3A_196 : memref<1x1x128xi32, #tpu.memory_space<vmem>> -> memref<128xi32, #tpu.memory_space<vmem>>
    %dma_wait3A_198 = arith.constant 0 : i32
    %dma_wait3A_199 = arith.constant 0 : i32
    %dma_wait3A_200 = tpu.memref_slice %arg13[%dma_wait3A_198, %dma_wait3A_199] : memref<10240x64xbf16, #tpu.memory_space<vmem_shared>> -> memref<10240x64xbf16, #tpu.memory_space<vmem_shared>>
    tpu.wait_indirect_dma semaphore(%arg18 : memref<!tpu.dma_semaphore, #tpu.memory_space<semaphore_mem>>) src(%dma_wait3A_194 : memref<128x64xbf16, #tpu.memory_space<vmem>>) dst(%dma_wait3A_200 : memref<10240x64xbf16, #tpu.memory_space<vmem_shared>>)
    %dma_wait3A_201 = arith.constant 1 : i32
    %dma_wait3A_202 = arith.constant 4 : i32
    %dma_wait3A_203 = arith.constant 0 : i32
    %dma_wait3A_204 = tpu.memref_slice %arg10[%dma_wait3A_201, %dma_wait3A_202, %dma_wait3A_203] : memref<2x8x128xi32, #tpu.memory_space<vmem>> -> memref<1x1x128xi32, #tpu.memory_space<vmem>>
    %dma_wait3A_205 = tpu.memref_squeeze %dma_wait3A_204 : memref<1x1x128xi32, #tpu.memory_space<vmem>> -> memref<128xi32, #tpu.memory_space<vmem>>
    %dma_wait3A_206 = arith.constant 0 : i32
    %dma_wait3A_207 = arith.constant 0 : i32
    %dma_wait3A_208 = tpu.memref_slice %arg20[%dma_wait3A_206, %dma_wait3A_207] : memref<10240x8xf32, #tpu.memory_space<vmem_shared>> -> memref<10240x8xf32, #tpu.memory_space<vmem_shared>>
    tpu.wait_indirect_dma semaphore(%arg18 : memref<!tpu.dma_semaphore, #tpu.memory_space<semaphore_mem>>) src(%arg19 : memref<128x8xf32, #tpu.memory_space<vmem>>) dst(%dma_wait3A_208 : memref<10240x8xf32, #tpu.memory_space<vmem_shared>>)
    %dma_wait3A_209 = arith.constant 1 : i32
    %dma_wait3A_210 = arith.constant 5 : i32
    %dma_wait3A_211 = arith.constant 640 : i32
    %dma_wait3A_212 = arith.constant 0 : i32
    %dma_wait3A_213 = tpu.memref_slice %arg12[%dma_wait3A_211, %dma_wait3A_212] : memref<1024x64xbf16, #tpu.memory_space<vmem>> -> memref<128x64xbf16, #tpu.memory_space<vmem>>
    %dma_wait3A_214 = arith.constant 0 : i32
    %dma_wait3A_215 = tpu.memref_slice %arg10[%dma_wait3A_209, %dma_wait3A_210, %dma_wait3A_214] : memref<2x8x128xi32, #tpu.memory_space<vmem>> -> memref<1x1x128xi32, #tpu.memory_space<vmem>>
    %dma_wait3A_216 = tpu.memref_squeeze %dma_wait3A_215 : memref<1x1x128xi32, #tpu.memory_space<vmem>> -> memref<128xi32, #tpu.memory_space<vmem>>
    %dma_wait3A_217 = arith.constant 0 : i32
    %dma_wait3A_218 = arith.constant 0 : i32
    %dma_wait3A_219 = tpu.memref_slice %arg13[%dma_wait3A_217, %dma_wait3A_218] : memref<10240x64xbf16, #tpu.memory_space<vmem_shared>> -> memref<10240x64xbf16, #tpu.memory_space<vmem_shared>>
    tpu.wait_indirect_dma semaphore(%arg18 : memref<!tpu.dma_semaphore, #tpu.memory_space<semaphore_mem>>) src(%dma_wait3A_213 : memref<128x64xbf16, #tpu.memory_space<vmem>>) dst(%dma_wait3A_219 : memref<10240x64xbf16, #tpu.memory_space<vmem_shared>>)
    %dma_wait3A_220 = arith.constant 1 : i32
    %dma_wait3A_221 = arith.constant 5 : i32
    %dma_wait3A_222 = arith.constant 0 : i32
    %dma_wait3A_223 = tpu.memref_slice %arg10[%dma_wait3A_220, %dma_wait3A_221, %dma_wait3A_222] : memref<2x8x128xi32, #tpu.memory_space<vmem>> -> memref<1x1x128xi32, #tpu.memory_space<vmem>>
    %dma_wait3A_224 = tpu.memref_squeeze %dma_wait3A_223 : memref<1x1x128xi32, #tpu.memory_space<vmem>> -> memref<128xi32, #tpu.memory_space<vmem>>
    %dma_wait3A_225 = arith.constant 0 : i32
    %dma_wait3A_226 = arith.constant 0 : i32
    %dma_wait3A_227 = tpu.memref_slice %arg20[%dma_wait3A_225, %dma_wait3A_226] : memref<10240x8xf32, #tpu.memory_space<vmem_shared>> -> memref<10240x8xf32, #tpu.memory_space<vmem_shared>>
    tpu.wait_indirect_dma semaphore(%arg18 : memref<!tpu.dma_semaphore, #tpu.memory_space<semaphore_mem>>) src(%arg19 : memref<128x8xf32, #tpu.memory_space<vmem>>) dst(%dma_wait3A_227 : memref<10240x8xf32, #tpu.memory_space<vmem_shared>>)
    %dma_wait3A_228 = arith.constant 1 : i32
    %dma_wait3A_229 = arith.constant 6 : i32
    %dma_wait3A_230 = arith.constant 768 : i32
    %dma_wait3A_231 = arith.constant 0 : i32
    %dma_wait3A_232 = tpu.memref_slice %arg12[%dma_wait3A_230, %dma_wait3A_231] : memref<1024x64xbf16, #tpu.memory_space<vmem>> -> memref<128x64xbf16, #tpu.memory_space<vmem>>
    %dma_wait3A_233 = arith.constant 0 : i32
    %dma_wait3A_234 = tpu.memref_slice %arg10[%dma_wait3A_228, %dma_wait3A_229, %dma_wait3A_233] : memref<2x8x128xi32, #tpu.memory_space<vmem>> -> memref<1x1x128xi32, #tpu.memory_space<vmem>>
    %dma_wait3A_235 = tpu.memref_squeeze %dma_wait3A_234 : memref<1x1x128xi32, #tpu.memory_space<vmem>> -> memref<128xi32, #tpu.memory_space<vmem>>
    %dma_wait3A_236 = arith.constant 0 : i32
    %dma_wait3A_237 = arith.constant 0 : i32
    %dma_wait3A_238 = tpu.memref_slice %arg13[%dma_wait3A_236, %dma_wait3A_237] : memref<10240x64xbf16, #tpu.memory_space<vmem_shared>> -> memref<10240x64xbf16, #tpu.memory_space<vmem_shared>>
    tpu.wait_indirect_dma semaphore(%arg18 : memref<!tpu.dma_semaphore, #tpu.memory_space<semaphore_mem>>) src(%dma_wait3A_232 : memref<128x64xbf16, #tpu.memory_space<vmem>>) dst(%dma_wait3A_238 : memref<10240x64xbf16, #tpu.memory_space<vmem_shared>>)
    %dma_wait3A_239 = arith.constant 1 : i32
    %dma_wait3A_240 = arith.constant 6 : i32
    %dma_wait3A_241 = arith.constant 0 : i32
    %dma_wait3A_242 = tpu.memref_slice %arg10[%dma_wait3A_239, %dma_wait3A_240, %dma_wait3A_241] : memref<2x8x128xi32, #tpu.memory_space<vmem>> -> memref<1x1x128xi32, #tpu.memory_space<vmem>>
    %dma_wait3A_243 = tpu.memref_squeeze %dma_wait3A_242 : memref<1x1x128xi32, #tpu.memory_space<vmem>> -> memref<128xi32, #tpu.memory_space<vmem>>
    %dma_wait3A_244 = arith.constant 0 : i32
    %dma_wait3A_245 = arith.constant 0 : i32
    %dma_wait3A_246 = tpu.memref_slice %arg20[%dma_wait3A_244, %dma_wait3A_245] : memref<10240x8xf32, #tpu.memory_space<vmem_shared>> -> memref<10240x8xf32, #tpu.memory_space<vmem_shared>>
    tpu.wait_indirect_dma semaphore(%arg18 : memref<!tpu.dma_semaphore, #tpu.memory_space<semaphore_mem>>) src(%arg19 : memref<128x8xf32, #tpu.memory_space<vmem>>) dst(%dma_wait3A_246 : memref<10240x8xf32, #tpu.memory_space<vmem_shared>>)
    %dma_wait3A_247 = arith.constant 1 : i32
    %dma_wait3A_248 = arith.constant 7 : i32
    %dma_wait3A_249 = arith.constant 896 : i32
    %dma_wait3A_250 = arith.constant 0 : i32
    %dma_wait3A_251 = tpu.memref_slice %arg12[%dma_wait3A_249, %dma_wait3A_250] : memref<1024x64xbf16, #tpu.memory_space<vmem>> -> memref<128x64xbf16, #tpu.memory_space<vmem>>
    %dma_wait3A_252 = arith.constant 0 : i32
    %dma_wait3A_253 = tpu.memref_slice %arg10[%dma_wait3A_247, %dma_wait3A_248, %dma_wait3A_252] : memref<2x8x128xi32, #tpu.memory_space<vmem>> -> memref<1x1x128xi32, #tpu.memory_space<vmem>>
    %dma_wait3A_254 = tpu.memref_squeeze %dma_wait3A_253 : memref<1x1x128xi32, #tpu.memory_space<vmem>> -> memref<128xi32, #tpu.memory_space<vmem>>
    %dma_wait3A_255 = arith.constant 0 : i32
    %dma_wait3A_256 = arith.constant 0 : i32
    %dma_wait3A_257 = tpu.memref_slice %arg13[%dma_wait3A_255, %dma_wait3A_256] : memref<10240x64xbf16, #tpu.memory_space<vmem_shared>> -> memref<10240x64xbf16, #tpu.memory_space<vmem_shared>>
    tpu.wait_indirect_dma semaphore(%arg18 : memref<!tpu.dma_semaphore, #tpu.memory_space<semaphore_mem>>) src(%dma_wait3A_251 : memref<128x64xbf16, #tpu.memory_space<vmem>>) dst(%dma_wait3A_257 : memref<10240x64xbf16, #tpu.memory_space<vmem_shared>>)
    %dma_wait3A_258 = arith.constant 1 : i32
    %dma_wait3A_259 = arith.constant 7 : i32
    %dma_wait3A_260 = arith.constant 0 : i32
    %dma_wait3A_261 = tpu.memref_slice %arg10[%dma_wait3A_258, %dma_wait3A_259, %dma_wait3A_260] : memref<2x8x128xi32, #tpu.memory_space<vmem>> -> memref<1x1x128xi32, #tpu.memory_space<vmem>>
    %dma_wait3A_262 = tpu.memref_squeeze %dma_wait3A_261 : memref<1x1x128xi32, #tpu.memory_space<vmem>> -> memref<128xi32, #tpu.memory_space<vmem>>
    %dma_wait3A_263 = arith.constant 0 : i32
    %dma_wait3A_264 = arith.constant 0 : i32
    %dma_wait3A_265 = tpu.memref_slice %arg20[%dma_wait3A_263, %dma_wait3A_264] : memref<10240x8xf32, #tpu.memory_space<vmem_shared>> -> memref<10240x8xf32, #tpu.memory_space<vmem_shared>>
    tpu.wait_indirect_dma semaphore(%arg18 : memref<!tpu.dma_semaphore, #tpu.memory_space<semaphore_mem>>) src(%arg19 : memref<128x8xf32, #tpu.memory_space<vmem>>) dst(%dma_wait3A_265 : memref<10240x8xf32, #tpu.memory_space<vmem_shared>>)
    %barrier3A_266 = arith.constant 0 : index
    tpu.barrier barrier_id(%barrier3A_266)
    %dma_start3A_267 = arith.constant 0 : i32
    %dma_start3A_268 = arith.constant 0 : i32
    %dma_start3A_269 = tpu.memref_slice %arg7[%arg0, %dma_start3A_267, %dma_start3A_268] : memref<2x10240x64xbf16, #tpu.memory_space<hbm>> -> memref<1x10240x64xbf16, #tpu.memory_space<hbm>>
    %dma_start3A_270 = tpu.memref_squeeze %dma_start3A_269 : memref<1x10240x64xbf16, #tpu.memory_space<hbm>> -> memref<10240x64xbf16, #tpu.memory_space<hbm>>
    %dma_start3A_271 = arith.constant 0 : i32
    %dma_start3A_272 = tpu.memref_slice %dma_start3A_270[%mul3A_2, %dma_start3A_271] : memref<10240x64xbf16, #tpu.memory_space<hbm>> -> memref<640x64xbf16, #tpu.memory_space<hbm>>
    %dma_start3A_273 = arith.constant 0 : i32
    %dma_start3A_274 = tpu.memref_slice %arg13[%mul3A_2, %dma_start3A_273] : memref<10240x64xbf16, #tpu.memory_space<vmem_shared>> -> memref<640x64xbf16, #tpu.memory_space<vmem_shared>>
    tpu.enqueue_dma source(%dma_start3A_274 : memref<640x64xbf16, #tpu.memory_space<vmem_shared>>) target(%dma_start3A_272 : memref<640x64xbf16, #tpu.memory_space<hbm>>) target_semaphore(%arg15 : memref<!tpu.dma_semaphore, #tpu.memory_space<semaphore_mem>>)
    %dma_start3A_275 = arith.constant 0 : i32
    %dma_start3A_276 = arith.constant 0 : i32
    %dma_start3A_277 = tpu.memref_slice %arg8[%arg0, %dma_start3A_275, %dma_start3A_276] : memref<2x10240x8xf32, #tpu.memory_space<hbm>> -> memref<1x10240x8xf32, #tpu.memory_space<hbm>>
    %dma_start3A_278 = tpu.memref_squeeze %dma_start3A_277 : memref<1x10240x8xf32, #tpu.memory_space<hbm>> -> memref<10240x8xf32, #tpu.memory_space<hbm>>
    %dma_start3A_279 = arith.constant 0 : i32
    %dma_start3A_280 = tpu.memref_slice %dma_start3A_278[%mul3A_2, %dma_start3A_279] : memref<10240x8xf32, #tpu.memory_space<hbm>> -> memref<640x8xf32, #tpu.memory_space<hbm>>
    %dma_start3A_281 = arith.constant 0 : i32
    %dma_start3A_282 = tpu.memref_slice %arg20[%mul3A_2, %dma_start3A_281] : memref<10240x8xf32, #tpu.memory_space<vmem_shared>> -> memref<640x8xf32, #tpu.memory_space<vmem_shared>>
    tpu.enqueue_dma source(%dma_start3A_282 : memref<640x8xf32, #tpu.memory_space<vmem_shared>>) target(%dma_start3A_280 : memref<640x8xf32, #tpu.memory_space<hbm>>) target_semaphore(%arg16 : memref<!tpu.dma_semaphore, #tpu.memory_space<semaphore_mem>>)
    %dma_wait3A_283 = arith.constant 0 : i32
    %dma_wait3A_284 = arith.constant 0 : i32
    %dma_wait3A_285 = tpu.memref_slice %arg7[%arg0, %dma_wait3A_283, %dma_wait3A_284] : memref<2x10240x64xbf16, #tpu.memory_space<hbm>> -> memref<1x10240x64xbf16, #tpu.memory_space<hbm>>
    %dma_wait3A_286 = tpu.memref_squeeze %dma_wait3A_285 : memref<1x10240x64xbf16, #tpu.memory_space<hbm>> -> memref<10240x64xbf16, #tpu.memory_space<hbm>>
    %dma_wait3A_287 = arith.constant 0 : i32
    %dma_wait3A_288 = tpu.memref_slice %dma_wait3A_286[%mul3A_2, %dma_wait3A_287] : memref<10240x64xbf16, #tpu.memory_space<hbm>> -> memref<640x64xbf16, #tpu.memory_space<hbm>>
    %dma_wait3A_289 = arith.constant 0 : i32
    %dma_wait3A_290 = tpu.memref_slice %arg13[%mul3A_2, %dma_wait3A_289] : memref<10240x64xbf16, #tpu.memory_space<vmem_shared>> -> memref<640x64xbf16, #tpu.memory_space<vmem_shared>>
    tpu.wait_dma2 semaphore(%arg15 : memref<!tpu.dma_semaphore, #tpu.memory_space<semaphore_mem>>) src(%dma_wait3A_290 : memref<640x64xbf16, #tpu.memory_space<vmem_shared>>) dst(%dma_wait3A_288 : memref<640x64xbf16, #tpu.memory_space<hbm>>)
    %dma_wait3A_291 = arith.constant 0 : i32
    %dma_wait3A_292 = arith.constant 0 : i32
    %dma_wait3A_293 = tpu.memref_slice %arg8[%arg0, %dma_wait3A_291, %dma_wait3A_292] : memref<2x10240x8xf32, #tpu.memory_space<hbm>> -> memref<1x10240x8xf32, #tpu.memory_space<hbm>>
    %dma_wait3A_294 = tpu.memref_squeeze %dma_wait3A_293 : memref<1x10240x8xf32, #tpu.memory_space<hbm>> -> memref<10240x8xf32, #tpu.memory_space<hbm>>
    %dma_wait3A_295 = arith.constant 0 : i32
    %dma_wait3A_296 = tpu.memref_slice %dma_wait3A_294[%mul3A_2, %dma_wait3A_295] : memref<10240x8xf32, #tpu.memory_space<hbm>> -> memref<640x8xf32, #tpu.memory_space<hbm>>
    %dma_wait3A_297 = arith.constant 0 : i32
    %dma_wait3A_298 = tpu.memref_slice %arg20[%mul3A_2, %dma_wait3A_297] : memref<10240x8xf32, #tpu.memory_space<vmem_shared>> -> memref<640x8xf32, #tpu.memory_space<vmem_shared>>
    tpu.wait_dma2 semaphore(%arg16 : memref<!tpu.dma_semaphore, #tpu.memory_space<semaphore_mem>>) src(%dma_wait3A_298 : memref<640x8xf32, #tpu.memory_space<vmem_shared>>) dst(%dma_wait3A_296 : memref<640x8xf32, #tpu.memory_space<hbm>>)
    return
  }
}

#map = affine_map<(d0, d1) -> (0, 0)>
#map1 = affine_map<(d0, d1) -> (0, 0, 0)>
module attributes {stable_mosaic.version = 14 : i64} {
  func.func @k(%arg0: i32, %arg1: i32, %arg2: memref<10240x64xbf16, #tpu.memory_space<hbm>>, %arg3: memref<2x2560x128xi32, #tpu.memory_space<hbm>>, %arg4: memref<640x64xbf16, #tpu.memory_space<hbm>>, %arg5: memref<2x10240x64xbf16, #tpu.memory_space<hbm>>, %arg6: memref<2x8x128xi32, #tpu.memory_space<vmem>>, %arg7: memref<2x8x128xi32, #tpu.memory_space<vmem>>, %arg8: memref<1024x64xbf16, #tpu.memory_space<vmem>>, %arg9: memref<1024x64xbf16, #tpu.memory_space<vmem>>, %arg10: memref<10240x64xbf16, #tpu.memory_space<vmem_shared>>, %arg11: memref<10240x64xbf16, #tpu.memory_space<vmem_shared>>, %arg12: memref<!tpu.dma_semaphore, #tpu.memory_space<semaphore_mem>>, %arg13: memref<!tpu.dma_semaphore, #tpu.memory_space<semaphore_mem>>, %arg14: memref<!tpu.dma_semaphore, #tpu.memory_space<semaphore_mem>>, %arg15: memref<!tpu.dma_semaphore, #tpu.memory_space<semaphore_mem>>) attributes {dimension_semantics = [#tpu.dimension_semantics<core_parallel>, #tpu.dimension_semantics<subcore_parallel>], iteration_bounds = array<i64: 2, 16>, scalar_prefetch = 0 : i64, scratch_operands = 10 : i64, tpu.core_type = #tpu.core_type<sc_vector_subcore>, window_params = [{transform_indices = #map}, {transform_indices = #map1}, {transform_indices = #map}, {transform_indices = #map1}]} {
    %mul3A = arith.constant 2 : i32
    %mul3A_0 = arith.muli %arg1, %mul3A : i32
    %add3A = arith.addi %mul3A_0, %arg0 : i32
    %mul3A_1 = arith.constant 640 : i32
    %mul3A_2 = arith.muli %arg1, %mul3A_1 : i32
    %dma_start3A = arith.constant 0 : i32
    %dma_start3A_3 = tpu.memref_slice %arg10[%mul3A_2, %dma_start3A] : memref<10240x64xbf16, #tpu.memory_space<vmem_shared>> -> memref<640x64xbf16, #tpu.memory_space<vmem_shared>>
    tpu.enqueue_dma source(%arg4 : memref<640x64xbf16, #tpu.memory_space<hbm>>) target(%dma_start3A_3 : memref<640x64xbf16, #tpu.memory_space<vmem_shared>>) target_semaphore(%arg12 : memref<!tpu.dma_semaphore, #tpu.memory_space<semaphore_mem>>)
    %dma_start3A_4 = arith.constant 0 : i32
    %dma_start3A_5 = tpu.memref_slice %arg11[%mul3A_2, %dma_start3A_4] : memref<10240x64xbf16, #tpu.memory_space<vmem_shared>> -> memref<640x64xbf16, #tpu.memory_space<vmem_shared>>
    %dma_start3A_6 = arith.constant 0 : i32
    %dma_start3A_7 = tpu.memref_slice %arg2[%mul3A_2, %dma_start3A_6] : memref<10240x64xbf16, #tpu.memory_space<hbm>> -> memref<640x64xbf16, #tpu.memory_space<hbm>>
    tpu.enqueue_dma source(%dma_start3A_7 : memref<640x64xbf16, #tpu.memory_space<hbm>>) target(%dma_start3A_5 : memref<640x64xbf16, #tpu.memory_space<vmem_shared>>) target_semaphore(%arg13 : memref<!tpu.dma_semaphore, #tpu.memory_space<semaphore_mem>>)
    %dma_wait3A = arith.constant 0 : i32
    %dma_wait3A_8 = tpu.memref_slice %arg10[%mul3A_2, %dma_wait3A] : memref<10240x64xbf16, #tpu.memory_space<vmem_shared>> -> memref<640x64xbf16, #tpu.memory_space<vmem_shared>>
    tpu.wait_dma2 semaphore(%arg12 : memref<!tpu.dma_semaphore, #tpu.memory_space<semaphore_mem>>) src(%arg4 : memref<640x64xbf16, #tpu.memory_space<hbm>>) dst(%dma_wait3A_8 : memref<640x64xbf16, #tpu.memory_space<vmem_shared>>)
    %dma_wait3A_9 = arith.constant 0 : i32
    %dma_wait3A_10 = tpu.memref_slice %arg11[%mul3A_2, %dma_wait3A_9] : memref<10240x64xbf16, #tpu.memory_space<vmem_shared>> -> memref<640x64xbf16, #tpu.memory_space<vmem_shared>>
    %dma_wait3A_11 = arith.constant 0 : i32
    %dma_wait3A_12 = tpu.memref_slice %arg2[%mul3A_2, %dma_wait3A_11] : memref<10240x64xbf16, #tpu.memory_space<hbm>> -> memref<640x64xbf16, #tpu.memory_space<hbm>>
    tpu.wait_dma2 semaphore(%arg13 : memref<!tpu.dma_semaphore, #tpu.memory_space<semaphore_mem>>) src(%dma_wait3A_12 : memref<640x64xbf16, #tpu.memory_space<hbm>>) dst(%dma_wait3A_10 : memref<640x64xbf16, #tpu.memory_space<vmem_shared>>)
    %barrier3A = arith.constant 0 : index
    tpu.barrier barrier_id(%barrier3A)
    %mul3A_13 = arith.constant 80 : i32
    %mul3A_14 = arith.muli %add3A, %mul3A_13 : i32
    %add3A_15 = arith.constant 0 : i32
    %add3A_16 = arith.addi %mul3A_14, %add3A_15 : i32
    "tpu.region"() ({
      %run_scoped3A = tpu.sem_alloc : memref<!tpu.dma_semaphore, #tpu.memory_space<semaphore_mem>>
      %dma_start3A_215 = arith.constant 0 : i32
      %dma_start3A_216 = arith.constant 0 : i32
      %dma_start3A_217 = tpu.memref_slice %arg3[%dma_start3A_215, %add3A_16, %dma_start3A_216] : memref<2x2560x128xi32, #tpu.memory_space<hbm>> -> memref<2x8x128xi32, #tpu.memory_space<hbm>>
      %dma_start3A_218 = arith.constant 0 : i32
      %dma_start3A_219 = arith.constant 0 : i32
      %dma_start3A_220 = tpu.memref_slice %arg3[%dma_start3A_218, %add3A_16, %dma_start3A_219] : memref<2x2560x128xi32, #tpu.memory_space<hbm>> -> memref<2x8x128xi32, #tpu.memory_space<hbm>>
      tpu.enqueue_dma source(%dma_start3A_220 : memref<2x8x128xi32, #tpu.memory_space<hbm>>) target(%arg6 : memref<2x8x128xi32, #tpu.memory_space<vmem>>) target_semaphore(%run_scoped3A : memref<!tpu.dma_semaphore, #tpu.memory_space<semaphore_mem>>)
      %dma_wait3A_221 = arith.constant 0 : i32
      %dma_wait3A_222 = arith.constant 0 : i32
      %dma_wait3A_223 = tpu.memref_slice %arg3[%dma_wait3A_221, %add3A_16, %dma_wait3A_222] : memref<2x2560x128xi32, #tpu.memory_space<hbm>> -> memref<2x8x128xi32, #tpu.memory_space<hbm>>
      %dma_wait3A_224 = arith.constant 0 : i32
      %dma_wait3A_225 = arith.constant 0 : i32
      %dma_wait3A_226 = tpu.memref_slice %arg3[%dma_wait3A_224, %add3A_16, %dma_wait3A_225] : memref<2x2560x128xi32, #tpu.memory_space<hbm>> -> memref<2x8x128xi32, #tpu.memory_space<hbm>>
      tpu.wait_dma2 semaphore(%run_scoped3A : memref<!tpu.dma_semaphore, #tpu.memory_space<semaphore_mem>>) src(%dma_wait3A_226 : memref<2x8x128xi32, #tpu.memory_space<hbm>>) dst(%arg6 : memref<2x8x128xi32, #tpu.memory_space<vmem>>)
      tpu.yield
    }) : () -> ()
    %dma_start3A_17 = arith.constant 0 : i32
    %dma_start3A_18 = arith.constant 0 : i32
    %dma_start3A_19 = arith.constant 0 : i32
    %dma_start3A_20 = arith.constant 0 : i32
    %dma_start3A_21 = tpu.memref_slice %arg8[%dma_start3A_19, %dma_start3A_20] : memref<1024x64xbf16, #tpu.memory_space<vmem>> -> memref<128x64xbf16, #tpu.memory_space<vmem>>
    %dma_start3A_22 = arith.constant 0 : i32
    %dma_start3A_23 = tpu.memref_slice %arg6[%dma_start3A_17, %dma_start3A_18, %dma_start3A_22] : memref<2x8x128xi32, #tpu.memory_space<vmem>> -> memref<1x1x128xi32, #tpu.memory_space<vmem>>
    %dma_start3A_24 = tpu.memref_squeeze %dma_start3A_23 : memref<1x1x128xi32, #tpu.memory_space<vmem>> -> memref<128xi32, #tpu.memory_space<vmem>>
    %dma_start3A_25 = arith.constant 0 : i32
    %dma_start3A_26 = arith.constant 0 : i32
    %dma_start3A_27 = tpu.memref_slice %arg11[%dma_start3A_25, %dma_start3A_26] : memref<10240x64xbf16, #tpu.memory_space<vmem_shared>> -> memref<10240x64xbf16, #tpu.memory_space<vmem_shared>>
    tpu.enqueue_indirect_dma source(%dma_start3A_27 : memref<10240x64xbf16, #tpu.memory_space<vmem_shared>>) target(%dma_start3A_21 : memref<128x64xbf16, #tpu.memory_space<vmem>>) offsets(%dma_start3A_24 : memref<128xi32, #tpu.memory_space<vmem>>) semaphore(%arg12 : memref<!tpu.dma_semaphore, #tpu.memory_space<semaphore_mem>>)
    %dma_start3A_28 = arith.constant 0 : i32
    %dma_start3A_29 = arith.constant 1 : i32
    %dma_start3A_30 = arith.constant 128 : i32
    %dma_start3A_31 = arith.constant 0 : i32
    %dma_start3A_32 = tpu.memref_slice %arg8[%dma_start3A_30, %dma_start3A_31] : memref<1024x64xbf16, #tpu.memory_space<vmem>> -> memref<128x64xbf16, #tpu.memory_space<vmem>>
    %dma_start3A_33 = arith.constant 0 : i32
    %dma_start3A_34 = tpu.memref_slice %arg6[%dma_start3A_28, %dma_start3A_29, %dma_start3A_33] : memref<2x8x128xi32, #tpu.memory_space<vmem>> -> memref<1x1x128xi32, #tpu.memory_space<vmem>>
    %dma_start3A_35 = tpu.memref_squeeze %dma_start3A_34 : memref<1x1x128xi32, #tpu.memory_space<vmem>> -> memref<128xi32, #tpu.memory_space<vmem>>
    %dma_start3A_36 = arith.constant 0 : i32
    %dma_start3A_37 = arith.constant 0 : i32
    %dma_start3A_38 = tpu.memref_slice %arg11[%dma_start3A_36, %dma_start3A_37] : memref<10240x64xbf16, #tpu.memory_space<vmem_shared>> -> memref<10240x64xbf16, #tpu.memory_space<vmem_shared>>
    tpu.enqueue_indirect_dma source(%dma_start3A_38 : memref<10240x64xbf16, #tpu.memory_space<vmem_shared>>) target(%dma_start3A_32 : memref<128x64xbf16, #tpu.memory_space<vmem>>) offsets(%dma_start3A_35 : memref<128xi32, #tpu.memory_space<vmem>>) semaphore(%arg12 : memref<!tpu.dma_semaphore, #tpu.memory_space<semaphore_mem>>)
    %dma_start3A_39 = arith.constant 0 : i32
    %dma_start3A_40 = arith.constant 2 : i32
    %dma_start3A_41 = arith.constant 256 : i32
    %dma_start3A_42 = arith.constant 0 : i32
    %dma_start3A_43 = tpu.memref_slice %arg8[%dma_start3A_41, %dma_start3A_42] : memref<1024x64xbf16, #tpu.memory_space<vmem>> -> memref<128x64xbf16, #tpu.memory_space<vmem>>
    %dma_start3A_44 = arith.constant 0 : i32
    %dma_start3A_45 = tpu.memref_slice %arg6[%dma_start3A_39, %dma_start3A_40, %dma_start3A_44] : memref<2x8x128xi32, #tpu.memory_space<vmem>> -> memref<1x1x128xi32, #tpu.memory_space<vmem>>
    %dma_start3A_46 = tpu.memref_squeeze %dma_start3A_45 : memref<1x1x128xi32, #tpu.memory_space<vmem>> -> memref<128xi32, #tpu.memory_space<vmem>>
    %dma_start3A_47 = arith.constant 0 : i32
    %dma_start3A_48 = arith.constant 0 : i32
    %dma_start3A_49 = tpu.memref_slice %arg11[%dma_start3A_47, %dma_start3A_48] : memref<10240x64xbf16, #tpu.memory_space<vmem_shared>> -> memref<10240x64xbf16, #tpu.memory_space<vmem_shared>>
    tpu.enqueue_indirect_dma source(%dma_start3A_49 : memref<10240x64xbf16, #tpu.memory_space<vmem_shared>>) target(%dma_start3A_43 : memref<128x64xbf16, #tpu.memory_space<vmem>>) offsets(%dma_start3A_46 : memref<128xi32, #tpu.memory_space<vmem>>) semaphore(%arg12 : memref<!tpu.dma_semaphore, #tpu.memory_space<semaphore_mem>>)
    %dma_start3A_50 = arith.constant 0 : i32
    %dma_start3A_51 = arith.constant 3 : i32
    %dma_start3A_52 = arith.constant 384 : i32
    %dma_start3A_53 = arith.constant 0 : i32
    %dma_start3A_54 = tpu.memref_slice %arg8[%dma_start3A_52, %dma_start3A_53] : memref<1024x64xbf16, #tpu.memory_space<vmem>> -> memref<128x64xbf16, #tpu.memory_space<vmem>>
    %dma_start3A_55 = arith.constant 0 : i32
    %dma_start3A_56 = tpu.memref_slice %arg6[%dma_start3A_50, %dma_start3A_51, %dma_start3A_55] : memref<2x8x128xi32, #tpu.memory_space<vmem>> -> memref<1x1x128xi32, #tpu.memory_space<vmem>>
    %dma_start3A_57 = tpu.memref_squeeze %dma_start3A_56 : memref<1x1x128xi32, #tpu.memory_space<vmem>> -> memref<128xi32, #tpu.memory_space<vmem>>
    %dma_start3A_58 = arith.constant 0 : i32
    %dma_start3A_59 = arith.constant 0 : i32
    %dma_start3A_60 = tpu.memref_slice %arg11[%dma_start3A_58, %dma_start3A_59] : memref<10240x64xbf16, #tpu.memory_space<vmem_shared>> -> memref<10240x64xbf16, #tpu.memory_space<vmem_shared>>
    tpu.enqueue_indirect_dma source(%dma_start3A_60 : memref<10240x64xbf16, #tpu.memory_space<vmem_shared>>) target(%dma_start3A_54 : memref<128x64xbf16, #tpu.memory_space<vmem>>) offsets(%dma_start3A_57 : memref<128xi32, #tpu.memory_space<vmem>>) semaphore(%arg12 : memref<!tpu.dma_semaphore, #tpu.memory_space<semaphore_mem>>)
    %dma_start3A_61 = arith.constant 0 : i32
    %dma_start3A_62 = arith.constant 4 : i32
    %dma_start3A_63 = arith.constant 512 : i32
    %dma_start3A_64 = arith.constant 0 : i32
    %dma_start3A_65 = tpu.memref_slice %arg8[%dma_start3A_63, %dma_start3A_64] : memref<1024x64xbf16, #tpu.memory_space<vmem>> -> memref<128x64xbf16, #tpu.memory_space<vmem>>
    %dma_start3A_66 = arith.constant 0 : i32
    %dma_start3A_67 = tpu.memref_slice %arg6[%dma_start3A_61, %dma_start3A_62, %dma_start3A_66] : memref<2x8x128xi32, #tpu.memory_space<vmem>> -> memref<1x1x128xi32, #tpu.memory_space<vmem>>
    %dma_start3A_68 = tpu.memref_squeeze %dma_start3A_67 : memref<1x1x128xi32, #tpu.memory_space<vmem>> -> memref<128xi32, #tpu.memory_space<vmem>>
    %dma_start3A_69 = arith.constant 0 : i32
    %dma_start3A_70 = arith.constant 0 : i32
    %dma_start3A_71 = tpu.memref_slice %arg11[%dma_start3A_69, %dma_start3A_70] : memref<10240x64xbf16, #tpu.memory_space<vmem_shared>> -> memref<10240x64xbf16, #tpu.memory_space<vmem_shared>>
    tpu.enqueue_indirect_dma source(%dma_start3A_71 : memref<10240x64xbf16, #tpu.memory_space<vmem_shared>>) target(%dma_start3A_65 : memref<128x64xbf16, #tpu.memory_space<vmem>>) offsets(%dma_start3A_68 : memref<128xi32, #tpu.memory_space<vmem>>) semaphore(%arg12 : memref<!tpu.dma_semaphore, #tpu.memory_space<semaphore_mem>>)
    %dma_start3A_72 = arith.constant 0 : i32
    %dma_start3A_73 = arith.constant 5 : i32
    %dma_start3A_74 = arith.constant 640 : i32
    %dma_start3A_75 = arith.constant 0 : i32
    %dma_start3A_76 = tpu.memref_slice %arg8[%dma_start3A_74, %dma_start3A_75] : memref<1024x64xbf16, #tpu.memory_space<vmem>> -> memref<128x64xbf16, #tpu.memory_space<vmem>>
    %dma_start3A_77 = arith.constant 0 : i32
    %dma_start3A_78 = tpu.memref_slice %arg6[%dma_start3A_72, %dma_start3A_73, %dma_start3A_77] : memref<2x8x128xi32, #tpu.memory_space<vmem>> -> memref<1x1x128xi32, #tpu.memory_space<vmem>>
    %dma_start3A_79 = tpu.memref_squeeze %dma_start3A_78 : memref<1x1x128xi32, #tpu.memory_space<vmem>> -> memref<128xi32, #tpu.memory_space<vmem>>
    %dma_start3A_80 = arith.constant 0 : i32
    %dma_start3A_81 = arith.constant 0 : i32
    %dma_start3A_82 = tpu.memref_slice %arg11[%dma_start3A_80, %dma_start3A_81] : memref<10240x64xbf16, #tpu.memory_space<vmem_shared>> -> memref<10240x64xbf16, #tpu.memory_space<vmem_shared>>
    tpu.enqueue_indirect_dma source(%dma_start3A_82 : memref<10240x64xbf16, #tpu.memory_space<vmem_shared>>) target(%dma_start3A_76 : memref<128x64xbf16, #tpu.memory_space<vmem>>) offsets(%dma_start3A_79 : memref<128xi32, #tpu.memory_space<vmem>>) semaphore(%arg12 : memref<!tpu.dma_semaphore, #tpu.memory_space<semaphore_mem>>)
    %dma_start3A_83 = arith.constant 0 : i32
    %dma_start3A_84 = arith.constant 6 : i32
    %dma_start3A_85 = arith.constant 768 : i32
    %dma_start3A_86 = arith.constant 0 : i32
    %dma_start3A_87 = tpu.memref_slice %arg8[%dma_start3A_85, %dma_start3A_86] : memref<1024x64xbf16, #tpu.memory_space<vmem>> -> memref<128x64xbf16, #tpu.memory_space<vmem>>
    %dma_start3A_88 = arith.constant 0 : i32
    %dma_start3A_89 = tpu.memref_slice %arg6[%dma_start3A_83, %dma_start3A_84, %dma_start3A_88] : memref<2x8x128xi32, #tpu.memory_space<vmem>> -> memref<1x1x128xi32, #tpu.memory_space<vmem>>
    %dma_start3A_90 = tpu.memref_squeeze %dma_start3A_89 : memref<1x1x128xi32, #tpu.memory_space<vmem>> -> memref<128xi32, #tpu.memory_space<vmem>>
    %dma_start3A_91 = arith.constant 0 : i32
    %dma_start3A_92 = arith.constant 0 : i32
    %dma_start3A_93 = tpu.memref_slice %arg11[%dma_start3A_91, %dma_start3A_92] : memref<10240x64xbf16, #tpu.memory_space<vmem_shared>> -> memref<10240x64xbf16, #tpu.memory_space<vmem_shared>>
    tpu.enqueue_indirect_dma source(%dma_start3A_93 : memref<10240x64xbf16, #tpu.memory_space<vmem_shared>>) target(%dma_start3A_87 : memref<128x64xbf16, #tpu.memory_space<vmem>>) offsets(%dma_start3A_90 : memref<128xi32, #tpu.memory_space<vmem>>) semaphore(%arg12 : memref<!tpu.dma_semaphore, #tpu.memory_space<semaphore_mem>>)
    %dma_start3A_94 = arith.constant 0 : i32
    %dma_start3A_95 = arith.constant 7 : i32
    %dma_start3A_96 = arith.constant 896 : i32
    %dma_start3A_97 = arith.constant 0 : i32
    %dma_start3A_98 = tpu.memref_slice %arg8[%dma_start3A_96, %dma_start3A_97] : memref<1024x64xbf16, #tpu.memory_space<vmem>> -> memref<128x64xbf16, #tpu.memory_space<vmem>>
    %dma_start3A_99 = arith.constant 0 : i32
    %dma_start3A_100 = tpu.memref_slice %arg6[%dma_start3A_94, %dma_start3A_95, %dma_start3A_99] : memref<2x8x128xi32, #tpu.memory_space<vmem>> -> memref<1x1x128xi32, #tpu.memory_space<vmem>>
    %dma_start3A_101 = tpu.memref_squeeze %dma_start3A_100 : memref<1x1x128xi32, #tpu.memory_space<vmem>> -> memref<128xi32, #tpu.memory_space<vmem>>
    %dma_start3A_102 = arith.constant 0 : i32
    %dma_start3A_103 = arith.constant 0 : i32
    %dma_start3A_104 = tpu.memref_slice %arg11[%dma_start3A_102, %dma_start3A_103] : memref<10240x64xbf16, #tpu.memory_space<vmem_shared>> -> memref<10240x64xbf16, #tpu.memory_space<vmem_shared>>
    tpu.enqueue_indirect_dma source(%dma_start3A_104 : memref<10240x64xbf16, #tpu.memory_space<vmem_shared>>) target(%dma_start3A_98 : memref<128x64xbf16, #tpu.memory_space<vmem>>) offsets(%dma_start3A_101 : memref<128xi32, #tpu.memory_space<vmem>>) semaphore(%arg12 : memref<!tpu.dma_semaphore, #tpu.memory_space<semaphore_mem>>)
    %scan3A = arith.constant 0 : i32
    %scan3A_105 = arith.constant 0 : i32
    %scan3A_106 = arith.constant 5 : i32
    %scan3A_107 = arith.addi %scan3A_105, %scan3A_106 : i32
    %scan3A_108 = arith.constant 1 : i32
    scf.for %scan3A_215 = %scan3A_105 to %scan3A_107 step %scan3A_108  : i32 {
      %gt3A = arith.constant 0 : i32
      %gt3A_216 = arith.cmpi sgt, %scan3A_215, %gt3A : i32
      %convert_element_type3A = arith.extui %gt3A_216 : i1 to i32
      %cond3A = arith.constant 0 : i32
      %cond3A_217 = arith.cmpi ne, %convert_element_type3A, %cond3A : i32
      scf.if %cond3A_217 {
        %dma_wait3A_759 = arith.constant 1 : i32
        %dma_wait3A_760 = arith.constant 0 : i32
        %dma_wait3A_761 = arith.constant 0 : i32
        %dma_wait3A_762 = arith.constant 0 : i32
        %dma_wait3A_763 = tpu.memref_slice %arg9[%dma_wait3A_761, %dma_wait3A_762] : memref<1024x64xbf16, #tpu.memory_space<vmem>> -> memref<128x64xbf16, #tpu.memory_space<vmem>>
        %dma_wait3A_764 = arith.constant 0 : i32
        %dma_wait3A_765 = tpu.memref_slice %arg7[%dma_wait3A_759, %dma_wait3A_760, %dma_wait3A_764] : memref<2x8x128xi32, #tpu.memory_space<vmem>> -> memref<1x1x128xi32, #tpu.memory_space<vmem>>
        %dma_wait3A_766 = tpu.memref_squeeze %dma_wait3A_765 : memref<1x1x128xi32, #tpu.memory_space<vmem>> -> memref<128xi32, #tpu.memory_space<vmem>>
        %dma_wait3A_767 = arith.constant 0 : i32
        %dma_wait3A_768 = arith.constant 0 : i32
        %dma_wait3A_769 = tpu.memref_slice %arg10[%dma_wait3A_767, %dma_wait3A_768] : memref<10240x64xbf16, #tpu.memory_space<vmem_shared>> -> memref<10240x64xbf16, #tpu.memory_space<vmem_shared>>
        tpu.wait_indirect_dma semaphore(%arg15 : memref<!tpu.dma_semaphore, #tpu.memory_space<semaphore_mem>>) src(%dma_wait3A_763 : memref<128x64xbf16, #tpu.memory_space<vmem>>) dst(%dma_wait3A_769 : memref<10240x64xbf16, #tpu.memory_space<vmem_shared>>)
        %dma_wait3A_770 = arith.constant 1 : i32
        %dma_wait3A_771 = arith.constant 1 : i32
        %dma_wait3A_772 = arith.constant 128 : i32
        %dma_wait3A_773 = arith.constant 0 : i32
        %dma_wait3A_774 = tpu.memref_slice %arg9[%dma_wait3A_772, %dma_wait3A_773] : memref<1024x64xbf16, #tpu.memory_space<vmem>> -> memref<128x64xbf16, #tpu.memory_space<vmem>>
        %dma_wait3A_775 = arith.constant 0 : i32
        %dma_wait3A_776 = tpu.memref_slice %arg7[%dma_wait3A_770, %dma_wait3A_771, %dma_wait3A_775] : memref<2x8x128xi32, #tpu.memory_space<vmem>> -> memref<1x1x128xi32, #tpu.memory_space<vmem>>
        %dma_wait3A_777 = tpu.memref_squeeze %dma_wait3A_776 : memref<1x1x128xi32, #tpu.memory_space<vmem>> -> memref<128xi32, #tpu.memory_space<vmem>>
        %dma_wait3A_778 = arith.constant 0 : i32
        %dma_wait3A_779 = arith.constant 0 : i32
        %dma_wait3A_780 = tpu.memref_slice %arg10[%dma_wait3A_778, %dma_wait3A_779] : memref<10240x64xbf16, #tpu.memory_space<vmem_shared>> -> memref<10240x64xbf16, #tpu.memory_space<vmem_shared>>
        tpu.wait_indirect_dma semaphore(%arg15 : memref<!tpu.dma_semaphore, #tpu.memory_space<semaphore_mem>>) src(%dma_wait3A_774 : memref<128x64xbf16, #tpu.memory_space<vmem>>) dst(%dma_wait3A_780 : memref<10240x64xbf16, #tpu.memory_space<vmem_shared>>)
        %dma_wait3A_781 = arith.constant 1 : i32
        %dma_wait3A_782 = arith.constant 2 : i32
        %dma_wait3A_783 = arith.constant 256 : i32
        %dma_wait3A_784 = arith.constant 0 : i32
        %dma_wait3A_785 = tpu.memref_slice %arg9[%dma_wait3A_783, %dma_wait3A_784] : memref<1024x64xbf16, #tpu.memory_space<vmem>> -> memref<128x64xbf16, #tpu.memory_space<vmem>>
        %dma_wait3A_786 = arith.constant 0 : i32
        %dma_wait3A_787 = tpu.memref_slice %arg7[%dma_wait3A_781, %dma_wait3A_782, %dma_wait3A_786] : memref<2x8x128xi32, #tpu.memory_space<vmem>> -> memref<1x1x128xi32, #tpu.memory_space<vmem>>
        %dma_wait3A_788 = tpu.memref_squeeze %dma_wait3A_787 : memref<1x1x128xi32, #tpu.memory_space<vmem>> -> memref<128xi32, #tpu.memory_space<vmem>>
        %dma_wait3A_789 = arith.constant 0 : i32
        %dma_wait3A_790 = arith.constant 0 : i32
        %dma_wait3A_791 = tpu.memref_slice %arg10[%dma_wait3A_789, %dma_wait3A_790] : memref<10240x64xbf16, #tpu.memory_space<vmem_shared>> -> memref<10240x64xbf16, #tpu.memory_space<vmem_shared>>
        tpu.wait_indirect_dma semaphore(%arg15 : memref<!tpu.dma_semaphore, #tpu.memory_space<semaphore_mem>>) src(%dma_wait3A_785 : memref<128x64xbf16, #tpu.memory_space<vmem>>) dst(%dma_wait3A_791 : memref<10240x64xbf16, #tpu.memory_space<vmem_shared>>)
        %dma_wait3A_792 = arith.constant 1 : i32
        %dma_wait3A_793 = arith.constant 3 : i32
        %dma_wait3A_794 = arith.constant 384 : i32
        %dma_wait3A_795 = arith.constant 0 : i32
        %dma_wait3A_796 = tpu.memref_slice %arg9[%dma_wait3A_794, %dma_wait3A_795] : memref<1024x64xbf16, #tpu.memory_space<vmem>> -> memref<128x64xbf16, #tpu.memory_space<vmem>>
        %dma_wait3A_797 = arith.constant 0 : i32
        %dma_wait3A_798 = tpu.memref_slice %arg7[%dma_wait3A_792, %dma_wait3A_793, %dma_wait3A_797] : memref<2x8x128xi32, #tpu.memory_space<vmem>> -> memref<1x1x128xi32, #tpu.memory_space<vmem>>
        %dma_wait3A_799 = tpu.memref_squeeze %dma_wait3A_798 : memref<1x1x128xi32, #tpu.memory_space<vmem>> -> memref<128xi32, #tpu.memory_space<vmem>>
        %dma_wait3A_800 = arith.constant 0 : i32
        %dma_wait3A_801 = arith.constant 0 : i32
        %dma_wait3A_802 = tpu.memref_slice %arg10[%dma_wait3A_800, %dma_wait3A_801] : memref<10240x64xbf16, #tpu.memory_space<vmem_shared>> -> memref<10240x64xbf16, #tpu.memory_space<vmem_shared>>
        tpu.wait_indirect_dma semaphore(%arg15 : memref<!tpu.dma_semaphore, #tpu.memory_space<semaphore_mem>>) src(%dma_wait3A_796 : memref<128x64xbf16, #tpu.memory_space<vmem>>) dst(%dma_wait3A_802 : memref<10240x64xbf16, #tpu.memory_space<vmem_shared>>)
        %dma_wait3A_803 = arith.constant 1 : i32
        %dma_wait3A_804 = arith.constant 4 : i32
        %dma_wait3A_805 = arith.constant 512 : i32
        %dma_wait3A_806 = arith.constant 0 : i32
        %dma_wait3A_807 = tpu.memref_slice %arg9[%dma_wait3A_805, %dma_wait3A_806] : memref<1024x64xbf16, #tpu.memory_space<vmem>> -> memref<128x64xbf16, #tpu.memory_space<vmem>>
        %dma_wait3A_808 = arith.constant 0 : i32
        %dma_wait3A_809 = tpu.memref_slice %arg7[%dma_wait3A_803, %dma_wait3A_804, %dma_wait3A_808] : memref<2x8x128xi32, #tpu.memory_space<vmem>> -> memref<1x1x128xi32, #tpu.memory_space<vmem>>
        %dma_wait3A_810 = tpu.memref_squeeze %dma_wait3A_809 : memref<1x1x128xi32, #tpu.memory_space<vmem>> -> memref<128xi32, #tpu.memory_space<vmem>>
        %dma_wait3A_811 = arith.constant 0 : i32
        %dma_wait3A_812 = arith.constant 0 : i32
        %dma_wait3A_813 = tpu.memref_slice %arg10[%dma_wait3A_811, %dma_wait3A_812] : memref<10240x64xbf16, #tpu.memory_space<vmem_shared>> -> memref<10240x64xbf16, #tpu.memory_space<vmem_shared>>
        tpu.wait_indirect_dma semaphore(%arg15 : memref<!tpu.dma_semaphore, #tpu.memory_space<semaphore_mem>>) src(%dma_wait3A_807 : memref<128x64xbf16, #tpu.memory_space<vmem>>) dst(%dma_wait3A_813 : memref<10240x64xbf16, #tpu.memory_space<vmem_shared>>)
        %dma_wait3A_814 = arith.constant 1 : i32
        %dma_wait3A_815 = arith.constant 5 : i32
        %dma_wait3A_816 = arith.constant 640 : i32
        %dma_wait3A_817 = arith.constant 0 : i32
        %dma_wait3A_818 = tpu.memref_slice %arg9[%dma_wait3A_816, %dma_wait3A_817] : memref<1024x64xbf16, #tpu.memory_space<vmem>> -> memref<128x64xbf16, #tpu.memory_space<vmem>>
        %dma_wait3A_819 = arith.constant 0 : i32
        %dma_wait3A_820 = tpu.memref_slice %arg7[%dma_wait3A_814, %dma_wait3A_815, %dma_wait3A_819] : memref<2x8x128xi32, #tpu.memory_space<vmem>> -> memref<1x1x128xi32, #tpu.memory_space<vmem>>
        %dma_wait3A_821 = tpu.memref_squeeze %dma_wait3A_820 : memref<1x1x128xi32, #tpu.memory_space<vmem>> -> memref<128xi32, #tpu.memory_space<vmem>>
        %dma_wait3A_822 = arith.constant 0 : i32
        %dma_wait3A_823 = arith.constant 0 : i32
        %dma_wait3A_824 = tpu.memref_slice %arg10[%dma_wait3A_822, %dma_wait3A_823] : memref<10240x64xbf16, #tpu.memory_space<vmem_shared>> -> memref<10240x64xbf16, #tpu.memory_space<vmem_shared>>
        tpu.wait_indirect_dma semaphore(%arg15 : memref<!tpu.dma_semaphore, #tpu.memory_space<semaphore_mem>>) src(%dma_wait3A_818 : memref<128x64xbf16, #tpu.memory_space<vmem>>) dst(%dma_wait3A_824 : memref<10240x64xbf16, #tpu.memory_space<vmem_shared>>)
        %dma_wait3A_825 = arith.constant 1 : i32
        %dma_wait3A_826 = arith.constant 6 : i32
        %dma_wait3A_827 = arith.constant 768 : i32
        %dma_wait3A_828 = arith.constant 0 : i32
        %dma_wait3A_829 = tpu.memref_slice %arg9[%dma_wait3A_827, %dma_wait3A_828] : memref<1024x64xbf16, #tpu.memory_space<vmem>> -> memref<128x64xbf16, #tpu.memory_space<vmem>>
        %dma_wait3A_830 = arith.constant 0 : i32
        %dma_wait3A_831 = tpu.memref_slice %arg7[%dma_wait3A_825, %dma_wait3A_826, %dma_wait3A_830] : memref<2x8x128xi32, #tpu.memory_space<vmem>> -> memref<1x1x128xi32, #tpu.memory_space<vmem>>
        %dma_wait3A_832 = tpu.memref_squeeze %dma_wait3A_831 : memref<1x1x128xi32, #tpu.memory_space<vmem>> -> memref<128xi32, #tpu.memory_space<vmem>>
        %dma_wait3A_833 = arith.constant 0 : i32
        %dma_wait3A_834 = arith.constant 0 : i32
        %dma_wait3A_835 = tpu.memref_slice %arg10[%dma_wait3A_833, %dma_wait3A_834] : memref<10240x64xbf16, #tpu.memory_space<vmem_shared>> -> memref<10240x64xbf16, #tpu.memory_space<vmem_shared>>
        tpu.wait_indirect_dma semaphore(%arg15 : memref<!tpu.dma_semaphore, #tpu.memory_space<semaphore_mem>>) src(%dma_wait3A_829 : memref<128x64xbf16, #tpu.memory_space<vmem>>) dst(%dma_wait3A_835 : memref<10240x64xbf16, #tpu.memory_space<vmem_shared>>)
        %dma_wait3A_836 = arith.constant 1 : i32
        %dma_wait3A_837 = arith.constant 7 : i32
        %dma_wait3A_838 = arith.constant 896 : i32
        %dma_wait3A_839 = arith.constant 0 : i32
        %dma_wait3A_840 = tpu.memref_slice %arg9[%dma_wait3A_838, %dma_wait3A_839] : memref<1024x64xbf16, #tpu.memory_space<vmem>> -> memref<128x64xbf16, #tpu.memory_space<vmem>>
        %dma_wait3A_841 = arith.constant 0 : i32
        %dma_wait3A_842 = tpu.memref_slice %arg7[%dma_wait3A_836, %dma_wait3A_837, %dma_wait3A_841] : memref<2x8x128xi32, #tpu.memory_space<vmem>> -> memref<1x1x128xi32, #tpu.memory_space<vmem>>
        %dma_wait3A_843 = tpu.memref_squeeze %dma_wait3A_842 : memref<1x1x128xi32, #tpu.memory_space<vmem>> -> memref<128xi32, #tpu.memory_space<vmem>>
        %dma_wait3A_844 = arith.constant 0 : i32
        %dma_wait3A_845 = arith.constant 0 : i32
        %dma_wait3A_846 = tpu.memref_slice %arg10[%dma_wait3A_844, %dma_wait3A_845] : memref<10240x64xbf16, #tpu.memory_space<vmem_shared>> -> memref<10240x64xbf16, #tpu.memory_space<vmem_shared>>
        tpu.wait_indirect_dma semaphore(%arg15 : memref<!tpu.dma_semaphore, #tpu.memory_space<semaphore_mem>>) src(%dma_wait3A_840 : memref<128x64xbf16, #tpu.memory_space<vmem>>) dst(%dma_wait3A_846 : memref<10240x64xbf16, #tpu.memory_space<vmem_shared>>)
      } else {
      }
      %mul3A_218 = arith.constant 2 : i32
      %mul3A_219 = arith.muli %mul3A_218, %scan3A_215 : i32
      %add3A_220 = arith.constant 1 : i32
      %add3A_221 = arith.addi %mul3A_219, %add3A_220 : i32
      %mul3A_222 = arith.constant 80 : i32
      %mul3A_223 = arith.muli %add3A, %mul3A_222 : i32
      %mul3A_224 = arith.constant 8 : i32
      %mul3A_225 = arith.muli %add3A_221, %mul3A_224 : i32
      %add3A_226 = arith.addi %mul3A_223, %mul3A_225 : i32
      "tpu.region"() ({
        %run_scoped3A = tpu.sem_alloc : memref<!tpu.dma_semaphore, #tpu.memory_space<semaphore_mem>>
        %dma_start3A_759 = arith.constant 0 : i32
        %dma_start3A_760 = arith.constant 0 : i32
        %dma_start3A_761 = tpu.memref_slice %arg3[%dma_start3A_759, %add3A_226, %dma_start3A_760] : memref<2x2560x128xi32, #tpu.memory_space<hbm>> -> memref<2x8x128xi32, #tpu.memory_space<hbm>>
        %dma_start3A_762 = arith.constant 0 : i32
        %dma_start3A_763 = arith.constant 0 : i32
        %dma_start3A_764 = tpu.memref_slice %arg3[%dma_start3A_762, %add3A_226, %dma_start3A_763] : memref<2x2560x128xi32, #tpu.memory_space<hbm>> -> memref<2x8x128xi32, #tpu.memory_space<hbm>>
        tpu.enqueue_dma source(%dma_start3A_764 : memref<2x8x128xi32, #tpu.memory_space<hbm>>) target(%arg7 : memref<2x8x128xi32, #tpu.memory_space<vmem>>) target_semaphore(%run_scoped3A : memref<!tpu.dma_semaphore, #tpu.memory_space<semaphore_mem>>)
        %dma_wait3A_765 = arith.constant 0 : i32
        %dma_wait3A_766 = arith.constant 0 : i32
        %dma_wait3A_767 = tpu.memref_slice %arg3[%dma_wait3A_765, %add3A_226, %dma_wait3A_766] : memref<2x2560x128xi32, #tpu.memory_space<hbm>> -> memref<2x8x128xi32, #tpu.memory_space<hbm>>
        %dma_wait3A_768 = arith.constant 0 : i32
        %dma_wait3A_769 = arith.constant 0 : i32
        %dma_wait3A_770 = tpu.memref_slice %arg3[%dma_wait3A_768, %add3A_226, %dma_wait3A_769] : memref<2x2560x128xi32, #tpu.memory_space<hbm>> -> memref<2x8x128xi32, #tpu.memory_space<hbm>>
        tpu.wait_dma2 semaphore(%run_scoped3A : memref<!tpu.dma_semaphore, #tpu.memory_space<semaphore_mem>>) src(%dma_wait3A_770 : memref<2x8x128xi32, #tpu.memory_space<hbm>>) dst(%arg7 : memref<2x8x128xi32, #tpu.memory_space<vmem>>)
        tpu.yield
      }) : () -> ()
      %dma_start3A_227 = arith.constant 0 : i32
      %dma_start3A_228 = arith.constant 0 : i32
      %dma_start3A_229 = arith.constant 0 : i32
      %dma_start3A_230 = arith.constant 0 : i32
      %dma_start3A_231 = tpu.memref_slice %arg9[%dma_start3A_229, %dma_start3A_230] : memref<1024x64xbf16, #tpu.memory_space<vmem>> -> memref<128x64xbf16, #tpu.memory_space<vmem>>
      %dma_start3A_232 = arith.constant 0 : i32
      %dma_start3A_233 = tpu.memref_slice %arg7[%dma_start3A_227, %dma_start3A_228, %dma_start3A_232] : memref<2x8x128xi32, #tpu.memory_space<vmem>> -> memref<1x1x128xi32, #tpu.memory_space<vmem>>
      %dma_start3A_234 = tpu.memref_squeeze %dma_start3A_233 : memref<1x1x128xi32, #tpu.memory_space<vmem>> -> memref<128xi32, #tpu.memory_space<vmem>>
      %dma_start3A_235 = arith.constant 0 : i32
      %dma_start3A_236 = arith.constant 0 : i32
      %dma_start3A_237 = tpu.memref_slice %arg11[%dma_start3A_235, %dma_start3A_236] : memref<10240x64xbf16, #tpu.memory_space<vmem_shared>> -> memref<10240x64xbf16, #tpu.memory_space<vmem_shared>>
      tpu.enqueue_indirect_dma source(%dma_start3A_237 : memref<10240x64xbf16, #tpu.memory_space<vmem_shared>>) target(%dma_start3A_231 : memref<128x64xbf16, #tpu.memory_space<vmem>>) offsets(%dma_start3A_234 : memref<128xi32, #tpu.memory_space<vmem>>) semaphore(%arg13 : memref<!tpu.dma_semaphore, #tpu.memory_space<semaphore_mem>>)
      %dma_start3A_238 = arith.constant 0 : i32
      %dma_start3A_239 = arith.constant 1 : i32
      %dma_start3A_240 = arith.constant 128 : i32
      %dma_start3A_241 = arith.constant 0 : i32
      %dma_start3A_242 = tpu.memref_slice %arg9[%dma_start3A_240, %dma_start3A_241] : memref<1024x64xbf16, #tpu.memory_space<vmem>> -> memref<128x64xbf16, #tpu.memory_space<vmem>>
      %dma_start3A_243 = arith.constant 0 : i32
      %dma_start3A_244 = tpu.memref_slice %arg7[%dma_start3A_238, %dma_start3A_239, %dma_start3A_243] : memref<2x8x128xi32, #tpu.memory_space<vmem>> -> memref<1x1x128xi32, #tpu.memory_space<vmem>>
      %dma_start3A_245 = tpu.memref_squeeze %dma_start3A_244 : memref<1x1x128xi32, #tpu.memory_space<vmem>> -> memref<128xi32, #tpu.memory_space<vmem>>
      %dma_start3A_246 = arith.constant 0 : i32
      %dma_start3A_247 = arith.constant 0 : i32
      %dma_start3A_248 = tpu.memref_slice %arg11[%dma_start3A_246, %dma_start3A_247] : memref<10240x64xbf16, #tpu.memory_space<vmem_shared>> -> memref<10240x64xbf16, #tpu.memory_space<vmem_shared>>
      tpu.enqueue_indirect_dma source(%dma_start3A_248 : memref<10240x64xbf16, #tpu.memory_space<vmem_shared>>) target(%dma_start3A_242 : memref<128x64xbf16, #tpu.memory_space<vmem>>) offsets(%dma_start3A_245 : memref<128xi32, #tpu.memory_space<vmem>>) semaphore(%arg13 : memref<!tpu.dma_semaphore, #tpu.memory_space<semaphore_mem>>)
      %dma_start3A_249 = arith.constant 0 : i32
      %dma_start3A_250 = arith.constant 2 : i32
      %dma_start3A_251 = arith.constant 256 : i32
      %dma_start3A_252 = arith.constant 0 : i32
      %dma_start3A_253 = tpu.memref_slice %arg9[%dma_start3A_251, %dma_start3A_252] : memref<1024x64xbf16, #tpu.memory_space<vmem>> -> memref<128x64xbf16, #tpu.memory_space<vmem>>
      %dma_start3A_254 = arith.constant 0 : i32
      %dma_start3A_255 = tpu.memref_slice %arg7[%dma_start3A_249, %dma_start3A_250, %dma_start3A_254] : memref<2x8x128xi32, #tpu.memory_space<vmem>> -> memref<1x1x128xi32, #tpu.memory_space<vmem>>
      %dma_start3A_256 = tpu.memref_squeeze %dma_start3A_255 : memref<1x1x128xi32, #tpu.memory_space<vmem>> -> memref<128xi32, #tpu.memory_space<vmem>>
      %dma_start3A_257 = arith.constant 0 : i32
      %dma_start3A_258 = arith.constant 0 : i32
      %dma_start3A_259 = tpu.memref_slice %arg11[%dma_start3A_257, %dma_start3A_258] : memref<10240x64xbf16, #tpu.memory_space<vmem_shared>> -> memref<10240x64xbf16, #tpu.memory_space<vmem_shared>>
      tpu.enqueue_indirect_dma source(%dma_start3A_259 : memref<10240x64xbf16, #tpu.memory_space<vmem_shared>>) target(%dma_start3A_253 : memref<128x64xbf16, #tpu.memory_space<vmem>>) offsets(%dma_start3A_256 : memref<128xi32, #tpu.memory_space<vmem>>) semaphore(%arg13 : memref<!tpu.dma_semaphore, #tpu.memory_space<semaphore_mem>>)
      %dma_start3A_260 = arith.constant 0 : i32
      %dma_start3A_261 = arith.constant 3 : i32
      %dma_start3A_262 = arith.constant 384 : i32
      %dma_start3A_263 = arith.constant 0 : i32
      %dma_start3A_264 = tpu.memref_slice %arg9[%dma_start3A_262, %dma_start3A_263] : memref<1024x64xbf16, #tpu.memory_space<vmem>> -> memref<128x64xbf16, #tpu.memory_space<vmem>>
      %dma_start3A_265 = arith.constant 0 : i32
      %dma_start3A_266 = tpu.memref_slice %arg7[%dma_start3A_260, %dma_start3A_261, %dma_start3A_265] : memref<2x8x128xi32, #tpu.memory_space<vmem>> -> memref<1x1x128xi32, #tpu.memory_space<vmem>>
      %dma_start3A_267 = tpu.memref_squeeze %dma_start3A_266 : memref<1x1x128xi32, #tpu.memory_space<vmem>> -> memref<128xi32, #tpu.memory_space<vmem>>
      %dma_start3A_268 = arith.constant 0 : i32
      %dma_start3A_269 = arith.constant 0 : i32
      %dma_start3A_270 = tpu.memref_slice %arg11[%dma_start3A_268, %dma_start3A_269] : memref<10240x64xbf16, #tpu.memory_space<vmem_shared>> -> memref<10240x64xbf16, #tpu.memory_space<vmem_shared>>
      tpu.enqueue_indirect_dma source(%dma_start3A_270 : memref<10240x64xbf16, #tpu.memory_space<vmem_shared>>) target(%dma_start3A_264 : memref<128x64xbf16, #tpu.memory_space<vmem>>) offsets(%dma_start3A_267 : memref<128xi32, #tpu.memory_space<vmem>>) semaphore(%arg13 : memref<!tpu.dma_semaphore, #tpu.memory_space<semaphore_mem>>)
      %dma_start3A_271 = arith.constant 0 : i32
      %dma_start3A_272 = arith.constant 4 : i32
      %dma_start3A_273 = arith.constant 512 : i32
      %dma_start3A_274 = arith.constant 0 : i32
      %dma_start3A_275 = tpu.memref_slice %arg9[%dma_start3A_273, %dma_start3A_274] : memref<1024x64xbf16, #tpu.memory_space<vmem>> -> memref<128x64xbf16, #tpu.memory_space<vmem>>
      %dma_start3A_276 = arith.constant 0 : i32
      %dma_start3A_277 = tpu.memref_slice %arg7[%dma_start3A_271, %dma_start3A_272, %dma_start3A_276] : memref<2x8x128xi32, #tpu.memory_space<vmem>> -> memref<1x1x128xi32, #tpu.memory_space<vmem>>
      %dma_start3A_278 = tpu.memref_squeeze %dma_start3A_277 : memref<1x1x128xi32, #tpu.memory_space<vmem>> -> memref<128xi32, #tpu.memory_space<vmem>>
      %dma_start3A_279 = arith.constant 0 : i32
      %dma_start3A_280 = arith.constant 0 : i32
      %dma_start3A_281 = tpu.memref_slice %arg11[%dma_start3A_279, %dma_start3A_280] : memref<10240x64xbf16, #tpu.memory_space<vmem_shared>> -> memref<10240x64xbf16, #tpu.memory_space<vmem_shared>>
      tpu.enqueue_indirect_dma source(%dma_start3A_281 : memref<10240x64xbf16, #tpu.memory_space<vmem_shared>>) target(%dma_start3A_275 : memref<128x64xbf16, #tpu.memory_space<vmem>>) offsets(%dma_start3A_278 : memref<128xi32, #tpu.memory_space<vmem>>) semaphore(%arg13 : memref<!tpu.dma_semaphore, #tpu.memory_space<semaphore_mem>>)
      %dma_start3A_282 = arith.constant 0 : i32
      %dma_start3A_283 = arith.constant 5 : i32
      %dma_start3A_284 = arith.constant 640 : i32
      %dma_start3A_285 = arith.constant 0 : i32
      %dma_start3A_286 = tpu.memref_slice %arg9[%dma_start3A_284, %dma_start3A_285] : memref<1024x64xbf16, #tpu.memory_space<vmem>> -> memref<128x64xbf16, #tpu.memory_space<vmem>>
      %dma_start3A_287 = arith.constant 0 : i32
      %dma_start3A_288 = tpu.memref_slice %arg7[%dma_start3A_282, %dma_start3A_283, %dma_start3A_287] : memref<2x8x128xi32, #tpu.memory_space<vmem>> -> memref<1x1x128xi32, #tpu.memory_space<vmem>>
      %dma_start3A_289 = tpu.memref_squeeze %dma_start3A_288 : memref<1x1x128xi32, #tpu.memory_space<vmem>> -> memref<128xi32, #tpu.memory_space<vmem>>
      %dma_start3A_290 = arith.constant 0 : i32
      %dma_start3A_291 = arith.constant 0 : i32
      %dma_start3A_292 = tpu.memref_slice %arg11[%dma_start3A_290, %dma_start3A_291] : memref<10240x64xbf16, #tpu.memory_space<vmem_shared>> -> memref<10240x64xbf16, #tpu.memory_space<vmem_shared>>
      tpu.enqueue_indirect_dma source(%dma_start3A_292 : memref<10240x64xbf16, #tpu.memory_space<vmem_shared>>) target(%dma_start3A_286 : memref<128x64xbf16, #tpu.memory_space<vmem>>) offsets(%dma_start3A_289 : memref<128xi32, #tpu.memory_space<vmem>>) semaphore(%arg13 : memref<!tpu.dma_semaphore, #tpu.memory_space<semaphore_mem>>)
      %dma_start3A_293 = arith.constant 0 : i32
      %dma_start3A_294 = arith.constant 6 : i32
      %dma_start3A_295 = arith.constant 768 : i32
      %dma_start3A_296 = arith.constant 0 : i32
      %dma_start3A_297 = tpu.memref_slice %arg9[%dma_start3A_295, %dma_start3A_296] : memref<1024x64xbf16, #tpu.memory_space<vmem>> -> memref<128x64xbf16, #tpu.memory_space<vmem>>
      %dma_start3A_298 = arith.constant 0 : i32
      %dma_start3A_299 = tpu.memref_slice %arg7[%dma_start3A_293, %dma_start3A_294, %dma_start3A_298] : memref<2x8x128xi32, #tpu.memory_space<vmem>> -> memref<1x1x128xi32, #tpu.memory_space<vmem>>
      %dma_start3A_300 = tpu.memref_squeeze %dma_start3A_299 : memref<1x1x128xi32, #tpu.memory_space<vmem>> -> memref<128xi32, #tpu.memory_space<vmem>>
      %dma_start3A_301 = arith.constant 0 : i32
      %dma_start3A_302 = arith.constant 0 : i32
      %dma_start3A_303 = tpu.memref_slice %arg11[%dma_start3A_301, %dma_start3A_302] : memref<10240x64xbf16, #tpu.memory_space<vmem_shared>> -> memref<10240x64xbf16, #tpu.memory_space<vmem_shared>>
      tpu.enqueue_indirect_dma source(%dma_start3A_303 : memref<10240x64xbf16, #tpu.memory_space<vmem_shared>>) target(%dma_start3A_297 : memref<128x64xbf16, #tpu.memory_space<vmem>>) offsets(%dma_start3A_300 : memref<128xi32, #tpu.memory_space<vmem>>) semaphore(%arg13 : memref<!tpu.dma_semaphore, #tpu.memory_space<semaphore_mem>>)
      %dma_start3A_304 = arith.constant 0 : i32
      %dma_start3A_305 = arith.constant 7 : i32
      %dma_start3A_306 = arith.constant 896 : i32
      %dma_start3A_307 = arith.constant 0 : i32
      %dma_start3A_308 = tpu.memref_slice %arg9[%dma_start3A_306, %dma_start3A_307] : memref<1024x64xbf16, #tpu.memory_space<vmem>> -> memref<128x64xbf16, #tpu.memory_space<vmem>>
      %dma_start3A_309 = arith.constant 0 : i32
      %dma_start3A_310 = tpu.memref_slice %arg7[%dma_start3A_304, %dma_start3A_305, %dma_start3A_309] : memref<2x8x128xi32, #tpu.memory_space<vmem>> -> memref<1x1x128xi32, #tpu.memory_space<vmem>>
      %dma_start3A_311 = tpu.memref_squeeze %dma_start3A_310 : memref<1x1x128xi32, #tpu.memory_space<vmem>> -> memref<128xi32, #tpu.memory_space<vmem>>
      %dma_start3A_312 = arith.constant 0 : i32
      %dma_start3A_313 = arith.constant 0 : i32
      %dma_start3A_314 = tpu.memref_slice %arg11[%dma_start3A_312, %dma_start3A_313] : memref<10240x64xbf16, #tpu.memory_space<vmem_shared>> -> memref<10240x64xbf16, #tpu.memory_space<vmem_shared>>
      tpu.enqueue_indirect_dma source(%dma_start3A_314 : memref<10240x64xbf16, #tpu.memory_space<vmem_shared>>) target(%dma_start3A_308 : memref<128x64xbf16, #tpu.memory_space<vmem>>) offsets(%dma_start3A_311 : memref<128xi32, #tpu.memory_space<vmem>>) semaphore(%arg13 : memref<!tpu.dma_semaphore, #tpu.memory_space<semaphore_mem>>)
      %dma_wait3A_315 = arith.constant 0 : i32
      %dma_wait3A_316 = arith.constant 0 : i32
      %dma_wait3A_317 = arith.constant 0 : i32
      %dma_wait3A_318 = arith.constant 0 : i32
      %dma_wait3A_319 = tpu.memref_slice %arg8[%dma_wait3A_317, %dma_wait3A_318] : memref<1024x64xbf16, #tpu.memory_space<vmem>> -> memref<128x64xbf16, #tpu.memory_space<vmem>>
      %dma_wait3A_320 = arith.constant 0 : i32
      %dma_wait3A_321 = tpu.memref_slice %arg6[%dma_wait3A_315, %dma_wait3A_316, %dma_wait3A_320] : memref<2x8x128xi32, #tpu.memory_space<vmem>> -> memref<1x1x128xi32, #tpu.memory_space<vmem>>
      %dma_wait3A_322 = tpu.memref_squeeze %dma_wait3A_321 : memref<1x1x128xi32, #tpu.memory_space<vmem>> -> memref<128xi32, #tpu.memory_space<vmem>>
      %dma_wait3A_323 = arith.constant 0 : i32
      %dma_wait3A_324 = arith.constant 0 : i32
      %dma_wait3A_325 = tpu.memref_slice %arg11[%dma_wait3A_323, %dma_wait3A_324] : memref<10240x64xbf16, #tpu.memory_space<vmem_shared>> -> memref<10240x64xbf16, #tpu.memory_space<vmem_shared>>
      tpu.wait_indirect_dma semaphore(%arg12 : memref<!tpu.dma_semaphore, #tpu.memory_space<semaphore_mem>>) src(%dma_wait3A_325 : memref<10240x64xbf16, #tpu.memory_space<vmem_shared>>) dst(%dma_wait3A_319 : memref<128x64xbf16, #tpu.memory_space<vmem>>)
      %dma_wait3A_326 = arith.constant 0 : i32
      %dma_wait3A_327 = arith.constant 1 : i32
      %dma_wait3A_328 = arith.constant 128 : i32
      %dma_wait3A_329 = arith.constant 0 : i32
      %dma_wait3A_330 = tpu.memref_slice %arg8[%dma_wait3A_328, %dma_wait3A_329] : memref<1024x64xbf16, #tpu.memory_space<vmem>> -> memref<128x64xbf16, #tpu.memory_space<vmem>>
      %dma_wait3A_331 = arith.constant 0 : i32
      %dma_wait3A_332 = tpu.memref_slice %arg6[%dma_wait3A_326, %dma_wait3A_327, %dma_wait3A_331] : memref<2x8x128xi32, #tpu.memory_space<vmem>> -> memref<1x1x128xi32, #tpu.memory_space<vmem>>
      %dma_wait3A_333 = tpu.memref_squeeze %dma_wait3A_332 : memref<1x1x128xi32, #tpu.memory_space<vmem>> -> memref<128xi32, #tpu.memory_space<vmem>>
      %dma_wait3A_334 = arith.constant 0 : i32
      %dma_wait3A_335 = arith.constant 0 : i32
      %dma_wait3A_336 = tpu.memref_slice %arg11[%dma_wait3A_334, %dma_wait3A_335] : memref<10240x64xbf16, #tpu.memory_space<vmem_shared>> -> memref<10240x64xbf16, #tpu.memory_space<vmem_shared>>
      tpu.wait_indirect_dma semaphore(%arg12 : memref<!tpu.dma_semaphore, #tpu.memory_space<semaphore_mem>>) src(%dma_wait3A_336 : memref<10240x64xbf16, #tpu.memory_space<vmem_shared>>) dst(%dma_wait3A_330 : memref<128x64xbf16, #tpu.memory_space<vmem>>)
      %dma_wait3A_337 = arith.constant 0 : i32
      %dma_wait3A_338 = arith.constant 2 : i32
      %dma_wait3A_339 = arith.constant 256 : i32
      %dma_wait3A_340 = arith.constant 0 : i32
      %dma_wait3A_341 = tpu.memref_slice %arg8[%dma_wait3A_339, %dma_wait3A_340] : memref<1024x64xbf16, #tpu.memory_space<vmem>> -> memref<128x64xbf16, #tpu.memory_space<vmem>>
      %dma_wait3A_342 = arith.constant 0 : i32
      %dma_wait3A_343 = tpu.memref_slice %arg6[%dma_wait3A_337, %dma_wait3A_338, %dma_wait3A_342] : memref<2x8x128xi32, #tpu.memory_space<vmem>> -> memref<1x1x128xi32, #tpu.memory_space<vmem>>
      %dma_wait3A_344 = tpu.memref_squeeze %dma_wait3A_343 : memref<1x1x128xi32, #tpu.memory_space<vmem>> -> memref<128xi32, #tpu.memory_space<vmem>>
      %dma_wait3A_345 = arith.constant 0 : i32
      %dma_wait3A_346 = arith.constant 0 : i32
      %dma_wait3A_347 = tpu.memref_slice %arg11[%dma_wait3A_345, %dma_wait3A_346] : memref<10240x64xbf16, #tpu.memory_space<vmem_shared>> -> memref<10240x64xbf16, #tpu.memory_space<vmem_shared>>
      tpu.wait_indirect_dma semaphore(%arg12 : memref<!tpu.dma_semaphore, #tpu.memory_space<semaphore_mem>>) src(%dma_wait3A_347 : memref<10240x64xbf16, #tpu.memory_space<vmem_shared>>) dst(%dma_wait3A_341 : memref<128x64xbf16, #tpu.memory_space<vmem>>)
      %dma_wait3A_348 = arith.constant 0 : i32
      %dma_wait3A_349 = arith.constant 3 : i32
      %dma_wait3A_350 = arith.constant 384 : i32
      %dma_wait3A_351 = arith.constant 0 : i32
      %dma_wait3A_352 = tpu.memref_slice %arg8[%dma_wait3A_350, %dma_wait3A_351] : memref<1024x64xbf16, #tpu.memory_space<vmem>> -> memref<128x64xbf16, #tpu.memory_space<vmem>>
      %dma_wait3A_353 = arith.constant 0 : i32
      %dma_wait3A_354 = tpu.memref_slice %arg6[%dma_wait3A_348, %dma_wait3A_349, %dma_wait3A_353] : memref<2x8x128xi32, #tpu.memory_space<vmem>> -> memref<1x1x128xi32, #tpu.memory_space<vmem>>
      %dma_wait3A_355 = tpu.memref_squeeze %dma_wait3A_354 : memref<1x1x128xi32, #tpu.memory_space<vmem>> -> memref<128xi32, #tpu.memory_space<vmem>>
      %dma_wait3A_356 = arith.constant 0 : i32
      %dma_wait3A_357 = arith.constant 0 : i32
      %dma_wait3A_358 = tpu.memref_slice %arg11[%dma_wait3A_356, %dma_wait3A_357] : memref<10240x64xbf16, #tpu.memory_space<vmem_shared>> -> memref<10240x64xbf16, #tpu.memory_space<vmem_shared>>
      tpu.wait_indirect_dma semaphore(%arg12 : memref<!tpu.dma_semaphore, #tpu.memory_space<semaphore_mem>>) src(%dma_wait3A_358 : memref<10240x64xbf16, #tpu.memory_space<vmem_shared>>) dst(%dma_wait3A_352 : memref<128x64xbf16, #tpu.memory_space<vmem>>)
      %dma_wait3A_359 = arith.constant 0 : i32
      %dma_wait3A_360 = arith.constant 4 : i32
      %dma_wait3A_361 = arith.constant 512 : i32
      %dma_wait3A_362 = arith.constant 0 : i32
      %dma_wait3A_363 = tpu.memref_slice %arg8[%dma_wait3A_361, %dma_wait3A_362] : memref<1024x64xbf16, #tpu.memory_space<vmem>> -> memref<128x64xbf16, #tpu.memory_space<vmem>>
      %dma_wait3A_364 = arith.constant 0 : i32
      %dma_wait3A_365 = tpu.memref_slice %arg6[%dma_wait3A_359, %dma_wait3A_360, %dma_wait3A_364] : memref<2x8x128xi32, #tpu.memory_space<vmem>> -> memref<1x1x128xi32, #tpu.memory_space<vmem>>
      %dma_wait3A_366 = tpu.memref_squeeze %dma_wait3A_365 : memref<1x1x128xi32, #tpu.memory_space<vmem>> -> memref<128xi32, #tpu.memory_space<vmem>>
      %dma_wait3A_367 = arith.constant 0 : i32
      %dma_wait3A_368 = arith.constant 0 : i32
      %dma_wait3A_369 = tpu.memref_slice %arg11[%dma_wait3A_367, %dma_wait3A_368] : memref<10240x64xbf16, #tpu.memory_space<vmem_shared>> -> memref<10240x64xbf16, #tpu.memory_space<vmem_shared>>
      tpu.wait_indirect_dma semaphore(%arg12 : memref<!tpu.dma_semaphore, #tpu.memory_space<semaphore_mem>>) src(%dma_wait3A_369 : memref<10240x64xbf16, #tpu.memory_space<vmem_shared>>) dst(%dma_wait3A_363 : memref<128x64xbf16, #tpu.memory_space<vmem>>)
      %dma_wait3A_370 = arith.constant 0 : i32
      %dma_wait3A_371 = arith.constant 5 : i32
      %dma_wait3A_372 = arith.constant 640 : i32
      %dma_wait3A_373 = arith.constant 0 : i32
      %dma_wait3A_374 = tpu.memref_slice %arg8[%dma_wait3A_372, %dma_wait3A_373] : memref<1024x64xbf16, #tpu.memory_space<vmem>> -> memref<128x64xbf16, #tpu.memory_space<vmem>>
      %dma_wait3A_375 = arith.constant 0 : i32
      %dma_wait3A_376 = tpu.memref_slice %arg6[%dma_wait3A_370, %dma_wait3A_371, %dma_wait3A_375] : memref<2x8x128xi32, #tpu.memory_space<vmem>> -> memref<1x1x128xi32, #tpu.memory_space<vmem>>
      %dma_wait3A_377 = tpu.memref_squeeze %dma_wait3A_376 : memref<1x1x128xi32, #tpu.memory_space<vmem>> -> memref<128xi32, #tpu.memory_space<vmem>>
      %dma_wait3A_378 = arith.constant 0 : i32
      %dma_wait3A_379 = arith.constant 0 : i32
      %dma_wait3A_380 = tpu.memref_slice %arg11[%dma_wait3A_378, %dma_wait3A_379] : memref<10240x64xbf16, #tpu.memory_space<vmem_shared>> -> memref<10240x64xbf16, #tpu.memory_space<vmem_shared>>
      tpu.wait_indirect_dma semaphore(%arg12 : memref<!tpu.dma_semaphore, #tpu.memory_space<semaphore_mem>>) src(%dma_wait3A_380 : memref<10240x64xbf16, #tpu.memory_space<vmem_shared>>) dst(%dma_wait3A_374 : memref<128x64xbf16, #tpu.memory_space<vmem>>)
      %dma_wait3A_381 = arith.constant 0 : i32
      %dma_wait3A_382 = arith.constant 6 : i32
      %dma_wait3A_383 = arith.constant 768 : i32
      %dma_wait3A_384 = arith.constant 0 : i32
      %dma_wait3A_385 = tpu.memref_slice %arg8[%dma_wait3A_383, %dma_wait3A_384] : memref<1024x64xbf16, #tpu.memory_space<vmem>> -> memref<128x64xbf16, #tpu.memory_space<vmem>>
      %dma_wait3A_386 = arith.constant 0 : i32
      %dma_wait3A_387 = tpu.memref_slice %arg6[%dma_wait3A_381, %dma_wait3A_382, %dma_wait3A_386] : memref<2x8x128xi32, #tpu.memory_space<vmem>> -> memref<1x1x128xi32, #tpu.memory_space<vmem>>
      %dma_wait3A_388 = tpu.memref_squeeze %dma_wait3A_387 : memref<1x1x128xi32, #tpu.memory_space<vmem>> -> memref<128xi32, #tpu.memory_space<vmem>>
      %dma_wait3A_389 = arith.constant 0 : i32
      %dma_wait3A_390 = arith.constant 0 : i32
      %dma_wait3A_391 = tpu.memref_slice %arg11[%dma_wait3A_389, %dma_wait3A_390] : memref<10240x64xbf16, #tpu.memory_space<vmem_shared>> -> memref<10240x64xbf16, #tpu.memory_space<vmem_shared>>
      tpu.wait_indirect_dma semaphore(%arg12 : memref<!tpu.dma_semaphore, #tpu.memory_space<semaphore_mem>>) src(%dma_wait3A_391 : memref<10240x64xbf16, #tpu.memory_space<vmem_shared>>) dst(%dma_wait3A_385 : memref<128x64xbf16, #tpu.memory_space<vmem>>)
      %dma_wait3A_392 = arith.constant 0 : i32
      %dma_wait3A_393 = arith.constant 7 : i32
      %dma_wait3A_394 = arith.constant 896 : i32
      %dma_wait3A_395 = arith.constant 0 : i32
      %dma_wait3A_396 = tpu.memref_slice %arg8[%dma_wait3A_394, %dma_wait3A_395] : memref<1024x64xbf16, #tpu.memory_space<vmem>> -> memref<128x64xbf16, #tpu.memory_space<vmem>>
      %dma_wait3A_397 = arith.constant 0 : i32
      %dma_wait3A_398 = tpu.memref_slice %arg6[%dma_wait3A_392, %dma_wait3A_393, %dma_wait3A_397] : memref<2x8x128xi32, #tpu.memory_space<vmem>> -> memref<1x1x128xi32, #tpu.memory_space<vmem>>
      %dma_wait3A_399 = tpu.memref_squeeze %dma_wait3A_398 : memref<1x1x128xi32, #tpu.memory_space<vmem>> -> memref<128xi32, #tpu.memory_space<vmem>>
      %dma_wait3A_400 = arith.constant 0 : i32
      %dma_wait3A_401 = arith.constant 0 : i32
      %dma_wait3A_402 = tpu.memref_slice %arg11[%dma_wait3A_400, %dma_wait3A_401] : memref<10240x64xbf16, #tpu.memory_space<vmem_shared>> -> memref<10240x64xbf16, #tpu.memory_space<vmem_shared>>
      tpu.wait_indirect_dma semaphore(%arg12 : memref<!tpu.dma_semaphore, #tpu.memory_space<semaphore_mem>>) src(%dma_wait3A_402 : memref<10240x64xbf16, #tpu.memory_space<vmem_shared>>) dst(%dma_wait3A_396 : memref<128x64xbf16, #tpu.memory_space<vmem>>)
      %dma_start3A_403 = arith.constant 1 : i32
      %dma_start3A_404 = arith.constant 0 : i32
      %dma_start3A_405 = arith.constant 0 : i32
      %dma_start3A_406 = arith.constant 0 : i32
      %dma_start3A_407 = tpu.memref_slice %arg8[%dma_start3A_405, %dma_start3A_406] : memref<1024x64xbf16, #tpu.memory_space<vmem>> -> memref<128x64xbf16, #tpu.memory_space<vmem>>
      %dma_start3A_408 = arith.constant 0 : i32
      %dma_start3A_409 = tpu.memref_slice %arg6[%dma_start3A_403, %dma_start3A_404, %dma_start3A_408] : memref<2x8x128xi32, #tpu.memory_space<vmem>> -> memref<1x1x128xi32, #tpu.memory_space<vmem>>
      %dma_start3A_410 = tpu.memref_squeeze %dma_start3A_409 : memref<1x1x128xi32, #tpu.memory_space<vmem>> -> memref<128xi32, #tpu.memory_space<vmem>>
      %dma_start3A_411 = arith.constant 0 : i32
      %dma_start3A_412 = arith.constant 0 : i32
      %dma_start3A_413 = tpu.memref_slice %arg10[%dma_start3A_411, %dma_start3A_412] : memref<10240x64xbf16, #tpu.memory_space<vmem_shared>> -> memref<10240x64xbf16, #tpu.memory_space<vmem_shared>>
      tpu.enqueue_indirect_dma source(%dma_start3A_407 : memref<128x64xbf16, #tpu.memory_space<vmem>>) target(%dma_start3A_413 : memref<10240x64xbf16, #tpu.memory_space<vmem_shared>>) offsets(%dma_start3A_410 : memref<128xi32, #tpu.memory_space<vmem>>) semaphore(%arg14 : memref<!tpu.dma_semaphore, #tpu.memory_space<semaphore_mem>>) {add = true}
      %dma_start3A_414 = arith.constant 1 : i32
      %dma_start3A_415 = arith.constant 1 : i32
      %dma_start3A_416 = arith.constant 128 : i32
      %dma_start3A_417 = arith.constant 0 : i32
      %dma_start3A_418 = tpu.memref_slice %arg8[%dma_start3A_416, %dma_start3A_417] : memref<1024x64xbf16, #tpu.memory_space<vmem>> -> memref<128x64xbf16, #tpu.memory_space<vmem>>
      %dma_start3A_419 = arith.constant 0 : i32
      %dma_start3A_420 = tpu.memref_slice %arg6[%dma_start3A_414, %dma_start3A_415, %dma_start3A_419] : memref<2x8x128xi32, #tpu.memory_space<vmem>> -> memref<1x1x128xi32, #tpu.memory_space<vmem>>
      %dma_start3A_421 = tpu.memref_squeeze %dma_start3A_420 : memref<1x1x128xi32, #tpu.memory_space<vmem>> -> memref<128xi32, #tpu.memory_space<vmem>>
      %dma_start3A_422 = arith.constant 0 : i32
      %dma_start3A_423 = arith.constant 0 : i32
      %dma_start3A_424 = tpu.memref_slice %arg10[%dma_start3A_422, %dma_start3A_423] : memref<10240x64xbf16, #tpu.memory_space<vmem_shared>> -> memref<10240x64xbf16, #tpu.memory_space<vmem_shared>>
      tpu.enqueue_indirect_dma source(%dma_start3A_418 : memref<128x64xbf16, #tpu.memory_space<vmem>>) target(%dma_start3A_424 : memref<10240x64xbf16, #tpu.memory_space<vmem_shared>>) offsets(%dma_start3A_421 : memref<128xi32, #tpu.memory_space<vmem>>) semaphore(%arg14 : memref<!tpu.dma_semaphore, #tpu.memory_space<semaphore_mem>>) {add = true}
      %dma_start3A_425 = arith.constant 1 : i32
      %dma_start3A_426 = arith.constant 2 : i32
      %dma_start3A_427 = arith.constant 256 : i32
      %dma_start3A_428 = arith.constant 0 : i32
      %dma_start3A_429 = tpu.memref_slice %arg8[%dma_start3A_427, %dma_start3A_428] : memref<1024x64xbf16, #tpu.memory_space<vmem>> -> memref<128x64xbf16, #tpu.memory_space<vmem>>
      %dma_start3A_430 = arith.constant 0 : i32
      %dma_start3A_431 = tpu.memref_slice %arg6[%dma_start3A_425, %dma_start3A_426, %dma_start3A_430] : memref<2x8x128xi32, #tpu.memory_space<vmem>> -> memref<1x1x128xi32, #tpu.memory_space<vmem>>
      %dma_start3A_432 = tpu.memref_squeeze %dma_start3A_431 : memref<1x1x128xi32, #tpu.memory_space<vmem>> -> memref<128xi32, #tpu.memory_space<vmem>>
      %dma_start3A_433 = arith.constant 0 : i32
      %dma_start3A_434 = arith.constant 0 : i32
      %dma_start3A_435 = tpu.memref_slice %arg10[%dma_start3A_433, %dma_start3A_434] : memref<10240x64xbf16, #tpu.memory_space<vmem_shared>> -> memref<10240x64xbf16, #tpu.memory_space<vmem_shared>>
      tpu.enqueue_indirect_dma source(%dma_start3A_429 : memref<128x64xbf16, #tpu.memory_space<vmem>>) target(%dma_start3A_435 : memref<10240x64xbf16, #tpu.memory_space<vmem_shared>>) offsets(%dma_start3A_432 : memref<128xi32, #tpu.memory_space<vmem>>) semaphore(%arg14 : memref<!tpu.dma_semaphore, #tpu.memory_space<semaphore_mem>>) {add = true}
      %dma_start3A_436 = arith.constant 1 : i32
      %dma_start3A_437 = arith.constant 3 : i32
      %dma_start3A_438 = arith.constant 384 : i32
      %dma_start3A_439 = arith.constant 0 : i32
      %dma_start3A_440 = tpu.memref_slice %arg8[%dma_start3A_438, %dma_start3A_439] : memref<1024x64xbf16, #tpu.memory_space<vmem>> -> memref<128x64xbf16, #tpu.memory_space<vmem>>
      %dma_start3A_441 = arith.constant 0 : i32
      %dma_start3A_442 = tpu.memref_slice %arg6[%dma_start3A_436, %dma_start3A_437, %dma_start3A_441] : memref<2x8x128xi32, #tpu.memory_space<vmem>> -> memref<1x1x128xi32, #tpu.memory_space<vmem>>
      %dma_start3A_443 = tpu.memref_squeeze %dma_start3A_442 : memref<1x1x128xi32, #tpu.memory_space<vmem>> -> memref<128xi32, #tpu.memory_space<vmem>>
      %dma_start3A_444 = arith.constant 0 : i32
      %dma_start3A_445 = arith.constant 0 : i32
      %dma_start3A_446 = tpu.memref_slice %arg10[%dma_start3A_444, %dma_start3A_445] : memref<10240x64xbf16, #tpu.memory_space<vmem_shared>> -> memref<10240x64xbf16, #tpu.memory_space<vmem_shared>>
      tpu.enqueue_indirect_dma source(%dma_start3A_440 : memref<128x64xbf16, #tpu.memory_space<vmem>>) target(%dma_start3A_446 : memref<10240x64xbf16, #tpu.memory_space<vmem_shared>>) offsets(%dma_start3A_443 : memref<128xi32, #tpu.memory_space<vmem>>) semaphore(%arg14 : memref<!tpu.dma_semaphore, #tpu.memory_space<semaphore_mem>>) {add = true}
      %dma_start3A_447 = arith.constant 1 : i32
      %dma_start3A_448 = arith.constant 4 : i32
      %dma_start3A_449 = arith.constant 512 : i32
      %dma_start3A_450 = arith.constant 0 : i32
      %dma_start3A_451 = tpu.memref_slice %arg8[%dma_start3A_449, %dma_start3A_450] : memref<1024x64xbf16, #tpu.memory_space<vmem>> -> memref<128x64xbf16, #tpu.memory_space<vmem>>
      %dma_start3A_452 = arith.constant 0 : i32
      %dma_start3A_453 = tpu.memref_slice %arg6[%dma_start3A_447, %dma_start3A_448, %dma_start3A_452] : memref<2x8x128xi32, #tpu.memory_space<vmem>> -> memref<1x1x128xi32, #tpu.memory_space<vmem>>
      %dma_start3A_454 = tpu.memref_squeeze %dma_start3A_453 : memref<1x1x128xi32, #tpu.memory_space<vmem>> -> memref<128xi32, #tpu.memory_space<vmem>>
      %dma_start3A_455 = arith.constant 0 : i32
      %dma_start3A_456 = arith.constant 0 : i32
      %dma_start3A_457 = tpu.memref_slice %arg10[%dma_start3A_455, %dma_start3A_456] : memref<10240x64xbf16, #tpu.memory_space<vmem_shared>> -> memref<10240x64xbf16, #tpu.memory_space<vmem_shared>>
      tpu.enqueue_indirect_dma source(%dma_start3A_451 : memref<128x64xbf16, #tpu.memory_space<vmem>>) target(%dma_start3A_457 : memref<10240x64xbf16, #tpu.memory_space<vmem_shared>>) offsets(%dma_start3A_454 : memref<128xi32, #tpu.memory_space<vmem>>) semaphore(%arg14 : memref<!tpu.dma_semaphore, #tpu.memory_space<semaphore_mem>>) {add = true}
      %dma_start3A_458 = arith.constant 1 : i32
      %dma_start3A_459 = arith.constant 5 : i32
      %dma_start3A_460 = arith.constant 640 : i32
      %dma_start3A_461 = arith.constant 0 : i32
      %dma_start3A_462 = tpu.memref_slice %arg8[%dma_start3A_460, %dma_start3A_461] : memref<1024x64xbf16, #tpu.memory_space<vmem>> -> memref<128x64xbf16, #tpu.memory_space<vmem>>
      %dma_start3A_463 = arith.constant 0 : i32
      %dma_start3A_464 = tpu.memref_slice %arg6[%dma_start3A_458, %dma_start3A_459, %dma_start3A_463] : memref<2x8x128xi32, #tpu.memory_space<vmem>> -> memref<1x1x128xi32, #tpu.memory_space<vmem>>
      %dma_start3A_465 = tpu.memref_squeeze %dma_start3A_464 : memref<1x1x128xi32, #tpu.memory_space<vmem>> -> memref<128xi32, #tpu.memory_space<vmem>>
      %dma_start3A_466 = arith.constant 0 : i32
      %dma_start3A_467 = arith.constant 0 : i32
      %dma_start3A_468 = tpu.memref_slice %arg10[%dma_start3A_466, %dma_start3A_467] : memref<10240x64xbf16, #tpu.memory_space<vmem_shared>> -> memref<10240x64xbf16, #tpu.memory_space<vmem_shared>>
      tpu.enqueue_indirect_dma source(%dma_start3A_462 : memref<128x64xbf16, #tpu.memory_space<vmem>>) target(%dma_start3A_468 : memref<10240x64xbf16, #tpu.memory_space<vmem_shared>>) offsets(%dma_start3A_465 : memref<128xi32, #tpu.memory_space<vmem>>) semaphore(%arg14 : memref<!tpu.dma_semaphore, #tpu.memory_space<semaphore_mem>>) {add = true}
      %dma_start3A_469 = arith.constant 1 : i32
      %dma_start3A_470 = arith.constant 6 : i32
      %dma_start3A_471 = arith.constant 768 : i32
      %dma_start3A_472 = arith.constant 0 : i32
      %dma_start3A_473 = tpu.memref_slice %arg8[%dma_start3A_471, %dma_start3A_472] : memref<1024x64xbf16, #tpu.memory_space<vmem>> -> memref<128x64xbf16, #tpu.memory_space<vmem>>
      %dma_start3A_474 = arith.constant 0 : i32
      %dma_start3A_475 = tpu.memref_slice %arg6[%dma_start3A_469, %dma_start3A_470, %dma_start3A_474] : memref<2x8x128xi32, #tpu.memory_space<vmem>> -> memref<1x1x128xi32, #tpu.memory_space<vmem>>
      %dma_start3A_476 = tpu.memref_squeeze %dma_start3A_475 : memref<1x1x128xi32, #tpu.memory_space<vmem>> -> memref<128xi32, #tpu.memory_space<vmem>>
      %dma_start3A_477 = arith.constant 0 : i32
      %dma_start3A_478 = arith.constant 0 : i32
      %dma_start3A_479 = tpu.memref_slice %arg10[%dma_start3A_477, %dma_start3A_478] : memref<10240x64xbf16, #tpu.memory_space<vmem_shared>> -> memref<10240x64xbf16, #tpu.memory_space<vmem_shared>>
      tpu.enqueue_indirect_dma source(%dma_start3A_473 : memref<128x64xbf16, #tpu.memory_space<vmem>>) target(%dma_start3A_479 : memref<10240x64xbf16, #tpu.memory_space<vmem_shared>>) offsets(%dma_start3A_476 : memref<128xi32, #tpu.memory_space<vmem>>) semaphore(%arg14 : memref<!tpu.dma_semaphore, #tpu.memory_space<semaphore_mem>>) {add = true}
      %dma_start3A_480 = arith.constant 1 : i32
      %dma_start3A_481 = arith.constant 7 : i32
      %dma_start3A_482 = arith.constant 896 : i32
      %dma_start3A_483 = arith.constant 0 : i32
      %dma_start3A_484 = tpu.memref_slice %arg8[%dma_start3A_482, %dma_start3A_483] : memref<1024x64xbf16, #tpu.memory_space<vmem>> -> memref<128x64xbf16, #tpu.memory_space<vmem>>
      %dma_start3A_485 = arith.constant 0 : i32
      %dma_start3A_486 = tpu.memref_slice %arg6[%dma_start3A_480, %dma_start3A_481, %dma_start3A_485] : memref<2x8x128xi32, #tpu.memory_space<vmem>> -> memref<1x1x128xi32, #tpu.memory_space<vmem>>
      %dma_start3A_487 = tpu.memref_squeeze %dma_start3A_486 : memref<1x1x128xi32, #tpu.memory_space<vmem>> -> memref<128xi32, #tpu.memory_space<vmem>>
      %dma_start3A_488 = arith.constant 0 : i32
      %dma_start3A_489 = arith.constant 0 : i32
      %dma_start3A_490 = tpu.memref_slice %arg10[%dma_start3A_488, %dma_start3A_489] : memref<10240x64xbf16, #tpu.memory_space<vmem_shared>> -> memref<10240x64xbf16, #tpu.memory_space<vmem_shared>>
      tpu.enqueue_indirect_dma source(%dma_start3A_484 : memref<128x64xbf16, #tpu.memory_space<vmem>>) target(%dma_start3A_490 : memref<10240x64xbf16, #tpu.memory_space<vmem_shared>>) offsets(%dma_start3A_487 : memref<128xi32, #tpu.memory_space<vmem>>) semaphore(%arg14 : memref<!tpu.dma_semaphore, #tpu.memory_space<semaphore_mem>>) {add = true}
      %dma_wait3A_491 = arith.constant 1 : i32
      %dma_wait3A_492 = arith.constant 0 : i32
      %dma_wait3A_493 = arith.constant 0 : i32
      %dma_wait3A_494 = arith.constant 0 : i32
      %dma_wait3A_495 = tpu.memref_slice %arg8[%dma_wait3A_493, %dma_wait3A_494] : memref<1024x64xbf16, #tpu.memory_space<vmem>> -> memref<128x64xbf16, #tpu.memory_space<vmem>>
      %dma_wait3A_496 = arith.constant 0 : i32
      %dma_wait3A_497 = tpu.memref_slice %arg6[%dma_wait3A_491, %dma_wait3A_492, %dma_wait3A_496] : memref<2x8x128xi32, #tpu.memory_space<vmem>> -> memref<1x1x128xi32, #tpu.memory_space<vmem>>
      %dma_wait3A_498 = tpu.memref_squeeze %dma_wait3A_497 : memref<1x1x128xi32, #tpu.memory_space<vmem>> -> memref<128xi32, #tpu.memory_space<vmem>>
      %dma_wait3A_499 = arith.constant 0 : i32
      %dma_wait3A_500 = arith.constant 0 : i32
      %dma_wait3A_501 = tpu.memref_slice %arg10[%dma_wait3A_499, %dma_wait3A_500] : memref<10240x64xbf16, #tpu.memory_space<vmem_shared>> -> memref<10240x64xbf16, #tpu.memory_space<vmem_shared>>
      tpu.wait_indirect_dma semaphore(%arg14 : memref<!tpu.dma_semaphore, #tpu.memory_space<semaphore_mem>>) src(%dma_wait3A_495 : memref<128x64xbf16, #tpu.memory_space<vmem>>) dst(%dma_wait3A_501 : memref<10240x64xbf16, #tpu.memory_space<vmem_shared>>)
      %dma_wait3A_502 = arith.constant 1 : i32
      %dma_wait3A_503 = arith.constant 1 : i32
      %dma_wait3A_504 = arith.constant 128 : i32
      %dma_wait3A_505 = arith.constant 0 : i32
      %dma_wait3A_506 = tpu.memref_slice %arg8[%dma_wait3A_504, %dma_wait3A_505] : memref<1024x64xbf16, #tpu.memory_space<vmem>> -> memref<128x64xbf16, #tpu.memory_space<vmem>>
      %dma_wait3A_507 = arith.constant 0 : i32
      %dma_wait3A_508 = tpu.memref_slice %arg6[%dma_wait3A_502, %dma_wait3A_503, %dma_wait3A_507] : memref<2x8x128xi32, #tpu.memory_space<vmem>> -> memref<1x1x128xi32, #tpu.memory_space<vmem>>
      %dma_wait3A_509 = tpu.memref_squeeze %dma_wait3A_508 : memref<1x1x128xi32, #tpu.memory_space<vmem>> -> memref<128xi32, #tpu.memory_space<vmem>>
      %dma_wait3A_510 = arith.constant 0 : i32
      %dma_wait3A_511 = arith.constant 0 : i32
      %dma_wait3A_512 = tpu.memref_slice %arg10[%dma_wait3A_510, %dma_wait3A_511] : memref<10240x64xbf16, #tpu.memory_space<vmem_shared>> -> memref<10240x64xbf16, #tpu.memory_space<vmem_shared>>
      tpu.wait_indirect_dma semaphore(%arg14 : memref<!tpu.dma_semaphore, #tpu.memory_space<semaphore_mem>>) src(%dma_wait3A_506 : memref<128x64xbf16, #tpu.memory_space<vmem>>) dst(%dma_wait3A_512 : memref<10240x64xbf16, #tpu.memory_space<vmem_shared>>)
      %dma_wait3A_513 = arith.constant 1 : i32
      %dma_wait3A_514 = arith.constant 2 : i32
      %dma_wait3A_515 = arith.constant 256 : i32
      %dma_wait3A_516 = arith.constant 0 : i32
      %dma_wait3A_517 = tpu.memref_slice %arg8[%dma_wait3A_515, %dma_wait3A_516] : memref<1024x64xbf16, #tpu.memory_space<vmem>> -> memref<128x64xbf16, #tpu.memory_space<vmem>>
      %dma_wait3A_518 = arith.constant 0 : i32
      %dma_wait3A_519 = tpu.memref_slice %arg6[%dma_wait3A_513, %dma_wait3A_514, %dma_wait3A_518] : memref<2x8x128xi32, #tpu.memory_space<vmem>> -> memref<1x1x128xi32, #tpu.memory_space<vmem>>
      %dma_wait3A_520 = tpu.memref_squeeze %dma_wait3A_519 : memref<1x1x128xi32, #tpu.memory_space<vmem>> -> memref<128xi32, #tpu.memory_space<vmem>>
      %dma_wait3A_521 = arith.constant 0 : i32
      %dma_wait3A_522 = arith.constant 0 : i32
      %dma_wait3A_523 = tpu.memref_slice %arg10[%dma_wait3A_521, %dma_wait3A_522] : memref<10240x64xbf16, #tpu.memory_space<vmem_shared>> -> memref<10240x64xbf16, #tpu.memory_space<vmem_shared>>
      tpu.wait_indirect_dma semaphore(%arg14 : memref<!tpu.dma_semaphore, #tpu.memory_space<semaphore_mem>>) src(%dma_wait3A_517 : memref<128x64xbf16, #tpu.memory_space<vmem>>) dst(%dma_wait3A_523 : memref<10240x64xbf16, #tpu.memory_space<vmem_shared>>)
      %dma_wait3A_524 = arith.constant 1 : i32
      %dma_wait3A_525 = arith.constant 3 : i32
      %dma_wait3A_526 = arith.constant 384 : i32
      %dma_wait3A_527 = arith.constant 0 : i32
      %dma_wait3A_528 = tpu.memref_slice %arg8[%dma_wait3A_526, %dma_wait3A_527] : memref<1024x64xbf16, #tpu.memory_space<vmem>> -> memref<128x64xbf16, #tpu.memory_space<vmem>>
      %dma_wait3A_529 = arith.constant 0 : i32
      %dma_wait3A_530 = tpu.memref_slice %arg6[%dma_wait3A_524, %dma_wait3A_525, %dma_wait3A_529] : memref<2x8x128xi32, #tpu.memory_space<vmem>> -> memref<1x1x128xi32, #tpu.memory_space<vmem>>
      %dma_wait3A_531 = tpu.memref_squeeze %dma_wait3A_530 : memref<1x1x128xi32, #tpu.memory_space<vmem>> -> memref<128xi32, #tpu.memory_space<vmem>>
      %dma_wait3A_532 = arith.constant 0 : i32
      %dma_wait3A_533 = arith.constant 0 : i32
      %dma_wait3A_534 = tpu.memref_slice %arg10[%dma_wait3A_532, %dma_wait3A_533] : memref<10240x64xbf16, #tpu.memory_space<vmem_shared>> -> memref<10240x64xbf16, #tpu.memory_space<vmem_shared>>
      tpu.wait_indirect_dma semaphore(%arg14 : memref<!tpu.dma_semaphore, #tpu.memory_space<semaphore_mem>>) src(%dma_wait3A_528 : memref<128x64xbf16, #tpu.memory_space<vmem>>) dst(%dma_wait3A_534 : memref<10240x64xbf16, #tpu.memory_space<vmem_shared>>)
      %dma_wait3A_535 = arith.constant 1 : i32
      %dma_wait3A_536 = arith.constant 4 : i32
      %dma_wait3A_537 = arith.constant 512 : i32
      %dma_wait3A_538 = arith.constant 0 : i32
      %dma_wait3A_539 = tpu.memref_slice %arg8[%dma_wait3A_537, %dma_wait3A_538] : memref<1024x64xbf16, #tpu.memory_space<vmem>> -> memref<128x64xbf16, #tpu.memory_space<vmem>>
      %dma_wait3A_540 = arith.constant 0 : i32
      %dma_wait3A_541 = tpu.memref_slice %arg6[%dma_wait3A_535, %dma_wait3A_536, %dma_wait3A_540] : memref<2x8x128xi32, #tpu.memory_space<vmem>> -> memref<1x1x128xi32, #tpu.memory_space<vmem>>
      %dma_wait3A_542 = tpu.memref_squeeze %dma_wait3A_541 : memref<1x1x128xi32, #tpu.memory_space<vmem>> -> memref<128xi32, #tpu.memory_space<vmem>>
      %dma_wait3A_543 = arith.constant 0 : i32
      %dma_wait3A_544 = arith.constant 0 : i32
      %dma_wait3A_545 = tpu.memref_slice %arg10[%dma_wait3A_543, %dma_wait3A_544] : memref<10240x64xbf16, #tpu.memory_space<vmem_shared>> -> memref<10240x64xbf16, #tpu.memory_space<vmem_shared>>
      tpu.wait_indirect_dma semaphore(%arg14 : memref<!tpu.dma_semaphore, #tpu.memory_space<semaphore_mem>>) src(%dma_wait3A_539 : memref<128x64xbf16, #tpu.memory_space<vmem>>) dst(%dma_wait3A_545 : memref<10240x64xbf16, #tpu.memory_space<vmem_shared>>)
      %dma_wait3A_546 = arith.constant 1 : i32
      %dma_wait3A_547 = arith.constant 5 : i32
      %dma_wait3A_548 = arith.constant 640 : i32
      %dma_wait3A_549 = arith.constant 0 : i32
      %dma_wait3A_550 = tpu.memref_slice %arg8[%dma_wait3A_548, %dma_wait3A_549] : memref<1024x64xbf16, #tpu.memory_space<vmem>> -> memref<128x64xbf16, #tpu.memory_space<vmem>>
      %dma_wait3A_551 = arith.constant 0 : i32
      %dma_wait3A_552 = tpu.memref_slice %arg6[%dma_wait3A_546, %dma_wait3A_547, %dma_wait3A_551] : memref<2x8x128xi32, #tpu.memory_space<vmem>> -> memref<1x1x128xi32, #tpu.memory_space<vmem>>
      %dma_wait3A_553 = tpu.memref_squeeze %dma_wait3A_552 : memref<1x1x128xi32, #tpu.memory_space<vmem>> -> memref<128xi32, #tpu.memory_space<vmem>>
      %dma_wait3A_554 = arith.constant 0 : i32
      %dma_wait3A_555 = arith.constant 0 : i32
      %dma_wait3A_556 = tpu.memref_slice %arg10[%dma_wait3A_554, %dma_wait3A_555] : memref<10240x64xbf16, #tpu.memory_space<vmem_shared>> -> memref<10240x64xbf16, #tpu.memory_space<vmem_shared>>
      tpu.wait_indirect_dma semaphore(%arg14 : memref<!tpu.dma_semaphore, #tpu.memory_space<semaphore_mem>>) src(%dma_wait3A_550 : memref<128x64xbf16, #tpu.memory_space<vmem>>) dst(%dma_wait3A_556 : memref<10240x64xbf16, #tpu.memory_space<vmem_shared>>)
      %dma_wait3A_557 = arith.constant 1 : i32
      %dma_wait3A_558 = arith.constant 6 : i32
      %dma_wait3A_559 = arith.constant 768 : i32
      %dma_wait3A_560 = arith.constant 0 : i32
      %dma_wait3A_561 = tpu.memref_slice %arg8[%dma_wait3A_559, %dma_wait3A_560] : memref<1024x64xbf16, #tpu.memory_space<vmem>> -> memref<128x64xbf16, #tpu.memory_space<vmem>>
      %dma_wait3A_562 = arith.constant 0 : i32
      %dma_wait3A_563 = tpu.memref_slice %arg6[%dma_wait3A_557, %dma_wait3A_558, %dma_wait3A_562] : memref<2x8x128xi32, #tpu.memory_space<vmem>> -> memref<1x1x128xi32, #tpu.memory_space<vmem>>
      %dma_wait3A_564 = tpu.memref_squeeze %dma_wait3A_563 : memref<1x1x128xi32, #tpu.memory_space<vmem>> -> memref<128xi32, #tpu.memory_space<vmem>>
      %dma_wait3A_565 = arith.constant 0 : i32
      %dma_wait3A_566 = arith.constant 0 : i32
      %dma_wait3A_567 = tpu.memref_slice %arg10[%dma_wait3A_565, %dma_wait3A_566] : memref<10240x64xbf16, #tpu.memory_space<vmem_shared>> -> memref<10240x64xbf16, #tpu.memory_space<vmem_shared>>
      tpu.wait_indirect_dma semaphore(%arg14 : memref<!tpu.dma_semaphore, #tpu.memory_space<semaphore_mem>>) src(%dma_wait3A_561 : memref<128x64xbf16, #tpu.memory_space<vmem>>) dst(%dma_wait3A_567 : memref<10240x64xbf16, #tpu.memory_space<vmem_shared>>)
      %dma_wait3A_568 = arith.constant 1 : i32
      %dma_wait3A_569 = arith.constant 7 : i32
      %dma_wait3A_570 = arith.constant 896 : i32
      %dma_wait3A_571 = arith.constant 0 : i32
      %dma_wait3A_572 = tpu.memref_slice %arg8[%dma_wait3A_570, %dma_wait3A_571] : memref<1024x64xbf16, #tpu.memory_space<vmem>> -> memref<128x64xbf16, #tpu.memory_space<vmem>>
      %dma_wait3A_573 = arith.constant 0 : i32
      %dma_wait3A_574 = tpu.memref_slice %arg6[%dma_wait3A_568, %dma_wait3A_569, %dma_wait3A_573] : memref<2x8x128xi32, #tpu.memory_space<vmem>> -> memref<1x1x128xi32, #tpu.memory_space<vmem>>
      %dma_wait3A_575 = tpu.memref_squeeze %dma_wait3A_574 : memref<1x1x128xi32, #tpu.memory_space<vmem>> -> memref<128xi32, #tpu.memory_space<vmem>>
      %dma_wait3A_576 = arith.constant 0 : i32
      %dma_wait3A_577 = arith.constant 0 : i32
      %dma_wait3A_578 = tpu.memref_slice %arg10[%dma_wait3A_576, %dma_wait3A_577] : memref<10240x64xbf16, #tpu.memory_space<vmem_shared>> -> memref<10240x64xbf16, #tpu.memory_space<vmem_shared>>
      tpu.wait_indirect_dma semaphore(%arg14 : memref<!tpu.dma_semaphore, #tpu.memory_space<semaphore_mem>>) src(%dma_wait3A_572 : memref<128x64xbf16, #tpu.memory_space<vmem>>) dst(%dma_wait3A_578 : memref<10240x64xbf16, #tpu.memory_space<vmem_shared>>)
      %lt3A = arith.constant 4 : i32
      %lt3A_579 = arith.cmpi slt, %scan3A_215, %lt3A : i32
      %convert_element_type3A_580 = arith.extui %lt3A_579 : i1 to i32
      %cond3A_581 = arith.constant 0 : i32
      %cond3A_582 = arith.cmpi ne, %convert_element_type3A_580, %cond3A_581 : i32
      scf.if %cond3A_582 {
        %mul3A_759 = arith.constant 2 : i32
        %mul3A_760 = arith.muli %mul3A_759, %scan3A_215 : i32
        %add3A_761 = arith.constant 2 : i32
        %add3A_762 = arith.addi %mul3A_760, %add3A_761 : i32
        %mul3A_763 = arith.constant 80 : i32
        %mul3A_764 = arith.muli %add3A, %mul3A_763 : i32
        %mul3A_765 = arith.constant 8 : i32
        %mul3A_766 = arith.muli %add3A_762, %mul3A_765 : i32
        %add3A_767 = arith.addi %mul3A_764, %mul3A_766 : i32
        "tpu.region"() ({
          %run_scoped3A = tpu.sem_alloc : memref<!tpu.dma_semaphore, #tpu.memory_space<semaphore_mem>>
          %dma_start3A_856 = arith.constant 0 : i32
          %dma_start3A_857 = arith.constant 0 : i32
          %dma_start3A_858 = tpu.memref_slice %arg3[%dma_start3A_856, %add3A_767, %dma_start3A_857] : memref<2x2560x128xi32, #tpu.memory_space<hbm>> -> memref<2x8x128xi32, #tpu.memory_space<hbm>>
          %dma_start3A_859 = arith.constant 0 : i32
          %dma_start3A_860 = arith.constant 0 : i32
          %dma_start3A_861 = tpu.memref_slice %arg3[%dma_start3A_859, %add3A_767, %dma_start3A_860] : memref<2x2560x128xi32, #tpu.memory_space<hbm>> -> memref<2x8x128xi32, #tpu.memory_space<hbm>>
          tpu.enqueue_dma source(%dma_start3A_861 : memref<2x8x128xi32, #tpu.memory_space<hbm>>) target(%arg6 : memref<2x8x128xi32, #tpu.memory_space<vmem>>) target_semaphore(%run_scoped3A : memref<!tpu.dma_semaphore, #tpu.memory_space<semaphore_mem>>)
          %dma_wait3A_862 = arith.constant 0 : i32
          %dma_wait3A_863 = arith.constant 0 : i32
          %dma_wait3A_864 = tpu.memref_slice %arg3[%dma_wait3A_862, %add3A_767, %dma_wait3A_863] : memref<2x2560x128xi32, #tpu.memory_space<hbm>> -> memref<2x8x128xi32, #tpu.memory_space<hbm>>
          %dma_wait3A_865 = arith.constant 0 : i32
          %dma_wait3A_866 = arith.constant 0 : i32
          %dma_wait3A_867 = tpu.memref_slice %arg3[%dma_wait3A_865, %add3A_767, %dma_wait3A_866] : memref<2x2560x128xi32, #tpu.memory_space<hbm>> -> memref<2x8x128xi32, #tpu.memory_space<hbm>>
          tpu.wait_dma2 semaphore(%run_scoped3A : memref<!tpu.dma_semaphore, #tpu.memory_space<semaphore_mem>>) src(%dma_wait3A_867 : memref<2x8x128xi32, #tpu.memory_space<hbm>>) dst(%arg6 : memref<2x8x128xi32, #tpu.memory_space<vmem>>)
          tpu.yield
        }) : () -> ()
        %dma_start3A_768 = arith.constant 0 : i32
        %dma_start3A_769 = arith.constant 0 : i32
        %dma_start3A_770 = arith.constant 0 : i32
        %dma_start3A_771 = arith.constant 0 : i32
        %dma_start3A_772 = tpu.memref_slice %arg8[%dma_start3A_770, %dma_start3A_771] : memref<1024x64xbf16, #tpu.memory_space<vmem>> -> memref<128x64xbf16, #tpu.memory_space<vmem>>
        %dma_start3A_773 = arith.constant 0 : i32
        %dma_start3A_774 = tpu.memref_slice %arg6[%dma_start3A_768, %dma_start3A_769, %dma_start3A_773] : memref<2x8x128xi32, #tpu.memory_space<vmem>> -> memref<1x1x128xi32, #tpu.memory_space<vmem>>
        %dma_start3A_775 = tpu.memref_squeeze %dma_start3A_774 : memref<1x1x128xi32, #tpu.memory_space<vmem>> -> memref<128xi32, #tpu.memory_space<vmem>>
        %dma_start3A_776 = arith.constant 0 : i32
        %dma_start3A_777 = arith.constant 0 : i32
        %dma_start3A_778 = tpu.memref_slice %arg11[%dma_start3A_776, %dma_start3A_777] : memref<10240x64xbf16, #tpu.memory_space<vmem_shared>> -> memref<10240x64xbf16, #tpu.memory_space<vmem_shared>>
        tpu.enqueue_indirect_dma source(%dma_start3A_778 : memref<10240x64xbf16, #tpu.memory_space<vmem_shared>>) target(%dma_start3A_772 : memref<128x64xbf16, #tpu.memory_space<vmem>>) offsets(%dma_start3A_775 : memref<128xi32, #tpu.memory_space<vmem>>) semaphore(%arg12 : memref<!tpu.dma_semaphore, #tpu.memory_space<semaphore_mem>>)
        %dma_start3A_779 = arith.constant 0 : i32
        %dma_start3A_780 = arith.constant 1 : i32
        %dma_start3A_781 = arith.constant 128 : i32
        %dma_start3A_782 = arith.constant 0 : i32
        %dma_start3A_783 = tpu.memref_slice %arg8[%dma_start3A_781, %dma_start3A_782] : memref<1024x64xbf16, #tpu.memory_space<vmem>> -> memref<128x64xbf16, #tpu.memory_space<vmem>>
        %dma_start3A_784 = arith.constant 0 : i32
        %dma_start3A_785 = tpu.memref_slice %arg6[%dma_start3A_779, %dma_start3A_780, %dma_start3A_784] : memref<2x8x128xi32, #tpu.memory_space<vmem>> -> memref<1x1x128xi32, #tpu.memory_space<vmem>>
        %dma_start3A_786 = tpu.memref_squeeze %dma_start3A_785 : memref<1x1x128xi32, #tpu.memory_space<vmem>> -> memref<128xi32, #tpu.memory_space<vmem>>
        %dma_start3A_787 = arith.constant 0 : i32
        %dma_start3A_788 = arith.constant 0 : i32
        %dma_start3A_789 = tpu.memref_slice %arg11[%dma_start3A_787, %dma_start3A_788] : memref<10240x64xbf16, #tpu.memory_space<vmem_shared>> -> memref<10240x64xbf16, #tpu.memory_space<vmem_shared>>
        tpu.enqueue_indirect_dma source(%dma_start3A_789 : memref<10240x64xbf16, #tpu.memory_space<vmem_shared>>) target(%dma_start3A_783 : memref<128x64xbf16, #tpu.memory_space<vmem>>) offsets(%dma_start3A_786 : memref<128xi32, #tpu.memory_space<vmem>>) semaphore(%arg12 : memref<!tpu.dma_semaphore, #tpu.memory_space<semaphore_mem>>)
        %dma_start3A_790 = arith.constant 0 : i32
        %dma_start3A_791 = arith.constant 2 : i32
        %dma_start3A_792 = arith.constant 256 : i32
        %dma_start3A_793 = arith.constant 0 : i32
        %dma_start3A_794 = tpu.memref_slice %arg8[%dma_start3A_792, %dma_start3A_793] : memref<1024x64xbf16, #tpu.memory_space<vmem>> -> memref<128x64xbf16, #tpu.memory_space<vmem>>
        %dma_start3A_795 = arith.constant 0 : i32
        %dma_start3A_796 = tpu.memref_slice %arg6[%dma_start3A_790, %dma_start3A_791, %dma_start3A_795] : memref<2x8x128xi32, #tpu.memory_space<vmem>> -> memref<1x1x128xi32, #tpu.memory_space<vmem>>
        %dma_start3A_797 = tpu.memref_squeeze %dma_start3A_796 : memref<1x1x128xi32, #tpu.memory_space<vmem>> -> memref<128xi32, #tpu.memory_space<vmem>>
        %dma_start3A_798 = arith.constant 0 : i32
        %dma_start3A_799 = arith.constant 0 : i32
        %dma_start3A_800 = tpu.memref_slice %arg11[%dma_start3A_798, %dma_start3A_799] : memref<10240x64xbf16, #tpu.memory_space<vmem_shared>> -> memref<10240x64xbf16, #tpu.memory_space<vmem_shared>>
        tpu.enqueue_indirect_dma source(%dma_start3A_800 : memref<10240x64xbf16, #tpu.memory_space<vmem_shared>>) target(%dma_start3A_794 : memref<128x64xbf16, #tpu.memory_space<vmem>>) offsets(%dma_start3A_797 : memref<128xi32, #tpu.memory_space<vmem>>) semaphore(%arg12 : memref<!tpu.dma_semaphore, #tpu.memory_space<semaphore_mem>>)
        %dma_start3A_801 = arith.constant 0 : i32
        %dma_start3A_802 = arith.constant 3 : i32
        %dma_start3A_803 = arith.constant 384 : i32
        %dma_start3A_804 = arith.constant 0 : i32
        %dma_start3A_805 = tpu.memref_slice %arg8[%dma_start3A_803, %dma_start3A_804] : memref<1024x64xbf16, #tpu.memory_space<vmem>> -> memref<128x64xbf16, #tpu.memory_space<vmem>>
        %dma_start3A_806 = arith.constant 0 : i32
        %dma_start3A_807 = tpu.memref_slice %arg6[%dma_start3A_801, %dma_start3A_802, %dma_start3A_806] : memref<2x8x128xi32, #tpu.memory_space<vmem>> -> memref<1x1x128xi32, #tpu.memory_space<vmem>>
        %dma_start3A_808 = tpu.memref_squeeze %dma_start3A_807 : memref<1x1x128xi32, #tpu.memory_space<vmem>> -> memref<128xi32, #tpu.memory_space<vmem>>
        %dma_start3A_809 = arith.constant 0 : i32
        %dma_start3A_810 = arith.constant 0 : i32
        %dma_start3A_811 = tpu.memref_slice %arg11[%dma_start3A_809, %dma_start3A_810] : memref<10240x64xbf16, #tpu.memory_space<vmem_shared>> -> memref<10240x64xbf16, #tpu.memory_space<vmem_shared>>
        tpu.enqueue_indirect_dma source(%dma_start3A_811 : memref<10240x64xbf16, #tpu.memory_space<vmem_shared>>) target(%dma_start3A_805 : memref<128x64xbf16, #tpu.memory_space<vmem>>) offsets(%dma_start3A_808 : memref<128xi32, #tpu.memory_space<vmem>>) semaphore(%arg12 : memref<!tpu.dma_semaphore, #tpu.memory_space<semaphore_mem>>)
        %dma_start3A_812 = arith.constant 0 : i32
        %dma_start3A_813 = arith.constant 4 : i32
        %dma_start3A_814 = arith.constant 512 : i32
        %dma_start3A_815 = arith.constant 0 : i32
        %dma_start3A_816 = tpu.memref_slice %arg8[%dma_start3A_814, %dma_start3A_815] : memref<1024x64xbf16, #tpu.memory_space<vmem>> -> memref<128x64xbf16, #tpu.memory_space<vmem>>
        %dma_start3A_817 = arith.constant 0 : i32
        %dma_start3A_818 = tpu.memref_slice %arg6[%dma_start3A_812, %dma_start3A_813, %dma_start3A_817] : memref<2x8x128xi32, #tpu.memory_space<vmem>> -> memref<1x1x128xi32, #tpu.memory_space<vmem>>
        %dma_start3A_819 = tpu.memref_squeeze %dma_start3A_818 : memref<1x1x128xi32, #tpu.memory_space<vmem>> -> memref<128xi32, #tpu.memory_space<vmem>>
        %dma_start3A_820 = arith.constant 0 : i32
        %dma_start3A_821 = arith.constant 0 : i32
        %dma_start3A_822 = tpu.memref_slice %arg11[%dma_start3A_820, %dma_start3A_821] : memref<10240x64xbf16, #tpu.memory_space<vmem_shared>> -> memref<10240x64xbf16, #tpu.memory_space<vmem_shared>>
        tpu.enqueue_indirect_dma source(%dma_start3A_822 : memref<10240x64xbf16, #tpu.memory_space<vmem_shared>>) target(%dma_start3A_816 : memref<128x64xbf16, #tpu.memory_space<vmem>>) offsets(%dma_start3A_819 : memref<128xi32, #tpu.memory_space<vmem>>) semaphore(%arg12 : memref<!tpu.dma_semaphore, #tpu.memory_space<semaphore_mem>>)
        %dma_start3A_823 = arith.constant 0 : i32
        %dma_start3A_824 = arith.constant 5 : i32
        %dma_start3A_825 = arith.constant 640 : i32
        %dma_start3A_826 = arith.constant 0 : i32
        %dma_start3A_827 = tpu.memref_slice %arg8[%dma_start3A_825, %dma_start3A_826] : memref<1024x64xbf16, #tpu.memory_space<vmem>> -> memref<128x64xbf16, #tpu.memory_space<vmem>>
        %dma_start3A_828 = arith.constant 0 : i32
        %dma_start3A_829 = tpu.memref_slice %arg6[%dma_start3A_823, %dma_start3A_824, %dma_start3A_828] : memref<2x8x128xi32, #tpu.memory_space<vmem>> -> memref<1x1x128xi32, #tpu.memory_space<vmem>>
        %dma_start3A_830 = tpu.memref_squeeze %dma_start3A_829 : memref<1x1x128xi32, #tpu.memory_space<vmem>> -> memref<128xi32, #tpu.memory_space<vmem>>
        %dma_start3A_831 = arith.constant 0 : i32
        %dma_start3A_832 = arith.constant 0 : i32
        %dma_start3A_833 = tpu.memref_slice %arg11[%dma_start3A_831, %dma_start3A_832] : memref<10240x64xbf16, #tpu.memory_space<vmem_shared>> -> memref<10240x64xbf16, #tpu.memory_space<vmem_shared>>
        tpu.enqueue_indirect_dma source(%dma_start3A_833 : memref<10240x64xbf16, #tpu.memory_space<vmem_shared>>) target(%dma_start3A_827 : memref<128x64xbf16, #tpu.memory_space<vmem>>) offsets(%dma_start3A_830 : memref<128xi32, #tpu.memory_space<vmem>>) semaphore(%arg12 : memref<!tpu.dma_semaphore, #tpu.memory_space<semaphore_mem>>)
        %dma_start3A_834 = arith.constant 0 : i32
        %dma_start3A_835 = arith.constant 6 : i32
        %dma_start3A_836 = arith.constant 768 : i32
        %dma_start3A_837 = arith.constant 0 : i32
        %dma_start3A_838 = tpu.memref_slice %arg8[%dma_start3A_836, %dma_start3A_837] : memref<1024x64xbf16, #tpu.memory_space<vmem>> -> memref<128x64xbf16, #tpu.memory_space<vmem>>
        %dma_start3A_839 = arith.constant 0 : i32
        %dma_start3A_840 = tpu.memref_slice %arg6[%dma_start3A_834, %dma_start3A_835, %dma_start3A_839] : memref<2x8x128xi32, #tpu.memory_space<vmem>> -> memref<1x1x128xi32, #tpu.memory_space<vmem>>
        %dma_start3A_841 = tpu.memref_squeeze %dma_start3A_840 : memref<1x1x128xi32, #tpu.memory_space<vmem>> -> memref<128xi32, #tpu.memory_space<vmem>>
        %dma_start3A_842 = arith.constant 0 : i32
        %dma_start3A_843 = arith.constant 0 : i32
        %dma_start3A_844 = tpu.memref_slice %arg11[%dma_start3A_842, %dma_start3A_843] : memref<10240x64xbf16, #tpu.memory_space<vmem_shared>> -> memref<10240x64xbf16, #tpu.memory_space<vmem_shared>>
        tpu.enqueue_indirect_dma source(%dma_start3A_844 : memref<10240x64xbf16, #tpu.memory_space<vmem_shared>>) target(%dma_start3A_838 : memref<128x64xbf16, #tpu.memory_space<vmem>>) offsets(%dma_start3A_841 : memref<128xi32, #tpu.memory_space<vmem>>) semaphore(%arg12 : memref<!tpu.dma_semaphore, #tpu.memory_space<semaphore_mem>>)
        %dma_start3A_845 = arith.constant 0 : i32
        %dma_start3A_846 = arith.constant 7 : i32
        %dma_start3A_847 = arith.constant 896 : i32
        %dma_start3A_848 = arith.constant 0 : i32
        %dma_start3A_849 = tpu.memref_slice %arg8[%dma_start3A_847, %dma_start3A_848] : memref<1024x64xbf16, #tpu.memory_space<vmem>> -> memref<128x64xbf16, #tpu.memory_space<vmem>>
        %dma_start3A_850 = arith.constant 0 : i32
        %dma_start3A_851 = tpu.memref_slice %arg6[%dma_start3A_845, %dma_start3A_846, %dma_start3A_850] : memref<2x8x128xi32, #tpu.memory_space<vmem>> -> memref<1x1x128xi32, #tpu.memory_space<vmem>>
        %dma_start3A_852 = tpu.memref_squeeze %dma_start3A_851 : memref<1x1x128xi32, #tpu.memory_space<vmem>> -> memref<128xi32, #tpu.memory_space<vmem>>
        %dma_start3A_853 = arith.constant 0 : i32
        %dma_start3A_854 = arith.constant 0 : i32
        %dma_start3A_855 = tpu.memref_slice %arg11[%dma_start3A_853, %dma_start3A_854] : memref<10240x64xbf16, #tpu.memory_space<vmem_shared>> -> memref<10240x64xbf16, #tpu.memory_space<vmem_shared>>
        tpu.enqueue_indirect_dma source(%dma_start3A_855 : memref<10240x64xbf16, #tpu.memory_space<vmem_shared>>) target(%dma_start3A_849 : memref<128x64xbf16, #tpu.memory_space<vmem>>) offsets(%dma_start3A_852 : memref<128xi32, #tpu.memory_space<vmem>>) semaphore(%arg12 : memref<!tpu.dma_semaphore, #tpu.memory_space<semaphore_mem>>)
      } else {
      }
      %dma_wait3A_583 = arith.constant 0 : i32
      %dma_wait3A_584 = arith.constant 0 : i32
      %dma_wait3A_585 = arith.constant 0 : i32
      %dma_wait3A_586 = arith.constant 0 : i32
      %dma_wait3A_587 = tpu.memref_slice %arg9[%dma_wait3A_585, %dma_wait3A_586] : memref<1024x64xbf16, #tpu.memory_space<vmem>> -> memref<128x64xbf16, #tpu.memory_space<vmem>>
      %dma_wait3A_588 = arith.constant 0 : i32
      %dma_wait3A_589 = tpu.memref_slice %arg7[%dma_wait3A_583, %dma_wait3A_584, %dma_wait3A_588] : memref<2x8x128xi32, #tpu.memory_space<vmem>> -> memref<1x1x128xi32, #tpu.memory_space<vmem>>
      %dma_wait3A_590 = tpu.memref_squeeze %dma_wait3A_589 : memref<1x1x128xi32, #tpu.memory_space<vmem>> -> memref<128xi32, #tpu.memory_space<vmem>>
      %dma_wait3A_591 = arith.constant 0 : i32
      %dma_wait3A_592 = arith.constant 0 : i32
      %dma_wait3A_593 = tpu.memref_slice %arg11[%dma_wait3A_591, %dma_wait3A_592] : memref<10240x64xbf16, #tpu.memory_space<vmem_shared>> -> memref<10240x64xbf16, #tpu.memory_space<vmem_shared>>
      tpu.wait_indirect_dma semaphore(%arg13 : memref<!tpu.dma_semaphore, #tpu.memory_space<semaphore_mem>>) src(%dma_wait3A_593 : memref<10240x64xbf16, #tpu.memory_space<vmem_shared>>) dst(%dma_wait3A_587 : memref<128x64xbf16, #tpu.memory_space<vmem>>)
      %dma_wait3A_594 = arith.constant 0 : i32
      %dma_wait3A_595 = arith.constant 1 : i32
      %dma_wait3A_596 = arith.constant 128 : i32
      %dma_wait3A_597 = arith.constant 0 : i32
      %dma_wait3A_598 = tpu.memref_slice %arg9[%dma_wait3A_596, %dma_wait3A_597] : memref<1024x64xbf16, #tpu.memory_space<vmem>> -> memref<128x64xbf16, #tpu.memory_space<vmem>>
      %dma_wait3A_599 = arith.constant 0 : i32
      %dma_wait3A_600 = tpu.memref_slice %arg7[%dma_wait3A_594, %dma_wait3A_595, %dma_wait3A_599] : memref<2x8x128xi32, #tpu.memory_space<vmem>> -> memref<1x1x128xi32, #tpu.memory_space<vmem>>
      %dma_wait3A_601 = tpu.memref_squeeze %dma_wait3A_600 : memref<1x1x128xi32, #tpu.memory_space<vmem>> -> memref<128xi32, #tpu.memory_space<vmem>>
      %dma_wait3A_602 = arith.constant 0 : i32
      %dma_wait3A_603 = arith.constant 0 : i32
      %dma_wait3A_604 = tpu.memref_slice %arg11[%dma_wait3A_602, %dma_wait3A_603] : memref<10240x64xbf16, #tpu.memory_space<vmem_shared>> -> memref<10240x64xbf16, #tpu.memory_space<vmem_shared>>
      tpu.wait_indirect_dma semaphore(%arg13 : memref<!tpu.dma_semaphore, #tpu.memory_space<semaphore_mem>>) src(%dma_wait3A_604 : memref<10240x64xbf16, #tpu.memory_space<vmem_shared>>) dst(%dma_wait3A_598 : memref<128x64xbf16, #tpu.memory_space<vmem>>)
      %dma_wait3A_605 = arith.constant 0 : i32
      %dma_wait3A_606 = arith.constant 2 : i32
      %dma_wait3A_607 = arith.constant 256 : i32
      %dma_wait3A_608 = arith.constant 0 : i32
      %dma_wait3A_609 = tpu.memref_slice %arg9[%dma_wait3A_607, %dma_wait3A_608] : memref<1024x64xbf16, #tpu.memory_space<vmem>> -> memref<128x64xbf16, #tpu.memory_space<vmem>>
      %dma_wait3A_610 = arith.constant 0 : i32
      %dma_wait3A_611 = tpu.memref_slice %arg7[%dma_wait3A_605, %dma_wait3A_606, %dma_wait3A_610] : memref<2x8x128xi32, #tpu.memory_space<vmem>> -> memref<1x1x128xi32, #tpu.memory_space<vmem>>
      %dma_wait3A_612 = tpu.memref_squeeze %dma_wait3A_611 : memref<1x1x128xi32, #tpu.memory_space<vmem>> -> memref<128xi32, #tpu.memory_space<vmem>>
      %dma_wait3A_613 = arith.constant 0 : i32
      %dma_wait3A_614 = arith.constant 0 : i32
      %dma_wait3A_615 = tpu.memref_slice %arg11[%dma_wait3A_613, %dma_wait3A_614] : memref<10240x64xbf16, #tpu.memory_space<vmem_shared>> -> memref<10240x64xbf16, #tpu.memory_space<vmem_shared>>
      tpu.wait_indirect_dma semaphore(%arg13 : memref<!tpu.dma_semaphore, #tpu.memory_space<semaphore_mem>>) src(%dma_wait3A_615 : memref<10240x64xbf16, #tpu.memory_space<vmem_shared>>) dst(%dma_wait3A_609 : memref<128x64xbf16, #tpu.memory_space<vmem>>)
      %dma_wait3A_616 = arith.constant 0 : i32
      %dma_wait3A_617 = arith.constant 3 : i32
      %dma_wait3A_618 = arith.constant 384 : i32
      %dma_wait3A_619 = arith.constant 0 : i32
      %dma_wait3A_620 = tpu.memref_slice %arg9[%dma_wait3A_618, %dma_wait3A_619] : memref<1024x64xbf16, #tpu.memory_space<vmem>> -> memref<128x64xbf16, #tpu.memory_space<vmem>>
      %dma_wait3A_621 = arith.constant 0 : i32
      %dma_wait3A_622 = tpu.memref_slice %arg7[%dma_wait3A_616, %dma_wait3A_617, %dma_wait3A_621] : memref<2x8x128xi32, #tpu.memory_space<vmem>> -> memref<1x1x128xi32, #tpu.memory_space<vmem>>
      %dma_wait3A_623 = tpu.memref_squeeze %dma_wait3A_622 : memref<1x1x128xi32, #tpu.memory_space<vmem>> -> memref<128xi32, #tpu.memory_space<vmem>>
      %dma_wait3A_624 = arith.constant 0 : i32
      %dma_wait3A_625 = arith.constant 0 : i32
      %dma_wait3A_626 = tpu.memref_slice %arg11[%dma_wait3A_624, %dma_wait3A_625] : memref<10240x64xbf16, #tpu.memory_space<vmem_shared>> -> memref<10240x64xbf16, #tpu.memory_space<vmem_shared>>
      tpu.wait_indirect_dma semaphore(%arg13 : memref<!tpu.dma_semaphore, #tpu.memory_space<semaphore_mem>>) src(%dma_wait3A_626 : memref<10240x64xbf16, #tpu.memory_space<vmem_shared>>) dst(%dma_wait3A_620 : memref<128x64xbf16, #tpu.memory_space<vmem>>)
      %dma_wait3A_627 = arith.constant 0 : i32
      %dma_wait3A_628 = arith.constant 4 : i32
      %dma_wait3A_629 = arith.constant 512 : i32
      %dma_wait3A_630 = arith.constant 0 : i32
      %dma_wait3A_631 = tpu.memref_slice %arg9[%dma_wait3A_629, %dma_wait3A_630] : memref<1024x64xbf16, #tpu.memory_space<vmem>> -> memref<128x64xbf16, #tpu.memory_space<vmem>>
      %dma_wait3A_632 = arith.constant 0 : i32
      %dma_wait3A_633 = tpu.memref_slice %arg7[%dma_wait3A_627, %dma_wait3A_628, %dma_wait3A_632] : memref<2x8x128xi32, #tpu.memory_space<vmem>> -> memref<1x1x128xi32, #tpu.memory_space<vmem>>
      %dma_wait3A_634 = tpu.memref_squeeze %dma_wait3A_633 : memref<1x1x128xi32, #tpu.memory_space<vmem>> -> memref<128xi32, #tpu.memory_space<vmem>>
      %dma_wait3A_635 = arith.constant 0 : i32
      %dma_wait3A_636 = arith.constant 0 : i32
      %dma_wait3A_637 = tpu.memref_slice %arg11[%dma_wait3A_635, %dma_wait3A_636] : memref<10240x64xbf16, #tpu.memory_space<vmem_shared>> -> memref<10240x64xbf16, #tpu.memory_space<vmem_shared>>
      tpu.wait_indirect_dma semaphore(%arg13 : memref<!tpu.dma_semaphore, #tpu.memory_space<semaphore_mem>>) src(%dma_wait3A_637 : memref<10240x64xbf16, #tpu.memory_space<vmem_shared>>) dst(%dma_wait3A_631 : memref<128x64xbf16, #tpu.memory_space<vmem>>)
      %dma_wait3A_638 = arith.constant 0 : i32
      %dma_wait3A_639 = arith.constant 5 : i32
      %dma_wait3A_640 = arith.constant 640 : i32
      %dma_wait3A_641 = arith.constant 0 : i32
      %dma_wait3A_642 = tpu.memref_slice %arg9[%dma_wait3A_640, %dma_wait3A_641] : memref<1024x64xbf16, #tpu.memory_space<vmem>> -> memref<128x64xbf16, #tpu.memory_space<vmem>>
      %dma_wait3A_643 = arith.constant 0 : i32
      %dma_wait3A_644 = tpu.memref_slice %arg7[%dma_wait3A_638, %dma_wait3A_639, %dma_wait3A_643] : memref<2x8x128xi32, #tpu.memory_space<vmem>> -> memref<1x1x128xi32, #tpu.memory_space<vmem>>
      %dma_wait3A_645 = tpu.memref_squeeze %dma_wait3A_644 : memref<1x1x128xi32, #tpu.memory_space<vmem>> -> memref<128xi32, #tpu.memory_space<vmem>>
      %dma_wait3A_646 = arith.constant 0 : i32
      %dma_wait3A_647 = arith.constant 0 : i32
      %dma_wait3A_648 = tpu.memref_slice %arg11[%dma_wait3A_646, %dma_wait3A_647] : memref<10240x64xbf16, #tpu.memory_space<vmem_shared>> -> memref<10240x64xbf16, #tpu.memory_space<vmem_shared>>
      tpu.wait_indirect_dma semaphore(%arg13 : memref<!tpu.dma_semaphore, #tpu.memory_space<semaphore_mem>>) src(%dma_wait3A_648 : memref<10240x64xbf16, #tpu.memory_space<vmem_shared>>) dst(%dma_wait3A_642 : memref<128x64xbf16, #tpu.memory_space<vmem>>)
      %dma_wait3A_649 = arith.constant 0 : i32
      %dma_wait3A_650 = arith.constant 6 : i32
      %dma_wait3A_651 = arith.constant 768 : i32
      %dma_wait3A_652 = arith.constant 0 : i32
      %dma_wait3A_653 = tpu.memref_slice %arg9[%dma_wait3A_651, %dma_wait3A_652] : memref<1024x64xbf16, #tpu.memory_space<vmem>> -> memref<128x64xbf16, #tpu.memory_space<vmem>>
      %dma_wait3A_654 = arith.constant 0 : i32
      %dma_wait3A_655 = tpu.memref_slice %arg7[%dma_wait3A_649, %dma_wait3A_650, %dma_wait3A_654] : memref<2x8x128xi32, #tpu.memory_space<vmem>> -> memref<1x1x128xi32, #tpu.memory_space<vmem>>
      %dma_wait3A_656 = tpu.memref_squeeze %dma_wait3A_655 : memref<1x1x128xi32, #tpu.memory_space<vmem>> -> memref<128xi32, #tpu.memory_space<vmem>>
      %dma_wait3A_657 = arith.constant 0 : i32
      %dma_wait3A_658 = arith.constant 0 : i32
      %dma_wait3A_659 = tpu.memref_slice %arg11[%dma_wait3A_657, %dma_wait3A_658] : memref<10240x64xbf16, #tpu.memory_space<vmem_shared>> -> memref<10240x64xbf16, #tpu.memory_space<vmem_shared>>
      tpu.wait_indirect_dma semaphore(%arg13 : memref<!tpu.dma_semaphore, #tpu.memory_space<semaphore_mem>>) src(%dma_wait3A_659 : memref<10240x64xbf16, #tpu.memory_space<vmem_shared>>) dst(%dma_wait3A_653 : memref<128x64xbf16, #tpu.memory_space<vmem>>)
      %dma_wait3A_660 = arith.constant 0 : i32
      %dma_wait3A_661 = arith.constant 7 : i32
      %dma_wait3A_662 = arith.constant 896 : i32
      %dma_wait3A_663 = arith.constant 0 : i32
      %dma_wait3A_664 = tpu.memref_slice %arg9[%dma_wait3A_662, %dma_wait3A_663] : memref<1024x64xbf16, #tpu.memory_space<vmem>> -> memref<128x64xbf16, #tpu.memory_space<vmem>>
      %dma_wait3A_665 = arith.constant 0 : i32
      %dma_wait3A_666 = tpu.memref_slice %arg7[%dma_wait3A_660, %dma_wait3A_661, %dma_wait3A_665] : memref<2x8x128xi32, #tpu.memory_space<vmem>> -> memref<1x1x128xi32, #tpu.memory_space<vmem>>
      %dma_wait3A_667 = tpu.memref_squeeze %dma_wait3A_666 : memref<1x1x128xi32, #tpu.memory_space<vmem>> -> memref<128xi32, #tpu.memory_space<vmem>>
      %dma_wait3A_668 = arith.constant 0 : i32
      %dma_wait3A_669 = arith.constant 0 : i32
      %dma_wait3A_670 = tpu.memref_slice %arg11[%dma_wait3A_668, %dma_wait3A_669] : memref<10240x64xbf16, #tpu.memory_space<vmem_shared>> -> memref<10240x64xbf16, #tpu.memory_space<vmem_shared>>
      tpu.wait_indirect_dma semaphore(%arg13 : memref<!tpu.dma_semaphore, #tpu.memory_space<semaphore_mem>>) src(%dma_wait3A_670 : memref<10240x64xbf16, #tpu.memory_space<vmem_shared>>) dst(%dma_wait3A_664 : memref<128x64xbf16, #tpu.memory_space<vmem>>)
      %dma_start3A_671 = arith.constant 1 : i32
      %dma_start3A_672 = arith.constant 0 : i32
      %dma_start3A_673 = arith.constant 0 : i32
      %dma_start3A_674 = arith.constant 0 : i32
      %dma_start3A_675 = tpu.memref_slice %arg9[%dma_start3A_673, %dma_start3A_674] : memref<1024x64xbf16, #tpu.memory_space<vmem>> -> memref<128x64xbf16, #tpu.memory_space<vmem>>
      %dma_start3A_676 = arith.constant 0 : i32
      %dma_start3A_677 = tpu.memref_slice %arg7[%dma_start3A_671, %dma_start3A_672, %dma_start3A_676] : memref<2x8x128xi32, #tpu.memory_space<vmem>> -> memref<1x1x128xi32, #tpu.memory_space<vmem>>
      %dma_start3A_678 = tpu.memref_squeeze %dma_start3A_677 : memref<1x1x128xi32, #tpu.memory_space<vmem>> -> memref<128xi32, #tpu.memory_space<vmem>>
      %dma_start3A_679 = arith.constant 0 : i32
      %dma_start3A_680 = arith.constant 0 : i32
      %dma_start3A_681 = tpu.memref_slice %arg10[%dma_start3A_679, %dma_start3A_680] : memref<10240x64xbf16, #tpu.memory_space<vmem_shared>> -> memref<10240x64xbf16, #tpu.memory_space<vmem_shared>>
      tpu.enqueue_indirect_dma source(%dma_start3A_675 : memref<128x64xbf16, #tpu.memory_space<vmem>>) target(%dma_start3A_681 : memref<10240x64xbf16, #tpu.memory_space<vmem_shared>>) offsets(%dma_start3A_678 : memref<128xi32, #tpu.memory_space<vmem>>) semaphore(%arg15 : memref<!tpu.dma_semaphore, #tpu.memory_space<semaphore_mem>>) {add = true}
      %dma_start3A_682 = arith.constant 1 : i32
      %dma_start3A_683 = arith.constant 1 : i32
      %dma_start3A_684 = arith.constant 128 : i32
      %dma_start3A_685 = arith.constant 0 : i32
      %dma_start3A_686 = tpu.memref_slice %arg9[%dma_start3A_684, %dma_start3A_685] : memref<1024x64xbf16, #tpu.memory_space<vmem>> -> memref<128x64xbf16, #tpu.memory_space<vmem>>
      %dma_start3A_687 = arith.constant 0 : i32
      %dma_start3A_688 = tpu.memref_slice %arg7[%dma_start3A_682, %dma_start3A_683, %dma_start3A_687] : memref<2x8x128xi32, #tpu.memory_space<vmem>> -> memref<1x1x128xi32, #tpu.memory_space<vmem>>
      %dma_start3A_689 = tpu.memref_squeeze %dma_start3A_688 : memref<1x1x128xi32, #tpu.memory_space<vmem>> -> memref<128xi32, #tpu.memory_space<vmem>>
      %dma_start3A_690 = arith.constant 0 : i32
      %dma_start3A_691 = arith.constant 0 : i32
      %dma_start3A_692 = tpu.memref_slice %arg10[%dma_start3A_690, %dma_start3A_691] : memref<10240x64xbf16, #tpu.memory_space<vmem_shared>> -> memref<10240x64xbf16, #tpu.memory_space<vmem_shared>>
      tpu.enqueue_indirect_dma source(%dma_start3A_686 : memref<128x64xbf16, #tpu.memory_space<vmem>>) target(%dma_start3A_692 : memref<10240x64xbf16, #tpu.memory_space<vmem_shared>>) offsets(%dma_start3A_689 : memref<128xi32, #tpu.memory_space<vmem>>) semaphore(%arg15 : memref<!tpu.dma_semaphore, #tpu.memory_space<semaphore_mem>>) {add = true}
      %dma_start3A_693 = arith.constant 1 : i32
      %dma_start3A_694 = arith.constant 2 : i32
      %dma_start3A_695 = arith.constant 256 : i32
      %dma_start3A_696 = arith.constant 0 : i32
      %dma_start3A_697 = tpu.memref_slice %arg9[%dma_start3A_695, %dma_start3A_696] : memref<1024x64xbf16, #tpu.memory_space<vmem>> -> memref<128x64xbf16, #tpu.memory_space<vmem>>
      %dma_start3A_698 = arith.constant 0 : i32
      %dma_start3A_699 = tpu.memref_slice %arg7[%dma_start3A_693, %dma_start3A_694, %dma_start3A_698] : memref<2x8x128xi32, #tpu.memory_space<vmem>> -> memref<1x1x128xi32, #tpu.memory_space<vmem>>
      %dma_start3A_700 = tpu.memref_squeeze %dma_start3A_699 : memref<1x1x128xi32, #tpu.memory_space<vmem>> -> memref<128xi32, #tpu.memory_space<vmem>>
      %dma_start3A_701 = arith.constant 0 : i32
      %dma_start3A_702 = arith.constant 0 : i32
      %dma_start3A_703 = tpu.memref_slice %arg10[%dma_start3A_701, %dma_start3A_702] : memref<10240x64xbf16, #tpu.memory_space<vmem_shared>> -> memref<10240x64xbf16, #tpu.memory_space<vmem_shared>>
      tpu.enqueue_indirect_dma source(%dma_start3A_697 : memref<128x64xbf16, #tpu.memory_space<vmem>>) target(%dma_start3A_703 : memref<10240x64xbf16, #tpu.memory_space<vmem_shared>>) offsets(%dma_start3A_700 : memref<128xi32, #tpu.memory_space<vmem>>) semaphore(%arg15 : memref<!tpu.dma_semaphore, #tpu.memory_space<semaphore_mem>>) {add = true}
      %dma_start3A_704 = arith.constant 1 : i32
      %dma_start3A_705 = arith.constant 3 : i32
      %dma_start3A_706 = arith.constant 384 : i32
      %dma_start3A_707 = arith.constant 0 : i32
      %dma_start3A_708 = tpu.memref_slice %arg9[%dma_start3A_706, %dma_start3A_707] : memref<1024x64xbf16, #tpu.memory_space<vmem>> -> memref<128x64xbf16, #tpu.memory_space<vmem>>
      %dma_start3A_709 = arith.constant 0 : i32
      %dma_start3A_710 = tpu.memref_slice %arg7[%dma_start3A_704, %dma_start3A_705, %dma_start3A_709] : memref<2x8x128xi32, #tpu.memory_space<vmem>> -> memref<1x1x128xi32, #tpu.memory_space<vmem>>
      %dma_start3A_711 = tpu.memref_squeeze %dma_start3A_710 : memref<1x1x128xi32, #tpu.memory_space<vmem>> -> memref<128xi32, #tpu.memory_space<vmem>>
      %dma_start3A_712 = arith.constant 0 : i32
      %dma_start3A_713 = arith.constant 0 : i32
      %dma_start3A_714 = tpu.memref_slice %arg10[%dma_start3A_712, %dma_start3A_713] : memref<10240x64xbf16, #tpu.memory_space<vmem_shared>> -> memref<10240x64xbf16, #tpu.memory_space<vmem_shared>>
      tpu.enqueue_indirect_dma source(%dma_start3A_708 : memref<128x64xbf16, #tpu.memory_space<vmem>>) target(%dma_start3A_714 : memref<10240x64xbf16, #tpu.memory_space<vmem_shared>>) offsets(%dma_start3A_711 : memref<128xi32, #tpu.memory_space<vmem>>) semaphore(%arg15 : memref<!tpu.dma_semaphore, #tpu.memory_space<semaphore_mem>>) {add = true}
      %dma_start3A_715 = arith.constant 1 : i32
      %dma_start3A_716 = arith.constant 4 : i32
      %dma_start3A_717 = arith.constant 512 : i32
      %dma_start3A_718 = arith.constant 0 : i32
      %dma_start3A_719 = tpu.memref_slice %arg9[%dma_start3A_717, %dma_start3A_718] : memref<1024x64xbf16, #tpu.memory_space<vmem>> -> memref<128x64xbf16, #tpu.memory_space<vmem>>
      %dma_start3A_720 = arith.constant 0 : i32
      %dma_start3A_721 = tpu.memref_slice %arg7[%dma_start3A_715, %dma_start3A_716, %dma_start3A_720] : memref<2x8x128xi32, #tpu.memory_space<vmem>> -> memref<1x1x128xi32, #tpu.memory_space<vmem>>
      %dma_start3A_722 = tpu.memref_squeeze %dma_start3A_721 : memref<1x1x128xi32, #tpu.memory_space<vmem>> -> memref<128xi32, #tpu.memory_space<vmem>>
      %dma_start3A_723 = arith.constant 0 : i32
      %dma_start3A_724 = arith.constant 0 : i32
      %dma_start3A_725 = tpu.memref_slice %arg10[%dma_start3A_723, %dma_start3A_724] : memref<10240x64xbf16, #tpu.memory_space<vmem_shared>> -> memref<10240x64xbf16, #tpu.memory_space<vmem_shared>>
      tpu.enqueue_indirect_dma source(%dma_start3A_719 : memref<128x64xbf16, #tpu.memory_space<vmem>>) target(%dma_start3A_725 : memref<10240x64xbf16, #tpu.memory_space<vmem_shared>>) offsets(%dma_start3A_722 : memref<128xi32, #tpu.memory_space<vmem>>) semaphore(%arg15 : memref<!tpu.dma_semaphore, #tpu.memory_space<semaphore_mem>>) {add = true}
      %dma_start3A_726 = arith.constant 1 : i32
      %dma_start3A_727 = arith.constant 5 : i32
      %dma_start3A_728 = arith.constant 640 : i32
      %dma_start3A_729 = arith.constant 0 : i32
      %dma_start3A_730 = tpu.memref_slice %arg9[%dma_start3A_728, %dma_start3A_729] : memref<1024x64xbf16, #tpu.memory_space<vmem>> -> memref<128x64xbf16, #tpu.memory_space<vmem>>
      %dma_start3A_731 = arith.constant 0 : i32
      %dma_start3A_732 = tpu.memref_slice %arg7[%dma_start3A_726, %dma_start3A_727, %dma_start3A_731] : memref<2x8x128xi32, #tpu.memory_space<vmem>> -> memref<1x1x128xi32, #tpu.memory_space<vmem>>
      %dma_start3A_733 = tpu.memref_squeeze %dma_start3A_732 : memref<1x1x128xi32, #tpu.memory_space<vmem>> -> memref<128xi32, #tpu.memory_space<vmem>>
      %dma_start3A_734 = arith.constant 0 : i32
      %dma_start3A_735 = arith.constant 0 : i32
      %dma_start3A_736 = tpu.memref_slice %arg10[%dma_start3A_734, %dma_start3A_735] : memref<10240x64xbf16, #tpu.memory_space<vmem_shared>> -> memref<10240x64xbf16, #tpu.memory_space<vmem_shared>>
      tpu.enqueue_indirect_dma source(%dma_start3A_730 : memref<128x64xbf16, #tpu.memory_space<vmem>>) target(%dma_start3A_736 : memref<10240x64xbf16, #tpu.memory_space<vmem_shared>>) offsets(%dma_start3A_733 : memref<128xi32, #tpu.memory_space<vmem>>) semaphore(%arg15 : memref<!tpu.dma_semaphore, #tpu.memory_space<semaphore_mem>>) {add = true}
      %dma_start3A_737 = arith.constant 1 : i32
      %dma_start3A_738 = arith.constant 6 : i32
      %dma_start3A_739 = arith.constant 768 : i32
      %dma_start3A_740 = arith.constant 0 : i32
      %dma_start3A_741 = tpu.memref_slice %arg9[%dma_start3A_739, %dma_start3A_740] : memref<1024x64xbf16, #tpu.memory_space<vmem>> -> memref<128x64xbf16, #tpu.memory_space<vmem>>
      %dma_start3A_742 = arith.constant 0 : i32
      %dma_start3A_743 = tpu.memref_slice %arg7[%dma_start3A_737, %dma_start3A_738, %dma_start3A_742] : memref<2x8x128xi32, #tpu.memory_space<vmem>> -> memref<1x1x128xi32, #tpu.memory_space<vmem>>
      %dma_start3A_744 = tpu.memref_squeeze %dma_start3A_743 : memref<1x1x128xi32, #tpu.memory_space<vmem>> -> memref<128xi32, #tpu.memory_space<vmem>>
      %dma_start3A_745 = arith.constant 0 : i32
      %dma_start3A_746 = arith.constant 0 : i32
      %dma_start3A_747 = tpu.memref_slice %arg10[%dma_start3A_745, %dma_start3A_746] : memref<10240x64xbf16, #tpu.memory_space<vmem_shared>> -> memref<10240x64xbf16, #tpu.memory_space<vmem_shared>>
      tpu.enqueue_indirect_dma source(%dma_start3A_741 : memref<128x64xbf16, #tpu.memory_space<vmem>>) target(%dma_start3A_747 : memref<10240x64xbf16, #tpu.memory_space<vmem_shared>>) offsets(%dma_start3A_744 : memref<128xi32, #tpu.memory_space<vmem>>) semaphore(%arg15 : memref<!tpu.dma_semaphore, #tpu.memory_space<semaphore_mem>>) {add = true}
      %dma_start3A_748 = arith.constant 1 : i32
      %dma_start3A_749 = arith.constant 7 : i32
      %dma_start3A_750 = arith.constant 896 : i32
      %dma_start3A_751 = arith.constant 0 : i32
      %dma_start3A_752 = tpu.memref_slice %arg9[%dma_start3A_750, %dma_start3A_751] : memref<1024x64xbf16, #tpu.memory_space<vmem>> -> memref<128x64xbf16, #tpu.memory_space<vmem>>
      %dma_start3A_753 = arith.constant 0 : i32
      %dma_start3A_754 = tpu.memref_slice %arg7[%dma_start3A_748, %dma_start3A_749, %dma_start3A_753] : memref<2x8x128xi32, #tpu.memory_space<vmem>> -> memref<1x1x128xi32, #tpu.memory_space<vmem>>
      %dma_start3A_755 = tpu.memref_squeeze %dma_start3A_754 : memref<1x1x128xi32, #tpu.memory_space<vmem>> -> memref<128xi32, #tpu.memory_space<vmem>>
      %dma_start3A_756 = arith.constant 0 : i32
      %dma_start3A_757 = arith.constant 0 : i32
      %dma_start3A_758 = tpu.memref_slice %arg10[%dma_start3A_756, %dma_start3A_757] : memref<10240x64xbf16, #tpu.memory_space<vmem_shared>> -> memref<10240x64xbf16, #tpu.memory_space<vmem_shared>>
      tpu.enqueue_indirect_dma source(%dma_start3A_752 : memref<128x64xbf16, #tpu.memory_space<vmem>>) target(%dma_start3A_758 : memref<10240x64xbf16, #tpu.memory_space<vmem_shared>>) offsets(%dma_start3A_755 : memref<128xi32, #tpu.memory_space<vmem>>) semaphore(%arg15 : memref<!tpu.dma_semaphore, #tpu.memory_space<semaphore_mem>>) {add = true}
    }
    %scan3A_109 = arith.constant 5 : i32
    %dma_wait3A_110 = arith.constant 1 : i32
    %dma_wait3A_111 = arith.constant 0 : i32
    %dma_wait3A_112 = arith.constant 0 : i32
    %dma_wait3A_113 = arith.constant 0 : i32
    %dma_wait3A_114 = tpu.memref_slice %arg9[%dma_wait3A_112, %dma_wait3A_113] : memref<1024x64xbf16, #tpu.memory_space<vmem>> -> memref<128x64xbf16, #tpu.memory_space<vmem>>
    %dma_wait3A_115 = arith.constant 0 : i32
    %dma_wait3A_116 = tpu.memref_slice %arg7[%dma_wait3A_110, %dma_wait3A_111, %dma_wait3A_115] : memref<2x8x128xi32, #tpu.memory_space<vmem>> -> memref<1x1x128xi32, #tpu.memory_space<vmem>>
    %dma_wait3A_117 = tpu.memref_squeeze %dma_wait3A_116 : memref<1x1x128xi32, #tpu.memory_space<vmem>> -> memref<128xi32, #tpu.memory_space<vmem>>
    %dma_wait3A_118 = arith.constant 0 : i32
    %dma_wait3A_119 = arith.constant 0 : i32
    %dma_wait3A_120 = tpu.memref_slice %arg10[%dma_wait3A_118, %dma_wait3A_119] : memref<10240x64xbf16, #tpu.memory_space<vmem_shared>> -> memref<10240x64xbf16, #tpu.memory_space<vmem_shared>>
    tpu.wait_indirect_dma semaphore(%arg15 : memref<!tpu.dma_semaphore, #tpu.memory_space<semaphore_mem>>) src(%dma_wait3A_114 : memref<128x64xbf16, #tpu.memory_space<vmem>>) dst(%dma_wait3A_120 : memref<10240x64xbf16, #tpu.memory_space<vmem_shared>>)
    %dma_wait3A_121 = arith.constant 1 : i32
    %dma_wait3A_122 = arith.constant 1 : i32
    %dma_wait3A_123 = arith.constant 128 : i32
    %dma_wait3A_124 = arith.constant 0 : i32
    %dma_wait3A_125 = tpu.memref_slice %arg9[%dma_wait3A_123, %dma_wait3A_124] : memref<1024x64xbf16, #tpu.memory_space<vmem>> -> memref<128x64xbf16, #tpu.memory_space<vmem>>
    %dma_wait3A_126 = arith.constant 0 : i32
    %dma_wait3A_127 = tpu.memref_slice %arg7[%dma_wait3A_121, %dma_wait3A_122, %dma_wait3A_126] : memref<2x8x128xi32, #tpu.memory_space<vmem>> -> memref<1x1x128xi32, #tpu.memory_space<vmem>>
    %dma_wait3A_128 = tpu.memref_squeeze %dma_wait3A_127 : memref<1x1x128xi32, #tpu.memory_space<vmem>> -> memref<128xi32, #tpu.memory_space<vmem>>
    %dma_wait3A_129 = arith.constant 0 : i32
    %dma_wait3A_130 = arith.constant 0 : i32
    %dma_wait3A_131 = tpu.memref_slice %arg10[%dma_wait3A_129, %dma_wait3A_130] : memref<10240x64xbf16, #tpu.memory_space<vmem_shared>> -> memref<10240x64xbf16, #tpu.memory_space<vmem_shared>>
    tpu.wait_indirect_dma semaphore(%arg15 : memref<!tpu.dma_semaphore, #tpu.memory_space<semaphore_mem>>) src(%dma_wait3A_125 : memref<128x64xbf16, #tpu.memory_space<vmem>>) dst(%dma_wait3A_131 : memref<10240x64xbf16, #tpu.memory_space<vmem_shared>>)
    %dma_wait3A_132 = arith.constant 1 : i32
    %dma_wait3A_133 = arith.constant 2 : i32
    %dma_wait3A_134 = arith.constant 256 : i32
    %dma_wait3A_135 = arith.constant 0 : i32
    %dma_wait3A_136 = tpu.memref_slice %arg9[%dma_wait3A_134, %dma_wait3A_135] : memref<1024x64xbf16, #tpu.memory_space<vmem>> -> memref<128x64xbf16, #tpu.memory_space<vmem>>
    %dma_wait3A_137 = arith.constant 0 : i32
    %dma_wait3A_138 = tpu.memref_slice %arg7[%dma_wait3A_132, %dma_wait3A_133, %dma_wait3A_137] : memref<2x8x128xi32, #tpu.memory_space<vmem>> -> memref<1x1x128xi32, #tpu.memory_space<vmem>>
    %dma_wait3A_139 = tpu.memref_squeeze %dma_wait3A_138 : memref<1x1x128xi32, #tpu.memory_space<vmem>> -> memref<128xi32, #tpu.memory_space<vmem>>
    %dma_wait3A_140 = arith.constant 0 : i32
    %dma_wait3A_141 = arith.constant 0 : i32
    %dma_wait3A_142 = tpu.memref_slice %arg10[%dma_wait3A_140, %dma_wait3A_141] : memref<10240x64xbf16, #tpu.memory_space<vmem_shared>> -> memref<10240x64xbf16, #tpu.memory_space<vmem_shared>>
    tpu.wait_indirect_dma semaphore(%arg15 : memref<!tpu.dma_semaphore, #tpu.memory_space<semaphore_mem>>) src(%dma_wait3A_136 : memref<128x64xbf16, #tpu.memory_space<vmem>>) dst(%dma_wait3A_142 : memref<10240x64xbf16, #tpu.memory_space<vmem_shared>>)
    %dma_wait3A_143 = arith.constant 1 : i32
    %dma_wait3A_144 = arith.constant 3 : i32
    %dma_wait3A_145 = arith.constant 384 : i32
    %dma_wait3A_146 = arith.constant 0 : i32
    %dma_wait3A_147 = tpu.memref_slice %arg9[%dma_wait3A_145, %dma_wait3A_146] : memref<1024x64xbf16, #tpu.memory_space<vmem>> -> memref<128x64xbf16, #tpu.memory_space<vmem>>
    %dma_wait3A_148 = arith.constant 0 : i32
    %dma_wait3A_149 = tpu.memref_slice %arg7[%dma_wait3A_143, %dma_wait3A_144, %dma_wait3A_148] : memref<2x8x128xi32, #tpu.memory_space<vmem>> -> memref<1x1x128xi32, #tpu.memory_space<vmem>>
    %dma_wait3A_150 = tpu.memref_squeeze %dma_wait3A_149 : memref<1x1x128xi32, #tpu.memory_space<vmem>> -> memref<128xi32, #tpu.memory_space<vmem>>
    %dma_wait3A_151 = arith.constant 0 : i32
    %dma_wait3A_152 = arith.constant 0 : i32
    %dma_wait3A_153 = tpu.memref_slice %arg10[%dma_wait3A_151, %dma_wait3A_152] : memref<10240x64xbf16, #tpu.memory_space<vmem_shared>> -> memref<10240x64xbf16, #tpu.memory_space<vmem_shared>>
    tpu.wait_indirect_dma semaphore(%arg15 : memref<!tpu.dma_semaphore, #tpu.memory_space<semaphore_mem>>) src(%dma_wait3A_147 : memref<128x64xbf16, #tpu.memory_space<vmem>>) dst(%dma_wait3A_153 : memref<10240x64xbf16, #tpu.memory_space<vmem_shared>>)
    %dma_wait3A_154 = arith.constant 1 : i32
    %dma_wait3A_155 = arith.constant 4 : i32
    %dma_wait3A_156 = arith.constant 512 : i32
    %dma_wait3A_157 = arith.constant 0 : i32
    %dma_wait3A_158 = tpu.memref_slice %arg9[%dma_wait3A_156, %dma_wait3A_157] : memref<1024x64xbf16, #tpu.memory_space<vmem>> -> memref<128x64xbf16, #tpu.memory_space<vmem>>
    %dma_wait3A_159 = arith.constant 0 : i32
    %dma_wait3A_160 = tpu.memref_slice %arg7[%dma_wait3A_154, %dma_wait3A_155, %dma_wait3A_159] : memref<2x8x128xi32, #tpu.memory_space<vmem>> -> memref<1x1x128xi32, #tpu.memory_space<vmem>>
    %dma_wait3A_161 = tpu.memref_squeeze %dma_wait3A_160 : memref<1x1x128xi32, #tpu.memory_space<vmem>> -> memref<128xi32, #tpu.memory_space<vmem>>
    %dma_wait3A_162 = arith.constant 0 : i32
    %dma_wait3A_163 = arith.constant 0 : i32
    %dma_wait3A_164 = tpu.memref_slice %arg10[%dma_wait3A_162, %dma_wait3A_163] : memref<10240x64xbf16, #tpu.memory_space<vmem_shared>> -> memref<10240x64xbf16, #tpu.memory_space<vmem_shared>>
    tpu.wait_indirect_dma semaphore(%arg15 : memref<!tpu.dma_semaphore, #tpu.memory_space<semaphore_mem>>) src(%dma_wait3A_158 : memref<128x64xbf16, #tpu.memory_space<vmem>>) dst(%dma_wait3A_164 : memref<10240x64xbf16, #tpu.memory_space<vmem_shared>>)
    %dma_wait3A_165 = arith.constant 1 : i32
    %dma_wait3A_166 = arith.constant 5 : i32
    %dma_wait3A_167 = arith.constant 640 : i32
    %dma_wait3A_168 = arith.constant 0 : i32
    %dma_wait3A_169 = tpu.memref_slice %arg9[%dma_wait3A_167, %dma_wait3A_168] : memref<1024x64xbf16, #tpu.memory_space<vmem>> -> memref<128x64xbf16, #tpu.memory_space<vmem>>
    %dma_wait3A_170 = arith.constant 0 : i32
    %dma_wait3A_171 = tpu.memref_slice %arg7[%dma_wait3A_165, %dma_wait3A_166, %dma_wait3A_170] : memref<2x8x128xi32, #tpu.memory_space<vmem>> -> memref<1x1x128xi32, #tpu.memory_space<vmem>>
    %dma_wait3A_172 = tpu.memref_squeeze %dma_wait3A_171 : memref<1x1x128xi32, #tpu.memory_space<vmem>> -> memref<128xi32, #tpu.memory_space<vmem>>
    %dma_wait3A_173 = arith.constant 0 : i32
    %dma_wait3A_174 = arith.constant 0 : i32
    %dma_wait3A_175 = tpu.memref_slice %arg10[%dma_wait3A_173, %dma_wait3A_174] : memref<10240x64xbf16, #tpu.memory_space<vmem_shared>> -> memref<10240x64xbf16, #tpu.memory_space<vmem_shared>>
    tpu.wait_indirect_dma semaphore(%arg15 : memref<!tpu.dma_semaphore, #tpu.memory_space<semaphore_mem>>) src(%dma_wait3A_169 : memref<128x64xbf16, #tpu.memory_space<vmem>>) dst(%dma_wait3A_175 : memref<10240x64xbf16, #tpu.memory_space<vmem_shared>>)
    %dma_wait3A_176 = arith.constant 1 : i32
    %dma_wait3A_177 = arith.constant 6 : i32
    %dma_wait3A_178 = arith.constant 768 : i32
    %dma_wait3A_179 = arith.constant 0 : i32
    %dma_wait3A_180 = tpu.memref_slice %arg9[%dma_wait3A_178, %dma_wait3A_179] : memref<1024x64xbf16, #tpu.memory_space<vmem>> -> memref<128x64xbf16, #tpu.memory_space<vmem>>
    %dma_wait3A_181 = arith.constant 0 : i32
    %dma_wait3A_182 = tpu.memref_slice %arg7[%dma_wait3A_176, %dma_wait3A_177, %dma_wait3A_181] : memref<2x8x128xi32, #tpu.memory_space<vmem>> -> memref<1x1x128xi32, #tpu.memory_space<vmem>>
    %dma_wait3A_183 = tpu.memref_squeeze %dma_wait3A_182 : memref<1x1x128xi32, #tpu.memory_space<vmem>> -> memref<128xi32, #tpu.memory_space<vmem>>
    %dma_wait3A_184 = arith.constant 0 : i32
    %dma_wait3A_185 = arith.constant 0 : i32
    %dma_wait3A_186 = tpu.memref_slice %arg10[%dma_wait3A_184, %dma_wait3A_185] : memref<10240x64xbf16, #tpu.memory_space<vmem_shared>> -> memref<10240x64xbf16, #tpu.memory_space<vmem_shared>>
    tpu.wait_indirect_dma semaphore(%arg15 : memref<!tpu.dma_semaphore, #tpu.memory_space<semaphore_mem>>) src(%dma_wait3A_180 : memref<128x64xbf16, #tpu.memory_space<vmem>>) dst(%dma_wait3A_186 : memref<10240x64xbf16, #tpu.memory_space<vmem_shared>>)
    %dma_wait3A_187 = arith.constant 1 : i32
    %dma_wait3A_188 = arith.constant 7 : i32
    %dma_wait3A_189 = arith.constant 896 : i32
    %dma_wait3A_190 = arith.constant 0 : i32
    %dma_wait3A_191 = tpu.memref_slice %arg9[%dma_wait3A_189, %dma_wait3A_190] : memref<1024x64xbf16, #tpu.memory_space<vmem>> -> memref<128x64xbf16, #tpu.memory_space<vmem>>
    %dma_wait3A_192 = arith.constant 0 : i32
    %dma_wait3A_193 = tpu.memref_slice %arg7[%dma_wait3A_187, %dma_wait3A_188, %dma_wait3A_192] : memref<2x8x128xi32, #tpu.memory_space<vmem>> -> memref<1x1x128xi32, #tpu.memory_space<vmem>>
    %dma_wait3A_194 = tpu.memref_squeeze %dma_wait3A_193 : memref<1x1x128xi32, #tpu.memory_space<vmem>> -> memref<128xi32, #tpu.memory_space<vmem>>
    %dma_wait3A_195 = arith.constant 0 : i32
    %dma_wait3A_196 = arith.constant 0 : i32
    %dma_wait3A_197 = tpu.memref_slice %arg10[%dma_wait3A_195, %dma_wait3A_196] : memref<10240x64xbf16, #tpu.memory_space<vmem_shared>> -> memref<10240x64xbf16, #tpu.memory_space<vmem_shared>>
    tpu.wait_indirect_dma semaphore(%arg15 : memref<!tpu.dma_semaphore, #tpu.memory_space<semaphore_mem>>) src(%dma_wait3A_191 : memref<128x64xbf16, #tpu.memory_space<vmem>>) dst(%dma_wait3A_197 : memref<10240x64xbf16, #tpu.memory_space<vmem_shared>>)
    %barrier3A_198 = arith.constant 0 : index
    tpu.barrier barrier_id(%barrier3A_198)
    %dma_start3A_199 = arith.constant 0 : i32
    %dma_start3A_200 = arith.constant 0 : i32
    %dma_start3A_201 = tpu.memref_slice %arg5[%arg0, %dma_start3A_199, %dma_start3A_200] : memref<2x10240x64xbf16, #tpu.memory_space<hbm>> -> memref<1x10240x64xbf16, #tpu.memory_space<hbm>>
    %dma_start3A_202 = tpu.memref_squeeze %dma_start3A_201 : memref<1x10240x64xbf16, #tpu.memory_space<hbm>> -> memref<10240x64xbf16, #tpu.memory_space<hbm>>
    %dma_start3A_203 = arith.constant 0 : i32
    %dma_start3A_204 = tpu.memref_slice %dma_start3A_202[%mul3A_2, %dma_start3A_203] : memref<10240x64xbf16, #tpu.memory_space<hbm>> -> memref<640x64xbf16, #tpu.memory_space<hbm>>
    %dma_start3A_205 = arith.constant 0 : i32
    %dma_start3A_206 = tpu.memref_slice %arg10[%mul3A_2, %dma_start3A_205] : memref<10240x64xbf16, #tpu.memory_space<vmem_shared>> -> memref<640x64xbf16, #tpu.memory_space<vmem_shared>>
    tpu.enqueue_dma source(%dma_start3A_206 : memref<640x64xbf16, #tpu.memory_space<vmem_shared>>) target(%dma_start3A_204 : memref<640x64xbf16, #tpu.memory_space<hbm>>) target_semaphore(%arg12 : memref<!tpu.dma_semaphore, #tpu.memory_space<semaphore_mem>>)
    %dma_wait3A_207 = arith.constant 0 : i32
    %dma_wait3A_208 = arith.constant 0 : i32
    %dma_wait3A_209 = tpu.memref_slice %arg5[%arg0, %dma_wait3A_207, %dma_wait3A_208] : memref<2x10240x64xbf16, #tpu.memory_space<hbm>> -> memref<1x10240x64xbf16, #tpu.memory_space<hbm>>
    %dma_wait3A_210 = tpu.memref_squeeze %dma_wait3A_209 : memref<1x10240x64xbf16, #tpu.memory_space<hbm>> -> memref<10240x64xbf16, #tpu.memory_space<hbm>>
    %dma_wait3A_211 = arith.constant 0 : i32
    %dma_wait3A_212 = tpu.memref_slice %dma_wait3A_210[%mul3A_2, %dma_wait3A_211] : memref<10240x64xbf16, #tpu.memory_space<hbm>> -> memref<640x64xbf16, #tpu.memory_space<hbm>>
    %dma_wait3A_213 = arith.constant 0 : i32
    %dma_wait3A_214 = tpu.memref_slice %arg10[%mul3A_2, %dma_wait3A_213] : memref<10240x64xbf16, #tpu.memory_space<vmem_shared>> -> memref<640x64xbf16, #tpu.memory_space<vmem_shared>>
    tpu.wait_dma2 semaphore(%arg12 : memref<!tpu.dma_semaphore, #tpu.memory_space<semaphore_mem>>) src(%dma_wait3A_214 : memref<640x64xbf16, #tpu.memory_space<vmem_shared>>) dst(%dma_wait3A_212 : memref<640x64xbf16, #tpu.memory_space<hbm>>)
    return
  }
}

module attributes {stable_mosaic.version = 14 : i64} {
  func.func @_tc_pre_body(%arg0: i32, %arg1: memref<512x128xf32, #tpu.memory_space<vmem>>, %arg2: memref<128x64xf32, #tpu.memory_space<vmem>>, %arg3: memref<128x64xf32, #tpu.memory_space<vmem>>, %arg4: memref<1x64xf32, #tpu.memory_space<vmem>>, %arg5: memref<2x16384xi32, #tpu.memory_space<vmem>>, %arg6: memref<512x64xbf16, #tpu.memory_space<vmem>>, %arg7: memref<512x64xf32, #tpu.memory_space<vmem>>, %arg8: memref<2x128x128xi32, #tpu.memory_space<vmem>>) attributes {dimension_semantics = [#tpu.dimension_semantics<arbitrary>], iteration_bounds = array<i64: 20>, scalar_prefetch = 0 : i64, scratch_operands = 0 : i64, tpu.core_type = #tpu.core_type<tc>, window_params = [{transform_indices = @transform_0, window_bounds = array<i64: 512, 128>}, {pipeline_mode = #tpu.pipeline_mode<synchronous>, transform_indices = @transform_1, window_bounds = array<i64: 128, 64>}, {pipeline_mode = #tpu.pipeline_mode<synchronous>, transform_indices = @transform_2, window_bounds = array<i64: 128, 64>}, {pipeline_mode = #tpu.pipeline_mode<synchronous>, transform_indices = @transform_3, window_bounds = array<i64: 1, 64>}, {transform_indices = @transform_4, window_bounds = array<i64: 2, 16384>}, {transform_indices = @transform_5, window_bounds = array<i64: 512, 64>}, {transform_indices = @transform_6, window_bounds = array<i64: 512, 64>}, {transform_indices = @transform_7, window_bounds = array<i64: 2, 128, 128>}]} {
    %get3A = arith.constant 0 : index
    %get3A_0 = arith.constant 0 : index
    %get3A_1 = vector.load %arg1[%get3A, %get3A_0] : memref<512x128xf32, #tpu.memory_space<vmem>>, vector<512x128xf32>
    %get3A_2 = arith.constant 0 : index
    %get3A_3 = arith.constant 0 : index
    %get3A_4 = vector.load %arg2[%get3A_2, %get3A_3] : memref<128x64xf32, #tpu.memory_space<vmem>>, vector<128x64xf32>
    %dot_general3A = arith.constant dense<0.000000e+00> : vector<512x64xf32>
    %dot_general3A_5 = tpu.matmul %get3A_1, %get3A_4, %dot_general3A {dimension_numbers = #tpu.dot_dimension_numbers<[1], [0], [0], [1], [0, 0, 1, 1], [], []>, transpose_lhs_hint = false} : vector<512x128xf32>, vector<128x64xf32>, vector<512x64xf32> -> vector<512x64xf32>
    %convert_element_type3A = arith.truncf %dot_general3A_5 : vector<512x64xf32> to vector<512x64xbf16>
    %swap3A = arith.constant 0 : index
    %swap3A_6 = arith.constant 0 : index
    %swap3A_7 = vector.load %arg6[%swap3A, %swap3A_6] : memref<512x64xbf16, #tpu.memory_space<vmem>>, vector<512x64xbf16>
    tpu.vector_store %arg6[%swap3A, %swap3A_6], %convert_element_type3A {strides = array<i32>} : memref<512x64xbf16, #tpu.memory_space<vmem>>, vector<512x64xbf16>,
    %get3A_8 = arith.constant 0 : index
    %get3A_9 = arith.constant 0 : index
    %get3A_10 = vector.load %arg3[%get3A_8, %get3A_9] : memref<128x64xf32, #tpu.memory_space<vmem>>, vector<128x64xf32>
    %dot_general3A_11 = arith.constant dense<0.000000e+00> : vector<512x64xf32>
    %dot_general3A_12 = tpu.matmul %get3A_1, %get3A_10, %dot_general3A_11 {dimension_numbers = #tpu.dot_dimension_numbers<[1], [0], [0], [1], [0, 0, 1, 1], [], []>, transpose_lhs_hint = false} : vector<512x128xf32>, vector<128x64xf32>, vector<512x64xf32> -> vector<512x64xf32>
    %get3A_13 = arith.constant 0 : index
    %get3A_14 = arith.constant 0 : index
    %get3A_15 = vector.load %arg4[%get3A_13, %get3A_14] : memref<1x64xf32, #tpu.memory_space<vmem>>, vector<1x64xf32>
    %add3A = vector.broadcast %get3A_15 : vector<1x64xf32> to vector<512x64xf32>
    %add3A_16 = arith.addf %dot_general3A_12, %add3A : vector<512x64xf32>
    %swap3A_17 = arith.constant 0 : index
    %swap3A_18 = arith.constant 0 : index
    %swap3A_19 = vector.load %arg7[%swap3A_17, %swap3A_18] : memref<512x64xf32, #tpu.memory_space<vmem>>, vector<512x64xf32>
    tpu.vector_store %arg7[%swap3A_17, %swap3A_18], %add3A_16 {strides = array<i32>} : memref<512x64xf32, #tpu.memory_space<vmem>>, vector<512x64xf32>,
    %iota3A = tpu.iota {dimensions = array<i32: 1>} : vector<2x16384xi32>
    %mul3A = arith.constant 16384 : i32
    %mul3A_20 = arith.muli %arg0, %mul3A : i32
    %add3A_21 = vector.broadcast %mul3A_20 : i32 to vector<2x16384xi32>
    %add3A_22 = arith.addi %iota3A, %add3A_21 : vector<2x16384xi32>
    %lt3A = arith.constant 320000 : i32
    %lt3A_23 = vector.broadcast %lt3A : i32 to vector<2x16384xi32>
    %lt3A_24 = arith.cmpi slt, %add3A_22, %lt3A_23 : vector<2x16384xi32>
    %get3A_25 = arith.constant 0 : index
    %get3A_26 = arith.constant 0 : index
    %get3A_27 = vector.load %arg5[%get3A_25, %get3A_26] : memref<2x16384xi32, #tpu.memory_space<vmem>>, vector<2x16384xi32>
    %jit3A = arith.constant 10000 : i32
    %broadcast_in_dim3A = vector.broadcast %jit3A : i32 to vector<2x16384xi32>
    %select_n3A = arith.select %lt3A_24, %get3A_27, %broadcast_in_dim3A : vector<2x16384xi1>, vector<2x16384xi32>
    %reshape3A = vector.shape_cast %select_n3A : vector<2x16384xi32> to vector<2x128x128xi32>
    %swap3A_28 = arith.constant 0 : index
    %swap3A_29 = arith.constant 0 : index
    %swap3A_30 = arith.constant 0 : index
    %swap3A_31 = vector.load %arg8[%swap3A_28, %swap3A_29, %swap3A_30] : memref<2x128x128xi32, #tpu.memory_space<vmem>>, vector<2x128x128xi32>
    tpu.vector_store %arg8[%swap3A_28, %swap3A_29, %swap3A_30], %reshape3A {strides = array<i32>} : memref<2x128x128xi32, #tpu.memory_space<vmem>>, vector<2x128x128xi32>,
    return
  }
  func.func @transform_0(%arg0: i32) -> (i32, i32) {
    %c0_i32 = arith.constant 0 : i32
    %c0_i32_0 = arith.constant 0 : i32
    return %arg0, %c0_i32 : i32, i32
  }
  func.func @transform_1(%arg0: i32) -> (i32, i32) {
    %c0_i32 = arith.constant 0 : i32
    %c0_i32_0 = arith.constant 0 : i32
    %c0_i32_1 = arith.constant 0 : i32
    return %c0_i32, %c0_i32_0 : i32, i32
  }
  func.func @transform_2(%arg0: i32) -> (i32, i32) {
    %c0_i32 = arith.constant 0 : i32
    %c0_i32_0 = arith.constant 0 : i32
    %c0_i32_1 = arith.constant 0 : i32
    return %c0_i32, %c0_i32_0 : i32, i32
  }
  func.func @transform_3(%arg0: i32) -> (i32, i32) {
    %c0_i32 = arith.constant 0 : i32
    %c0_i32_0 = arith.constant 0 : i32
    %c0_i32_1 = arith.constant 0 : i32
    return %c0_i32, %c0_i32_0 : i32, i32
  }
  func.func @transform_4(%arg0: i32) -> (i32, i32) {
    %c0_i32 = arith.constant 0 : i32
    %c0_i32_0 = arith.constant 0 : i32
    return %c0_i32, %arg0 : i32, i32
  }
  func.func @transform_5(%arg0: i32) -> (i32, i32) {
    %c0_i32 = arith.constant 0 : i32
    %c0_i32_0 = arith.constant 0 : i32
    return %arg0, %c0_i32 : i32, i32
  }
  func.func @transform_6(%arg0: i32) -> (i32, i32) {
    %c0_i32 = arith.constant 0 : i32
    %c0_i32_0 = arith.constant 0 : i32
    return %arg0, %c0_i32 : i32, i32
  }
  func.func @transform_7(%arg0: i32) -> (i32, i32, i32) {
    %c0_i32 = arith.constant 0 : i32
    %c0_i32_0 = arith.constant 0 : i32
    %c0_i32_1 = arith.constant 0 : i32
    return %c0_i32, %arg0, %c0_i32_0 : i32, i32, i32
  }
}

module attributes {stable_mosaic.version = 14 : i64} {
  func.func @_tc_mid_body(%arg0: i32, %arg1: memref<2x512x64xbf16, #tpu.memory_space<vmem>>, %arg2: memref<2x512x8xf32, #tpu.memory_space<vmem>>, %arg3: memref<512x64xf32, #tpu.memory_space<vmem>>, %arg4: memref<64x64xf32, #tpu.memory_space<vmem>>, %arg5: memref<64x64xf32, #tpu.memory_space<vmem>>, %arg6: memref<1x64xf32, #tpu.memory_space<vmem>>, %arg7: memref<512x64xbf16, #tpu.memory_space<vmem>>, %arg8: memref<512x64xf32, #tpu.memory_space<vmem>>) attributes {dimension_semantics = [#tpu.dimension_semantics<arbitrary>], iteration_bounds = array<i64: 20>, scalar_prefetch = 0 : i64, scratch_operands = 0 : i64, tpu.core_type = #tpu.core_type<tc>, window_params = [{transform_indices = @transform_0, window_bounds = array<i64: 2, 512, 64>}, {transform_indices = @transform_1, window_bounds = array<i64: 2, 512, 8>}, {transform_indices = @transform_2, window_bounds = array<i64: 512, 64>}, {pipeline_mode = #tpu.pipeline_mode<synchronous>, transform_indices = @transform_3, window_bounds = array<i64: 64, 64>}, {pipeline_mode = #tpu.pipeline_mode<synchronous>, transform_indices = @transform_4, window_bounds = array<i64: 64, 64>}, {pipeline_mode = #tpu.pipeline_mode<synchronous>, transform_indices = @transform_5, window_bounds = array<i64: 1, 64>}, {transform_indices = @transform_6, window_bounds = array<i64: 512, 64>}, {transform_indices = @transform_7, window_bounds = array<i64: 512, 64>}]} {
    %get3A = arith.constant 0 : index
    %get3A_0 = arith.constant 0 : index
    %get3A_1 = arith.constant 0 : index
    %get3A_2 = vector.load %arg1[%get3A, %get3A_0, %get3A_1] : memref<2x512x64xbf16, #tpu.memory_space<vmem>>, vector<1x512x64xbf16>
    %get3A_3 = vector.shape_cast %get3A_2 : vector<1x512x64xbf16> to vector<512x64xbf16>
    %convert_element_type3A = arith.extf %get3A_3 : vector<512x64xbf16> to vector<512x64xf32>
    %get3A_4 = arith.constant 1 : index
    %get3A_5 = arith.constant 0 : index
    %get3A_6 = arith.constant 0 : index
    %get3A_7 = vector.load %arg1[%get3A_4, %get3A_5, %get3A_6] : memref<2x512x64xbf16, #tpu.memory_space<vmem>>, vector<1x512x64xbf16>
    %get3A_8 = vector.shape_cast %get3A_7 : vector<1x512x64xbf16> to vector<512x64xbf16>
    %convert_element_type3A_9 = arith.extf %get3A_8 : vector<512x64xbf16> to vector<512x64xf32>
    %add3A = arith.addf %convert_element_type3A, %convert_element_type3A_9 : vector<512x64xf32>
    %get3A_10 = arith.constant 0 : index
    %get3A_11 = arith.constant 0 : index
    %get3A_12 = arith.constant 0 : index
    %get3A_13 = vector.load %arg2[%get3A_10, %get3A_11, %get3A_12] : memref<2x512x8xf32, #tpu.memory_space<vmem>>, vector<1x512x1xf32>
    %get3A_14 = vector.shape_cast %get3A_13 : vector<1x512x1xf32> to vector<512xf32>
    %get3A_15 = arith.constant 1 : index
    %get3A_16 = arith.constant 0 : index
    %get3A_17 = arith.constant 0 : index
    %get3A_18 = vector.load %arg2[%get3A_15, %get3A_16, %get3A_17] : memref<2x512x8xf32, #tpu.memory_space<vmem>>, vector<1x512x1xf32>
    %get3A_19 = vector.shape_cast %get3A_18 : vector<1x512x1xf32> to vector<512xf32>
    %add3A_20 = arith.addf %get3A_14, %get3A_19 : vector<512xf32>
    %max3A = arith.constant 1.000000e+00 : f32
    %max3A_21 = vector.broadcast %max3A : f32 to vector<512xf32>
    %max3A_22 = arith.maximumf %add3A_20, %max3A_21 : vector<512xf32>
    %broadcast_in_dim3A = vector.shape_cast %max3A_22 : vector<512xf32> to vector<512x1xf32>
    %div3A = vector.broadcast %broadcast_in_dim3A : vector<512x1xf32> to vector<512x64xf32>
    %div3A_23 = arith.divf %add3A, %div3A : vector<512x64xf32>
    %get3A_24 = arith.constant 0 : index
    %get3A_25 = arith.constant 0 : index
    %get3A_26 = vector.load %arg3[%get3A_24, %get3A_25] : memref<512x64xf32, #tpu.memory_space<vmem>>, vector<512x64xf32>
    %add3A_27 = arith.addf %div3A_23, %get3A_26 : vector<512x64xf32>
    %max3A_28 = arith.constant 0.000000e+00 : f32
    %max3A_29 = vector.broadcast %max3A_28 : f32 to vector<512x64xf32>
    %max3A_30 = arith.maximumf %add3A_27, %max3A_29 : vector<512x64xf32>
    %get3A_31 = arith.constant 0 : index
    %get3A_32 = arith.constant 0 : index
    %get3A_33 = vector.load %arg4[%get3A_31, %get3A_32] : memref<64x64xf32, #tpu.memory_space<vmem>>, vector<64x64xf32>
    %dot_general3A = arith.constant dense<0.000000e+00> : vector<512x64xf32>
    %dot_general3A_34 = tpu.matmul %max3A_30, %get3A_33, %dot_general3A {dimension_numbers = #tpu.dot_dimension_numbers<[1], [0], [0], [1], [0, 0, 1, 1], [], []>, transpose_lhs_hint = false} : vector<512x64xf32>, vector<64x64xf32>, vector<512x64xf32> -> vector<512x64xf32>
    %convert_element_type3A_35 = arith.truncf %dot_general3A_34 : vector<512x64xf32> to vector<512x64xbf16>
    %swap3A = arith.constant 0 : index
    %swap3A_36 = arith.constant 0 : index
    %swap3A_37 = vector.load %arg7[%swap3A, %swap3A_36] : memref<512x64xbf16, #tpu.memory_space<vmem>>, vector<512x64xbf16>
    tpu.vector_store %arg7[%swap3A, %swap3A_36], %convert_element_type3A_35 {strides = array<i32>} : memref<512x64xbf16, #tpu.memory_space<vmem>>, vector<512x64xbf16>,
    %get3A_38 = arith.constant 0 : index
    %get3A_39 = arith.constant 0 : index
    %get3A_40 = vector.load %arg5[%get3A_38, %get3A_39] : memref<64x64xf32, #tpu.memory_space<vmem>>, vector<64x64xf32>
    %dot_general3A_41 = arith.constant dense<0.000000e+00> : vector<512x64xf32>
    %dot_general3A_42 = tpu.matmul %max3A_30, %get3A_40, %dot_general3A_41 {dimension_numbers = #tpu.dot_dimension_numbers<[1], [0], [0], [1], [0, 0, 1, 1], [], []>, transpose_lhs_hint = false} : vector<512x64xf32>, vector<64x64xf32>, vector<512x64xf32> -> vector<512x64xf32>
    %get3A_43 = arith.constant 0 : index
    %get3A_44 = arith.constant 0 : index
    %get3A_45 = vector.load %arg6[%get3A_43, %get3A_44] : memref<1x64xf32, #tpu.memory_space<vmem>>, vector<1x64xf32>
    %add3A_46 = vector.broadcast %get3A_45 : vector<1x64xf32> to vector<512x64xf32>
    %add3A_47 = arith.addf %dot_general3A_42, %add3A_46 : vector<512x64xf32>
    %swap3A_48 = arith.constant 0 : index
    %swap3A_49 = arith.constant 0 : index
    %swap3A_50 = vector.load %arg8[%swap3A_48, %swap3A_49] : memref<512x64xf32, #tpu.memory_space<vmem>>, vector<512x64xf32>
    tpu.vector_store %arg8[%swap3A_48, %swap3A_49], %add3A_47 {strides = array<i32>} : memref<512x64xf32, #tpu.memory_space<vmem>>, vector<512x64xf32>,
    return
  }
  func.func @transform_0(%arg0: i32) -> (i32, i32, i32) {
    %c0_i32 = arith.constant 0 : i32
    %c0_i32_0 = arith.constant 0 : i32
    %c0_i32_1 = arith.constant 0 : i32
    return %c0_i32, %arg0, %c0_i32_0 : i32, i32, i32
  }
  func.func @transform_1(%arg0: i32) -> (i32, i32, i32) {
    %c0_i32 = arith.constant 0 : i32
    %c0_i32_0 = arith.constant 0 : i32
    %c0_i32_1 = arith.constant 0 : i32
    return %c0_i32, %arg0, %c0_i32_0 : i32, i32, i32
  }
  func.func @transform_2(%arg0: i32) -> (i32, i32) {
    %c0_i32 = arith.constant 0 : i32
    %c0_i32_0 = arith.constant 0 : i32
    return %arg0, %c0_i32 : i32, i32
  }
  func.func @transform_3(%arg0: i32) -> (i32, i32) {
    %c0_i32 = arith.constant 0 : i32
    %c0_i32_0 = arith.constant 0 : i32
    %c0_i32_1 = arith.constant 0 : i32
    return %c0_i32, %c0_i32_0 : i32, i32
  }
  func.func @transform_4(%arg0: i32) -> (i32, i32) {
    %c0_i32 = arith.constant 0 : i32
    %c0_i32_0 = arith.constant 0 : i32
    %c0_i32_1 = arith.constant 0 : i32
    return %c0_i32, %c0_i32_0 : i32, i32
  }
  func.func @transform_5(%arg0: i32) -> (i32, i32) {
    %c0_i32 = arith.constant 0 : i32
    %c0_i32_0 = arith.constant 0 : i32
    %c0_i32_1 = arith.constant 0 : i32
    return %c0_i32, %c0_i32_0 : i32, i32
  }
  func.func @transform_6(%arg0: i32) -> (i32, i32) {
    %c0_i32 = arith.constant 0 : i32
    %c0_i32_0 = arith.constant 0 : i32
    return %arg0, %c0_i32 : i32, i32
  }
  func.func @transform_7(%arg0: i32) -> (i32, i32) {
    %c0_i32 = arith.constant 0 : i32
    %c0_i32_0 = arith.constant 0 : i32
    return %arg0, %c0_i32 : i32, i32
  }
}

module attributes {stable_mosaic.version = 14 : i64} {
  func.func @_tc_out_body(%arg0: i32, %arg1: memref<2x400x64xbf16, #tpu.memory_space<vmem>>, %arg2: memref<2x400x8xf32, #tpu.memory_space<vmem>>, %arg3: memref<400x64xf32, #tpu.memory_space<vmem>>, %arg4: memref<400x64xf32, #tpu.memory_space<vmem>>) attributes {dimension_semantics = [#tpu.dimension_semantics<arbitrary>], iteration_bounds = array<i64: 25>, scalar_prefetch = 0 : i64, scratch_operands = 0 : i64, tpu.core_type = #tpu.core_type<tc>, window_params = [{transform_indices = @transform_0, window_bounds = array<i64: 2, 400, 64>}, {transform_indices = @transform_1, window_bounds = array<i64: 2, 400, 8>}, {transform_indices = @transform_2, window_bounds = array<i64: 400, 64>}, {transform_indices = @transform_3, window_bounds = array<i64: 400, 64>}]} {
    %get3A = arith.constant 0 : index
    %get3A_0 = arith.constant 0 : index
    %get3A_1 = arith.constant 0 : index
    %get3A_2 = vector.load %arg1[%get3A, %get3A_0, %get3A_1] : memref<2x400x64xbf16, #tpu.memory_space<vmem>>, vector<1x400x64xbf16>
    %get3A_3 = vector.shape_cast %get3A_2 : vector<1x400x64xbf16> to vector<400x64xbf16>
    %convert_element_type3A = arith.extf %get3A_3 : vector<400x64xbf16> to vector<400x64xf32>
    %get3A_4 = arith.constant 1 : index
    %get3A_5 = arith.constant 0 : index
    %get3A_6 = arith.constant 0 : index
    %get3A_7 = vector.load %arg1[%get3A_4, %get3A_5, %get3A_6] : memref<2x400x64xbf16, #tpu.memory_space<vmem>>, vector<1x400x64xbf16>
    %get3A_8 = vector.shape_cast %get3A_7 : vector<1x400x64xbf16> to vector<400x64xbf16>
    %convert_element_type3A_9 = arith.extf %get3A_8 : vector<400x64xbf16> to vector<400x64xf32>
    %add3A = arith.addf %convert_element_type3A, %convert_element_type3A_9 : vector<400x64xf32>
    %get3A_10 = arith.constant 0 : index
    %get3A_11 = arith.constant 0 : index
    %get3A_12 = arith.constant 0 : index
    %get3A_13 = vector.load %arg2[%get3A_10, %get3A_11, %get3A_12] : memref<2x400x8xf32, #tpu.memory_space<vmem>>, vector<1x400x1xf32>
    %get3A_14 = vector.shape_cast %get3A_13 : vector<1x400x1xf32> to vector<400xf32>
    %get3A_15 = arith.constant 1 : index
    %get3A_16 = arith.constant 0 : index
    %get3A_17 = arith.constant 0 : index
    %get3A_18 = vector.load %arg2[%get3A_15, %get3A_16, %get3A_17] : memref<2x400x8xf32, #tpu.memory_space<vmem>>, vector<1x400x1xf32>
    %get3A_19 = vector.shape_cast %get3A_18 : vector<1x400x1xf32> to vector<400xf32>
    %add3A_20 = arith.addf %get3A_14, %get3A_19 : vector<400xf32>
    %max3A = arith.constant 1.000000e+00 : f32
    %max3A_21 = vector.broadcast %max3A : f32 to vector<400xf32>
    %max3A_22 = arith.maximumf %add3A_20, %max3A_21 : vector<400xf32>
    %broadcast_in_dim3A = vector.shape_cast %max3A_22 : vector<400xf32> to vector<400x1xf32>
    %div3A = vector.broadcast %broadcast_in_dim3A : vector<400x1xf32> to vector<400x64xf32>
    %div3A_23 = arith.divf %add3A, %div3A : vector<400x64xf32>
    %get3A_24 = arith.constant 0 : index
    %get3A_25 = arith.constant 0 : index
    %get3A_26 = vector.load %arg3[%get3A_24, %get3A_25] : memref<400x64xf32, #tpu.memory_space<vmem>>, vector<400x64xf32>
    %add3A_27 = arith.addf %div3A_23, %get3A_26 : vector<400x64xf32>
    %swap3A = arith.constant 0 : index
    %swap3A_28 = arith.constant 0 : index
    %swap3A_29 = vector.load %arg4[%swap3A, %swap3A_28] : memref<400x64xf32, #tpu.memory_space<vmem>>, vector<400x64xf32>
    tpu.vector_store %arg4[%swap3A, %swap3A_28], %add3A_27 {strides = array<i32>} : memref<400x64xf32, #tpu.memory_space<vmem>>, vector<400x64xf32>,
    return
  }
  func.func @transform_0(%arg0: i32) -> (i32, i32, i32) {
    %c0_i32 = arith.constant 0 : i32
    %c0_i32_0 = arith.constant 0 : i32
    %c0_i32_1 = arith.constant 0 : i32
    return %c0_i32, %arg0, %c0_i32_0 : i32, i32, i32
  }
  func.func @transform_1(%arg0: i32) -> (i32, i32, i32) {
    %c0_i32 = arith.constant 0 : i32
    %c0_i32_0 = arith.constant 0 : i32
    %c0_i32_1 = arith.constant 0 : i32
    return %c0_i32, %arg0, %c0_i32_0 : i32, i32, i32
  }
  func.func @transform_2(%arg0: i32) -> (i32, i32) {
    %c0_i32 = arith.constant 0 : i32
    %c0_i32_0 = arith.constant 0 : i32
    return %arg0, %c0_i32 : i32, i32
  }
  func.func @transform_3(%arg0: i32) -> (i32, i32) {
    %c0_i32 = arith.constant 0 : i32
    %c0_i32_0 = arith.constant 0 : i32
    return %arg0, %c0_i32 : i32, i32
  }
}

</mosaic_0001>

<sc_bundles>
// kernel: kernel.10.cloned.1.call-start
scs
__scs_entry_jumppad:
0x0: {  	(pc) =	sbr.rel $0x88, $3  }
0x1: {  	(tag) =	ssettag $0x0;
	lr =	simm.s32 $0x1  }
0x2: {  	[smem:$0x3F99] =	sst lr;
	_ =	strace $0xD0000000  }
0x3: {  	_ = 	snop  }
0x4: {  	_ = 	snop  }
0x5: {  	_ = 	snop  }
0x6: {  	_ = 	snop  }
0x7: {  	_ = 	snop  }
__scs_overlays_trampoline_lowered:
0x8: {  	[smem:$0x3FA8] =	sst s0  }
0x9: {  	[smem:$0x3FA9] =	sst s1  }
0xa: {  	[smem:$0x3FAA] =	sst s2  }
0xb: {  	[smem:$0x3FAB] =	sst s3  }
0xc: {  	[smem:$0x3FAC] =	sst s4  }
0xd: {  	[smem:$0x3FAD] =	sst s5  }
0xe: {  	[smem:$0x3FAE] =	sst s6  }
0xf: {  	[smem:$0x3FAF] =	sst s7  }
0x10: {  	[smem:$0x3FB0] =	sst s8  }
0x11: {  	[smem:$0x3FB1] =	sst s9;
	s0 =	simm.s32 @!p0 $0x0  }
0x12: {  	s1 =	sld [smem:$0x3F97];
	s0 =	simm.s32 @p0 $0x1  }
0x13: {  	[smem:$0x3FB2] =	sst s0;
	s0 =	simm.s32 @!p1 $0x0  }
0x14: {  	s2 =	sld [smem:$0x3F96];
	s0 =	simm.s32 @p1 $0x1  }
0x15: {  	[smem:$0x3FB3] =	sst s0;
	s0 =	simm.s32 @!p2 $0x0  }
0x16: {  	s3 =	sld [smem:$0x3FDB];
	s0 =	simm.s32 @p2 $0x1  }
0x17: {  	s4 =	simm.s32 $0x1BF5;
	[smem:$0x3FB5] =	sst s0  }
0x18: {  	s0 =	sld [smem:$0x3F98];
	_ =	swait.ge [sflag:s4], $0x0  }
0x19: {  	s7 =	sld [smem:$0x3F99]  }
0x1a: {  	s8 =	sadd.s32 $0xFFFFE003, lr  }
0x1b: {  	s9 =	sadd.s32 $0xFFFFFEF7, lr;
	s5 =	simm.s32 $0xFFFFFFFF;
	p2 =	slt.u32 s8, $0xFFFFF086  }
0x1c: {  	p1 =	slt.u32 s9, $0xF7A;
	s5 =	simm.s32 @!p2 $0x0  }
0x1d: {  	s5 =	simm.s32 @p1 $0x1;
	p0 =	seq.s32 s7, s2  }
0x1e: {  	s7 =	smul.u32 @!p0 $0xF7A, s2;
	p2 =	seq.s32 @!p0 s5, $0x0  }
0x1f: {  	s9 =	smul.u32 $0xF7A, s1;
	s8 =	simm.s32 @!p0 $0x1BF5;
	p2 =	por !p2, p0  }
0x20: {  	[sflag:s8] =	ssyncset.s32 @!p0 $0xFFFFF086;
	s6 =	sadd.s32 @!p0 s3, s7;
	s7 =	simm.s32 @!p0 $0x108  }
0x21: {  	s3 =	sadd.s32 s3, s9;
	s6 =	sadd.s32 @!p0 $0x88, s6;
	s7 =	simm.s32 @p2 $0x1082  }
0x22: {  	[simem:s7], [sflag:s8] =	dma.local @!p0 [hbm:s6], $0xF7A  }
0x23: {  	s9 =	sor.u32 $0xD0000000, s2;
	s6 =	simm.s32 $0x108;
	_ =	swait.ge @!p0 [sflag:s8], $0x0  }
0x24: {  	s3 =	sadd.s32 $0x88, s3;
	s6 =	simm.s32 @!p1 $0x1082;
	[sflag:s4] =	ssyncset.s32 $0xFFFFF086  }
0x25: {  	[simem:s6], [sflag:s4] =	dma.local [hbm:s3], $0xF7A  }
0x26: {  	[smem:$0x3F99] =	sst s1;
	(tag) =	ssettag s2;
	_ =	strace s9  }
0x27: {  	s1 =	sld [smem:$0x3FA9]  }
0x28: {  	s2 =	sld [smem:$0x3FAA]  }
0x29: {  	s4 =	sld [smem:$0x3FAC]  }
0x2a: {  	p0 =	seq.s32 s5, $0x0;
	s5 =	sld [smem:$0x3FAD]  }
0x2b: {  	s6 =	sld [smem:$0x3FAE]  }
0x2c: {  	s7 =	sld [smem:$0x3FAF]  }
0x2d: {  	s3 =	simm.s32 $0x108;
	s8 =	sld [smem:$0x3FB0]  }
0x2e: {  	s3 =	simm.s32 @!p0 $0x1082;
	s9 =	sld [smem:$0x3FB1]  }
0x2f: {  	lr =	sadd.s32 s0, s3;
	s0 =	sld [smem:$0x3FA8]  }
0x30: {  	s3 =	sld [smem:$0x3FAB]  }
0x31: {  	[smem:$0x3FB4] =	sst s10  }
0x32: {  	s10 =	sld [smem:$0x3FB2];
	_ =	sdelay $0x3  }
0x33: {  	p0 =	seq.s32 s10, $0x1;
	s10 =	sld [smem:$0x3FB4];
	_ =	sdelay $0x3  }
0x34: {  	[smem:$0x3FB4] =	sst s10  }
0x35: {  	s10 =	sld [smem:$0x3FB3];
	_ =	sdelay $0x3  }
0x36: {  	p1 =	seq.s32 s10, $0x1;
	s10 =	sld [smem:$0x3FB4];
	_ =	sdelay $0x3  }
0x37: {  	[smem:$0x3FB4] =	sst s10  }
0x38: {  	s10 =	sld [smem:$0x3FB5]  }
0x39: {  	_ = 	snop;
	(pc) =	sbr.ind lr, $3  }
0x3a: {  	_ = 	snop  }
0x3b: {  	_ = 	snop  }
0x3c: {  	p2 =	seq.s32 s10, $0x1;
	s10 =	sld [smem:$0x3FB4]  }
0x3d: {  	_ =	shalt  }
0x3e: {  	_ =	shalt  }
0x3f: {  	_ =	shalt  }
0x40: {  	_ =	shalt  }
0x41: {  	_ =	shalt  }
0x42: {  	_ =	shalt  }
0x43: {  	_ =	shalt  }
0x44: {  	_ =	shalt  }
0x45: {  	_ =	shalt  }
0x46: {  	_ =	shalt  }
0x47: {  	_ =	shalt  }
0x48: {  	_ =	shalt  }
0x49: {  	_ =	shalt  }
0x4a: {  	_ =	shalt  }
0x4b: {  	_ =	shalt  }
0x4c: {  	_ =	shalt  }
0x4d: {  	_ =	shalt  }
0x4e: {  	_ =	shalt  }
0x4f: {  	_ =	shalt  }
0x50: {  	_ =	shalt  }
0x51: {  	_ =	shalt  }
0x52: {  	_ =	shalt  }
0x53: {  	_ =	shalt  }
0x54: {  	_ =	shalt  }
0x55: {  	_ =	shalt  }
0x56: {  	_ =	shalt  }
0x57: {  	_ =	shalt  }
0x58: {  	_ =	shalt  }
0x59: {  	_ =	shalt  }
0x5a: {  	_ =	shalt  }
0x5b: {  	_ =	shalt  }
0x5c: {  	_ =	shalt  }
0x5d: {  	_ =	shalt  }
0x5e: {  	_ =	shalt  }
0x5f: {  	_ =	shalt  }
0x60: {  	_ =	shalt  }
0x61: {  	_ =	shalt  }
0x62: {  	_ =	shalt  }
0x63: {  	_ =	shalt  }
0x64: {  	_ =	shalt  }
0x65: {  	_ =	shalt  }
0x66: {  	_ =	shalt  }
0x67: {  	_ =	shalt  }
0x68: {  	_ =	shalt  }
0x69: {  	_ =	shalt  }
0x6a: {  	_ =	shalt  }
0x6b: {  	_ =	shalt  }
0x6c: {  	_ =	shalt  }
0x6d: {  	_ =	shalt  }
0x6e: {  	_ =	shalt  }
0x6f: {  	_ =	shalt  }
0x70: {  	_ =	shalt  }
0x71: {  	_ =	shalt  }
0x72: {  	_ =	shalt  }
0x73: {  	_ =	shalt  }
0x74: {  	_ =	shalt  }
0x75: {  	_ =	shalt  }
0x76: {  	_ =	shalt  }
0x77: {  	_ =	shalt  }
0x78: {  	_ =	shalt  }
0x79: {  	_ =	shalt  }
0x7a: {  	_ =	shalt  }
0x7b: {  	_ =	shalt  }
0x7c: {  	_ =	shalt  }
0x7d: {  	_ =	shalt  }
0x7e: {  	_ =	shalt  }
0x7f: {  	_ =	shalt  }
0x80: {  	_ =	shalt  }
0x81: {  	_ =	shalt  }
0x82: {  	_ =	shalt  }
0x83: {  	_ =	shalt  }
0x84: {  	_ =	shalt  }
0x85: {  	_ =	shalt  }
0x86: {  	_ =	shalt  }
0x87: {  	_ =	shalt  }
.Lfunc_end0:
.L_simem_size_0:
called_computation.1_lowered:
.L_overlay_start_0:
0x88: {  	s2 =	sld [smem:$0x3FD9]  }
0x89: {  	s3 =	sld [smem:$0x3FFE];
	_ =	sdelay $0x1  }
0x8a: {  	s1 =	srdreg.scid  }
0x8b: {  	s0 =	sand.u32 $0x1, s1  }
0x8c: {  	s17 =	sshll.u32 s0, $0xA;
	s2 =	sadd.s32 s3, s2  }
0x8d: {  	s2 =	sadd.s32 s2, s17  }
0x8e: {  	[smem:$0x3FC0] =	sst s2  }
0x8f: {  	_ = 	snop  }
0x90: {  	s2 =	sld [smem:$0x3FD0];
	(tm) =	ssettm $0x1  }
0x91: {  	s18 =	sld [smem:$0x3FFB];
	_ =	sdelay $0x3  }
0x92: {  	_ =	strace s18  }
0x93: {  	s3 =	sld [smem:$0x3FFC];
	_ =	sdelay $0x3  }
0x94: {  	_ =	strace s3  }
0x95: {  	s3 =	sld [smem:$0x3FFD];
	_ =	sdelay $0x3  }
0x96: {  	_ =	strace s3  }
0x97: {  	_ =	strace $0x8FFFFFFF  }
0x98: {  	s19 =	sld [smem:$0x3FDB];
	_ =	sdelay $0x1  }
0x99: {  	s4 =	simm.s32 $_scs_section_size  }
0x9a: {  	s5 =	simm.s32 $_size__tile_overlayer_lowered;
	s6 =	simm.s32 $_tile_overlayer_lowered  }
0x9b: {  	s22 =	simm.s32 $0x1BFF;
	s21 =	sshll.u32 s6, $0x1;
	s3 =	sadd.s32 s4, s19  }
0x9c: {  	s7 =	simm.s32 $0x0;
	s20 =	sshll.u32 s5, $0x1;
	s5 =	sadd.s32 s21, s3  }
0x9d: {  	[timem:s7], [sflag:s22] =	dma.local [hbm:s5], s20  }
0x9e: {  	_ =	swait.ge [sflag:s22], s20  }
0x9f: {  	s4 =	ssub.s32 $0x0, s20;
	[sflag:s22] =	ssyncset.done $0x0  }
0xa0: {  	[sflag:s22] =	ssyncadd.s32 s4;
	_ =	sdelay $0x1  }
0xa1: {  	s23 =	simm.s32 $0x1B8B  }
0xa2: {  	_ =	swait.ge [sflag:s23], $0x1  }
0xa3: {  	[sflag:s23] =	ssyncset.done $0x0  }
0xa4: {  	s25 =	simm.s32 $0x1B8E;
	s24 =	sld [smem:$0x3FFE];
	[sflag:s23] =	ssyncadd.s32 $0xFFFFFFFF  }
0xa5: {  	s26 =	simm.s32 $execute0_lowered;
	[smem:$0x3FD2] =	sst s25  }
0xa6: {  	s5 =	sshll.u32 s26, $0x1;
	_ =	strace $0x80000049;
	[dreg:$0x1] =	wrdreg $0xFFFFFFFF  }
0xa7: {  	s28 =	simm.s32 $_size_execute0_lowered;
	s3 =	sadd.s32 s3, s5;
	[dreg:$0x0] =	wrdreg $0x0  }
0xa8: {  	s5 =	sshll.u32 s28, $0x1;
	[dreg:$0x2] =	wrdreg s3  }
0xa9: {  	[dreg:$0x3] =	wrdreg s5  }
0xaa: {  	[dreg:$0x4] =	wrdreg $0xC0  }
0xab: {  	_ =	task [dreg:s7], $0x5FFFF  }
0xac: {  	[dreg:$0x1] =	wrdreg $0xFFFFFFFF  }
0xad: {  	[dreg:$0x0] =	wrdreg $0x60  }
0xae: {  	[dreg:$0x2] =	wrdreg s2  }
0xaf: {  	[dreg:$0x3] =	wrdreg s24  }
0xb0: {  	[dreg:$0x4] =	wrdreg $0x110000  }
0xb1: {  	[dreg:$0x5] =	wrdreg $0x160000  }
0xb2: {  	[dreg:$0x6] =	wrdreg $0x9  }
0xb3: {  	_ =	task.clear_ibuf [dreg:s7], $0x7FFFF;
	_ =	strace $0x90000049  }
0xb4: {  	s29 =	simm.s32 $0x9;
	_ =	strace $0x8000004B  }
0xb5: {  	_ =	swait.ge [sflag:s29], $0x1  }
0xb6: {  	[sflag:s29] =	ssyncadd.s32 $0xFFFFFFFF  }
0xb7: {  	_ =	strace $0x9000004B  }
0xb8: {  	_ =	sfence  }
0xb9: {  	s30 =	sld [smem:$0x0];
	_ =	sdelay $0x2  }
0xba: {  	s31 =	sshll.u32 s1, $0xD;
	s1 =	sshrl.u32 s1, $0x2  }
0xbb: {  	s3 =	sand.u32 $0x4000, s31;
	s1 =	sadd.s32 s1, s30  }
0xbc: {  	s0 =	sor.u32 s3, s0;
	s1 =	sshll.u32 s1, $0x11  }
0xbd: {  	s0 =	sor.u32 s1, s0  }
0xbe: {  	s0 =	sadd.s32 $0x8F2B, s0  }
0xbf: {  	[sflag:s0] =	ssyncadd.remote.s32 $0x1  }
0xc0: {  	_ =	sfence.sel $0xFFFF  }
0xc1: {  	[dreg:$0x0] =	wrdreg $0xFFFFFFFF;
	(pc) =	sbr.abs _section_cstart, $3  }
0xc2: {  	[dreg:$0x1] =	wrdreg $0xFFFFFFFF  }
0xc3: {  	_ =	task.clear_ibuf [dreg:s7], $0x2FFFF;
	_ =	strace $0x9FFFFFFF  }
0xc4: {  	(tm) =	ssettm $0x7FFFFFFF  }
0xc5: {  	_ =	shalt  }
tec
execute0_lowered:
.L_overlay_start_1:
0x0: {  	(tag) =	ssettag $0x1  }
0x1: {  	s0 =	rddreg [dreg:$0x0]  }
0x2: {  	s2 =	rddreg [dreg:$0x1]  }
0x3: {  	s1 =	rddreg [dreg:$0x2]  }
0x4: {  	s3 =	rddreg [dreg:$0x3]  }
0x5: {  	s5 =	simm.s32 $0x0;
	s4 =	srdreg.scid;
	s13 =	stileid.u32  }
0x6: {  	s18 =	simm.s32 $0x880;
	[smem:$0x7FF] =	sst s5;
	s8 =	sadd.s32 $0x2000, s2  }
0x7: {  	s20 =	simm.s32 $0x900;
	_ =	strace $0x8000004A;
	[dreg:$0x1d] =	wrdreg s8  }
0x8: {  	s21 =	simm.s32 $0x980;
	s22 =	simm.s32 $0xA00;
	[dreg:$0x7] =	wrdreg s18  }
0x9: {  	s23 =	simm.s32 $0xA80;
	s24 =	simm.s32 $0xB00;
	[dreg:$0x8] =	wrdreg s20  }
0xa: {  	s25 =	simm.s32 $0xB80;
	s26 =	simm.s32 $0x480;
	[dreg:$0x9] =	wrdreg s21  }
0xb: {  	s29 =	simm.s32 $0xA000;
	s31 =	simm.s32 $0xB000;
	[dreg:$0xa] =	wrdreg s22  }
0xc: {  	s28 =	simm.s32 $0x3000;
	s4 =	sand.u32 $0x1, s4;
	[dreg:$0xb] =	wrdreg s23  }
0xd: {  	s30 =	simm.s32 $0x4000;
	s6 =	smul.u32 $0x50, s4;
	[dreg:$0xc] =	wrdreg s24  }
0xe: {  	s19 =	sshll.u32 s13, $0x1;
	s12 =	smul.u32 $0xA000, s4;
	[dreg:$0xd] =	wrdreg s25  }
0xf: {  	s9 =	ssub.s32 $0x2, s4;
	[dreg:$0xe] =	wrdreg s26;
	s18 =	simm.s32 $0xC00  }
0x10: {  	s4 =	sor.u32 s4, s19;
	s19 =	simm.s32 $0xC80;
	[dreg:$0x15] =	wrdreg s18  }
0x11: {  	s11 =	smul.u32 $0xA0, s13;
	s20 =	simm.s32 $0xD00;
	[dreg:$0x16] =	wrdreg s19  }
0x12: {  	s7 =	sadd.s32 $0x2A00, s2;
	s21 =	simm.s32 $0xD80;
	[dreg:$0x17] =	wrdreg s20  }
0x13: {  	s10 =	smul.u32 $0xA000, s13;
	s22 =	simm.s32 $0xE00;
	[dreg:$0x18] =	wrdreg s21  }
0x14: {  	s23 =	simm.s32 $0xE80;
	s24 =	simm.s32 $0xF00;
	[dreg:$0x19] =	wrdreg s22  }
0x15: {  	s25 =	simm.s32 $0xF80;
	s14 =	sshrl.u32 s9, $0x1;
	[dreg:$0x1a] =	wrdreg s23  }
0x16: {  	s15 =	sshrl.u32 s10, $0x1;
	s10 =	sshrl.u32 s10, $0x4;
	[dreg:$0x1b] =	wrdreg s24  }
0x17: {  	s4 =	smul.u32 $0x500, s4;
	s18 =	simm.s32 $0x80;
	[dreg:$0x1c] =	wrdreg s25  }
0x18: {  	s23 =	simm.s32 $0x800;
	s20 =	simm.s32 $0x50000;
	s22 =	simm.s32 $0x1000  }
0x19: {  	s25 =	simm.s32 $0x2000;
	s5 =	sadd.s32 s6, s11;
	s2 =	sadd.s32 s12, s2  }
0x1a: {  	s6 =	ssub.s32 s9, s14;
	s17 =	sadd.s32 s15, s1;
	s0 =	sadd.s32 s0, s10  }
0x1b: {  	s11 =	sshll.u32 s13, $0x6;
	s14 =	simm.s32 $0x680;
	[dreg:$0x1f] =	wrdreg s0  }
0x1c: {  	s8 =	sadd.s32 s15, s3;
	s15 =	simm.s32 $0x700;
	[dreg:$0x12] =	wrdreg s14  }
0x1d: {  	s5 =	sshll.u32 s5, $0x4;
	s4 =	sadd.s32 s7, s4;
	[dreg:$0x13] =	wrdreg s15  }
0x1e: {  	s16 =	sor.u32 $0x1C01, s11;
	s9 =	sor.u32 $0x1C02, s11;
	[smem:$0x7F8] =	sst s4  }
0x1f: {  	s2 =	sadd.s32 $0x66A00, s2;
	s13 =	sshrl.u32 s8, $0x3;
	[smem:$0x7FA] =	sst s9  }
0x20: {  	s11 =	simm.s32 $0x600;
	s14 =	simm.s32 $0x2;
	[smem:$0x7FB] =	sst s13  }
0x21: {  	s15 =	simm.s32 $0x400;
	s8 =	simm.s32 $0x10000;
	[dreg:$0x11] =	wrdreg s11  }
0x22: {  	s5 =	sadd.s32 s5, s7;
	s7 =	simm.s32 $0x580;
	[dreg:$0x1e] =	wrdreg s16  }
0x23: {  	s0 =	simm.s32 $0x0;
	s26 =	sadd.s32 s10, s2;
	[dreg:$0x10] =	wrdreg s7  }
0x24: {  	s13 =	simm.s32 $0x1;
	s12 =	sadd.s32 $0x100, s5;
	[smem:$0x7FC] =	sst s26  }
0x25: {  	s2 =	simm.s32 $0xC000;
	s5 =	sadd.s32 $0x80, s5;
	[dreg:$0x5] =	wrdreg s12  }
0x26: {  	s4 =	simm.s32 $0xD000;
	[dreg:$0x6] =	wrdreg s5;
	s5 =	smax.u32 s6, $0x1  }
0x27: {  	s9 =	simm.s32 $0x3;
	s6 =	simm.s32 $0x500;
	[smem:$0x7F9] =	sst s5  }
0x28: {  	s12 =	sshrl.u32 s17, $0x3;
	s17 =	simm.s32 $0x780;
	[dreg:$0xf] =	wrdreg s6  }
0x29: {  	s26 =	simm.s32 $0x9000;
	s7 =	simm.s32 $0xF000;
	[dreg:$0x14] =	wrdreg s17  }
0x2a: {  	s17 =	simm.s32 $0x5;
	s5 =	simm.s32 $0xE000;
	[smem:$0x7FD] =	sst s12  }
.LBB2_1:
0x2b: {  	[smem:$0x7F7] =	sst s0  }
0x2c: {  	s6 =	rddreg [dreg:$0x1d]  }
0x2d: {  	[spmem:s12], [sflag:s16] =	dma.local [hbm:s6], $0xA00  }
0x2e: {  	s10 =	sld [smem:$0x7FA]  }
0x2f: {  	s11 =	sld [smem:$0x7FB];
	_ =	sdelay $0x1  }
0x30: {  	s6 =	rddreg [dreg:$0x1f]  }
0x31: {  	[spmem:s11], [sflag:s10] =	dma.local [hbm:s6], $0xA00  }
0x32: {  	_ =	swait.ge [sflag:s13], $0xA00  }
0x33: {  	[sflag:s13] =	ssyncset.done $0x0  }
0x34: {  	[sflag:s13] =	ssyncadd.s32 $0xFFFFF600  }
0x35: {  	_ =	swait.ge [sflag:s14], $0xA00  }
0x36: {  	[sflag:s14] =	ssyncset.done $0x0  }
0x37: {  	[sflag:s14] =	ssyncadd.s32 $0xFFFFF600  }
0x38: {  	[bflag:$0x0] =	sbarrier.arrive $0xFFFF  }
0x39: {  	s0 =	sld [smem:$0x7F8];
	_ =	sdelay $0x1  }
0x3a: {  	s24 =	simm.s32 $0x0;
	s11 =	simm.s32 $0x50000  }
0x3b: {  	[tilespmem:s24], [sflag:$0x5] =	stream.strided.gather [hbm4b:s0+s15], $0x800, s11, s15, $0x38;
	[tilespmem:$0x1B000] =	vst v63  }
0x3c: {  	_ =	swait.ge [sflag:s17], $0x800  }
0x3d: {  	[sflag:s17] =	ssyncset.done $0x0  }
0x3e: {  	s12 =	simm.s32 $0x1000;
	[sflag:s17] =	ssyncadd.s32 $0xFFFFF800  }
0x3f: {  	[tilespmem:s12], [sflag:$0x1] =	stream.indirect.gather [spmem:s3], $0x20, s24, s18, $0xb8;
	[tilespmem:$0x1B000] =	vst v63  }
0x40: {  	s16 =	simm.s32 $0x2000  }
0x41: {  	[tilespmem:s16], [sflag:$0x1] =	stream.indirect.gather [spmem:s3], $0x20, s18, s18, $0xb8;
	[tilespmem:$0x1B000] =	vst v63  }
0x42: {  	s19 =	simm.s32 $0x3000;
	s10 =	simm.s32 $0x100  }
0x43: {  	[tilespmem:s19], [sflag:$0x1] =	stream.indirect.gather [spmem:s3], $0x20, s10, s18, $0xb8;
	[tilespmem:$0x1B000] =	vst v63  }
0x44: {  	s21 =	simm.s32 $0x180;
	s24 =	simm.s32 $0x4000  }
0x45: {  	[tilespmem:s24], [sflag:$0x1] =	stream.indirect.gather [spmem:s3], $0x20, s21, s18, $0xb8;
	[tilespmem:$0x1B000] =	vst v63  }
0x46: {  	s0 =	simm.s32 $0x200;
	s21 =	simm.s32 $0x5000  }
0x47: {  	[tilespmem:s21], [sflag:$0x1] =	stream.indirect.gather [spmem:s3], $0x20, s0, s18, $0xb8;
	[tilespmem:$0x1B000] =	vst v63  }
0x48: {  	s6 =	simm.s32 $0x280;
	s10 =	simm.s32 $0x6000  }
0x49: {  	[tilespmem:s10], [sflag:$0x1] =	stream.indirect.gather [spmem:s3], $0x20, s6, s18, $0xb8;
	[tilespmem:$0x1B000] =	vst v63  }
0x4a: {  	p0 =	por $0x1, $0x1;
	s6 =	simm.s32 $0x300;
	s10 =	simm.s32 $0x7000  }
0x4b: {  	[tilespmem:s10], [sflag:$0x1] =	stream.indirect.gather [spmem:s3], $0x20, s6, s18, $0xb8;
	[tilespmem:$0x1B000] =	vst v63  }
0x4c: {  	p0 =	por p0, p0;
	s6 =	simm.s32 $0x380;
	s10 =	simm.s32 $0x8000  }
0x4d: {  	[tilespmem:s10], [sflag:$0x1] =	stream.indirect.gather [spmem:s3], $0x20, s6, s18, $0xb8;
	[tilespmem:$0x1B000] =	vst v63  }
0x4e: {  	s6 =	simm.s32 @!p0 $0x4  }
0x4f: {  	_ =	swait.ge @!p0 [sflag:s6], $0x1000  }
0x50: {  	[sflag:s6] =	ssyncset.done @!p0 $0x0  }
0x51: {  	[sflag:s6] =	ssyncadd.s32 @!p0 $0xFFFFF000  }
0x52: {  	_ =	swait.ge @!p0 [sflag:s6], $0x1000  }
0x53: {  	[sflag:s6] =	ssyncset.done @!p0 $0x0  }
0x54: {  	[sflag:s6] =	ssyncadd.s32 @!p0 $0xFFFFF000  }
0x55: {  	_ =	swait.ge @!p0 [sflag:s6], $0x1000  }
0x56: {  	[sflag:s6] =	ssyncset.done @!p0 $0x0  }
0x57: {  	[sflag:s6] =	ssyncadd.s32 @!p0 $0xFFFFF000  }
0x58: {  	_ =	swait.ge @!p0 [sflag:s6], $0x1000  }
0x59: {  	[sflag:s6] =	ssyncset.done @!p0 $0x0  }
0x5a: {  	[sflag:s6] =	ssyncadd.s32 @!p0 $0xFFFFF000  }
0x5b: {  	_ =	swait.ge @!p0 [sflag:s6], $0x1000  }
0x5c: {  	[sflag:s6] =	ssyncset.done @!p0 $0x0  }
0x5d: {  	[sflag:s6] =	ssyncadd.s32 @!p0 $0xFFFFF000  }
0x5e: {  	_ =	swait.ge @!p0 [sflag:s6], $0x1000  }
0x5f: {  	[sflag:s6] =	ssyncset.done @!p0 $0x0  }
0x60: {  	[sflag:s6] =	ssyncadd.s32 @!p0 $0xFFFFF000  }
0x61: {  	_ =	swait.ge @!p0 [sflag:s6], $0x1000  }
0x62: {  	[sflag:s6] =	ssyncset.done @!p0 $0x0  }
0x63: {  	[sflag:s6] =	ssyncadd.s32 @!p0 $0xFFFFF000  }
0x64: {  	_ =	swait.ge @!p0 [sflag:s6], $0x1000  }
0x65: {  	s0 =	rddreg [dreg:$0x6];
	[sflag:s6] =	ssyncset.done @!p0 $0x0  }
0x66: {  	[sflag:s6] =	ssyncadd.s32 @!p0 $0xFFFFF000;
	s0 =	sadd.s32 $0x0, s0  }
0x67: {  	[tilespmem:s23], [sflag:$0x5] =	stream.strided.gather [hbm4b:s0+s15], $0x800, s11, s15, $0x38;
	[tilespmem:$0x1B000] =	vst v63  }
0x68: {  	_ =	swait.ge [sflag:s17], $0x800  }
0x69: {  	[sflag:s17] =	ssyncset.done $0x0  }
0x6a: {  	[sflag:s17] =	ssyncadd.s32 $0xFFFFF800  }
0x6b: {  	[tilespmem:s26], [sflag:$0x2] =	stream.indirect.gather [spmem:s3], $0x20, s23, s18, $0xb8;
	[tilespmem:$0x1B000] =	vst v63  }
0x6c: {  	s10 =	rddreg [dreg:$0x7]  }
0x6d: {  	[tilespmem:s29], [sflag:$0x2] =	stream.indirect.gather [spmem:s3], $0x20, s10, s18, $0xb8;
	[tilespmem:$0x1B000] =	vst v63  }
0x6e: {  	s11 =	rddreg [dreg:$0x8]  }
0x6f: {  	[tilespmem:s31], [sflag:$0x2] =	stream.indirect.gather [spmem:s3], $0x20, s11, s18, $0xb8;
	[tilespmem:$0x1B000] =	vst v63  }
0x70: {  	s0 =	rddreg [dreg:$0x9]  }
0x71: {  	[tilespmem:s2], [sflag:$0x2] =	stream.indirect.gather [spmem:s3], $0x20, s0, s18, $0xb8;
	[tilespmem:$0x1B000] =	vst v63  }
0x72: {  	s11 =	rddreg [dreg:$0xa]  }
0x73: {  	[tilespmem:s4], [sflag:$0x2] =	stream.indirect.gather [spmem:s3], $0x20, s11, s18, $0xb8;
	[tilespmem:$0x1B000] =	vst v63  }
0x74: {  	s0 =	rddreg [dreg:$0xb]  }
0x75: {  	[tilespmem:s5], [sflag:$0x2] =	stream.indirect.gather [spmem:s3], $0x20, s0, s18, $0xb8;
	[tilespmem:$0x1B000] =	vst v63  }
0x76: {  	s11 =	rddreg [dreg:$0xc]  }
0x77: {  	[tilespmem:s7], [sflag:$0x2] =	stream.indirect.gather [spmem:s3], $0x20, s11, s18, $0xb8;
	[tilespmem:$0x1B000] =	vst v63  }
0x78: {  	s0 =	rddreg [dreg:$0xd]  }
0x79: {  	[tilespmem:s8], [sflag:$0x2] =	stream.indirect.gather [spmem:s3], $0x20, s0, s18, $0xb8;
	[tilespmem:$0x1B000] =	vst v63  }
0x7a: {  	_ =	swait.ge [sflag:s13], $0x1000  }
0x7b: {  	[sflag:s13] =	ssyncset.done $0x0  }
0x7c: {  	[sflag:s13] =	ssyncadd.s32 $0xFFFFF000  }
0x7d: {  	_ =	swait.ge [sflag:s13], $0x1000  }
0x7e: {  	[sflag:s13] =	ssyncset.done $0x0  }
0x7f: {  	[sflag:s13] =	ssyncadd.s32 $0xFFFFF000  }
0x80: {  	_ =	swait.ge [sflag:s13], $0x1000  }
0x81: {  	[sflag:s13] =	ssyncset.done $0x0  }
0x82: {  	[sflag:s13] =	ssyncadd.s32 $0xFFFFF000  }
0x83: {  	_ =	swait.ge [sflag:s13], $0x1000  }
0x84: {  	[sflag:s13] =	ssyncset.done $0x0  }
0x85: {  	[sflag:s13] =	ssyncadd.s32 $0xFFFFF000  }
0x86: {  	_ =	swait.ge [sflag:s13], $0x1000  }
0x87: {  	[sflag:s13] =	ssyncset.done $0x0  }
0x88: {  	[sflag:s13] =	ssyncadd.s32 $0xFFFFF000  }
0x89: {  	_ =	swait.ge [sflag:s13], $0x1000  }
0x8a: {  	[sflag:s13] =	ssyncset.done $0x0  }
0x8b: {  	[sflag:s13] =	ssyncadd.s32 $0xFFFFF000  }
0x8c: {  	_ =	swait.ge [sflag:s13], $0x1000  }
0x8d: {  	[sflag:s13] =	ssyncset.done $0x0  }
0x8e: {  	[sflag:s13] =	ssyncadd.s32 $0xFFFFF000  }
0x8f: {  	_ =	swait.ge [sflag:s13], $0x1000  }
0x90: {  	[sflag:s13] =	ssyncset.done $0x0  }
0x91: {  	[sflag:s13] =	ssyncadd.s32 $0xFFFFF000  }
0x92: {  	[spmem:s1] =	stream.indirect.scatter.add.bf16 [tilespmem:s12], [sflag:$0x3], $0x20, s15, s18, $0xb8;
	[tilespmem:$0x1B000] =	vst v63  }
0x93: {  	s11 =	rddreg [dreg:$0xe]  }
0x94: {  	[spmem:s1] =	stream.indirect.scatter.add.bf16 [tilespmem:s16], [sflag:$0x3], $0x20, s11, s18, $0xb8;
	[tilespmem:$0x1B000] =	vst v63  }
0x95: {  	s12 =	rddreg [dreg:$0xf]  }
0x96: {  	[spmem:s1] =	stream.indirect.scatter.add.bf16 [tilespmem:s19], [sflag:$0x3], $0x20, s12, s18, $0xb8;
	[tilespmem:$0x1B000] =	vst v63  }
0x97: {  	s0 =	rddreg [dreg:$0x10]  }
0x98: {  	[spmem:s1] =	stream.indirect.scatter.add.bf16 [tilespmem:s24], [sflag:$0x3], $0x20, s0, s18, $0xb8;
	[tilespmem:$0x1B000] =	vst v63  }
0x99: {  	s11 =	rddreg [dreg:$0x11]  }
0x9a: {  	[spmem:s1] =	stream.indirect.scatter.add.bf16 [tilespmem:s21], [sflag:$0x3], $0x20, s11, s18, $0xb8;
	[tilespmem:$0x1B000] =	vst v63  }
0x9b: {  	s12 =	rddreg [dreg:$0x12];
	s19 =	simm.s32 $0x6000  }
0x9c: {  	[spmem:s1] =	stream.indirect.scatter.add.bf16 [tilespmem:s19], [sflag:$0x3], $0x20, s12, s18, $0xb8;
	[tilespmem:$0x1B000] =	vst v63  }
0x9d: {  	s16 =	rddreg [dreg:$0x13];
	s12 =	simm.s32 $0x7000  }
0x9e: {  	[spmem:s1] =	stream.indirect.scatter.add.bf16 [tilespmem:s12], [sflag:$0x3], $0x20, s16, s18, $0xb8;
	[tilespmem:$0x1B000] =	vst v63  }
0x9f: {  	s24 =	rddreg [dreg:$0x14];
	s16 =	simm.s32 $0x8000  }
0xa0: {  	[spmem:s1] =	stream.indirect.scatter.add.bf16 [tilespmem:s16], [sflag:$0x3], $0x20, s24, s18, $0xb8;
	[tilespmem:$0x1B000] =	vst v63  }
0xa1: {  	_ =	swait.ge [sflag:s9], $0x1000  }
0xa2: {  	[sflag:s9] =	ssyncset.done $0x0  }
0xa3: {  	[sflag:s9] =	ssyncadd.s32 $0xFFFFF000  }
0xa4: {  	_ =	swait.ge [sflag:s9], $0x1000  }
0xa5: {  	[sflag:s9] =	ssyncset.done $0x0  }
0xa6: {  	[sflag:s9] =	ssyncadd.s32 $0xFFFFF000  }
0xa7: {  	_ =	swait.ge [sflag:s9], $0x1000  }
0xa8: {  	[sflag:s9] =	ssyncset.done $0x0  }
0xa9: {  	[sflag:s9] =	ssyncadd.s32 $0xFFFFF000  }
0xaa: {  	_ =	swait.ge [sflag:s9], $0x1000  }
0xab: {  	[sflag:s9] =	ssyncset.done $0x0  }
0xac: {  	[sflag:s9] =	ssyncadd.s32 $0xFFFFF000  }
0xad: {  	_ =	swait.ge [sflag:s9], $0x1000  }
0xae: {  	[sflag:s9] =	ssyncset.done $0x0  }
0xaf: {  	[sflag:s9] =	ssyncadd.s32 $0xFFFFF000  }
0xb0: {  	_ =	swait.ge [sflag:s9], $0x1000  }
0xb1: {  	[sflag:s9] =	ssyncset.done $0x0  }
0xb2: {  	[sflag:s9] =	ssyncadd.s32 $0xFFFFF000  }
0xb3: {  	_ =	swait.ge [sflag:s9], $0x1000  }
0xb4: {  	[sflag:s9] =	ssyncset.done $0x0  }
0xb5: {  	p0 =	por $0x0, $0x0;
	[sflag:s9] =	ssyncadd.s32 $0xFFFFF000  }
0xb6: {  	s10 =	simm.s32 @!p0 $0x0;
	_ =	swait.ge [sflag:s9], $0x1000  }
0xb7: {  	s12 =	simm.s32 @!p0 $0x400;
	s6 =	rddreg [dreg:$0x5];
	[sflag:s9] =	ssyncset.done $0x0  }
0xb8: {  	s24 =	simm.s32 @!p0 $0x50000;
	[sflag:s9] =	ssyncadd.s32 $0xFFFFF000;
	s6 =	sadd.s32 @!p0 $0x0, s6  }
0xb9: {  	[tilespmem:s10], [sflag:$0x5] =	stream.strided.gather @!p0 [hbm4b:s6+s12], $0x800, s24, s12, $0x38;
	[tilespmem:$0x1B000] =	vst v63  }
0xba: {  	s6 =	simm.s32 @!p0 $0x5  }
0xbb: {  	_ =	swait.ge @!p0 [sflag:s6], $0x800  }
0xbc: {  	[sflag:s6] =	ssyncset.done @!p0 $0x0  }
0xbd: {  	s12 =	simm.s32 @!p0 $0x80;
	[sflag:s6] =	ssyncadd.s32 @!p0 $0xFFFFF800;
	s6 =	simm.s32 @!p0 $0x1000  }
0xbe: {  	[tilespmem:s6], [sflag:$0x1] =	stream.indirect.gather @!p0 [spmem:s3], $0x20, s10, s12, $0xb8;
	[tilespmem:$0x1B000] =	vst v63  }
0xbf: {  	s6 =	simm.s32 @!p0 $0x2000  }
0xc0: {  	[tilespmem:s6], [sflag:$0x1] =	stream.indirect.gather @!p0 [spmem:s3], $0x20, s12, s12, $0xb8;
	[tilespmem:$0x1B000] =	vst v63  }
0xc1: {  	s10 =	simm.s32 @!p0 $0x3000;
	s6 =	simm.s32 @!p0 $0x100  }
0xc2: {  	[tilespmem:s10], [sflag:$0x1] =	stream.indirect.gather @!p0 [spmem:s3], $0x20, s6, s12, $0xb8;
	[tilespmem:$0x1B000] =	vst v63  }
0xc3: {  	s6 =	simm.s32 @!p0 $0x180;
	s10 =	simm.s32 @!p0 $0x4000  }
0xc4: {  	[tilespmem:s10], [sflag:$0x1] =	stream.indirect.gather @!p0 [spmem:s3], $0x20, s6, s12, $0xb8;
	[tilespmem:$0x1B000] =	vst v63  }
0xc5: {  	s6 =	simm.s32 @!p0 $0x200;
	s10 =	simm.s32 @!p0 $0x5000  }
0xc6: {  	[tilespmem:s10], [sflag:$0x1] =	stream.indirect.gather @!p0 [spmem:s3], $0x20, s6, s12, $0xb8;
	[tilespmem:$0x1B000] =	vst v63  }
0xc7: {  	s6 =	simm.s32 @!p0 $0x280;
	s10 =	simm.s32 @!p0 $0x6000  }
0xc8: {  	[tilespmem:s10], [sflag:$0x1] =	stream.indirect.gather @!p0 [spmem:s3], $0x20, s6, s12, $0xb8;
	[tilespmem:$0x1B000] =	vst v63  }
0xc9: {  	s6 =	simm.s32 @!p0 $0x300;
	s10 =	simm.s32 @!p0 $0x7000  }
0xca: {  	[tilespmem:s10], [sflag:$0x1] =	stream.indirect.gather @!p0 [spmem:s3], $0x20, s6, s12, $0xb8;
	[tilespmem:$0x1B000] =	vst v63  }
0xcb: {  	s6 =	simm.s32 @!p0 $0x380;
	s10 =	simm.s32 @!p0 $0x8000  }
0xcc: {  	[tilespmem:s10], [sflag:$0x1] =	stream.indirect.gather @!p0 [spmem:s3], $0x20, s6, s12, $0xb8;
	[tilespmem:$0x1B000] =	vst v63  }
0xcd: {  	_ =	swait.ge [sflag:s14], $0x1000  }
0xce: {  	[sflag:s14] =	ssyncset.done $0x0  }
0xcf: {  	[sflag:s14] =	ssyncadd.s32 $0xFFFFF000  }
0xd0: {  	_ =	swait.ge [sflag:s14], $0x1000  }
0xd1: {  	[sflag:s14] =	ssyncset.done $0x0  }
0xd2: {  	[sflag:s14] =	ssyncadd.s32 $0xFFFFF000  }
0xd3: {  	_ =	swait.ge [sflag:s14], $0x1000  }
0xd4: {  	[sflag:s14] =	ssyncset.done $0x0  }
0xd5: {  	[sflag:s14] =	ssyncadd.s32 $0xFFFFF000  }
0xd6: {  	_ =	swait.ge [sflag:s14], $0x1000  }
0xd7: {  	[sflag:s14] =	ssyncset.done $0x0  }
0xd8: {  	[sflag:s14] =	ssyncadd.s32 $0xFFFFF000  }
0xd9: {  	_ =	swait.ge [sflag:s14], $0x1000  }
0xda: {  	[sflag:s14] =	ssyncset.done $0x0  }
0xdb: {  	[sflag:s14] =	ssyncadd.s32 $0xFFFFF000  }
0xdc: {  	_ =	swait.ge [sflag:s14], $0x1000  }
0xdd: {  	[sflag:s14] =	ssyncset.done $0x0  }
0xde: {  	[sflag:s14] =	ssyncadd.s32 $0xFFFFF000  }
0xdf: {  	_ =	swait.ge [sflag:s14], $0x1000  }
0xe0: {  	[sflag:s14] =	ssyncset.done $0x0  }
0xe1: {  	[sflag:s14] =	ssyncadd.s32 $0xFFFFF000  }
0xe2: {  	_ =	swait.ge [sflag:s14], $0x1000  }
0xe3: {  	[sflag:s14] =	ssyncset.done $0x0  }
0xe4: {  	s19 =	rddreg [dreg:$0x15];
	[sflag:s14] =	ssyncadd.s32 $0xFFFFF000  }
0xe5: {  	[spmem:s1] =	stream.indirect.scatter.add.bf16 [tilespmem:s26], [sflag:$0x4], $0x20, s19, s18, $0xb8;
	[tilespmem:$0x1B000] =	vst v63  }
0xe6: {  	s24 =	rddreg [dreg:$0x16]  }
0xe7: {  	[spmem:s1] =	stream.indirect.scatter.add.bf16 [tilespmem:s29], [sflag:$0x4], $0x20, s24, s18, $0xb8;
	[tilespmem:$0x1B000] =	vst v63  }
0xe8: {  	s11 =	rddreg [dreg:$0x17]  }
0xe9: {  	[spmem:s1] =	stream.indirect.scatter.add.bf16 [tilespmem:s31], [sflag:$0x4], $0x20, s11, s18, $0xb8;
	[tilespmem:$0x1B000] =	vst v63  }
0xea: {  	s12 =	rddreg [dreg:$0x18]  }
0xeb: {  	[spmem:s1] =	stream.indirect.scatter.add.bf16 [tilespmem:s2], [sflag:$0x4], $0x20, s12, s18, $0xb8;
	[tilespmem:$0x1B000] =	vst v63  }
0xec: {  	s16 =	rddreg [dreg:$0x19]  }
0xed: {  	[spmem:s1] =	stream.indirect.scatter.add.bf16 [tilespmem:s4], [sflag:$0x4], $0x20, s16, s18, $0xb8;
	[tilespmem:$0x1B000] =	vst v63  }
0xee: {  	p6 =	por $0x0, $0x0;
	s0 =	simm.s32 $0x5000;
	s19 =	rddreg [dreg:$0x1a]  }
0xef: {  	[spmem:s1] =	stream.indirect.scatter.add.bf16 [tilespmem:s5], [sflag:$0x4], $0x20, s19, s18, $0xb8;
	[tilespmem:$0x1B000] =	vst v63  }
0xf0: {  	s21 =	simm.s32 $0x6000;
	s6 =	simm.s32 $0x200;
	s24 =	rddreg [dreg:$0x1b]  }
0xf1: {  	[spmem:s1] =	stream.indirect.scatter.add.bf16 [tilespmem:s7], [sflag:$0x4], $0x20, s24, s18, $0xb8;
	[tilespmem:$0x1B000] =	vst v63  }
0xf2: {  	p0 =	por p6, p6;
	s12 =	rddreg [dreg:$0x1c];
	s24 =	simm.s32 $0x100  }
.LBB2_2:
0xf3: {  	s11 =	simm.s32 @!p0 $0x4  }
0xf4: {  	[spmem:s1] =	stream.indirect.scatter.add.bf16 [tilespmem:s8], [sflag:$0x4], $0x20, s12, s18, $0xb8;
	[tilespmem:$0x1B000] =	vst v63  }
0xf5: {  	_ =	swait.ge @!p0 [sflag:s11], $0x1000  }
0xf6: {  	[sflag:s11] =	ssyncset.done @!p0 $0x0  }
0xf7: {  	[sflag:s11] =	ssyncadd.s32 @!p0 $0xFFFFF000  }
0xf8: {  	_ =	swait.ge @!p0 [sflag:s11], $0x1000  }
0xf9: {  	[sflag:s11] =	ssyncset.done @!p0 $0x0  }
0xfa: {  	[sflag:s11] =	ssyncadd.s32 @!p0 $0xFFFFF000  }
0xfb: {  	_ =	swait.ge @!p0 [sflag:s11], $0x1000  }
0xfc: {  	[sflag:s11] =	ssyncset.done @!p0 $0x0  }
0xfd: {  	[sflag:s11] =	ssyncadd.s32 @!p0 $0xFFFFF000  }
0xfe: {  	_ =	swait.ge @!p0 [sflag:s11], $0x1000  }
0xff: {  	[sflag:s11] =	ssyncset.done @!p0 $0x0  }
0x100: {  	[sflag:s11] =	ssyncadd.s32 @!p0 $0xFFFFF000  }
0x101: {  	_ =	swait.ge @!p0 [sflag:s11], $0x1000  }
0x102: {  	[sflag:s11] =	ssyncset.done @!p0 $0x0  }
0x103: {  	[sflag:s11] =	ssyncadd.s32 @!p0 $0xFFFFF000  }
0x104: {  	_ =	swait.ge @!p0 [sflag:s11], $0x1000  }
0x105: {  	[sflag:s11] =	ssyncset.done @!p0 $0x0  }
0x106: {  	[sflag:s11] =	ssyncadd.s32 @!p0 $0xFFFFF000  }
0x107: {  	_ =	swait.ge @!p0 [sflag:s11], $0x1000  }
0x108: {  	[sflag:s11] =	ssyncset.done @!p0 $0x0  }
0x109: {  	[sflag:s11] =	ssyncadd.s32 @!p0 $0xFFFFF000  }
0x10a: {  	_ =	swait.ge @!p0 [sflag:s11], $0x1000  }
0x10b: {  	[sflag:s11] =	ssyncset.done @!p0 $0x0;
	s16 =	rddreg [dreg:$0x6]  }
0x10c: {  	[sflag:s11] =	ssyncadd.s32 @!p0 $0xFFFFF000;
	s19 =	sadd.s32 s24, s16  }
0x10d: {  	[tilespmem:s23], [sflag:$0x5] =	stream.strided.gather [hbm4b:s19+s15], $0x800, s20, s15, $0x38;
	[tilespmem:$0x1B000] =	vst v63  }
0x10e: {  	_ =	swait.ge [sflag:s17], $0x800  }
0x10f: {  	[sflag:s17] =	ssyncset.done $0x0  }
0x110: {  	[sflag:s17] =	ssyncadd.s32 $0xFFFFF800  }
0x111: {  	[tilespmem:s26], [sflag:$0x2] =	stream.indirect.gather [spmem:s3], $0x20, s23, s18, $0xb8;
	[tilespmem:$0x1B000] =	vst v63  }
0x112: {  	s12 =	rddreg [dreg:$0x7]  }
0x113: {  	[tilespmem:s29], [sflag:$0x2] =	stream.indirect.gather [spmem:s3], $0x20, s12, s18, $0xb8;
	[tilespmem:$0x1B000] =	vst v63  }
0x114: {  	s16 =	rddreg [dreg:$0x8]  }
0x115: {  	[tilespmem:s31], [sflag:$0x2] =	stream.indirect.gather [spmem:s3], $0x20, s16, s18, $0xb8;
	[tilespmem:$0x1B000] =	vst v63  }
0x116: {  	s19 =	rddreg [dreg:$0x9]  }
0x117: {  	[tilespmem:s2], [sflag:$0x2] =	stream.indirect.gather [spmem:s3], $0x20, s19, s18, $0xb8;
	[tilespmem:$0x1B000] =	vst v63  }
0x118: {  	s16 =	rddreg [dreg:$0xa]  }
0x119: {  	[tilespmem:s4], [sflag:$0x2] =	stream.indirect.gather [spmem:s3], $0x20, s16, s18, $0xb8;
	[tilespmem:$0x1B000] =	vst v63  }
0x11a: {  	s19 =	rddreg [dreg:$0xb]  }
0x11b: {  	[tilespmem:s5], [sflag:$0x2] =	stream.indirect.gather [spmem:s3], $0x20, s19, s18, $0xb8;
	[tilespmem:$0x1B000] =	vst v63  }
0x11c: {  	s16 =	rddreg [dreg:$0xc]  }
0x11d: {  	[tilespmem:s7], [sflag:$0x2] =	stream.indirect.gather [spmem:s3], $0x20, s16, s18, $0xb8;
	[tilespmem:$0x1B000] =	vst v63  }
0x11e: {  	s19 =	rddreg [dreg:$0xd]  }
0x11f: {  	[tilespmem:s8], [sflag:$0x2] =	stream.indirect.gather [spmem:s3], $0x20, s19, s18, $0xb8;
	[tilespmem:$0x1B000] =	vst v63  }
0x120: {  	_ =	swait.ge [sflag:s13], $0x1000  }
0x121: {  	[sflag:s13] =	ssyncset.done $0x0  }
0x122: {  	[sflag:s13] =	ssyncadd.s32 $0xFFFFF000  }
0x123: {  	_ =	swait.ge [sflag:s13], $0x1000  }
0x124: {  	[sflag:s13] =	ssyncset.done $0x0  }
0x125: {  	[sflag:s13] =	ssyncadd.s32 $0xFFFFF000  }
0x126: {  	_ =	swait.ge [sflag:s13], $0x1000  }
0x127: {  	[sflag:s13] =	ssyncset.done $0x0  }
0x128: {  	[sflag:s13] =	ssyncadd.s32 $0xFFFFF000  }
0x129: {  	_ =	swait.ge [sflag:s13], $0x1000  }
0x12a: {  	[sflag:s13] =	ssyncset.done $0x0  }
0x12b: {  	[sflag:s13] =	ssyncadd.s32 $0xFFFFF000  }
0x12c: {  	_ =	swait.ge [sflag:s13], $0x1000  }
0x12d: {  	[sflag:s13] =	ssyncset.done $0x0  }
0x12e: {  	[sflag:s13] =	ssyncadd.s32 $0xFFFFF000  }
0x12f: {  	_ =	swait.ge [sflag:s13], $0x1000  }
0x130: {  	[sflag:s13] =	ssyncset.done $0x0  }
0x131: {  	[sflag:s13] =	ssyncadd.s32 $0xFFFFF000  }
0x132: {  	_ =	swait.ge [sflag:s13], $0x1000  }
0x133: {  	[sflag:s13] =	ssyncset.done $0x0  }
0x134: {  	[sflag:s13] =	ssyncadd.s32 $0xFFFFF000  }
0x135: {  	_ =	swait.ge [sflag:s13], $0x1000  }
0x136: {  	[sflag:s13] =	ssyncset.done $0x0  }
0x137: {  	[sflag:s13] =	ssyncadd.s32 $0xFFFFF000  }
0x138: {  	[spmem:s1] =	stream.indirect.scatter.add.bf16 [tilespmem:s22], [sflag:$0x3], $0x20, s15, s18, $0xb8;
	[tilespmem:$0x1B000] =	vst v63  }
0x139: {  	s16 =	rddreg [dreg:$0xe]  }
0x13a: {  	[spmem:s1] =	stream.indirect.scatter.add.bf16 [tilespmem:s25], [sflag:$0x3], $0x20, s16, s18, $0xb8;
	[tilespmem:$0x1B000] =	vst v63  }
0x13b: {  	s19 =	rddreg [dreg:$0xf]  }
0x13c: {  	[spmem:s1] =	stream.indirect.scatter.add.bf16 [tilespmem:s28], [sflag:$0x3], $0x20, s19, s18, $0xb8;
	[tilespmem:$0x1B000] =	vst v63  }
0x13d: {  	s16 =	rddreg [dreg:$0x10]  }
0x13e: {  	[spmem:s1] =	stream.indirect.scatter.add.bf16 [tilespmem:s30], [sflag:$0x3], $0x20, s16, s18, $0xb8;
	[tilespmem:$0x1B000] =	vst v63  }
0x13f: {  	s19 =	rddreg [dreg:$0x11]  }
0x140: {  	[spmem:s1] =	stream.indirect.scatter.add.bf16 [tilespmem:s0], [sflag:$0x3], $0x20, s19, s18, $0xb8;
	[tilespmem:$0x1B000] =	vst v63  }
0x141: {  	s16 =	rddreg [dreg:$0x12]  }
0x142: {  	[spmem:s1] =	stream.indirect.scatter.add.bf16 [tilespmem:s21], [sflag:$0x3], $0x20, s16, s18, $0xb8;
	[tilespmem:$0x1B000] =	vst v63  }
0x143: {  	s19 =	rddreg [dreg:$0x13];
	s16 =	simm.s32 $0x7000  }
0x144: {  	[spmem:s1] =	stream.indirect.scatter.add.bf16 [tilespmem:s16], [sflag:$0x3], $0x20, s19, s18, $0xb8;
	[tilespmem:$0x1B000] =	vst v63  }
0x145: {  	s11 =	rddreg [dreg:$0x14];
	s19 =	simm.s32 $0x8000  }
0x146: {  	[spmem:s1] =	stream.indirect.scatter.add.bf16 [tilespmem:s19], [sflag:$0x3], $0x20, s11, s18, $0xb8;
	[tilespmem:$0x1B000] =	vst v63  }
0x147: {  	_ =	swait.ge [sflag:s9], $0x1000  }
0x148: {  	[sflag:s9] =	ssyncset.done $0x0  }
0x149: {  	[sflag:s9] =	ssyncadd.s32 $0xFFFFF000  }
0x14a: {  	_ =	swait.ge [sflag:s9], $0x1000  }
0x14b: {  	[sflag:s9] =	ssyncset.done $0x0  }
0x14c: {  	[sflag:s9] =	ssyncadd.s32 $0xFFFFF000  }
0x14d: {  	_ =	swait.ge [sflag:s9], $0x1000  }
0x14e: {  	[sflag:s9] =	ssyncset.done $0x0  }
0x14f: {  	[sflag:s9] =	ssyncadd.s32 $0xFFFFF000  }
0x150: {  	_ =	swait.ge [sflag:s9], $0x1000  }
0x151: {  	[sflag:s9] =	ssyncset.done $0x0  }
0x152: {  	[sflag:s9] =	ssyncadd.s32 $0xFFFFF000  }
0x153: {  	_ =	swait.ge [sflag:s9], $0x1000  }
0x154: {  	[sflag:s9] =	ssyncset.done $0x0  }
0x155: {  	[sflag:s9] =	ssyncadd.s32 $0xFFFFF000  }
0x156: {  	_ =	swait.ge [sflag:s9], $0x1000  }
0x157: {  	[sflag:s9] =	ssyncset.done $0x0  }
0x158: {  	[sflag:s9] =	ssyncadd.s32 $0xFFFFF000  }
0x159: {  	_ =	swait.ge [sflag:s9], $0x1000  }
0x15a: {  	p2 =	seq.s32 s6, $0x0;
	[sflag:s9] =	ssyncset.done $0x0  }
0x15b: {  	p0 =	por p2, p2;
	p2 =	seq.s32 s24, $0x400;
	[sflag:s9] =	ssyncadd.s32 $0xFFFFF000  }
0x15c: {  	s12 =	simm.s32 @!p2 $0x0;
	s16 =	simm.s32 @!p2 $0x50000;
	_ =	swait.ge [sflag:s9], $0x1000  }
0x15d: {  	s19 =	simm.s32 @!p2 $0x5;
	s11 =	rddreg [dreg:$0x5];
	[sflag:s9] =	ssyncset.done $0x0  }
0x15e: {  	[sflag:s9] =	ssyncadd.s32 $0xFFFFF000;
	s11 =	sadd.s32 @!p2 s24, s11;
	s24 =	simm.s32 @!p2 $0x400  }
0x15f: {  	[tilespmem:s12], [sflag:$0x5] =	stream.strided.gather @!p2 [hbm4b:s11+s24], $0x800, s16, s24, $0x38;
	[tilespmem:$0x1B000] =	vst v63  }
0x160: {  	s10 =	smov.u32 s6;
	_ =	swait.ge @!p2 [sflag:s19], $0x800  }
0x161: {  	s24 =	smov.u32 s10;
	[sflag:s19] =	ssyncset.done @!p2 $0x0  }
0x162: {  	s10 =	simm.s32 @!p2 $0x80;
	s11 =	simm.s32 @!p2 $0x1000;
	[sflag:s19] =	ssyncadd.s32 @!p2 $0xFFFFF800  }
0x163: {  	[tilespmem:s11], [sflag:$0x1] =	stream.indirect.gather @!p2 [spmem:s3], $0x20, s12, s10, $0xb8;
	[tilespmem:$0x1B000] =	vst v63  }
0x164: {  	s16 =	simm.s32 @!p2 $0x2000  }
0x165: {  	[tilespmem:s16], [sflag:$0x1] =	stream.indirect.gather @!p2 [spmem:s3], $0x20, s10, s10, $0xb8;
	[tilespmem:$0x1B000] =	vst v63  }
0x166: {  	s11 =	simm.s32 @!p2 $0x100;
	s12 =	simm.s32 @!p2 $0x3000  }
0x167: {  	[tilespmem:s12], [sflag:$0x1] =	stream.indirect.gather @!p2 [spmem:s3], $0x20, s11, s10, $0xb8;
	[tilespmem:$0x1B000] =	vst v63  }
0x168: {  	s19 =	simm.s32 @!p2 $0x4000;
	s16 =	simm.s32 @!p2 $0x180  }
0x169: {  	[tilespmem:s19], [sflag:$0x1] =	stream.indirect.gather @!p2 [spmem:s3], $0x20, s16, s10, $0xb8;
	[tilespmem:$0x1B000] =	vst v63  }
0x16a: {  	s11 =	simm.s32 @!p2 $0x200;
	s12 =	simm.s32 @!p2 $0x5000  }
0x16b: {  	[tilespmem:s12], [sflag:$0x1] =	stream.indirect.gather @!p2 [spmem:s3], $0x20, s11, s10, $0xb8;
	[tilespmem:$0x1B000] =	vst v63  }
0x16c: {  	s16 =	simm.s32 @!p2 $0x280;
	s19 =	simm.s32 @!p2 $0x6000  }
0x16d: {  	[tilespmem:s19], [sflag:$0x1] =	stream.indirect.gather @!p2 [spmem:s3], $0x20, s16, s10, $0xb8;
	[tilespmem:$0x1B000] =	vst v63  }
0x16e: {  	s11 =	simm.s32 @!p2 $0x300;
	s12 =	simm.s32 @!p2 $0x7000  }
0x16f: {  	[tilespmem:s12], [sflag:$0x1] =	stream.indirect.gather @!p2 [spmem:s3], $0x20, s11, s10, $0xb8;
	[tilespmem:$0x1B000] =	vst v63  }
0x170: {  	s16 =	simm.s32 @!p2 $0x380;
	s19 =	simm.s32 @!p2 $0x8000  }
0x171: {  	[tilespmem:s19], [sflag:$0x1] =	stream.indirect.gather @!p2 [spmem:s3], $0x20, s16, s10, $0xb8;
	[tilespmem:$0x1B000] =	vst v63  }
0x172: {  	_ =	swait.ge [sflag:s14], $0x1000  }
0x173: {  	[sflag:s14] =	ssyncset.done $0x0  }
0x174: {  	[sflag:s14] =	ssyncadd.s32 $0xFFFFF000  }
0x175: {  	_ =	swait.ge [sflag:s14], $0x1000  }
0x176: {  	[sflag:s14] =	ssyncset.done $0x0  }
0x177: {  	[sflag:s14] =	ssyncadd.s32 $0xFFFFF000  }
0x178: {  	_ =	swait.ge [sflag:s14], $0x1000  }
0x179: {  	[sflag:s14] =	ssyncset.done $0x0  }
0x17a: {  	[sflag:s14] =	ssyncadd.s32 $0xFFFFF000  }
0x17b: {  	_ =	swait.ge [sflag:s14], $0x1000  }
0x17c: {  	[sflag:s14] =	ssyncset.done $0x0  }
0x17d: {  	[sflag:s14] =	ssyncadd.s32 $0xFFFFF000  }
0x17e: {  	_ =	swait.ge [sflag:s14], $0x1000  }
0x17f: {  	[sflag:s14] =	ssyncset.done $0x0  }
0x180: {  	[sflag:s14] =	ssyncadd.s32 $0xFFFFF000  }
0x181: {  	_ =	swait.ge [sflag:s14], $0x1000  }
0x182: {  	[sflag:s14] =	ssyncset.done $0x0  }
0x183: {  	[sflag:s14] =	ssyncadd.s32 $0xFFFFF000  }
0x184: {  	_ =	swait.ge [sflag:s14], $0x1000  }
0x185: {  	[sflag:s14] =	ssyncset.done $0x0  }
0x186: {  	[sflag:s14] =	ssyncadd.s32 $0xFFFFF000  }
0x187: {  	_ =	swait.ge [sflag:s14], $0x1000  }
0x188: {  	[sflag:s14] =	ssyncset.done $0x0  }
0x189: {  	s11 =	rddreg [dreg:$0x15];
	[sflag:s14] =	ssyncadd.s32 $0xFFFFF000  }
0x18a: {  	[spmem:s1] =	stream.indirect.scatter.add.bf16 [tilespmem:s26], [sflag:$0x4], $0x20, s11, s18, $0xb8;
	[tilespmem:$0x1B000] =	vst v63  }
0x18b: {  	s12 =	rddreg [dreg:$0x16]  }
0x18c: {  	[spmem:s1] =	stream.indirect.scatter.add.bf16 [tilespmem:s29], [sflag:$0x4], $0x20, s12, s18, $0xb8;
	[tilespmem:$0x1B000] =	vst v63  }
0x18d: {  	s16 =	rddreg [dreg:$0x17]  }
0x18e: {  	[spmem:s1] =	stream.indirect.scatter.add.bf16 [tilespmem:s31], [sflag:$0x4], $0x20, s16, s18, $0xb8;
	[tilespmem:$0x1B000] =	vst v63  }
0x18f: {  	s6 =	sadd.s32 $0x100, s6;
	s19 =	rddreg [dreg:$0x18]  }
0x190: {  	[spmem:s1] =	stream.indirect.scatter.add.bf16 [tilespmem:s2], [sflag:$0x4], $0x20, s19, s18, $0xb8;
	[tilespmem:$0x1B000] =	vst v63  }
0x191: {  	p1 =	sne.s32 s6, $0x500;
	s11 =	rddreg [dreg:$0x19]  }
0x192: {  	[spmem:s1] =	stream.indirect.scatter.add.bf16 [tilespmem:s4], [sflag:$0x4], $0x20, s11, s18, $0xb8;
	[tilespmem:$0x1B000] =	vst v63  }
.Ltmp0:
0x193: {  	s12 =	rddreg [dreg:$0x1c];
	(pc) =	sbr.rel @p1 .LBB2_2-.Ltmp0, $4  }
0x194: {  	s16 =	rddreg [dreg:$0x1a]  }
0x195: {  	[spmem:s1] =	stream.indirect.scatter.add.bf16 [tilespmem:s5], [sflag:$0x4], $0x20, s16, s18, $0xb8;
	[tilespmem:$0x1B000] =	vst v63  }
0x196: {  	s19 =	rddreg [dreg:$0x1b]  }
0x197: {  	[spmem:s1] =	stream.indirect.scatter.add.bf16 [tilespmem:s7], [sflag:$0x4], $0x20, s19, s18, $0xb8;
	[tilespmem:$0x1B000] =	vst v63  }
0x198: {  	s6 =	simm.s32 @!p0 $0x4  }
0x199: {  	[spmem:s1] =	stream.indirect.scatter.add.bf16 [tilespmem:s8], [sflag:$0x4], $0x20, s12, s18, $0xb8;
	[tilespmem:$0x1B000] =	vst v63  }
0x19a: {  	_ =	swait.ge @!p0 [sflag:s6], $0x1000  }
0x19b: {  	[sflag:s6] =	ssyncset.done @!p0 $0x0  }
0x19c: {  	[sflag:s6] =	ssyncadd.s32 @!p0 $0xFFFFF000  }
0x19d: {  	_ =	swait.ge @!p0 [sflag:s6], $0x1000  }
0x19e: {  	[sflag:s6] =	ssyncset.done @!p0 $0x0  }
0x19f: {  	[sflag:s6] =	ssyncadd.s32 @!p0 $0xFFFFF000  }
0x1a0: {  	_ =	swait.ge @!p0 [sflag:s6], $0x1000  }
0x1a1: {  	[sflag:s6] =	ssyncset.done @!p0 $0x0  }
0x1a2: {  	[sflag:s6] =	ssyncadd.s32 @!p0 $0xFFFFF000  }
0x1a3: {  	_ =	swait.ge @!p0 [sflag:s6], $0x1000  }
0x1a4: {  	[sflag:s6] =	ssyncset.done @!p0 $0x0  }
0x1a5: {  	[sflag:s6] =	ssyncadd.s32 @!p0 $0xFFFFF000  }
0x1a6: {  	_ =	swait.ge @!p0 [sflag:s6], $0x1000  }
0x1a7: {  	[sflag:s6] =	ssyncset.done @!p0 $0x0  }
0x1a8: {  	[sflag:s6] =	ssyncadd.s32 @!p0 $0xFFFFF000  }
0x1a9: {  	_ =	swait.ge @!p0 [sflag:s6], $0x1000  }
0x1aa: {  	[sflag:s6] =	ssyncset.done @!p0 $0x0  }
0x1ab: {  	[sflag:s6] =	ssyncadd.s32 @!p0 $0xFFFFF000  }
0x1ac: {  	_ =	swait.ge @!p0 [sflag:s6], $0x1000  }
0x1ad: {  	[sflag:s6] =	ssyncset.done @!p0 $0x0  }
0x1ae: {  	[sflag:s6] =	ssyncadd.s32 @!p0 $0xFFFFF000  }
0x1af: {  	_ =	swait.ge @!p0 [sflag:s6], $0x1000  }
0x1b0: {  	s10 =	rddreg [dreg:$0x6];
	[sflag:s6] =	ssyncset.done @!p0 $0x0  }
0x1b1: {  	[sflag:s6] =	ssyncadd.s32 @!p0 $0xFFFFF000;
	s12 =	sadd.s32 s24, s10  }
0x1b2: {  	[tilespmem:s23], [sflag:$0x5] =	stream.strided.gather [hbm4b:s12+s15], $0x800, s20, s15, $0x38;
	[tilespmem:$0x1B000] =	vst v63  }
0x1b3: {  	_ =	swait.ge [sflag:s17], $0x800  }
0x1b4: {  	[sflag:s17] =	ssyncset.done $0x0  }
0x1b5: {  	[sflag:s17] =	ssyncadd.s32 $0xFFFFF800  }
0x1b6: {  	[tilespmem:s26], [sflag:$0x2] =	stream.indirect.gather [spmem:s3], $0x20, s23, s18, $0xb8;
	[tilespmem:$0x1B000] =	vst v63  }
0x1b7: {  	s16 =	rddreg [dreg:$0x7]  }
0x1b8: {  	[tilespmem:s29], [sflag:$0x2] =	stream.indirect.gather [spmem:s3], $0x20, s16, s18, $0xb8;
	[tilespmem:$0x1B000] =	vst v63  }
0x1b9: {  	s19 =	rddreg [dreg:$0x8]  }
0x1ba: {  	[tilespmem:s31], [sflag:$0x2] =	stream.indirect.gather [spmem:s3], $0x20, s19, s18, $0xb8;
	[tilespmem:$0x1B000] =	vst v63  }
0x1bb: {  	s11 =	rddreg [dreg:$0x9]  }
0x1bc: {  	[tilespmem:s2], [sflag:$0x2] =	stream.indirect.gather [spmem:s3], $0x20, s11, s18, $0xb8;
	[tilespmem:$0x1B000] =	vst v63  }
0x1bd: {  	s12 =	rddreg [dreg:$0xa]  }
0x1be: {  	[tilespmem:s4], [sflag:$0x2] =	stream.indirect.gather [spmem:s3], $0x20, s12, s18, $0xb8;
	[tilespmem:$0x1B000] =	vst v63  }
0x1bf: {  	s16 =	rddreg [dreg:$0xb]  }
0x1c0: {  	[tilespmem:s5], [sflag:$0x2] =	stream.indirect.gather [spmem:s3], $0x20, s16, s18, $0xb8;
	[tilespmem:$0x1B000] =	vst v63  }
0x1c1: {  	s19 =	rddreg [dreg:$0xc]  }
0x1c2: {  	[tilespmem:s7], [sflag:$0x2] =	stream.indirect.gather [spmem:s3], $0x20, s19, s18, $0xb8;
	[tilespmem:$0x1B000] =	vst v63  }
0x1c3: {  	s11 =	rddreg [dreg:$0xd]  }
0x1c4: {  	[tilespmem:s8], [sflag:$0x2] =	stream.indirect.gather [spmem:s3], $0x20, s11, s18, $0xb8;
	[tilespmem:$0x1B000] =	vst v63  }
0x1c5: {  	_ =	swait.ge [sflag:s13], $0x1000  }
0x1c6: {  	[sflag:s13] =	ssyncset.done $0x0  }
0x1c7: {  	[sflag:s13] =	ssyncadd.s32 $0xFFFFF000  }
0x1c8: {  	_ =	swait.ge [sflag:s13], $0x1000  }
0x1c9: {  	[sflag:s13] =	ssyncset.done $0x0  }
0x1ca: {  	[sflag:s13] =	ssyncadd.s32 $0xFFFFF000  }
0x1cb: {  	_ =	swait.ge [sflag:s13], $0x1000  }
0x1cc: {  	[sflag:s13] =	ssyncset.done $0x0  }
0x1cd: {  	[sflag:s13] =	ssyncadd.s32 $0xFFFFF000  }
0x1ce: {  	_ =	swait.ge [sflag:s13], $0x1000  }
0x1cf: {  	[sflag:s13] =	ssyncset.done $0x0  }
0x1d0: {  	[sflag:s13] =	ssyncadd.s32 $0xFFFFF000  }
0x1d1: {  	_ =	swait.ge [sflag:s13], $0x1000  }
0x1d2: {  	[sflag:s13] =	ssyncset.done $0x0  }
0x1d3: {  	[sflag:s13] =	ssyncadd.s32 $0xFFFFF000  }
0x1d4: {  	_ =	swait.ge [sflag:s13], $0x1000  }
0x1d5: {  	[sflag:s13] =	ssyncset.done $0x0  }
0x1d6: {  	[sflag:s13] =	ssyncadd.s32 $0xFFFFF000  }
0x1d7: {  	_ =	swait.ge [sflag:s13], $0x1000  }
0x1d8: {  	[sflag:s13] =	ssyncset.done $0x0  }
0x1d9: {  	[sflag:s13] =	ssyncadd.s32 $0xFFFFF000  }
0x1da: {  	_ =	swait.ge [sflag:s13], $0x1000  }
0x1db: {  	[sflag:s13] =	ssyncset.done $0x0  }
0x1dc: {  	[sflag:s13] =	ssyncadd.s32 $0xFFFFF000  }
0x1dd: {  	[spmem:s1] =	stream.indirect.scatter.add.bf16 [tilespmem:s22], [sflag:$0x3], $0x20, s15, s18, $0xb8;
	[tilespmem:$0x1B000] =	vst v63  }
0x1de: {  	s12 =	rddreg [dreg:$0xe]  }
0x1df: {  	[spmem:s1] =	stream.indirect.scatter.add.bf16 [tilespmem:s25], [sflag:$0x3], $0x20, s12, s18, $0xb8;
	[tilespmem:$0x1B000] =	vst v63  }
0x1e0: {  	s16 =	rddreg [dreg:$0xf]  }
0x1e1: {  	[spmem:s1] =	stream.indirect.scatter.add.bf16 [tilespmem:s28], [sflag:$0x3], $0x20, s16, s18, $0xb8;
	[tilespmem:$0x1B000] =	vst v63  }
0x1e2: {  	s19 =	rddreg [dreg:$0x10]  }
0x1e3: {  	[spmem:s1] =	stream.indirect.scatter.add.bf16 [tilespmem:s30], [sflag:$0x3], $0x20, s19, s18, $0xb8;
	[tilespmem:$0x1B000] =	vst v63  }
0x1e4: {  	s11 =	rddreg [dreg:$0x11]  }
0x1e5: {  	[spmem:s1] =	stream.indirect.scatter.add.bf16 [tilespmem:s0], [sflag:$0x3], $0x20, s11, s18, $0xb8;
	[tilespmem:$0x1B000] =	vst v63  }
0x1e6: {  	s12 =	rddreg [dreg:$0x12]  }
0x1e7: {  	[spmem:s1] =	stream.indirect.scatter.add.bf16 [tilespmem:s21], [sflag:$0x3], $0x20, s12, s18, $0xb8;
	[tilespmem:$0x1B000] =	vst v63  }
0x1e8: {  	s16 =	rddreg [dreg:$0x13];
	s21 =	simm.s32 $0x7000  }
0x1e9: {  	[spmem:s1] =	stream.indirect.scatter.add.bf16 [tilespmem:s21], [sflag:$0x3], $0x20, s16, s18, $0xb8;
	[tilespmem:$0x1B000] =	vst v63  }
0x1ea: {  	s19 =	rddreg [dreg:$0x14];
	s11 =	simm.s32 $0x8000  }
0x1eb: {  	[spmem:s1] =	stream.indirect.scatter.add.bf16 [tilespmem:s11], [sflag:$0x3], $0x20, s19, s18, $0xb8;
	[tilespmem:$0x1B000] =	vst v63  }
0x1ec: {  	_ =	swait.ge [sflag:s9], $0x1000  }
0x1ed: {  	[sflag:s9] =	ssyncset.done $0x0  }
0x1ee: {  	[sflag:s9] =	ssyncadd.s32 $0xFFFFF000  }
0x1ef: {  	_ =	swait.ge [sflag:s9], $0x1000  }
0x1f0: {  	[sflag:s9] =	ssyncset.done $0x0  }
0x1f1: {  	[sflag:s9] =	ssyncadd.s32 $0xFFFFF000  }
0x1f2: {  	_ =	swait.ge [sflag:s9], $0x1000  }
0x1f3: {  	[sflag:s9] =	ssyncset.done $0x0  }
0x1f4: {  	[sflag:s9] =	ssyncadd.s32 $0xFFFFF000  }
0x1f5: {  	_ =	swait.ge [sflag:s9], $0x1000  }
0x1f6: {  	[sflag:s9] =	ssyncset.done $0x0  }
0x1f7: {  	[sflag:s9] =	ssyncadd.s32 $0xFFFFF000  }
0x1f8: {  	_ =	swait.ge [sflag:s9], $0x1000  }
0x1f9: {  	[sflag:s9] =	ssyncset.done $0x0  }
0x1fa: {  	[sflag:s9] =	ssyncadd.s32 $0xFFFFF000  }
0x1fb: {  	_ =	swait.ge [sflag:s9], $0x1000  }
0x1fc: {  	[sflag:s9] =	ssyncset.done $0x0  }
0x1fd: {  	[sflag:s9] =	ssyncadd.s32 $0xFFFFF000  }
0x1fe: {  	_ =	swait.ge [sflag:s9], $0x1000  }
0x1ff: {  	[sflag:s9] =	ssyncset.done $0x0  }
0x200: {  	p0 =	seq.s32 s24, $0x400;
	[sflag:s9] =	ssyncadd.s32 $0xFFFFF000  }
0x201: {  	s10 =	simm.s32 @!p0 $0x0;
	_ =	swait.ge [sflag:s9], $0x1000  }
0x202: {  	s12 =	simm.s32 @!p0 $0x50000;
	s6 =	rddreg [dreg:$0x5];
	[sflag:s9] =	ssyncset.done $0x0  }
0x203: {  	s11 =	simm.s32 @!p0 $0x400;
	[sflag:s9] =	ssyncadd.s32 $0xFFFFF000;
	s6 =	sadd.s32 @!p0 s24, s6  }
0x204: {  	[tilespmem:s10], [sflag:$0x5] =	stream.strided.gather @!p0 [hbm4b:s6+s11], $0x800, s12, s11, $0x38;
	[tilespmem:$0x1B000] =	vst v63  }
0x205: {  	s6 =	simm.s32 @!p0 $0x5  }
0x206: {  	_ =	swait.ge @!p0 [sflag:s6], $0x800  }
0x207: {  	[sflag:s6] =	ssyncset.done @!p0 $0x0  }
0x208: {  	s11 =	simm.s32 @!p0 $0x80;
	[sflag:s6] =	ssyncadd.s32 @!p0 $0xFFFFF800;
	s6 =	simm.s32 @!p0 $0x1000  }
0x209: {  	[tilespmem:s6], [sflag:$0x1] =	stream.indirect.gather @!p0 [spmem:s3], $0x20, s10, s11, $0xb8;
	[tilespmem:$0x1B000] =	vst v63  }
0x20a: {  	s6 =	simm.s32 @!p0 $0x2000  }
0x20b: {  	[tilespmem:s6], [sflag:$0x1] =	stream.indirect.gather @!p0 [spmem:s3], $0x20, s11, s11, $0xb8;
	[tilespmem:$0x1B000] =	vst v63  }
0x20c: {  	s10 =	simm.s32 @!p0 $0x3000;
	s6 =	simm.s32 @!p0 $0x100  }
0x20d: {  	[tilespmem:s10], [sflag:$0x1] =	stream.indirect.gather @!p0 [spmem:s3], $0x20, s6, s11, $0xb8;
	[tilespmem:$0x1B000] =	vst v63  }
0x20e: {  	s6 =	simm.s32 @!p0 $0x180;
	s10 =	simm.s32 @!p0 $0x4000  }
0x20f: {  	[tilespmem:s10], [sflag:$0x1] =	stream.indirect.gather @!p0 [spmem:s3], $0x20, s6, s11, $0xb8;
	[tilespmem:$0x1B000] =	vst v63  }
0x210: {  	s6 =	simm.s32 @!p0 $0x200;
	s10 =	simm.s32 @!p0 $0x5000  }
0x211: {  	[tilespmem:s10], [sflag:$0x1] =	stream.indirect.gather @!p0 [spmem:s3], $0x20, s6, s11, $0xb8;
	[tilespmem:$0x1B000] =	vst v63  }
0x212: {  	s6 =	simm.s32 @!p0 $0x280;
	s10 =	simm.s32 @!p0 $0x6000  }
0x213: {  	[tilespmem:s10], [sflag:$0x1] =	stream.indirect.gather @!p0 [spmem:s3], $0x20, s6, s11, $0xb8;
	[tilespmem:$0x1B000] =	vst v63  }
0x214: {  	s6 =	simm.s32 @!p0 $0x300;
	s10 =	simm.s32 @!p0 $0x7000  }
0x215: {  	[tilespmem:s10], [sflag:$0x1] =	stream.indirect.gather @!p0 [spmem:s3], $0x20, s6, s11, $0xb8;
	[tilespmem:$0x1B000] =	vst v63  }
0x216: {  	s6 =	simm.s32 @!p0 $0x380;
	s10 =	simm.s32 @!p0 $0x8000  }
0x217: {  	[tilespmem:s10], [sflag:$0x1] =	stream.indirect.gather @!p0 [spmem:s3], $0x20, s6, s11, $0xb8;
	[tilespmem:$0x1B000] =	vst v63  }
0x218: {  	_ =	swait.ge [sflag:s14], $0x1000  }
0x219: {  	[sflag:s14] =	ssyncset.done $0x0  }
0x21a: {  	[sflag:s14] =	ssyncadd.s32 $0xFFFFF000  }
0x21b: {  	_ =	swait.ge [sflag:s14], $0x1000  }
0x21c: {  	[sflag:s14] =	ssyncset.done $0x0  }
0x21d: {  	[sflag:s14] =	ssyncadd.s32 $0xFFFFF000  }
0x21e: {  	_ =	swait.ge [sflag:s14], $0x1000  }
0x21f: {  	[sflag:s14] =	ssyncset.done $0x0  }
0x220: {  	[sflag:s14] =	ssyncadd.s32 $0xFFFFF000  }
0x221: {  	_ =	swait.ge [sflag:s14], $0x1000  }
0x222: {  	[sflag:s14] =	ssyncset.done $0x0  }
0x223: {  	[sflag:s14] =	ssyncadd.s32 $0xFFFFF000  }
0x224: {  	_ =	swait.ge [sflag:s14], $0x1000  }
0x225: {  	[sflag:s14] =	ssyncset.done $0x0  }
0x226: {  	[sflag:s14] =	ssyncadd.s32 $0xFFFFF000  }
0x227: {  	_ =	swait.ge [sflag:s14], $0x1000  }
0x228: {  	[sflag:s14] =	ssyncset.done $0x0  }
0x229: {  	[sflag:s14] =	ssyncadd.s32 $0xFFFFF000  }
0x22a: {  	_ =	swait.ge [sflag:s14], $0x1000  }
0x22b: {  	[sflag:s14] =	ssyncset.done $0x0  }
0x22c: {  	[sflag:s14] =	ssyncadd.s32 $0xFFFFF000  }
0x22d: {  	_ =	swait.ge [sflag:s14], $0x1000  }
0x22e: {  	[sflag:s14] =	ssyncset.done $0x0  }
0x22f: {  	s12 =	rddreg [dreg:$0x15];
	[sflag:s14] =	ssyncadd.s32 $0xFFFFF000  }
0x230: {  	[spmem:s1] =	stream.indirect.scatter.add.bf16 [tilespmem:s26], [sflag:$0x4], $0x20, s12, s18, $0xb8;
	[tilespmem:$0x1B000] =	vst v63  }
0x231: {  	s16 =	rddreg [dreg:$0x16]  }
0x232: {  	[spmem:s1] =	stream.indirect.scatter.add.bf16 [tilespmem:s29], [sflag:$0x4], $0x20, s16, s18, $0xb8;
	[tilespmem:$0x1B000] =	vst v63  }
0x233: {  	s19 =	rddreg [dreg:$0x17]  }
0x234: {  	[spmem:s1] =	stream.indirect.scatter.add.bf16 [tilespmem:s31], [sflag:$0x4], $0x20, s19, s18, $0xb8;
	[tilespmem:$0x1B000] =	vst v63  }
0x235: {  	s21 =	rddreg [dreg:$0x18]  }
0x236: {  	[spmem:s1] =	stream.indirect.scatter.add.bf16 [tilespmem:s2], [sflag:$0x4], $0x20, s21, s18, $0xb8;
	[tilespmem:$0x1B000] =	vst v63  }
0x237: {  	s24 =	rddreg [dreg:$0x19]  }
0x238: {  	[spmem:s1] =	stream.indirect.scatter.add.bf16 [tilespmem:s4], [sflag:$0x4], $0x20, s24, s18, $0xb8;
	[tilespmem:$0x1B000] =	vst v63  }
0x239: {  	s0 =	rddreg [dreg:$0x1a]  }
0x23a: {  	[spmem:s1] =	stream.indirect.scatter.add.bf16 [tilespmem:s5], [sflag:$0x4], $0x20, s0, s18, $0xb8;
	[tilespmem:$0x1B000] =	vst v63  }
0x23b: {  	s11 =	rddreg [dreg:$0x1b]  }
0x23c: {  	[spmem:s1] =	stream.indirect.scatter.add.bf16 [tilespmem:s7], [sflag:$0x4], $0x20, s11, s18, $0xb8;
	[tilespmem:$0x1B000] =	vst v63  }
0x23d: {  	s12 =	rddreg [dreg:$0x1c];
	s16 =	simm.s32 $0x4  }
0x23e: {  	[spmem:s1] =	stream.indirect.scatter.add.bf16 [tilespmem:s8], [sflag:$0x4], $0x20, s12, s18, $0xb8;
	[tilespmem:$0x1B000] =	vst v63  }
0x23f: {  	_ =	swait.ge [sflag:s16], $0x1000  }
0x240: {  	[sflag:s16] =	ssyncset.done $0x0  }
0x241: {  	[sflag:s16] =	ssyncadd.s32 $0xFFFFF000  }
0x242: {  	_ =	swait.ge [sflag:s16], $0x1000  }
0x243: {  	[sflag:s16] =	ssyncset.done $0x0  }
0x244: {  	[sflag:s16] =	ssyncadd.s32 $0xFFFFF000  }
0x245: {  	_ =	swait.ge [sflag:s16], $0x1000  }
0x246: {  	[sflag:s16] =	ssyncset.done $0x0  }
0x247: {  	[sflag:s16] =	ssyncadd.s32 $0xFFFFF000  }
0x248: {  	_ =	swait.ge [sflag:s16], $0x1000  }
0x249: {  	[sflag:s16] =	ssyncset.done $0x0  }
0x24a: {  	[sflag:s16] =	ssyncadd.s32 $0xFFFFF000  }
0x24b: {  	_ =	swait.ge [sflag:s16], $0x1000  }
0x24c: {  	[sflag:s16] =	ssyncset.done $0x0  }
0x24d: {  	[sflag:s16] =	ssyncadd.s32 $0xFFFFF000  }
0x24e: {  	_ =	swait.ge [sflag:s16], $0x1000  }
0x24f: {  	[sflag:s16] =	ssyncset.done $0x0  }
0x250: {  	[sflag:s16] =	ssyncadd.s32 $0xFFFFF000  }
0x251: {  	_ =	swait.ge [sflag:s16], $0x1000  }
0x252: {  	[sflag:s16] =	ssyncset.done $0x0  }
0x253: {  	[sflag:s16] =	ssyncadd.s32 $0xFFFFF000  }
0x254: {  	_ =	swait.ge [sflag:s16], $0x1000  }
0x255: {  	[sflag:s16] =	ssyncset.done $0x0  }
0x256: {  	[sflag:s16] =	ssyncadd.s32 $0xFFFFF000  }
0x257: {  	[bflag:$0x0] =	sbarrier.arrive $0xFFFF  }
0x258: {  	s12 =	sld [smem:$0x7FD]  }
0x259: {  	s19 =	sld [smem:$0x7FC];
	_ =	sdelay $0x1  }
0x25a: {  	s16 =	rddreg [dreg:$0x1e]  }
0x25b: {  	[hbm:s19], [sflag:s16] =	dma.local [spmem:s12], $0xA00  }
0x25c: {  	_ =	swait.ge [sflag:s13], $0xA00  }
0x25d: {  	s21 =	sld [smem:$0x7F7]  }
0x25e: {  	s24 =	sld [smem:$0x7F9];
	_ =	sdelay $0x1  }
0x25f: {  	s0 =	sadd.s32 $0x1, s21  }
0x260: {  	p0 =	sne.s32 s0, s24  }
.Ltmp1:
0x261: {  	_ = 	snop;
	(pc) =	sbr.rel @p0 .LBB2_1-.Ltmp1, $3  }
0x262: {  	_ =	sdelay $0x1  }
0x263: {  	[sflag:s13] =	ssyncset.done $0x0  }
0x264: {  	[sflag:s13] =	ssyncadd.s32 $0xFFFFF600  }
0x265: {  	_ =	sfence.sel $0x180000  }
0x266: {  	[bflag:$0x0] =	sbarrier.arrive $0xFFFF  }
0x267: {  	_ =	strace $0x9000004A  }
0x268: {  	s0 =	stileid.u32;
	[bflag:$0x2] =	sbarrier.arrive $0xFFFF  }
0x269: {  	p0 =	sne.s32 s0, $0x0;
	s0 =	rddreg [dreg:$0x4]  }
0x26a: {  	s0 =	sadd.s32 @!p0 $0x100000, s0  }
0x26b: {  	[sflag:s0] =	ssyncadd.tile.s32 @!p0 $0x1;
	_ =	shalt  }
.Lfunc_end2:
_tile_overlayer_lowered:
.L_overlay_start_2:
0x26c: {  	(tag) =	ssettag $0x2  }
0x26d: {  	s0 =	rddreg [dreg:$0x0];
	s2 =	stileid.u32  }
0x26e: {  	s1 =	rddreg [dreg:$0x1];
	p0 =	sne.s32 s2, $0x0  }
0x26f: {  	s3 =	rddreg [dreg:$0x2];
	[bflag:$0x3] =	sbarrier.arrive $0xFFFF;
	s2 =	simm.s32 @!p0 $0x1C05  }
0x270: {  	[timem:s3], [sflag:s2] =	dma.local @!p0 [hbm:s0], s1  }
0x271: {  	s0 =	simm.s32 @!p0 $0x5  }
0x272: {  	_ =	swait.ge @!p0 [sflag:s0], s1  }
0x273: {  	s1 =	ssub.s32 @!p0 $0x0, s1;
	[sflag:s0] =	ssyncset.done @!p0 $0x0  }
0x274: {  	[sflag:s0] =	ssyncadd.s32 @!p0 s1  }
0x275: {  	[bflag:$0x3] =	sbarrier.arrive $0xFFFF  }
0x276: {  	_ =	shalt  }

// kernel: kernel.7.cloned.1.call-start
scs
__scs_entry_jumppad:
0x0: {  	(pc) =	sbr.rel $0x88, $3  }
0x1: {  	(tag) =	ssettag $0x0;
	lr =	simm.s32 $0x1  }
0x2: {  	[smem:$0x3F99] =	sst lr;
	_ =	strace $0xD0000000  }
0x3: {  	_ = 	snop  }
0x4: {  	_ = 	snop  }
0x5: {  	_ = 	snop  }
0x6: {  	_ = 	snop  }
0x7: {  	_ = 	snop  }
__scs_overlays_trampoline_lowered:
0x8: {  	[smem:$0x3FA8] =	sst s0  }
0x9: {  	[smem:$0x3FA9] =	sst s1  }
0xa: {  	[smem:$0x3FAA] =	sst s2  }
0xb: {  	[smem:$0x3FAB] =	sst s3  }
0xc: {  	[smem:$0x3FAC] =	sst s4  }
0xd: {  	[smem:$0x3FAD] =	sst s5  }
0xe: {  	[smem:$0x3FAE] =	sst s6  }
0xf: {  	[smem:$0x3FAF] =	sst s7  }
0x10: {  	[smem:$0x3FB0] =	sst s8  }
0x11: {  	[smem:$0x3FB1] =	sst s9;
	s0 =	simm.s32 @!p0 $0x0  }
0x12: {  	s1 =	sld [smem:$0x3F97];
	s0 =	simm.s32 @p0 $0x1  }
0x13: {  	[smem:$0x3FB2] =	sst s0;
	s0 =	simm.s32 @!p1 $0x0  }
0x14: {  	s2 =	sld [smem:$0x3F96];
	s0 =	simm.s32 @p1 $0x1  }
0x15: {  	[smem:$0x3FB3] =	sst s0;
	s0 =	simm.s32 @!p2 $0x0  }
0x16: {  	s3 =	sld [smem:$0x3FDB];
	s0 =	simm.s32 @p2 $0x1  }
0x17: {  	s4 =	simm.s32 $0x1BF5;
	[smem:$0x3FB5] =	sst s0  }
0x18: {  	s0 =	sld [smem:$0x3F98];
	_ =	swait.ge [sflag:s4], $0x0  }
0x19: {  	s7 =	sld [smem:$0x3F99]  }
0x1a: {  	s8 =	sadd.s32 $0xFFFFE003, lr  }
0x1b: {  	s9 =	sadd.s32 $0xFFFFFEF7, lr;
	s5 =	simm.s32 $0xFFFFFFFF;
	p2 =	slt.u32 s8, $0xFFFFF086  }
0x1c: {  	p1 =	slt.u32 s9, $0xF7A;
	s5 =	simm.s32 @!p2 $0x0  }
0x1d: {  	s5 =	simm.s32 @p1 $0x1;
	p0 =	seq.s32 s7, s2  }
0x1e: {  	s7 =	smul.u32 @!p0 $0xF7A, s2;
	p2 =	seq.s32 @!p0 s5, $0x0  }
0x1f: {  	s9 =	smul.u32 $0xF7A, s1;
	s8 =	simm.s32 @!p0 $0x1BF5;
	p2 =	por !p2, p0  }
0x20: {  	[sflag:s8] =	ssyncset.s32 @!p0 $0xFFFFF086;
	s6 =	sadd.s32 @!p0 s3, s7;
	s7 =	simm.s32 @!p0 $0x108  }
0x21: {  	s3 =	sadd.s32 s3, s9;
	s6 =	sadd.s32 @!p0 $0x88, s6;
	s7 =	simm.s32 @p2 $0x1082  }
0x22: {  	[simem:s7], [sflag:s8] =	dma.local @!p0 [hbm:s6], $0xF7A  }
0x23: {  	s9 =	sor.u32 $0xD0000000, s2;
	s6 =	simm.s32 $0x108;
	_ =	swait.ge @!p0 [sflag:s8], $0x0  }
0x24: {  	s3 =	sadd.s32 $0x88, s3;
	s6 =	simm.s32 @!p1 $0x1082;
	[sflag:s4] =	ssyncset.s32 $0xFFFFF086  }
0x25: {  	[simem:s6], [sflag:s4] =	dma.local [hbm:s3], $0xF7A  }
0x26: {  	[smem:$0x3F99] =	sst s1;
	(tag) =	ssettag s2;
	_ =	strace s9  }
0x27: {  	s1 =	sld [smem:$0x3FA9]  }
0x28: {  	s2 =	sld [smem:$0x3FAA]  }
0x29: {  	s4 =	sld [smem:$0x3FAC]  }
0x2a: {  	p0 =	seq.s32 s5, $0x0;
	s5 =	sld [smem:$0x3FAD]  }
0x2b: {  	s6 =	sld [smem:$0x3FAE]  }
0x2c: {  	s7 =	sld [smem:$0x3FAF]  }
0x2d: {  	s3 =	simm.s32 $0x108;
	s8 =	sld [smem:$0x3FB0]  }
0x2e: {  	s3 =	simm.s32 @!p0 $0x1082;
	s9 =	sld [smem:$0x3FB1]  }
0x2f: {  	lr =	sadd.s32 s0, s3;
	s0 =	sld [smem:$0x3FA8]  }
0x30: {  	s3 =	sld [smem:$0x3FAB]  }
0x31: {  	[smem:$0x3FB4] =	sst s10  }
0x32: {  	s10 =	sld [smem:$0x3FB2];
	_ =	sdelay $0x3  }
0x33: {  	p0 =	seq.s32 s10, $0x1;
	s10 =	sld [smem:$0x3FB4];
	_ =	sdelay $0x3  }
0x34: {  	[smem:$0x3FB4] =	sst s10  }
0x35: {  	s10 =	sld [smem:$0x3FB3];
	_ =	sdelay $0x3  }
0x36: {  	p1 =	seq.s32 s10, $0x1;
	s10 =	sld [smem:$0x3FB4];
	_ =	sdelay $0x3  }
0x37: {  	[smem:$0x3FB4] =	sst s10  }
0x38: {  	s10 =	sld [smem:$0x3FB5]  }
0x39: {  	_ = 	snop;
	(pc) =	sbr.ind lr, $3  }
0x3a: {  	_ = 	snop  }
0x3b: {  	_ = 	snop  }
0x3c: {  	p2 =	seq.s32 s10, $0x1;
	s10 =	sld [smem:$0x3FB4]  }
0x3d: {  	_ =	shalt  }
0x3e: {  	_ =	shalt  }
0x3f: {  	_ =	shalt  }
0x40: {  	_ =	shalt  }
0x41: {  	_ =	shalt  }
0x42: {  	_ =	shalt  }
0x43: {  	_ =	shalt  }
0x44: {  	_ =	shalt  }
0x45: {  	_ =	shalt  }
0x46: {  	_ =	shalt  }
0x47: {  	_ =	shalt  }
0x48: {  	_ =	shalt  }
0x49: {  	_ =	shalt  }
0x4a: {  	_ =	shalt  }
0x4b: {  	_ =	shalt  }
0x4c: {  	_ =	shalt  }
0x4d: {  	_ =	shalt  }
0x4e: {  	_ =	shalt  }
0x4f: {  	_ =	shalt  }
0x50: {  	_ =	shalt  }
0x51: {  	_ =	shalt  }
0x52: {  	_ =	shalt  }
0x53: {  	_ =	shalt  }
0x54: {  	_ =	shalt  }
0x55: {  	_ =	shalt  }
0x56: {  	_ =	shalt  }
0x57: {  	_ =	shalt  }
0x58: {  	_ =	shalt  }
0x59: {  	_ =	shalt  }
0x5a: {  	_ =	shalt  }
0x5b: {  	_ =	shalt  }
0x5c: {  	_ =	shalt  }
0x5d: {  	_ =	shalt  }
0x5e: {  	_ =	shalt  }
0x5f: {  	_ =	shalt  }
0x60: {  	_ =	shalt  }
0x61: {  	_ =	shalt  }
0x62: {  	_ =	shalt  }
0x63: {  	_ =	shalt  }
0x64: {  	_ =	shalt  }
0x65: {  	_ =	shalt  }
0x66: {  	_ =	shalt  }
0x67: {  	_ =	shalt  }
0x68: {  	_ =	shalt  }
0x69: {  	_ =	shalt  }
0x6a: {  	_ =	shalt  }
0x6b: {  	_ =	shalt  }
0x6c: {  	_ =	shalt  }
0x6d: {  	_ =	shalt  }
0x6e: {  	_ =	shalt  }
0x6f: {  	_ =	shalt  }
0x70: {  	_ =	shalt  }
0x71: {  	_ =	shalt  }
0x72: {  	_ =	shalt  }
0x73: {  	_ =	shalt  }
0x74: {  	_ =	shalt  }
0x75: {  	_ =	shalt  }
0x76: {  	_ =	shalt  }
0x77: {  	_ =	shalt  }
0x78: {  	_ =	shalt  }
0x79: {  	_ =	shalt  }
0x7a: {  	_ =	shalt  }
0x7b: {  	_ =	shalt  }
0x7c: {  	_ =	shalt  }
0x7d: {  	_ =	shalt  }
0x7e: {  	_ =	shalt  }
0x7f: {  	_ =	shalt  }
0x80: {  	_ =	shalt  }
0x81: {  	_ =	shalt  }
0x82: {  	_ =	shalt  }
0x83: {  	_ =	shalt  }
0x84: {  	_ =	shalt  }
0x85: {  	_ =	shalt  }
0x86: {  	_ =	shalt  }
0x87: {  	_ =	shalt  }
.Lfunc_end0:
.L_simem_size_0:
called_computation_lowered:
.L_overlay_start_0:
0x88: {  	s2 =	sld [smem:$0x3FD9]  }
0x89: {  	s3 =	sld [smem:$0x3FFE];
	_ =	sdelay $0x1  }
0x8a: {  	s1 =	srdreg.scid  }
0x8b: {  	s0 =	sand.u32 $0x1, s1  }
0x8c: {  	s17 =	sshll.u32 s0, $0xA;
	s2 =	sadd.s32 s3, s2  }
0x8d: {  	s2 =	sadd.s32 s2, s17  }
0x8e: {  	[smem:$0x3FC0] =	sst s2  }
0x8f: {  	_ = 	snop  }
0x90: {  	s2 =	sld [smem:$0x3FD0];
	(tm) =	ssettm $0x1  }
0x91: {  	s18 =	sld [smem:$0x3FFB];
	_ =	sdelay $0x3  }
0x92: {  	_ =	strace s18  }
0x93: {  	s3 =	sld [smem:$0x3FFC];
	_ =	sdelay $0x3  }
0x94: {  	_ =	strace s3  }
0x95: {  	s3 =	sld [smem:$0x3FFD];
	_ =	sdelay $0x3  }
0x96: {  	_ =	strace s3  }
0x97: {  	_ =	strace $0x8FFFFFFF  }
0x98: {  	s19 =	sld [smem:$0x3FDB];
	_ =	sdelay $0x1  }
0x99: {  	s4 =	simm.s32 $_scs_section_size  }
0x9a: {  	s5 =	simm.s32 $_size__tile_overlayer_lowered;
	s6 =	simm.s32 $_tile_overlayer_lowered  }
0x9b: {  	s22 =	simm.s32 $0x1BFF;
	s21 =	sshll.u32 s6, $0x1;
	s3 =	sadd.s32 s4, s19  }
0x9c: {  	s7 =	simm.s32 $0x0;
	s20 =	sshll.u32 s5, $0x1;
	s5 =	sadd.s32 s21, s3  }
0x9d: {  	[timem:s7], [sflag:s22] =	dma.local [hbm:s5], s20  }
0x9e: {  	_ =	swait.ge [sflag:s22], s20  }
0x9f: {  	s4 =	ssub.s32 $0x0, s20;
	[sflag:s22] =	ssyncset.done $0x0  }
0xa0: {  	[sflag:s22] =	ssyncadd.s32 s4;
	_ =	sdelay $0x1  }
0xa1: {  	s23 =	simm.s32 $0x1B8B  }
0xa2: {  	_ =	swait.ge [sflag:s23], $0x1  }
0xa3: {  	[sflag:s23] =	ssyncset.done $0x0  }
0xa4: {  	s25 =	simm.s32 $0x1B8E;
	s24 =	sld [smem:$0x3FFE];
	[sflag:s23] =	ssyncadd.s32 $0xFFFFFFFF  }
0xa5: {  	s26 =	simm.s32 $execute0_lowered;
	[smem:$0x3FD2] =	sst s25  }
0xa6: {  	s5 =	sshll.u32 s26, $0x1;
	_ =	strace $0x80000046;
	[dreg:$0x1] =	wrdreg $0xFFFFFFFF  }
0xa7: {  	s28 =	simm.s32 $_size_execute0_lowered;
	s3 =	sadd.s32 s3, s5;
	[dreg:$0x0] =	wrdreg $0x0  }
0xa8: {  	s5 =	sshll.u32 s28, $0x1;
	[dreg:$0x2] =	wrdreg s3  }
0xa9: {  	[dreg:$0x3] =	wrdreg s5  }
0xaa: {  	[dreg:$0x4] =	wrdreg $0xC0  }
0xab: {  	_ =	task [dreg:s7], $0x5FFFF  }
0xac: {  	[dreg:$0x1] =	wrdreg $0xFFFFFFFF  }
0xad: {  	[dreg:$0x0] =	wrdreg $0x60  }
0xae: {  	[dreg:$0x2] =	wrdreg s2  }
0xaf: {  	[dreg:$0x3] =	wrdreg s24  }
0xb0: {  	[dreg:$0x4] =	wrdreg $0x110000  }
0xb1: {  	[dreg:$0x5] =	wrdreg $0x160000  }
0xb2: {  	[dreg:$0x6] =	wrdreg $0x1B4000  }
0xb3: {  	[dreg:$0x7] =	wrdreg $0x9  }
0xb4: {  	_ =	task.clear_ibuf [dreg:s7], $0x8FFFF;
	_ =	strace $0x90000046  }
0xb5: {  	s29 =	simm.s32 $0x9;
	_ =	strace $0x80000048  }
0xb6: {  	_ =	swait.ge [sflag:s29], $0x1  }
0xb7: {  	[sflag:s29] =	ssyncadd.s32 $0xFFFFFFFF  }
0xb8: {  	_ =	strace $0x90000048  }
0xb9: {  	_ =	sfence  }
0xba: {  	s30 =	sld [smem:$0x0];
	_ =	sdelay $0x2  }
0xbb: {  	s31 =	sshll.u32 s1, $0xD;
	s1 =	sshrl.u32 s1, $0x2  }
0xbc: {  	s3 =	sand.u32 $0x4000, s31;
	s1 =	sadd.s32 s1, s30  }
0xbd: {  	s0 =	sor.u32 s3, s0;
	s1 =	sshll.u32 s1, $0x11  }
0xbe: {  	s0 =	sor.u32 s1, s0  }
0xbf: {  	s0 =	sadd.s32 $0x8F2B, s0  }
0xc0: {  	[sflag:s0] =	ssyncadd.remote.s32 $0x1  }
0xc1: {  	_ =	sfence.sel $0xFFFF  }
0xc2: {  	[dreg:$0x0] =	wrdreg $0xFFFFFFFF;
	(pc) =	sbr.abs _section_cstart, $3  }
0xc3: {  	[dreg:$0x1] =	wrdreg $0xFFFFFFFF  }
0xc4: {  	_ =	task.clear_ibuf [dreg:s7], $0x2FFFF;
	_ =	strace $0x9FFFFFFF  }
0xc5: {  	(tm) =	ssettm $0x7FFFFFFF  }
tec
execute0_lowered:
.L_overlay_start_1:
0x0: {  	(tag) =	ssettag $0x1  }
0x1: {  	s0 =	rddreg [dreg:$0x0]  }
0x2: {  	s4 =	rddreg [dreg:$0x1]  }
0x3: {  	s1 =	rddreg [dreg:$0x2]  }
0x4: {  	s2 =	rddreg [dreg:$0x3]  }
0x5: {  	s3 =	rddreg [dreg:$0x4]  }
0x6: {  	s5 =	simm.s32 $0x0;
	s20 =	srdreg.scid;
	s15 =	stileid.u32  }
0x7: {  	s19 =	simm.s32 $0x880;
	s17 =	simm.s32 $0x1B000;
	s18 =	simm.s32 $0x1  }
0x8: {  	s28 =	simm.s32 $0x80;
	[smem:$0x7FF] =	sst s5;
	s5 =	sand.u32 $0x1, s20  }
0x9: {  	s6 =	sadd.s32 $0x2A00, s4;
	s7 =	sadd.s32 $0x2000, s4;
	s10 =	smul.u32 $0xA000, s15  }
0xa: {  	s8 =	sadd.s32 $0x16C00, s4;
	s9 =	sadd.s32 $0x16A00, s4;
	s11 =	smul.u32 $0xA0, s15  }
0xb: {  	s29 =	smul.u32 $0x1400, s15;
	_ =	strace $0x80000047;
	[dreg:$0xf] =	wrdreg s7  }
0xc: {  	s14 =	sshll.u32 s15, $0x6;
	s21 =	smul.u32 $0xA000, s5;
	[dreg:$0x10] =	wrdreg s8  }
0xd: {  	s26 =	sshll.u32 s15, $0x1;
	s22 =	smul.u32 $0x2800, s5;
	[dreg:$0x11] =	wrdreg s9  }
0xe: {  	s23 =	ssub.s32 $0x2, s5;
	s13 =	smul.u32 $0x50, s5;
	[dreg:$0x12] =	wrdreg s14  }
0xf: {  	s16 =	sor.u32 $0x1C01, s14;
	s5 =	sor.u32 s5, s26;
	[dreg:$0x8] =	wrdreg s19  }
0x10: {  	s26 =	simm.s32 $0xB00;
	s19 =	simm.s32 $0x2;
	s24 =	sshrl.u32 s23, $0x1  }
0x11: {  	s25 =	sshrl.u32 s10, $0x1;
	s10 =	sshrl.u32 s10, $0x4;
	s5 =	smul.u32 $0x500, s5  }
0x12: {  	s30 =	sadd.s32 s29, s3;
	s15 =	sshrl.u32 s29, $0x3;
	[dreg:$0xd] =	wrdreg s26  }
0x13: {  	s29 =	simm.s32 $0xB80;
	s26 =	simm.s32 $0x5;
	[dreg:$0x13] =	wrdreg s16  }
0x14: {  	s7 =	sadd.s32 s21, s4;
	s4 =	sadd.s32 s22, s4;
	s8 =	ssub.s32 s23, s24  }
0x15: {  	s12 =	sadd.s32 s25, s1;
	s9 =	sadd.s32 s25, s2;
	[dreg:$0x15] =	wrdreg s30  }
0x16: {  	s11 =	sadd.s32 s13, s11;
	s0 =	sadd.s32 s0, s10;
	[dreg:$0xe] =	wrdreg s29  }
0x17: {  	s21 =	simm.s32 $0x900;
	s22 =	simm.s32 $0x980;
	[dreg:$0x14] =	wrdreg s0  }
0x18: {  	s24 =	simm.s32 $0xA00;
	s25 =	simm.s32 $0xA80;
	[dreg:$0x9] =	wrdreg s21  }
0x19: {  	s11 =	sshll.u32 s11, $0x4;
	s5 =	sadd.s32 s6, s5;
	[dreg:$0xa] =	wrdreg s22  }
0x1a: {  	s4 =	sadd.s32 $0x2B000, s4;
	s20 =	smax.u32 s8, $0x1;
	[dreg:$0xb] =	wrdreg s24  }
0x1b: {  	s14 =	sshrl.u32 s12, $0x3;
	s23 =	sshrl.u32 s9, $0x3;
	[dreg:$0xc] =	wrdreg s25  }
0x1c: {  	s22 =	simm.s32 $0x4;
	s8 =	simm.s32 $0xE00;
	[dreg:$0x16] =	wrdreg s5  }
0x1d: {  	s12 =	simm.s32 $0xF00;
	s31 =	sadd.s32 s11, s6;
	[dreg:$0x17] =	wrdreg s20  }
0x1e: {  	s11 =	sadd.s32 $0x17000, s7;
	[dreg:$0x19] =	wrdreg s23;
	s20 =	simm.s32 $0x3  }
0x1f: {  	s23 =	simm.s32 $0x400;
	[dreg:$0x18] =	wrdreg s14;
	s13 =	sadd.s32 $0x100, s31  }
0x20: {  	s6 =	simm.s32 $0xD00;
	s0 =	sadd.s32 $0x80, s31;
	[dreg:$0x6] =	wrdreg s13  }
0x21: {  	s7 =	simm.s32 $0xD80;
	s30 =	sadd.s32 s10, s11;
	[dreg:$0x7] =	wrdreg s0  }
0x22: {  	s31 =	sadd.s32 s15, s4;
	s11 =	simm.s32 $0xE80;
	[dreg:$0x1a] =	wrdreg s30  }
0x23: {  	[dreg:$0x1b] =	wrdreg s31;
	s13 =	simm.s32 $0xF80;
	s0 =	simm.s32 $0x0  }
.LBB2_1:
0x24: {  	[dreg:$0x1c] =	wrdreg s0  }
0x25: {  	s4 =	rddreg [dreg:$0xf]  }
0x26: {  	[spmem:s14], [sflag:s16] =	dma.local [hbm:s4], $0xA00  }
0x27: {  	s4 =	rddreg [dreg:$0x12]  }
0x28: {  	s9 =	rddreg [dreg:$0x14]  }
0x29: {  	s10 =	rddreg [dreg:$0x19];
	s16 =	sor.u32 $0x1C02, s4  }
0x2a: {  	[dreg:$0x1d] =	wrdreg s16  }
0x2b: {  	[spmem:s10], [sflag:s16] =	dma.local [hbm:s9], $0xA00  }
0x2c: {  	s24 =	rddreg [dreg:$0x15]  }
0x2d: {  	s29 =	rddreg [dreg:$0x10];
	s25 =	sshrl.u32 s24, $0x3  }
0x2e: {  	s21 =	sor.u32 $0x1C03, s4;
	[dreg:$0x1e] =	wrdreg s25  }
0x2f: {  	[spmem:s25], [sflag:s21] =	dma.local [hbm:s29], $0x280  }
0x30: {  	s30 =	simm.s32 $0x0;
	s31 =	rddreg [dreg:$0x11]  }
0x31: {  	[tilespmem:s17], [sflag:$0x4] =	stream.linear.gather [hbm4b:s31+s30], $0x400, $0x38;
	[tilespmem:$0x1C800] =	vst v63  }
0x32: {  	_ =	swait.ge [sflag:s18], $0xA00  }
0x33: {  	[sflag:s18] =	ssyncset.done $0x0  }
0x34: {  	[sflag:s18] =	ssyncadd.s32 $0xFFFFF600  }
0x35: {  	_ =	swait.ge [sflag:s19], $0xA00  }
0x36: {  	[sflag:s19] =	ssyncset.done $0x0  }
0x37: {  	[sflag:s19] =	ssyncadd.s32 $0xFFFFF600  }
0x38: {  	_ =	swait.ge [sflag:s20], $0x280  }
0x39: {  	[sflag:s20] =	ssyncset.done $0x0  }
0x3a: {  	[sflag:s20] =	ssyncadd.s32 $0xFFFFFD80  }
0x3b: {  	_ =	swait.ge [sflag:s22], $0x400  }
0x3c: {  	[sflag:s22] =	ssyncset.done $0x0  }
0x3d: {  	[sflag:s22] =	ssyncadd.s32 $0xFFFFFC00  }
0x3e: {  	[bflag:$0x0] =	sbarrier.arrive $0xFFFF  }
0x3f: {  	s10 =	simm.s32 $0x50000;
	s0 =	rddreg [dreg:$0x16]  }
0x40: {  	[tilespmem:s30], [sflag:$0x5] =	stream.strided.gather [hbm4b:s0+s23], $0x800, s10, s23, $0x38;
	[tilespmem:$0x1C800] =	vst v63  }
0x41: {  	_ =	swait.ge [sflag:s26], $0x800  }
0x42: {  	[sflag:s26] =	ssyncset.done $0x0  }
0x43: {  	s9 =	simm.s32 $0x1000;
	[sflag:s26] =	ssyncadd.s32 $0xFFFFF800  }
0x44: {  	[tilespmem:s9], [sflag:$0x1] =	stream.indirect.gather [spmem:s2], $0x20, s30, s28, $0xb8;
	[tilespmem:$0x1C800] =	vst v63  }
0x45: {  	s4 =	simm.s32 $0x2000  }
0x46: {  	[tilespmem:s4], [sflag:$0x1] =	stream.indirect.gather [spmem:s2], $0x20, s28, s28, $0xb8;
	[tilespmem:$0x1C800] =	vst v63  }
0x47: {  	s5 =	simm.s32 $0x100;
	s22 =	simm.s32 $0x3000  }
0x48: {  	[tilespmem:s22], [sflag:$0x1] =	stream.indirect.gather [spmem:s2], $0x20, s5, s28, $0xb8;
	[tilespmem:$0x1C800] =	vst v63  }
0x49: {  	s15 =	simm.s32 $0x180;
	s24 =	simm.s32 $0x4000  }
0x4a: {  	[tilespmem:s24], [sflag:$0x1] =	stream.indirect.gather [spmem:s2], $0x20, s15, s28, $0xb8;
	[tilespmem:$0x1C800] =	vst v63  }
0x4b: {  	s16 =	simm.s32 $0x200;
	s21 =	simm.s32 $0x5000  }
0x4c: {  	[tilespmem:s21], [sflag:$0x1] =	stream.indirect.gather [spmem:s2], $0x20, s16, s28, $0xb8;
	[tilespmem:$0x1C800] =	vst v63  }
0x4d: {  	p0 =	por $0x1, $0x1;
	s25 =	simm.s32 $0x280;
	s29 =	simm.s32 $0x6000  }
0x4e: {  	[tilespmem:s29], [sflag:$0x1] =	stream.indirect.gather [spmem:s2], $0x20, s25, s28, $0xb8;
	[tilespmem:$0x1C800] =	vst v63  }
0x4f: {  	p0 =	por p0, p0;
	s31 =	simm.s32 $0x7000;
	s30 =	simm.s32 $0x300  }
0x50: {  	[tilespmem:s31], [sflag:$0x1] =	stream.indirect.gather [spmem:s2], $0x20, s30, s28, $0xb8;
	[tilespmem:$0x1C800] =	vst v63  }
0x51: {  	s14 =	simm.s32 @!p0 $0x4;
	s5 =	simm.s32 $0x380;
	s31 =	simm.s32 $0x8000  }
0x52: {  	[tilespmem:s31], [sflag:$0x1] =	stream.indirect.gather [spmem:s2], $0x20, s5, s28, $0xb8;
	[tilespmem:$0x1C800] =	vst v63  }
0x53: {  	_ =	swait.ge @!p0 [sflag:s14], $0x1000  }
0x54: {  	[sflag:s14] =	ssyncset.done @!p0 $0x0  }
0x55: {  	[sflag:s14] =	ssyncadd.s32 @!p0 $0xFFFFF000  }
0x56: {  	_ =	swait.ge @!p0 [sflag:s14], $0x400  }
0x57: {  	[sflag:s14] =	ssyncset.done @!p0 $0x0  }
0x58: {  	[sflag:s14] =	ssyncadd.s32 @!p0 $0xFFFFFC00  }
0x59: {  	_ =	swait.ge @!p0 [sflag:s14], $0x1000  }
0x5a: {  	[sflag:s14] =	ssyncset.done @!p0 $0x0  }
0x5b: {  	[sflag:s14] =	ssyncadd.s32 @!p0 $0xFFFFF000  }
0x5c: {  	_ =	swait.ge @!p0 [sflag:s14], $0x400  }
0x5d: {  	[sflag:s14] =	ssyncset.done @!p0 $0x0  }
0x5e: {  	[sflag:s14] =	ssyncadd.s32 @!p0 $0xFFFFFC00  }
0x5f: {  	_ =	swait.ge @!p0 [sflag:s14], $0x1000  }
0x60: {  	[sflag:s14] =	ssyncset.done @!p0 $0x0  }
0x61: {  	[sflag:s14] =	ssyncadd.s32 @!p0 $0xFFFFF000  }
0x62: {  	_ =	swait.ge @!p0 [sflag:s14], $0x400  }
0x63: {  	[sflag:s14] =	ssyncset.done @!p0 $0x0  }
0x64: {  	[sflag:s14] =	ssyncadd.s32 @!p0 $0xFFFFFC00  }
0x65: {  	_ =	swait.ge @!p0 [sflag:s14], $0x1000  }
0x66: {  	[sflag:s14] =	ssyncset.done @!p0 $0x0  }
0x67: {  	[sflag:s14] =	ssyncadd.s32 @!p0 $0xFFFFF000  }
0x68: {  	_ =	swait.ge @!p0 [sflag:s14], $0x400  }
0x69: {  	[sflag:s14] =	ssyncset.done @!p0 $0x0  }
0x6a: {  	[sflag:s14] =	ssyncadd.s32 @!p0 $0xFFFFFC00  }
0x6b: {  	_ =	swait.ge @!p0 [sflag:s14], $0x1000  }
0x6c: {  	[sflag:s14] =	ssyncset.done @!p0 $0x0  }
0x6d: {  	[sflag:s14] =	ssyncadd.s32 @!p0 $0xFFFFF000  }
0x6e: {  	_ =	swait.ge @!p0 [sflag:s14], $0x400  }
0x6f: {  	[sflag:s14] =	ssyncset.done @!p0 $0x0  }
0x70: {  	[sflag:s14] =	ssyncadd.s32 @!p0 $0xFFFFFC00  }
0x71: {  	_ =	swait.ge @!p0 [sflag:s14], $0x1000  }
0x72: {  	[sflag:s14] =	ssyncset.done @!p0 $0x0  }
0x73: {  	[sflag:s14] =	ssyncadd.s32 @!p0 $0xFFFFF000  }
0x74: {  	_ =	swait.ge @!p0 [sflag:s14], $0x400  }
0x75: {  	[sflag:s14] =	ssyncset.done @!p0 $0x0  }
0x76: {  	[sflag:s14] =	ssyncadd.s32 @!p0 $0xFFFFFC00  }
0x77: {  	_ =	swait.ge @!p0 [sflag:s14], $0x1000  }
0x78: {  	[sflag:s14] =	ssyncset.done @!p0 $0x0  }
0x79: {  	[sflag:s14] =	ssyncadd.s32 @!p0 $0xFFFFF000  }
0x7a: {  	_ =	swait.ge @!p0 [sflag:s14], $0x400  }
0x7b: {  	[sflag:s14] =	ssyncset.done @!p0 $0x0  }
0x7c: {  	[sflag:s14] =	ssyncadd.s32 @!p0 $0xFFFFFC00  }
0x7d: {  	_ =	swait.ge @!p0 [sflag:s14], $0x1000  }
0x7e: {  	[sflag:s14] =	ssyncset.done @!p0 $0x0  }
0x7f: {  	[sflag:s14] =	ssyncadd.s32 @!p0 $0xFFFFF000  }
0x80: {  	_ =	swait.ge @!p0 [sflag:s14], $0x400  }
0x81: {  	s15 =	rddreg [dreg:$0x7];
	[sflag:s14] =	ssyncset.done @!p0 $0x0  }
0x82: {  	s25 =	simm.s32 $0x800;
	[sflag:s14] =	ssyncadd.s32 @!p0 $0xFFFFFC00;
	s21 =	sadd.s32 $0x0, s15  }
0x83: {  	[tilespmem:s25], [sflag:$0x5] =	stream.strided.gather [hbm4b:s21+s23], $0x800, s10, s23, $0x38;
	[tilespmem:$0x1C800] =	vst v63  }
0x84: {  	_ =	swait.ge [sflag:s26], $0x800  }
0x85: {  	[sflag:s26] =	ssyncset.done $0x0  }
0x86: {  	s10 =	simm.s32 $0x9000;
	[sflag:s26] =	ssyncadd.s32 $0xFFFFF800  }
0x87: {  	[tilespmem:s10], [sflag:$0x2] =	stream.indirect.gather [spmem:s2], $0x20, s25, s28, $0xb8;
	[tilespmem:$0x1C800] =	vst v63  }
0x88: {  	s15 =	simm.s32 $0xA000;
	s29 =	rddreg [dreg:$0x8]  }
0x89: {  	[tilespmem:s15], [sflag:$0x2] =	stream.indirect.gather [spmem:s2], $0x20, s29, s28, $0xb8;
	[tilespmem:$0x1C800] =	vst v63  }
0x8a: {  	s21 =	simm.s32 $0xB000;
	s30 =	rddreg [dreg:$0x9]  }
0x8b: {  	[tilespmem:s21], [sflag:$0x2] =	stream.indirect.gather [spmem:s2], $0x20, s30, s28, $0xb8;
	[tilespmem:$0x1C800] =	vst v63  }
0x8c: {  	s0 =	rddreg [dreg:$0xa];
	s25 =	simm.s32 $0xC000  }
0x8d: {  	[tilespmem:s25], [sflag:$0x2] =	stream.indirect.gather [spmem:s2], $0x20, s0, s28, $0xb8;
	[tilespmem:$0x1C800] =	vst v63  }
0x8e: {  	s5 =	rddreg [dreg:$0xb];
	s29 =	simm.s32 $0xD000  }
0x8f: {  	[tilespmem:s29], [sflag:$0x2] =	stream.indirect.gather [spmem:s2], $0x20, s5, s28, $0xb8;
	[tilespmem:$0x1C800] =	vst v63  }
0x90: {  	s30 =	rddreg [dreg:$0xc];
	s0 =	simm.s32 $0xE000  }
0x91: {  	[tilespmem:s0], [sflag:$0x2] =	stream.indirect.gather [spmem:s2], $0x20, s30, s28, $0xb8;
	[tilespmem:$0x1C800] =	vst v63  }
0x92: {  	s5 =	rddreg [dreg:$0xd];
	s30 =	simm.s32 $0xF000  }
0x93: {  	[tilespmem:s30], [sflag:$0x2] =	stream.indirect.gather [spmem:s2], $0x20, s5, s28, $0xb8;
	[tilespmem:$0x1C800] =	vst v63  }
0x94: {  	s14 =	rddreg [dreg:$0xe];
	s5 =	simm.s32 $0x10000  }
0x95: {  	[tilespmem:s5], [sflag:$0x2] =	stream.indirect.gather [spmem:s2], $0x20, s14, s28, $0xb8;
	[tilespmem:$0x1C800] =	vst v63  }
0x96: {  	_ =	swait.ge [sflag:s18], $0x1000  }
0x97: {  	[sflag:s18] =	ssyncset.done $0x0  }
0x98: {  	[sflag:s18] =	ssyncadd.s32 $0xFFFFF000  }
0x99: {  	_ =	swait.ge [sflag:s18], $0x1000  }
0x9a: {  	[sflag:s18] =	ssyncset.done $0x0  }
0x9b: {  	[sflag:s18] =	ssyncadd.s32 $0xFFFFF000  }
0x9c: {  	_ =	swait.ge [sflag:s18], $0x1000  }
0x9d: {  	[sflag:s18] =	ssyncset.done $0x0  }
0x9e: {  	[sflag:s18] =	ssyncadd.s32 $0xFFFFF000  }
0x9f: {  	_ =	swait.ge [sflag:s18], $0x1000  }
0xa0: {  	[sflag:s18] =	ssyncset.done $0x0  }
0xa1: {  	[sflag:s18] =	ssyncadd.s32 $0xFFFFF000  }
0xa2: {  	_ =	swait.ge [sflag:s18], $0x1000  }
0xa3: {  	[sflag:s18] =	ssyncset.done $0x0  }
0xa4: {  	[sflag:s18] =	ssyncadd.s32 $0xFFFFF000  }
0xa5: {  	_ =	swait.ge [sflag:s18], $0x1000  }
0xa6: {  	[sflag:s18] =	ssyncset.done $0x0  }
0xa7: {  	[sflag:s18] =	ssyncadd.s32 $0xFFFFF000  }
0xa8: {  	_ =	swait.ge [sflag:s18], $0x1000  }
0xa9: {  	[sflag:s18] =	ssyncset.done $0x0  }
0xaa: {  	[sflag:s18] =	ssyncadd.s32 $0xFFFFF000  }
0xab: {  	_ =	swait.ge [sflag:s18], $0x1000  }
0xac: {  	[sflag:s18] =	ssyncset.done $0x0  }
0xad: {  	[sflag:s18] =	ssyncadd.s32 $0xFFFFF000  }
0xae: {  	[spmem:s1] =	stream.indirect.scatter.add.bf16 [tilespmem:s9], [sflag:$0x3], $0x20, s23, s28, $0xb8;
	[tilespmem:$0x1C800] =	vst v63  }
0xaf: {  	_ = 	snop  }
0xb0: {  	[spmem:s3] =	stream.indirect.scatter.add.f32 [tilespmem:s17], [sflag:$0x3], $0x8, s23, s28, $0xb8;
	[tilespmem:$0x1C800] =	vst v63  }
0xb1: {  	s14 =	simm.s32 $0x480  }
0xb2: {  	[spmem:s1] =	stream.indirect.scatter.add.bf16 [tilespmem:s4], [sflag:$0x3], $0x20, s14, s28, $0xb8;
	[tilespmem:$0x1C800] =	vst v63  }
0xb3: {  	_ = 	snop  }
0xb4: {  	[spmem:s3] =	stream.indirect.scatter.add.f32 [tilespmem:s17], [sflag:$0x3], $0x8, s14, s28, $0xb8;
	[tilespmem:$0x1C800] =	vst v63  }
0xb5: {  	s16 =	simm.s32 $0x500  }
0xb6: {  	[spmem:s1] =	stream.indirect.scatter.add.bf16 [tilespmem:s22], [sflag:$0x3], $0x20, s16, s28, $0xb8;
	[tilespmem:$0x1C800] =	vst v63  }
0xb7: {  	_ = 	snop  }
0xb8: {  	[spmem:s3] =	stream.indirect.scatter.add.f32 [tilespmem:s17], [sflag:$0x3], $0x8, s16, s28, $0xb8;
	[tilespmem:$0x1C800] =	vst v63  }
0xb9: {  	s9 =	simm.s32 $0x580  }
0xba: {  	[spmem:s1] =	stream.indirect.scatter.add.bf16 [tilespmem:s24], [sflag:$0x3], $0x20, s9, s28, $0xb8;
	[tilespmem:$0x1C800] =	vst v63  }
0xbb: {  	_ = 	snop  }
0xbc: {  	[spmem:s3] =	stream.indirect.scatter.add.f32 [tilespmem:s17], [sflag:$0x3], $0x8, s9, s28, $0xb8;
	[tilespmem:$0x1C800] =	vst v63  }
0xbd: {  	s14 =	simm.s32 $0x600;
	s16 =	simm.s32 $0x5000  }
0xbe: {  	[spmem:s1] =	stream.indirect.scatter.add.bf16 [tilespmem:s16], [sflag:$0x3], $0x20, s14, s28, $0xb8;
	[tilespmem:$0x1C800] =	vst v63  }
0xbf: {  	_ = 	snop  }
0xc0: {  	[spmem:s3] =	stream.indirect.scatter.add.f32 [tilespmem:s17], [sflag:$0x3], $0x8, s14, s28, $0xb8;
	[tilespmem:$0x1C800] =	vst v63  }
0xc1: {  	s22 =	simm.s32 $0x680;
	s24 =	simm.s32 $0x6000  }
0xc2: {  	[spmem:s1] =	stream.indirect.scatter.add.bf16 [tilespmem:s24], [sflag:$0x3], $0x20, s22, s28, $0xb8;
	[tilespmem:$0x1C800] =	vst v63  }
0xc3: {  	_ = 	snop  }
0xc4: {  	[spmem:s3] =	stream.indirect.scatter.add.f32 [tilespmem:s17], [sflag:$0x3], $0x8, s22, s28, $0xb8;
	[tilespmem:$0x1C800] =	vst v63  }
0xc5: {  	s16 =	simm.s32 $0x7000;
	s14 =	simm.s32 $0x700  }
0xc6: {  	[spmem:s1] =	stream.indirect.scatter.add.bf16 [tilespmem:s16], [sflag:$0x3], $0x20, s14, s28, $0xb8;
	[tilespmem:$0x1C800] =	vst v63  }
0xc7: {  	_ = 	snop  }
0xc8: {  	[spmem:s3] =	stream.indirect.scatter.add.f32 [tilespmem:s17], [sflag:$0x3], $0x8, s14, s28, $0xb8;
	[tilespmem:$0x1C800] =	vst v63  }
0xc9: {  	s22 =	simm.s32 $0x780  }
0xca: {  	[spmem:s1] =	stream.indirect.scatter.add.bf16 [tilespmem:s31], [sflag:$0x3], $0x20, s22, s28, $0xb8;
	[tilespmem:$0x1C800] =	vst v63  }
0xcb: {  	_ = 	snop  }
0xcc: {  	[spmem:s3] =	stream.indirect.scatter.add.f32 [tilespmem:s17], [sflag:$0x3], $0x8, s22, s28, $0xb8;
	[tilespmem:$0x1C800] =	vst v63  }
0xcd: {  	_ =	swait.ge [sflag:s20], $0x1000  }
0xce: {  	[sflag:s20] =	ssyncset.done $0x0  }
0xcf: {  	[sflag:s20] =	ssyncadd.s32 $0xFFFFF000  }
0xd0: {  	_ =	swait.ge [sflag:s20], $0x400  }
0xd1: {  	[sflag:s20] =	ssyncset.done $0x0  }
0xd2: {  	[sflag:s20] =	ssyncadd.s32 $0xFFFFFC00  }
0xd3: {  	_ =	swait.ge [sflag:s20], $0x1000  }
0xd4: {  	[sflag:s20] =	ssyncset.done $0x0  }
0xd5: {  	[sflag:s20] =	ssyncadd.s32 $0xFFFFF000  }
0xd6: {  	_ =	swait.ge [sflag:s20], $0x400  }
0xd7: {  	[sflag:s20] =	ssyncset.done $0x0  }
0xd8: {  	[sflag:s20] =	ssyncadd.s32 $0xFFFFFC00  }
0xd9: {  	_ =	swait.ge [sflag:s20], $0x1000  }
0xda: {  	[sflag:s20] =	ssyncset.done $0x0  }
0xdb: {  	[sflag:s20] =	ssyncadd.s32 $0xFFFFF000  }
0xdc: {  	_ =	swait.ge [sflag:s20], $0x400  }
0xdd: {  	[sflag:s20] =	ssyncset.done $0x0  }
0xde: {  	[sflag:s20] =	ssyncadd.s32 $0xFFFFFC00  }
0xdf: {  	_ =	swait.ge [sflag:s20], $0x1000  }
0xe0: {  	[sflag:s20] =	ssyncset.done $0x0  }
0xe1: {  	[sflag:s20] =	ssyncadd.s32 $0xFFFFF000  }
0xe2: {  	_ =	swait.ge [sflag:s20], $0x400  }
0xe3: {  	[sflag:s20] =	ssyncset.done $0x0  }
0xe4: {  	[sflag:s20] =	ssyncadd.s32 $0xFFFFFC00  }
0xe5: {  	_ =	swait.ge [sflag:s20], $0x1000  }
0xe6: {  	[sflag:s20] =	ssyncset.done $0x0  }
0xe7: {  	[sflag:s20] =	ssyncadd.s32 $0xFFFFF000  }
0xe8: {  	_ =	swait.ge [sflag:s20], $0x400  }
0xe9: {  	[sflag:s20] =	ssyncset.done $0x0  }
0xea: {  	[sflag:s20] =	ssyncadd.s32 $0xFFFFFC00  }
0xeb: {  	_ =	swait.ge [sflag:s20], $0x1000  }
0xec: {  	[sflag:s20] =	ssyncset.done $0x0  }
0xed: {  	[sflag:s20] =	ssyncadd.s32 $0xFFFFF000  }
0xee: {  	_ =	swait.ge [sflag:s20], $0x400  }
0xef: {  	[sflag:s20] =	ssyncset.done $0x0  }
0xf0: {  	[sflag:s20] =	ssyncadd.s32 $0xFFFFFC00  }
0xf1: {  	_ =	swait.ge [sflag:s20], $0x1000  }
0xf2: {  	[sflag:s20] =	ssyncset.done $0x0  }
0xf3: {  	[sflag:s20] =	ssyncadd.s32 $0xFFFFF000  }
0xf4: {  	_ =	swait.ge [sflag:s20], $0x400  }
0xf5: {  	[sflag:s20] =	ssyncset.done $0x0  }
0xf6: {  	[sflag:s20] =	ssyncadd.s32 $0xFFFFFC00  }
0xf7: {  	_ =	swait.ge [sflag:s20], $0x1000  }
0xf8: {  	[sflag:s20] =	ssyncset.done $0x0  }
0xf9: {  	p0 =	por $0x0, $0x0;
	[sflag:s20] =	ssyncadd.s32 $0xFFFFF000  }
0xfa: {  	s24 =	simm.s32 @!p0 $0x50000;
	_ =	swait.ge [sflag:s20], $0x400  }
0xfb: {  	s16 =	simm.s32 @!p0 $0x0;
	s14 =	rddreg [dreg:$0x6];
	[sflag:s20] =	ssyncset.done $0x0  }
0xfc: {  	s22 =	simm.s32 @!p0 $0x400;
	[sflag:s20] =	ssyncadd.s32 $0xFFFFFC00;
	s14 =	sadd.s32 @!p0 $0x0, s14  }
0xfd: {  	[tilespmem:s16], [sflag:$0x5] =	stream.strided.gather @!p0 [hbm4b:s14+s22], $0x800, s24, s22, $0x38;
	[tilespmem:$0x1C800] =	vst v63  }
0xfe: {  	s14 =	simm.s32 @!p0 $0x5  }
0xff: {  	_ =	swait.ge @!p0 [sflag:s14], $0x800  }
0x100: {  	[sflag:s14] =	ssyncset.done @!p0 $0x0  }
0x101: {  	s22 =	simm.s32 @!p0 $0x80;
	[sflag:s14] =	ssyncadd.s32 @!p0 $0xFFFFF800;
	s14 =	simm.s32 @!p0 $0x1000  }
0x102: {  	[tilespmem:s14], [sflag:$0x1] =	stream.indirect.gather @!p0 [spmem:s2], $0x20, s16, s22, $0xb8;
	[tilespmem:$0x1C800] =	vst v63  }
0x103: {  	s14 =	simm.s32 @!p0 $0x2000  }
0x104: {  	[tilespmem:s14], [sflag:$0x1] =	stream.indirect.gather @!p0 [spmem:s2], $0x20, s22, s22, $0xb8;
	[tilespmem:$0x1C800] =	vst v63  }
0x105: {  	s16 =	simm.s32 @!p0 $0x3000;
	s14 =	simm.s32 @!p0 $0x100  }
0x106: {  	[tilespmem:s16], [sflag:$0x1] =	stream.indirect.gather @!p0 [spmem:s2], $0x20, s14, s22, $0xb8;
	[tilespmem:$0x1C800] =	vst v63  }
0x107: {  	s14 =	simm.s32 @!p0 $0x180;
	s16 =	simm.s32 @!p0 $0x4000  }
0x108: {  	[tilespmem:s16], [sflag:$0x1] =	stream.indirect.gather @!p0 [spmem:s2], $0x20, s14, s22, $0xb8;
	[tilespmem:$0x1C800] =	vst v63  }
0x109: {  	s14 =	simm.s32 @!p0 $0x200;
	s16 =	simm.s32 @!p0 $0x5000  }
0x10a: {  	[tilespmem:s16], [sflag:$0x1] =	stream.indirect.gather @!p0 [spmem:s2], $0x20, s14, s22, $0xb8;
	[tilespmem:$0x1C800] =	vst v63  }
0x10b: {  	s14 =	simm.s32 @!p0 $0x280;
	s16 =	simm.s32 @!p0 $0x6000  }
0x10c: {  	[tilespmem:s16], [sflag:$0x1] =	stream.indirect.gather @!p0 [spmem:s2], $0x20, s14, s22, $0xb8;
	[tilespmem:$0x1C800] =	vst v63  }
0x10d: {  	s14 =	simm.s32 @!p0 $0x300;
	s16 =	simm.s32 @!p0 $0x7000  }
0x10e: {  	[tilespmem:s16], [sflag:$0x1] =	stream.indirect.gather @!p0 [spmem:s2], $0x20, s14, s22, $0xb8;
	[tilespmem:$0x1C800] =	vst v63  }
0x10f: {  	s14 =	simm.s32 @!p0 $0x380;
	s16 =	simm.s32 @!p0 $0x8000  }
0x110: {  	[tilespmem:s16], [sflag:$0x1] =	stream.indirect.gather @!p0 [spmem:s2], $0x20, s14, s22, $0xb8;
	[tilespmem:$0x1C800] =	vst v63  }
0x111: {  	_ =	swait.ge [sflag:s19], $0x1000  }
0x112: {  	[sflag:s19] =	ssyncset.done $0x0  }
0x113: {  	[sflag:s19] =	ssyncadd.s32 $0xFFFFF000  }
0x114: {  	_ =	swait.ge [sflag:s19], $0x1000  }
0x115: {  	[sflag:s19] =	ssyncset.done $0x0  }
0x116: {  	[sflag:s19] =	ssyncadd.s32 $0xFFFFF000  }
0x117: {  	_ =	swait.ge [sflag:s19], $0x1000  }
0x118: {  	[sflag:s19] =	ssyncset.done $0x0  }
0x119: {  	[sflag:s19] =	ssyncadd.s32 $0xFFFFF000  }
0x11a: {  	_ =	swait.ge [sflag:s19], $0x1000  }
0x11b: {  	[sflag:s19] =	ssyncset.done $0x0  }
0x11c: {  	[sflag:s19] =	ssyncadd.s32 $0xFFFFF000  }
0x11d: {  	_ =	swait.ge [sflag:s19], $0x1000  }
0x11e: {  	[sflag:s19] =	ssyncset.done $0x0  }
0x11f: {  	[sflag:s19] =	ssyncadd.s32 $0xFFFFF000  }
0x120: {  	_ =	swait.ge [sflag:s19], $0x1000  }
0x121: {  	[sflag:s19] =	ssyncset.done $0x0  }
0x122: {  	[sflag:s19] =	ssyncadd.s32 $0xFFFFF000  }
0x123: {  	_ =	swait.ge [sflag:s19], $0x1000  }
0x124: {  	[sflag:s19] =	ssyncset.done $0x0  }
0x125: {  	[sflag:s19] =	ssyncadd.s32 $0xFFFFF000  }
0x126: {  	_ =	swait.ge [sflag:s19], $0x1000  }
0x127: {  	[sflag:s19] =	ssyncset.done $0x0  }
0x128: {  	s24 =	simm.s32 $0xC00;
	[sflag:s19] =	ssyncadd.s32 $0xFFFFF000  }
0x129: {  	[spmem:s1] =	stream.indirect.scatter.add.bf16 [tilespmem:s10], [sflag:$0x4], $0x20, s24, s28, $0xb8;
	[tilespmem:$0x1C800] =	vst v63  }
0x12a: {  	_ = 	snop  }
0x12b: {  	[spmem:s3] =	stream.indirect.scatter.add.f32 [tilespmem:s17], [sflag:$0x4], $0x8, s24, s28, $0xb8;
	[tilespmem:$0x1C800] =	vst v63  }
0x12c: {  	s31 =	simm.s32 $0xC80  }
0x12d: {  	[spmem:s1] =	stream.indirect.scatter.add.bf16 [tilespmem:s15], [sflag:$0x4], $0x20, s31, s28, $0xb8;
	[tilespmem:$0x1C800] =	vst v63  }
0x12e: {  	_ = 	snop  }
0x12f: {  	[spmem:s3] =	stream.indirect.scatter.add.f32 [tilespmem:s17], [sflag:$0x4], $0x8, s31, s28, $0xb8;
	[tilespmem:$0x1C800] =	vst v63  }
0x130: {  	_ = 	snop  }
0x131: {  	[spmem:s1] =	stream.indirect.scatter.add.bf16 [tilespmem:s21], [sflag:$0x4], $0x20, s6, s28, $0xb8;
	[tilespmem:$0x1C800] =	vst v63  }
0x132: {  	_ = 	snop  }
0x133: {  	[spmem:s3] =	stream.indirect.scatter.add.f32 [tilespmem:s17], [sflag:$0x4], $0x8, s6, s28, $0xb8;
	[tilespmem:$0x1C800] =	vst v63  }
0x134: {  	_ = 	snop  }
0x135: {  	[spmem:s1] =	stream.indirect.scatter.add.bf16 [tilespmem:s25], [sflag:$0x4], $0x20, s7, s28, $0xb8;
	[tilespmem:$0x1C800] =	vst v63  }
0x136: {  	_ = 	snop  }
0x137: {  	[spmem:s3] =	stream.indirect.scatter.add.f32 [tilespmem:s17], [sflag:$0x4], $0x8, s7, s28, $0xb8;
	[tilespmem:$0x1C800] =	vst v63  }
0x138: {  	_ = 	snop  }
0x139: {  	[spmem:s1] =	stream.indirect.scatter.add.bf16 [tilespmem:s29], [sflag:$0x4], $0x20, s8, s28, $0xb8;
	[tilespmem:$0x1C800] =	vst v63  }
0x13a: {  	_ = 	snop  }
0x13b: {  	[spmem:s3] =	stream.indirect.scatter.add.f32 [tilespmem:s17], [sflag:$0x4], $0x8, s8, s28, $0xb8;
	[tilespmem:$0x1C800] =	vst v63  }
0x13c: {  	_ = 	snop  }
0x13d: {  	[spmem:s1] =	stream.indirect.scatter.add.bf16 [tilespmem:s0], [sflag:$0x4], $0x20, s11, s28, $0xb8;
	[tilespmem:$0x1C800] =	vst v63  }
0x13e: {  	_ = 	snop  }
0x13f: {  	[spmem:s3] =	stream.indirect.scatter.add.f32 [tilespmem:s17], [sflag:$0x4], $0x8, s11, s28, $0xb8;
	[tilespmem:$0x1C800] =	vst v63  }
0x140: {  	_ = 	snop  }
0x141: {  	[spmem:s1] =	stream.indirect.scatter.add.bf16 [tilespmem:s30], [sflag:$0x4], $0x20, s12, s28, $0xb8;
	[tilespmem:$0x1C800] =	vst v63  }
0x142: {  	p6 =	por $0x0, $0x0  }
0x143: {  	[spmem:s3] =	stream.indirect.scatter.add.f32 [tilespmem:s17], [sflag:$0x4], $0x8, s12, s28, $0xb8;
	[tilespmem:$0x1C800] =	vst v63  }
0x144: {  	s14 =	simm.s32 $0x100;
	s16 =	simm.s32 $0x200;
	p0 =	por p6, p6  }
0x145: {  	[spmem:s1] =	stream.indirect.scatter.add.bf16 [tilespmem:s5], [sflag:$0x4], $0x20, s13, s28, $0xb8;
	[tilespmem:$0x1C800] =	vst v63  }
.LBB2_2:
0x146: {  	s24 =	simm.s32 @!p0 $0x4  }
0x147: {  	[spmem:s3] =	stream.indirect.scatter.add.f32 [tilespmem:s17], [sflag:$0x4], $0x8, s13, s28, $0xb8;
	[tilespmem:$0x1C800] =	vst v63  }
0x148: {  	_ =	swait.ge @!p0 [sflag:s24], $0x1000  }
0x149: {  	[sflag:s24] =	ssyncset.done @!p0 $0x0  }
0x14a: {  	[sflag:s24] =	ssyncadd.s32 @!p0 $0xFFFFF000  }
0x14b: {  	_ =	swait.ge @!p0 [sflag:s24], $0x400  }
0x14c: {  	[sflag:s24] =	ssyncset.done @!p0 $0x0  }
0x14d: {  	[sflag:s24] =	ssyncadd.s32 @!p0 $0xFFFFFC00  }
0x14e: {  	_ =	swait.ge @!p0 [sflag:s24], $0x1000  }
0x14f: {  	[sflag:s24] =	ssyncset.done @!p0 $0x0  }
0x150: {  	[sflag:s24] =	ssyncadd.s32 @!p0 $0xFFFFF000  }
0x151: {  	_ =	swait.ge @!p0 [sflag:s24], $0x400  }
0x152: {  	[sflag:s24] =	ssyncset.done @!p0 $0x0  }
0x153: {  	[sflag:s24] =	ssyncadd.s32 @!p0 $0xFFFFFC00  }
0x154: {  	_ =	swait.ge @!p0 [sflag:s24], $0x1000  }
0x155: {  	[sflag:s24] =	ssyncset.done @!p0 $0x0  }
0x156: {  	[sflag:s24] =	ssyncadd.s32 @!p0 $0xFFFFF000  }
0x157: {  	_ =	swait.ge @!p0 [sflag:s24], $0x400  }
0x158: {  	[sflag:s24] =	ssyncset.done @!p0 $0x0  }
0x159: {  	[sflag:s24] =	ssyncadd.s32 @!p0 $0xFFFFFC00  }
0x15a: {  	_ =	swait.ge @!p0 [sflag:s24], $0x1000  }
0x15b: {  	[sflag:s24] =	ssyncset.done @!p0 $0x0  }
0x15c: {  	[sflag:s24] =	ssyncadd.s32 @!p0 $0xFFFFF000  }
0x15d: {  	_ =	swait.ge @!p0 [sflag:s24], $0x400  }
0x15e: {  	[sflag:s24] =	ssyncset.done @!p0 $0x0  }
0x15f: {  	[sflag:s24] =	ssyncadd.s32 @!p0 $0xFFFFFC00  }
0x160: {  	_ =	swait.ge @!p0 [sflag:s24], $0x1000  }
0x161: {  	[sflag:s24] =	ssyncset.done @!p0 $0x0  }
0x162: {  	[sflag:s24] =	ssyncadd.s32 @!p0 $0xFFFFF000  }
0x163: {  	_ =	swait.ge @!p0 [sflag:s24], $0x400  }
0x164: {  	[sflag:s24] =	ssyncset.done @!p0 $0x0  }
0x165: {  	[sflag:s24] =	ssyncadd.s32 @!p0 $0xFFFFFC00  }
0x166: {  	_ =	swait.ge @!p0 [sflag:s24], $0x1000  }
0x167: {  	[sflag:s24] =	ssyncset.done @!p0 $0x0  }
0x168: {  	[sflag:s24] =	ssyncadd.s32 @!p0 $0xFFFFF000  }
0x169: {  	_ =	swait.ge @!p0 [sflag:s24], $0x400  }
0x16a: {  	[sflag:s24] =	ssyncset.done @!p0 $0x0  }
0x16b: {  	[sflag:s24] =	ssyncadd.s32 @!p0 $0xFFFFFC00  }
0x16c: {  	_ =	swait.ge @!p0 [sflag:s24], $0x1000  }
0x16d: {  	[sflag:s24] =	ssyncset.done @!p0 $0x0  }
0x16e: {  	[sflag:s24] =	ssyncadd.s32 @!p0 $0xFFFFF000  }
0x16f: {  	_ =	swait.ge @!p0 [sflag:s24], $0x400  }
0x170: {  	[sflag:s24] =	ssyncset.done @!p0 $0x0  }
0x171: {  	[sflag:s24] =	ssyncadd.s32 @!p0 $0xFFFFFC00  }
0x172: {  	_ =	swait.ge @!p0 [sflag:s24], $0x1000  }
0x173: {  	[sflag:s24] =	ssyncset.done @!p0 $0x0  }
0x174: {  	[sflag:s24] =	ssyncadd.s32 @!p0 $0xFFFFF000  }
0x175: {  	_ =	swait.ge @!p0 [sflag:s24], $0x400  }
0x176: {  	s9 =	simm.s32 $0x50000;
	[sflag:s24] =	ssyncset.done @!p0 $0x0;
	s4 =	rddreg [dreg:$0x7]  }
0x177: {  	s10 =	simm.s32 $0x800;
	[sflag:s24] =	ssyncadd.s32 @!p0 $0xFFFFFC00;
	s4 =	sadd.s32 s14, s4  }
0x178: {  	[tilespmem:s10], [sflag:$0x5] =	stream.strided.gather [hbm4b:s4+s23], $0x800, s9, s23, $0x38;
	[tilespmem:$0x1C800] =	vst v63  }
0x179: {  	_ =	swait.ge [sflag:s26], $0x800  }
0x17a: {  	[sflag:s26] =	ssyncset.done $0x0  }
0x17b: {  	s15 =	simm.s32 $0x9000;
	[sflag:s26] =	ssyncadd.s32 $0xFFFFF800  }
0x17c: {  	[tilespmem:s15], [sflag:$0x2] =	stream.indirect.gather [spmem:s2], $0x20, s10, s28, $0xb8;
	[tilespmem:$0x1C800] =	vst v63  }
0x17d: {  	s21 =	simm.s32 $0xA000;
	s29 =	rddreg [dreg:$0x8]  }
0x17e: {  	[tilespmem:s21], [sflag:$0x2] =	stream.indirect.gather [spmem:s2], $0x20, s29, s28, $0xb8;
	[tilespmem:$0x1C800] =	vst v63  }
0x17f: {  	s25 =	simm.s32 $0xB000;
	s30 =	rddreg [dreg:$0x9]  }
0x180: {  	[tilespmem:s25], [sflag:$0x2] =	stream.indirect.gather [spmem:s2], $0x20, s30, s28, $0xb8;
	[tilespmem:$0x1C800] =	vst v63  }
0x181: {  	s31 =	rddreg [dreg:$0xa];
	s29 =	simm.s32 $0xC000  }
0x182: {  	[tilespmem:s29], [sflag:$0x2] =	stream.indirect.gather [spmem:s2], $0x20, s31, s28, $0xb8;
	[tilespmem:$0x1C800] =	vst v63  }
0x183: {  	s0 =	rddreg [dreg:$0xb];
	s30 =	simm.s32 $0xD000  }
0x184: {  	[tilespmem:s30], [sflag:$0x2] =	stream.indirect.gather [spmem:s2], $0x20, s0, s28, $0xb8;
	[tilespmem:$0x1C800] =	vst v63  }
0x185: {  	s5 =	rddreg [dreg:$0xc];
	s0 =	simm.s32 $0xE000  }
0x186: {  	[tilespmem:s0], [sflag:$0x2] =	stream.indirect.gather [spmem:s2], $0x20, s5, s28, $0xb8;
	[tilespmem:$0x1C800] =	vst v63  }
0x187: {  	s9 =	rddreg [dreg:$0xd];
	s31 =	simm.s32 $0xF000  }
0x188: {  	[tilespmem:s31], [sflag:$0x2] =	stream.indirect.gather [spmem:s2], $0x20, s9, s28, $0xb8;
	[tilespmem:$0x1C800] =	vst v63  }
0x189: {  	s10 =	rddreg [dreg:$0xe];
	s5 =	simm.s32 $0x10000  }
0x18a: {  	[tilespmem:s5], [sflag:$0x2] =	stream.indirect.gather [spmem:s2], $0x20, s10, s28, $0xb8;
	[tilespmem:$0x1C800] =	vst v63  }
0x18b: {  	_ =	swait.ge [sflag:s18], $0x1000  }
0x18c: {  	[sflag:s18] =	ssyncset.done $0x0  }
0x18d: {  	[sflag:s18] =	ssyncadd.s32 $0xFFFFF000  }
0x18e: {  	_ =	swait.ge [sflag:s18], $0x1000  }
0x18f: {  	[sflag:s18] =	ssyncset.done $0x0  }
0x190: {  	[sflag:s18] =	ssyncadd.s32 $0xFFFFF000  }
0x191: {  	_ =	swait.ge [sflag:s18], $0x1000  }
0x192: {  	[sflag:s18] =	ssyncset.done $0x0  }
0x193: {  	[sflag:s18] =	ssyncadd.s32 $0xFFFFF000  }
0x194: {  	_ =	swait.ge [sflag:s18], $0x1000  }
0x195: {  	[sflag:s18] =	ssyncset.done $0x0  }
0x196: {  	[sflag:s18] =	ssyncadd.s32 $0xFFFFF000  }
0x197: {  	_ =	swait.ge [sflag:s18], $0x1000  }
0x198: {  	[sflag:s18] =	ssyncset.done $0x0  }
0x199: {  	[sflag:s18] =	ssyncadd.s32 $0xFFFFF000  }
0x19a: {  	_ =	swait.ge [sflag:s18], $0x1000  }
0x19b: {  	[sflag:s18] =	ssyncset.done $0x0  }
0x19c: {  	[sflag:s18] =	ssyncadd.s32 $0xFFFFF000  }
0x19d: {  	_ =	swait.ge [sflag:s18], $0x1000  }
0x19e: {  	[sflag:s18] =	ssyncset.done $0x0  }
0x19f: {  	[sflag:s18] =	ssyncadd.s32 $0xFFFFF000  }
0x1a0: {  	_ =	swait.ge [sflag:s18], $0x1000  }
0x1a1: {  	[sflag:s18] =	ssyncset.done $0x0  }
0x1a2: {  	s9 =	simm.s32 $0x1000;
	[sflag:s18] =	ssyncadd.s32 $0xFFFFF000  }
0x1a3: {  	[spmem:s1] =	stream.indirect.scatter.add.bf16 [tilespmem:s9], [sflag:$0x3], $0x20, s23, s28, $0xb8;
	[tilespmem:$0x1C800] =	vst v63  }
0x1a4: {  	_ = 	snop  }
0x1a5: {  	[spmem:s3] =	stream.indirect.scatter.add.f32 [tilespmem:s17], [sflag:$0x3], $0x8, s23, s28, $0xb8;
	[tilespmem:$0x1C800] =	vst v63  }
0x1a6: {  	s24 =	simm.s32 $0x480;
	s10 =	simm.s32 $0x2000  }
0x1a7: {  	[spmem:s1] =	stream.indirect.scatter.add.bf16 [tilespmem:s10], [sflag:$0x3], $0x20, s24, s28, $0xb8;
	[tilespmem:$0x1C800] =	vst v63  }
0x1a8: {  	_ = 	snop  }
0x1a9: {  	[spmem:s3] =	stream.indirect.scatter.add.f32 [tilespmem:s17], [sflag:$0x3], $0x8, s24, s28, $0xb8;
	[tilespmem:$0x1C800] =	vst v63  }
0x1aa: {  	s10 =	simm.s32 $0x3000;
	s24 =	simm.s32 $0x500  }
0x1ab: {  	[spmem:s1] =	stream.indirect.scatter.add.bf16 [tilespmem:s10], [sflag:$0x3], $0x20, s24, s28, $0xb8;
	[tilespmem:$0x1C800] =	vst v63  }
0x1ac: {  	_ = 	snop  }
0x1ad: {  	[spmem:s3] =	stream.indirect.scatter.add.f32 [tilespmem:s17], [sflag:$0x3], $0x8, s24, s28, $0xb8;
	[tilespmem:$0x1C800] =	vst v63  }
0x1ae: {  	s10 =	simm.s32 $0x4000;
	s24 =	simm.s32 $0x580  }
0x1af: {  	[spmem:s1] =	stream.indirect.scatter.add.bf16 [tilespmem:s10], [sflag:$0x3], $0x20, s24, s28, $0xb8;
	[tilespmem:$0x1C800] =	vst v63  }
0x1b0: {  	_ = 	snop  }
0x1b1: {  	[spmem:s3] =	stream.indirect.scatter.add.f32 [tilespmem:s17], [sflag:$0x3], $0x8, s24, s28, $0xb8;
	[tilespmem:$0x1C800] =	vst v63  }
0x1b2: {  	s10 =	simm.s32 $0x5000;
	s24 =	simm.s32 $0x600  }
0x1b3: {  	[spmem:s1] =	stream.indirect.scatter.add.bf16 [tilespmem:s10], [sflag:$0x3], $0x20, s24, s28, $0xb8;
	[tilespmem:$0x1C800] =	vst v63  }
0x1b4: {  	_ = 	snop  }
0x1b5: {  	[spmem:s3] =	stream.indirect.scatter.add.f32 [tilespmem:s17], [sflag:$0x3], $0x8, s24, s28, $0xb8;
	[tilespmem:$0x1C800] =	vst v63  }
0x1b6: {  	s10 =	simm.s32 $0x6000;
	s24 =	simm.s32 $0x680  }
0x1b7: {  	[spmem:s1] =	stream.indirect.scatter.add.bf16 [tilespmem:s10], [sflag:$0x3], $0x20, s24, s28, $0xb8;
	[tilespmem:$0x1C800] =	vst v63  }
0x1b8: {  	_ = 	snop  }
0x1b9: {  	[spmem:s3] =	stream.indirect.scatter.add.f32 [tilespmem:s17], [sflag:$0x3], $0x8, s24, s28, $0xb8;
	[tilespmem:$0x1C800] =	vst v63  }
0x1ba: {  	s10 =	simm.s32 $0x7000;
	s24 =	simm.s32 $0x700  }
0x1bb: {  	[spmem:s1] =	stream.indirect.scatter.add.bf16 [tilespmem:s10], [sflag:$0x3], $0x20, s24, s28, $0xb8;
	[tilespmem:$0x1C800] =	vst v63  }
0x1bc: {  	_ = 	snop  }
0x1bd: {  	[spmem:s3] =	stream.indirect.scatter.add.f32 [tilespmem:s17], [sflag:$0x3], $0x8, s24, s28, $0xb8;
	[tilespmem:$0x1C800] =	vst v63  }
0x1be: {  	s9 =	simm.s32 $0x8000;
	s10 =	simm.s32 $0x780  }
0x1bf: {  	[spmem:s1] =	stream.indirect.scatter.add.bf16 [tilespmem:s9], [sflag:$0x3], $0x20, s10, s28, $0xb8;
	[tilespmem:$0x1C800] =	vst v63  }
0x1c0: {  	_ = 	snop  }
0x1c1: {  	[spmem:s3] =	stream.indirect.scatter.add.f32 [tilespmem:s17], [sflag:$0x3], $0x8, s10, s28, $0xb8;
	[tilespmem:$0x1C800] =	vst v63  }
0x1c2: {  	_ =	swait.ge [sflag:s20], $0x1000  }
0x1c3: {  	[sflag:s20] =	ssyncset.done $0x0  }
0x1c4: {  	[sflag:s20] =	ssyncadd.s32 $0xFFFFF000  }
0x1c5: {  	_ =	swait.ge [sflag:s20], $0x400  }
0x1c6: {  	[sflag:s20] =	ssyncset.done $0x0  }
0x1c7: {  	[sflag:s20] =	ssyncadd.s32 $0xFFFFFC00  }
0x1c8: {  	_ =	swait.ge [sflag:s20], $0x1000  }
0x1c9: {  	[sflag:s20] =	ssyncset.done $0x0  }
0x1ca: {  	[sflag:s20] =	ssyncadd.s32 $0xFFFFF000  }
0x1cb: {  	_ =	swait.ge [sflag:s20], $0x400  }
0x1cc: {  	[sflag:s20] =	ssyncset.done $0x0  }
0x1cd: {  	[sflag:s20] =	ssyncadd.s32 $0xFFFFFC00  }
0x1ce: {  	_ =	swait.ge [sflag:s20], $0x1000  }
0x1cf: {  	[sflag:s20] =	ssyncset.done $0x0  }
0x1d0: {  	[sflag:s20] =	ssyncadd.s32 $0xFFFFF000  }
0x1d1: {  	_ =	swait.ge [sflag:s20], $0x400  }
0x1d2: {  	[sflag:s20] =	ssyncset.done $0x0  }
0x1d3: {  	[sflag:s20] =	ssyncadd.s32 $0xFFFFFC00  }
0x1d4: {  	_ =	swait.ge [sflag:s20], $0x1000  }
0x1d5: {  	[sflag:s20] =	ssyncset.done $0x0  }
0x1d6: {  	[sflag:s20] =	ssyncadd.s32 $0xFFFFF000  }
0x1d7: {  	_ =	swait.ge [sflag:s20], $0x400  }
0x1d8: {  	[sflag:s20] =	ssyncset.done $0x0  }
0x1d9: {  	[sflag:s20] =	ssyncadd.s32 $0xFFFFFC00  }
0x1da: {  	_ =	swait.ge [sflag:s20], $0x1000  }
0x1db: {  	[sflag:s20] =	ssyncset.done $0x0  }
0x1dc: {  	[sflag:s20] =	ssyncadd.s32 $0xFFFFF000  }
0x1dd: {  	_ =	swait.ge [sflag:s20], $0x400  }
0x1de: {  	[sflag:s20] =	ssyncset.done $0x0  }
0x1df: {  	[sflag:s20] =	ssyncadd.s32 $0xFFFFFC00  }
0x1e0: {  	_ =	swait.ge [sflag:s20], $0x1000  }
0x1e1: {  	[sflag:s20] =	ssyncset.done $0x0  }
0x1e2: {  	[sflag:s20] =	ssyncadd.s32 $0xFFFFF000  }
0x1e3: {  	_ =	swait.ge [sflag:s20], $0x400  }
0x1e4: {  	[sflag:s20] =	ssyncset.done $0x0  }
0x1e5: {  	[sflag:s20] =	ssyncadd.s32 $0xFFFFFC00  }
0x1e6: {  	_ =	swait.ge [sflag:s20], $0x1000  }
0x1e7: {  	[sflag:s20] =	ssyncset.done $0x0  }
0x1e8: {  	[sflag:s20] =	ssyncadd.s32 $0xFFFFF000  }
0x1e9: {  	_ =	swait.ge [sflag:s20], $0x400  }
0x1ea: {  	[sflag:s20] =	ssyncset.done $0x0  }
0x1eb: {  	[sflag:s20] =	ssyncadd.s32 $0xFFFFFC00  }
0x1ec: {  	_ =	swait.ge [sflag:s20], $0x1000  }
0x1ed: {  	p2 =	seq.s32 s16, $0x0;
	[sflag:s20] =	ssyncset.done $0x0  }
0x1ee: {  	p0 =	por p2, p2;
	p2 =	seq.s32 s14, $0x400;
	[sflag:s20] =	ssyncadd.s32 $0xFFFFF000  }
0x1ef: {  	s24 =	simm.s32 @!p2 $0x0;
	s9 =	simm.s32 @!p2 $0x5;
	_ =	swait.ge [sflag:s20], $0x400  }
0x1f0: {  	s10 =	simm.s32 @!p2 $0x50000;
	s4 =	rddreg [dreg:$0x6];
	[sflag:s20] =	ssyncset.done $0x0  }
0x1f1: {  	[sflag:s20] =	ssyncadd.s32 $0xFFFFFC00;
	s4 =	sadd.s32 @!p2 s14, s4;
	s14 =	simm.s32 @!p2 $0x400  }
0x1f2: {  	[tilespmem:s24], [sflag:$0x5] =	stream.strided.gather @!p2 [hbm4b:s4+s14], $0x800, s10, s14, $0x38;
	[tilespmem:$0x1C800] =	vst v63  }
0x1f3: {  	_ =	swait.ge @!p2 [sflag:s9], $0x800  }
0x1f4: {  	[sflag:s9] =	ssyncset.done @!p2 $0x0  }
0x1f5: {  	s4 =	simm.s32 @!p2 $0x80;
	s10 =	simm.s32 @!p2 $0x1000;
	[sflag:s9] =	ssyncadd.s32 @!p2 $0xFFFFF800  }
0x1f6: {  	[tilespmem:s10], [sflag:$0x1] =	stream.indirect.gather @!p2 [spmem:s2], $0x20, s24, s4, $0xb8;
	[tilespmem:$0x1C800] =	vst v63  }
0x1f7: {  	s22 =	smov.u32 s16;
	s9 =	simm.s32 @!p2 $0x2000  }
0x1f8: {  	[tilespmem:s9], [sflag:$0x1] =	stream.indirect.gather @!p2 [spmem:s2], $0x20, s4, s4, $0xb8;
	[tilespmem:$0x1C800] =	vst v63  }
0x1f9: {  	s14 =	smov.u32 s22;
	s22 =	simm.s32 @!p2 $0x3000;
	s10 =	simm.s32 @!p2 $0x100  }
0x1fa: {  	[tilespmem:s22], [sflag:$0x1] =	stream.indirect.gather @!p2 [spmem:s2], $0x20, s10, s4, $0xb8;
	[tilespmem:$0x1C800] =	vst v63  }
0x1fb: {  	s24 =	simm.s32 @!p2 $0x4000;
	s9 =	simm.s32 @!p2 $0x180  }
0x1fc: {  	[tilespmem:s24], [sflag:$0x1] =	stream.indirect.gather @!p2 [spmem:s2], $0x20, s9, s4, $0xb8;
	[tilespmem:$0x1C800] =	vst v63  }
0x1fd: {  	s10 =	simm.s32 @!p2 $0x200;
	s22 =	simm.s32 @!p2 $0x5000  }
0x1fe: {  	[tilespmem:s22], [sflag:$0x1] =	stream.indirect.gather @!p2 [spmem:s2], $0x20, s10, s4, $0xb8;
	[tilespmem:$0x1C800] =	vst v63  }
0x1ff: {  	s9 =	simm.s32 @!p2 $0x280;
	s24 =	simm.s32 @!p2 $0x6000  }
0x200: {  	[tilespmem:s24], [sflag:$0x1] =	stream.indirect.gather @!p2 [spmem:s2], $0x20, s9, s4, $0xb8;
	[tilespmem:$0x1C800] =	vst v63  }
0x201: {  	s10 =	simm.s32 @!p2 $0x300;
	s22 =	simm.s32 @!p2 $0x7000  }
0x202: {  	[tilespmem:s22], [sflag:$0x1] =	stream.indirect.gather @!p2 [spmem:s2], $0x20, s10, s4, $0xb8;
	[tilespmem:$0x1C800] =	vst v63  }
0x203: {  	s9 =	simm.s32 @!p2 $0x380;
	s24 =	simm.s32 @!p2 $0x8000  }
0x204: {  	[tilespmem:s24], [sflag:$0x1] =	stream.indirect.gather @!p2 [spmem:s2], $0x20, s9, s4, $0xb8;
	[tilespmem:$0x1C800] =	vst v63  }
0x205: {  	_ =	swait.ge [sflag:s19], $0x1000  }
0x206: {  	[sflag:s19] =	ssyncset.done $0x0  }
0x207: {  	[sflag:s19] =	ssyncadd.s32 $0xFFFFF000  }
0x208: {  	_ =	swait.ge [sflag:s19], $0x1000  }
0x209: {  	[sflag:s19] =	ssyncset.done $0x0  }
0x20a: {  	[sflag:s19] =	ssyncadd.s32 $0xFFFFF000  }
0x20b: {  	_ =	swait.ge [sflag:s19], $0x1000  }
0x20c: {  	[sflag:s19] =	ssyncset.done $0x0  }
0x20d: {  	[sflag:s19] =	ssyncadd.s32 $0xFFFFF000  }
0x20e: {  	_ =	swait.ge [sflag:s19], $0x1000  }
0x20f: {  	[sflag:s19] =	ssyncset.done $0x0  }
0x210: {  	[sflag:s19] =	ssyncadd.s32 $0xFFFFF000  }
0x211: {  	_ =	swait.ge [sflag:s19], $0x1000  }
0x212: {  	[sflag:s19] =	ssyncset.done $0x0  }
0x213: {  	[sflag:s19] =	ssyncadd.s32 $0xFFFFF000  }
0x214: {  	_ =	swait.ge [sflag:s19], $0x1000  }
0x215: {  	[sflag:s19] =	ssyncset.done $0x0  }
0x216: {  	[sflag:s19] =	ssyncadd.s32 $0xFFFFF000  }
0x217: {  	_ =	swait.ge [sflag:s19], $0x1000  }
0x218: {  	[sflag:s19] =	ssyncset.done $0x0  }
0x219: {  	[sflag:s19] =	ssyncadd.s32 $0xFFFFF000  }
0x21a: {  	_ =	swait.ge [sflag:s19], $0x1000  }
0x21b: {  	[sflag:s19] =	ssyncset.done $0x0  }
0x21c: {  	s22 =	simm.s32 $0xC00;
	[sflag:s19] =	ssyncadd.s32 $0xFFFFF000  }
0x21d: {  	[spmem:s1] =	stream.indirect.scatter.add.bf16 [tilespmem:s15], [sflag:$0x4], $0x20, s22, s28, $0xb8;
	[tilespmem:$0x1C800] =	vst v63  }
0x21e: {  	_ = 	snop  }
0x21f: {  	[spmem:s3] =	stream.indirect.scatter.add.f32 [tilespmem:s17], [sflag:$0x4], $0x8, s22, s28, $0xb8;
	[tilespmem:$0x1C800] =	vst v63  }
0x220: {  	s24 =	simm.s32 $0xC80  }
0x221: {  	[spmem:s1] =	stream.indirect.scatter.add.bf16 [tilespmem:s21], [sflag:$0x4], $0x20, s24, s28, $0xb8;
	[tilespmem:$0x1C800] =	vst v63  }
0x222: {  	_ = 	snop  }
0x223: {  	[spmem:s3] =	stream.indirect.scatter.add.f32 [tilespmem:s17], [sflag:$0x4], $0x8, s24, s28, $0xb8;
	[tilespmem:$0x1C800] =	vst v63  }
0x224: {  	_ = 	snop  }
0x225: {  	[spmem:s1] =	stream.indirect.scatter.add.bf16 [tilespmem:s25], [sflag:$0x4], $0x20, s6, s28, $0xb8;
	[tilespmem:$0x1C800] =	vst v63  }
0x226: {  	_ = 	snop  }
0x227: {  	[spmem:s3] =	stream.indirect.scatter.add.f32 [tilespmem:s17], [sflag:$0x4], $0x8, s6, s28, $0xb8;
	[tilespmem:$0x1C800] =	vst v63  }
0x228: {  	_ = 	snop  }
0x229: {  	[spmem:s1] =	stream.indirect.scatter.add.bf16 [tilespmem:s29], [sflag:$0x4], $0x20, s7, s28, $0xb8;
	[tilespmem:$0x1C800] =	vst v63  }
0x22a: {  	_ = 	snop  }
0x22b: {  	[spmem:s3] =	stream.indirect.scatter.add.f32 [tilespmem:s17], [sflag:$0x4], $0x8, s7, s28, $0xb8;
	[tilespmem:$0x1C800] =	vst v63  }
0x22c: {  	_ = 	snop  }
0x22d: {  	[spmem:s1] =	stream.indirect.scatter.add.bf16 [tilespmem:s30], [sflag:$0x4], $0x20, s8, s28, $0xb8;
	[tilespmem:$0x1C800] =	vst v63  }
0x22e: {  	_ = 	snop  }
0x22f: {  	[spmem:s3] =	stream.indirect.scatter.add.f32 [tilespmem:s17], [sflag:$0x4], $0x8, s8, s28, $0xb8;
	[tilespmem:$0x1C800] =	vst v63  }
0x230: {  	_ = 	snop  }
0x231: {  	[spmem:s1] =	stream.indirect.scatter.add.bf16 [tilespmem:s0], [sflag:$0x4], $0x20, s11, s28, $0xb8;
	[tilespmem:$0x1C800] =	vst v63  }
0x232: {  	s16 =	sadd.s32 $0x100, s16  }
0x233: {  	[spmem:s3] =	stream.indirect.scatter.add.f32 [tilespmem:s17], [sflag:$0x4], $0x8, s11, s28, $0xb8;
	[tilespmem:$0x1C800] =	vst v63  }
0x234: {  	p1 =	sne.s32 s16, $0x500  }
0x235: {  	[spmem:s1] =	stream.indirect.scatter.add.bf16 [tilespmem:s31], [sflag:$0x4], $0x20, s12, s28, $0xb8;
	[tilespmem:$0x1C800] =	vst v63  }
.Ltmp0:
0x236: {  	_ = 	snop;
	(pc) =	sbr.rel @p1 .LBB2_2-.Ltmp0, $4  }
0x237: {  	_ = 	snop  }
0x238: {  	[spmem:s3] =	stream.indirect.scatter.add.f32 [tilespmem:s17], [sflag:$0x4], $0x8, s12, s28, $0xb8;
	[tilespmem:$0x1C800] =	vst v63  }
0x239: {  	_ = 	snop  }
0x23a: {  	[spmem:s1] =	stream.indirect.scatter.add.bf16 [tilespmem:s5], [sflag:$0x4], $0x20, s13, s28, $0xb8;
	[tilespmem:$0x1C800] =	vst v63  }
0x23b: {  	s4 =	simm.s32 @!p0 $0x4  }
0x23c: {  	[spmem:s3] =	stream.indirect.scatter.add.f32 [tilespmem:s17], [sflag:$0x4], $0x8, s13, s28, $0xb8;
	[tilespmem:$0x1C800] =	vst v63  }
0x23d: {  	_ =	swait.ge @!p0 [sflag:s4], $0x1000  }
0x23e: {  	[sflag:s4] =	ssyncset.done @!p0 $0x0  }
0x23f: {  	[sflag:s4] =	ssyncadd.s32 @!p0 $0xFFFFF000  }
0x240: {  	_ =	swait.ge @!p0 [sflag:s4], $0x400  }
0x241: {  	[sflag:s4] =	ssyncset.done @!p0 $0x0  }
0x242: {  	[sflag:s4] =	ssyncadd.s32 @!p0 $0xFFFFFC00  }
0x243: {  	_ =	swait.ge @!p0 [sflag:s4], $0x1000  }
0x244: {  	[sflag:s4] =	ssyncset.done @!p0 $0x0  }
0x245: {  	[sflag:s4] =	ssyncadd.s32 @!p0 $0xFFFFF000  }
0x246: {  	_ =	swait.ge @!p0 [sflag:s4], $0x400  }
0x247: {  	[sflag:s4] =	ssyncset.done @!p0 $0x0  }
0x248: {  	[sflag:s4] =	ssyncadd.s32 @!p0 $0xFFFFFC00  }
0x249: {  	_ =	swait.ge @!p0 [sflag:s4], $0x1000  }
0x24a: {  	[sflag:s4] =	ssyncset.done @!p0 $0x0  }
0x24b: {  	[sflag:s4] =	ssyncadd.s32 @!p0 $0xFFFFF000  }
0x24c: {  	_ =	swait.ge @!p0 [sflag:s4], $0x400  }
0x24d: {  	[sflag:s4] =	ssyncset.done @!p0 $0x0  }
0x24e: {  	[sflag:s4] =	ssyncadd.s32 @!p0 $0xFFFFFC00  }
0x24f: {  	_ =	swait.ge @!p0 [sflag:s4], $0x1000  }
0x250: {  	[sflag:s4] =	ssyncset.done @!p0 $0x0  }
0x251: {  	[sflag:s4] =	ssyncadd.s32 @!p0 $0xFFFFF000  }
0x252: {  	_ =	swait.ge @!p0 [sflag:s4], $0x400  }
0x253: {  	[sflag:s4] =	ssyncset.done @!p0 $0x0  }
0x254: {  	[sflag:s4] =	ssyncadd.s32 @!p0 $0xFFFFFC00  }
0x255: {  	_ =	swait.ge @!p0 [sflag:s4], $0x1000  }
0x256: {  	[sflag:s4] =	ssyncset.done @!p0 $0x0  }
0x257: {  	[sflag:s4] =	ssyncadd.s32 @!p0 $0xFFFFF000  }
0x258: {  	_ =	swait.ge @!p0 [sflag:s4], $0x400  }
0x259: {  	[sflag:s4] =	ssyncset.done @!p0 $0x0  }
0x25a: {  	[sflag:s4] =	ssyncadd.s32 @!p0 $0xFFFFFC00  }
0x25b: {  	_ =	swait.ge @!p0 [sflag:s4], $0x1000  }
0x25c: {  	[sflag:s4] =	ssyncset.done @!p0 $0x0  }
0x25d: {  	[sflag:s4] =	ssyncadd.s32 @!p0 $0xFFFFF000  }
0x25e: {  	_ =	swait.ge @!p0 [sflag:s4], $0x400  }
0x25f: {  	[sflag:s4] =	ssyncset.done @!p0 $0x0  }
0x260: {  	[sflag:s4] =	ssyncadd.s32 @!p0 $0xFFFFFC00  }
0x261: {  	_ =	swait.ge @!p0 [sflag:s4], $0x1000  }
0x262: {  	[sflag:s4] =	ssyncset.done @!p0 $0x0  }
0x263: {  	[sflag:s4] =	ssyncadd.s32 @!p0 $0xFFFFF000  }
0x264: {  	_ =	swait.ge @!p0 [sflag:s4], $0x400  }
0x265: {  	[sflag:s4] =	ssyncset.done @!p0 $0x0  }
0x266: {  	[sflag:s4] =	ssyncadd.s32 @!p0 $0xFFFFFC00  }
0x267: {  	_ =	swait.ge @!p0 [sflag:s4], $0x1000  }
0x268: {  	[sflag:s4] =	ssyncset.done @!p0 $0x0  }
0x269: {  	[sflag:s4] =	ssyncadd.s32 @!p0 $0xFFFFF000  }
0x26a: {  	_ =	swait.ge @!p0 [sflag:s4], $0x400  }
0x26b: {  	s16 =	simm.s32 $0x50000;
	s9 =	rddreg [dreg:$0x7];
	[sflag:s4] =	ssyncset.done @!p0 $0x0  }
0x26c: {  	s10 =	simm.s32 $0x800;
	[sflag:s4] =	ssyncadd.s32 @!p0 $0xFFFFFC00;
	s15 =	sadd.s32 s14, s9  }
0x26d: {  	[tilespmem:s10], [sflag:$0x5] =	stream.strided.gather [hbm4b:s15+s23], $0x800, s16, s23, $0x38;
	[tilespmem:$0x1C800] =	vst v63  }
0x26e: {  	_ =	swait.ge [sflag:s26], $0x800  }
0x26f: {  	[sflag:s26] =	ssyncset.done $0x0  }
0x270: {  	s15 =	simm.s32 $0x9000;
	[sflag:s26] =	ssyncadd.s32 $0xFFFFF800  }
0x271: {  	[tilespmem:s15], [sflag:$0x2] =	stream.indirect.gather [spmem:s2], $0x20, s10, s28, $0xb8;
	[tilespmem:$0x1C800] =	vst v63  }
0x272: {  	s16 =	simm.s32 $0xA000;
	s21 =	rddreg [dreg:$0x8]  }
0x273: {  	[tilespmem:s16], [sflag:$0x2] =	stream.indirect.gather [spmem:s2], $0x20, s21, s28, $0xb8;
	[tilespmem:$0x1C800] =	vst v63  }
0x274: {  	s22 =	rddreg [dreg:$0x9];
	s21 =	simm.s32 $0xB000  }
0x275: {  	[tilespmem:s21], [sflag:$0x2] =	stream.indirect.gather [spmem:s2], $0x20, s22, s28, $0xb8;
	[tilespmem:$0x1C800] =	vst v63  }
0x276: {  	s24 =	rddreg [dreg:$0xa];
	s22 =	simm.s32 $0xC000  }
0x277: {  	[tilespmem:s22], [sflag:$0x2] =	stream.indirect.gather [spmem:s2], $0x20, s24, s28, $0xb8;
	[tilespmem:$0x1C800] =	vst v63  }
0x278: {  	s25 =	rddreg [dreg:$0xb];
	s24 =	simm.s32 $0xD000  }
0x279: {  	[tilespmem:s24], [sflag:$0x2] =	stream.indirect.gather [spmem:s2], $0x20, s25, s28, $0xb8;
	[tilespmem:$0x1C800] =	vst v63  }
0x27a: {  	s0 =	simm.s32 $0xE000;
	s29 =	rddreg [dreg:$0xc]  }
0x27b: {  	[tilespmem:s0], [sflag:$0x2] =	stream.indirect.gather [spmem:s2], $0x20, s29, s28, $0xb8;
	[tilespmem:$0x1C800] =	vst v63  }
0x27c: {  	s30 =	rddreg [dreg:$0xd];
	s25 =	simm.s32 $0xF000  }
0x27d: {  	[tilespmem:s25], [sflag:$0x2] =	stream.indirect.gather [spmem:s2], $0x20, s30, s28, $0xb8;
	[tilespmem:$0x1C800] =	vst v63  }
0x27e: {  	s5 =	simm.s32 $0x10000;
	s31 =	rddreg [dreg:$0xe]  }
0x27f: {  	[tilespmem:s5], [sflag:$0x2] =	stream.indirect.gather [spmem:s2], $0x20, s31, s28, $0xb8;
	[tilespmem:$0x1C800] =	vst v63  }
0x280: {  	_ =	swait.ge [sflag:s18], $0x1000  }
0x281: {  	[sflag:s18] =	ssyncset.done $0x0  }
0x282: {  	[sflag:s18] =	ssyncadd.s32 $0xFFFFF000  }
0x283: {  	_ =	swait.ge [sflag:s18], $0x1000  }
0x284: {  	[sflag:s18] =	ssyncset.done $0x0  }
0x285: {  	[sflag:s18] =	ssyncadd.s32 $0xFFFFF000  }
0x286: {  	_ =	swait.ge [sflag:s18], $0x1000  }
0x287: {  	[sflag:s18] =	ssyncset.done $0x0  }
0x288: {  	[sflag:s18] =	ssyncadd.s32 $0xFFFFF000  }
0x289: {  	_ =	swait.ge [sflag:s18], $0x1000  }
0x28a: {  	[sflag:s18] =	ssyncset.done $0x0  }
0x28b: {  	[sflag:s18] =	ssyncadd.s32 $0xFFFFF000  }
0x28c: {  	_ =	swait.ge [sflag:s18], $0x1000  }
0x28d: {  	[sflag:s18] =	ssyncset.done $0x0  }
0x28e: {  	[sflag:s18] =	ssyncadd.s32 $0xFFFFF000  }
0x28f: {  	_ =	swait.ge [sflag:s18], $0x1000  }
0x290: {  	[sflag:s18] =	ssyncset.done $0x0  }
0x291: {  	[sflag:s18] =	ssyncadd.s32 $0xFFFFF000  }
0x292: {  	_ =	swait.ge [sflag:s18], $0x1000  }
0x293: {  	[sflag:s18] =	ssyncset.done $0x0  }
0x294: {  	[sflag:s18] =	ssyncadd.s32 $0xFFFFF000  }
0x295: {  	_ =	swait.ge [sflag:s18], $0x1000  }
0x296: {  	[sflag:s18] =	ssyncset.done $0x0  }
0x297: {  	s9 =	simm.s32 $0x1000;
	[sflag:s18] =	ssyncadd.s32 $0xFFFFF000  }
0x298: {  	[spmem:s1] =	stream.indirect.scatter.add.bf16 [tilespmem:s9], [sflag:$0x3], $0x20, s23, s28, $0xb8;
	[tilespmem:$0x1C800] =	vst v63  }
0x299: {  	_ = 	snop  }
0x29a: {  	[spmem:s3] =	stream.indirect.scatter.add.f32 [tilespmem:s17], [sflag:$0x3], $0x8, s23, s28, $0xb8;
	[tilespmem:$0x1C800] =	vst v63  }
0x29b: {  	s10 =	simm.s32 $0x2000;
	s29 =	simm.s32 $0x480  }
0x29c: {  	[spmem:s1] =	stream.indirect.scatter.add.bf16 [tilespmem:s10], [sflag:$0x3], $0x20, s29, s28, $0xb8;
	[tilespmem:$0x1C800] =	vst v63  }
0x29d: {  	_ = 	snop  }
0x29e: {  	[spmem:s3] =	stream.indirect.scatter.add.f32 [tilespmem:s17], [sflag:$0x3], $0x8, s29, s28, $0xb8;
	[tilespmem:$0x1C800] =	vst v63  }
0x29f: {  	s30 =	simm.s32 $0x3000;
	s31 =	simm.s32 $0x500  }
0x2a0: {  	[spmem:s1] =	stream.indirect.scatter.add.bf16 [tilespmem:s30], [sflag:$0x3], $0x20, s31, s28, $0xb8;
	[tilespmem:$0x1C800] =	vst v63  }
0x2a1: {  	_ = 	snop  }
0x2a2: {  	[spmem:s3] =	stream.indirect.scatter.add.f32 [tilespmem:s17], [sflag:$0x3], $0x8, s31, s28, $0xb8;
	[tilespmem:$0x1C800] =	vst v63  }
0x2a3: {  	s10 =	simm.s32 $0x4000;
	s29 =	simm.s32 $0x580  }
0x2a4: {  	[spmem:s1] =	stream.indirect.scatter.add.bf16 [tilespmem:s10], [sflag:$0x3], $0x20, s29, s28, $0xb8;
	[tilespmem:$0x1C800] =	vst v63  }
0x2a5: {  	_ = 	snop  }
0x2a6: {  	[spmem:s3] =	stream.indirect.scatter.add.f32 [tilespmem:s17], [sflag:$0x3], $0x8, s29, s28, $0xb8;
	[tilespmem:$0x1C800] =	vst v63  }
0x2a7: {  	s30 =	simm.s32 $0x5000;
	s31 =	simm.s32 $0x600  }
0x2a8: {  	[spmem:s1] =	stream.indirect.scatter.add.bf16 [tilespmem:s30], [sflag:$0x3], $0x20, s31, s28, $0xb8;
	[tilespmem:$0x1C800] =	vst v63  }
0x2a9: {  	_ = 	snop  }
0x2aa: {  	[spmem:s3] =	stream.indirect.scatter.add.f32 [tilespmem:s17], [sflag:$0x3], $0x8, s31, s28, $0xb8;
	[tilespmem:$0x1C800] =	vst v63  }
0x2ab: {  	s10 =	simm.s32 $0x6000;
	s29 =	simm.s32 $0x680  }
0x2ac: {  	[spmem:s1] =	stream.indirect.scatter.add.bf16 [tilespmem:s10], [sflag:$0x3], $0x20, s29, s28, $0xb8;
	[tilespmem:$0x1C800] =	vst v63  }
0x2ad: {  	_ = 	snop  }
0x2ae: {  	[spmem:s3] =	stream.indirect.scatter.add.f32 [tilespmem:s17], [sflag:$0x3], $0x8, s29, s28, $0xb8;
	[tilespmem:$0x1C800] =	vst v63  }
0x2af: {  	s30 =	simm.s32 $0x7000;
	s31 =	simm.s32 $0x700  }
0x2b0: {  	[spmem:s1] =	stream.indirect.scatter.add.bf16 [tilespmem:s30], [sflag:$0x3], $0x20, s31, s28, $0xb8;
	[tilespmem:$0x1C800] =	vst v63  }
0x2b1: {  	_ = 	snop  }
0x2b2: {  	[spmem:s3] =	stream.indirect.scatter.add.f32 [tilespmem:s17], [sflag:$0x3], $0x8, s31, s28, $0xb8;
	[tilespmem:$0x1C800] =	vst v63  }
0x2b3: {  	s9 =	simm.s32 $0x8000;
	s10 =	simm.s32 $0x780  }
0x2b4: {  	[spmem:s1] =	stream.indirect.scatter.add.bf16 [tilespmem:s9], [sflag:$0x3], $0x20, s10, s28, $0xb8;
	[tilespmem:$0x1C800] =	vst v63  }
0x2b5: {  	_ = 	snop  }
0x2b6: {  	[spmem:s3] =	stream.indirect.scatter.add.f32 [tilespmem:s17], [sflag:$0x3], $0x8, s10, s28, $0xb8;
	[tilespmem:$0x1C800] =	vst v63  }
0x2b7: {  	_ =	swait.ge [sflag:s20], $0x1000  }
0x2b8: {  	[sflag:s20] =	ssyncset.done $0x0  }
0x2b9: {  	[sflag:s20] =	ssyncadd.s32 $0xFFFFF000  }
0x2ba: {  	_ =	swait.ge [sflag:s20], $0x400  }
0x2bb: {  	[sflag:s20] =	ssyncset.done $0x0  }
0x2bc: {  	[sflag:s20] =	ssyncadd.s32 $0xFFFFFC00  }
0x2bd: {  	_ =	swait.ge [sflag:s20], $0x1000  }
0x2be: {  	[sflag:s20] =	ssyncset.done $0x0  }
0x2bf: {  	[sflag:s20] =	ssyncadd.s32 $0xFFFFF000  }
0x2c0: {  	_ =	swait.ge [sflag:s20], $0x400  }
0x2c1: {  	[sflag:s20] =	ssyncset.done $0x0  }
0x2c2: {  	[sflag:s20] =	ssyncadd.s32 $0xFFFFFC00  }
0x2c3: {  	_ =	swait.ge [sflag:s20], $0x1000  }
0x2c4: {  	[sflag:s20] =	ssyncset.done $0x0  }
0x2c5: {  	[sflag:s20] =	ssyncadd.s32 $0xFFFFF000  }
0x2c6: {  	_ =	swait.ge [sflag:s20], $0x400  }
0x2c7: {  	[sflag:s20] =	ssyncset.done $0x0  }
0x2c8: {  	[sflag:s20] =	ssyncadd.s32 $0xFFFFFC00  }
0x2c9: {  	_ =	swait.ge [sflag:s20], $0x1000  }
0x2ca: {  	[sflag:s20] =	ssyncset.done $0x0  }
0x2cb: {  	[sflag:s20] =	ssyncadd.s32 $0xFFFFF000  }
0x2cc: {  	_ =	swait.ge [sflag:s20], $0x400  }
0x2cd: {  	[sflag:s20] =	ssyncset.done $0x0  }
0x2ce: {  	[sflag:s20] =	ssyncadd.s32 $0xFFFFFC00  }
0x2cf: {  	_ =	swait.ge [sflag:s20], $0x1000  }
0x2d0: {  	[sflag:s20] =	ssyncset.done $0x0  }
0x2d1: {  	[sflag:s20] =	ssyncadd.s32 $0xFFFFF000  }
0x2d2: {  	_ =	swait.ge [sflag:s20], $0x400  }
0x2d3: {  	[sflag:s20] =	ssyncset.done $0x0  }
0x2d4: {  	[sflag:s20] =	ssyncadd.s32 $0xFFFFFC00  }
0x2d5: {  	_ =	swait.ge [sflag:s20], $0x1000  }
0x2d6: {  	[sflag:s20] =	ssyncset.done $0x0  }
0x2d7: {  	[sflag:s20] =	ssyncadd.s32 $0xFFFFF000  }
0x2d8: {  	_ =	swait.ge [sflag:s20], $0x400  }
0x2d9: {  	[sflag:s20] =	ssyncset.done $0x0  }
0x2da: {  	[sflag:s20] =	ssyncadd.s32 $0xFFFFFC00  }
0x2db: {  	_ =	swait.ge [sflag:s20], $0x1000  }
0x2dc: {  	[sflag:s20] =	ssyncset.done $0x0  }
0x2dd: {  	[sflag:s20] =	ssyncadd.s32 $0xFFFFF000  }
0x2de: {  	_ =	swait.ge [sflag:s20], $0x400  }
0x2df: {  	[sflag:s20] =	ssyncset.done $0x0  }
0x2e0: {  	[sflag:s20] =	ssyncadd.s32 $0xFFFFFC00  }
0x2e1: {  	_ =	swait.ge [sflag:s20], $0x1000  }
0x2e2: {  	[sflag:s20] =	ssyncset.done $0x0  }
0x2e3: {  	p0 =	seq.s32 s14, $0x400;
	[sflag:s20] =	ssyncadd.s32 $0xFFFFF000  }
0x2e4: {  	s9 =	simm.s32 @!p0 $0x0;
	_ =	swait.ge [sflag:s20], $0x400  }
0x2e5: {  	s10 =	simm.s32 @!p0 $0x400;
	s4 =	rddreg [dreg:$0x6];
	[sflag:s20] =	ssyncset.done $0x0  }
0x2e6: {  	[sflag:s20] =	ssyncadd.s32 $0xFFFFFC00;
	s4 =	sadd.s32 @!p0 s14, s4;
	s14 =	simm.s32 @!p0 $0x50000  }
0x2e7: {  	[tilespmem:s9], [sflag:$0x5] =	stream.strided.gather @!p0 [hbm4b:s4+s10], $0x800, s14, s10, $0x38;
	[tilespmem:$0x1C800] =	vst v63  }
0x2e8: {  	s4 =	simm.s32 @!p0 $0x5  }
0x2e9: {  	_ =	swait.ge @!p0 [sflag:s4], $0x800  }
0x2ea: {  	[sflag:s4] =	ssyncset.done @!p0 $0x0  }
0x2eb: {  	s10 =	simm.s32 @!p0 $0x80;
	[sflag:s4] =	ssyncadd.s32 @!p0 $0xFFFFF800;
	s4 =	simm.s32 @!p0 $0x1000  }
0x2ec: {  	[tilespmem:s4], [sflag:$0x1] =	stream.indirect.gather @!p0 [spmem:s2], $0x20, s9, s10, $0xb8;
	[tilespmem:$0x1C800] =	vst v63  }
0x2ed: {  	s4 =	simm.s32 @!p0 $0x2000  }
0x2ee: {  	[tilespmem:s4], [sflag:$0x1] =	stream.indirect.gather @!p0 [spmem:s2], $0x20, s10, s10, $0xb8;
	[tilespmem:$0x1C800] =	vst v63  }
0x2ef: {  	s9 =	simm.s32 @!p0 $0x3000;
	s4 =	simm.s32 @!p0 $0x100  }
0x2f0: {  	[tilespmem:s9], [sflag:$0x1] =	stream.indirect.gather @!p0 [spmem:s2], $0x20, s4, s10, $0xb8;
	[tilespmem:$0x1C800] =	vst v63  }
0x2f1: {  	s4 =	simm.s32 @!p0 $0x180;
	s9 =	simm.s32 @!p0 $0x4000  }
0x2f2: {  	[tilespmem:s9], [sflag:$0x1] =	stream.indirect.gather @!p0 [spmem:s2], $0x20, s4, s10, $0xb8;
	[tilespmem:$0x1C800] =	vst v63  }
0x2f3: {  	s4 =	simm.s32 @!p0 $0x200;
	s9 =	simm.s32 @!p0 $0x5000  }
0x2f4: {  	[tilespmem:s9], [sflag:$0x1] =	stream.indirect.gather @!p0 [spmem:s2], $0x20, s4, s10, $0xb8;
	[tilespmem:$0x1C800] =	vst v63  }
0x2f5: {  	s4 =	simm.s32 @!p0 $0x280;
	s9 =	simm.s32 @!p0 $0x6000  }
0x2f6: {  	[tilespmem:s9], [sflag:$0x1] =	stream.indirect.gather @!p0 [spmem:s2], $0x20, s4, s10, $0xb8;
	[tilespmem:$0x1C800] =	vst v63  }
0x2f7: {  	s4 =	simm.s32 @!p0 $0x300;
	s9 =	simm.s32 @!p0 $0x7000  }
0x2f8: {  	[tilespmem:s9], [sflag:$0x1] =	stream.indirect.gather @!p0 [spmem:s2], $0x20, s4, s10, $0xb8;
	[tilespmem:$0x1C800] =	vst v63  }
0x2f9: {  	s4 =	simm.s32 @!p0 $0x380;
	s9 =	simm.s32 @!p0 $0x8000  }
0x2fa: {  	[tilespmem:s9], [sflag:$0x1] =	stream.indirect.gather @!p0 [spmem:s2], $0x20, s4, s10, $0xb8;
	[tilespmem:$0x1C800] =	vst v63  }
0x2fb: {  	_ =	swait.ge [sflag:s19], $0x1000  }
0x2fc: {  	[sflag:s19] =	ssyncset.done $0x0  }
0x2fd: {  	[sflag:s19] =	ssyncadd.s32 $0xFFFFF000  }
0x2fe: {  	_ =	swait.ge [sflag:s19], $0x1000  }
0x2ff: {  	[sflag:s19] =	ssyncset.done $0x0  }
0x300: {  	[sflag:s19] =	ssyncadd.s32 $0xFFFFF000  }
0x301: {  	_ =	swait.ge [sflag:s19], $0x1000  }
0x302: {  	[sflag:s19] =	ssyncset.done $0x0  }
0x303: {  	[sflag:s19] =	ssyncadd.s32 $0xFFFFF000  }
0x304: {  	_ =	swait.ge [sflag:s19], $0x1000  }
0x305: {  	[sflag:s19] =	ssyncset.done $0x0  }
0x306: {  	[sflag:s19] =	ssyncadd.s32 $0xFFFFF000  }
0x307: {  	_ =	swait.ge [sflag:s19], $0x1000  }
0x308: {  	[sflag:s19] =	ssyncset.done $0x0  }
0x309: {  	[sflag:s19] =	ssyncadd.s32 $0xFFFFF000  }
0x30a: {  	_ =	swait.ge [sflag:s19], $0x1000  }
0x30b: {  	[sflag:s19] =	ssyncset.done $0x0  }
0x30c: {  	[sflag:s19] =	ssyncadd.s32 $0xFFFFF000  }
0x30d: {  	_ =	swait.ge [sflag:s19], $0x1000  }
0x30e: {  	[sflag:s19] =	ssyncset.done $0x0  }
0x30f: {  	[sflag:s19] =	ssyncadd.s32 $0xFFFFF000  }
0x310: {  	_ =	swait.ge [sflag:s19], $0x1000  }
0x311: {  	[sflag:s19] =	ssyncset.done $0x0  }
0x312: {  	s14 =	simm.s32 $0xC00;
	[sflag:s19] =	ssyncadd.s32 $0xFFFFF000  }
0x313: {  	[spmem:s1] =	stream.indirect.scatter.add.bf16 [tilespmem:s15], [sflag:$0x4], $0x20, s14, s28, $0xb8;
	[tilespmem:$0x1C800] =	vst v63  }
0x314: {  	_ = 	snop  }
0x315: {  	[spmem:s3] =	stream.indirect.scatter.add.f32 [tilespmem:s17], [sflag:$0x4], $0x8, s14, s28, $0xb8;
	[tilespmem:$0x1C800] =	vst v63  }
0x316: {  	s15 =	simm.s32 $0xC80  }
0x317: {  	[spmem:s1] =	stream.indirect.scatter.add.bf16 [tilespmem:s16], [sflag:$0x4], $0x20, s15, s28, $0xb8;
	[tilespmem:$0x1C800] =	vst v63  }
0x318: {  	_ = 	snop  }
0x319: {  	[spmem:s3] =	stream.indirect.scatter.add.f32 [tilespmem:s17], [sflag:$0x4], $0x8, s15, s28, $0xb8;
	[tilespmem:$0x1C800] =	vst v63  }
0x31a: {  	_ = 	snop  }
0x31b: {  	[spmem:s1] =	stream.indirect.scatter.add.bf16 [tilespmem:s21], [sflag:$0x4], $0x20, s6, s28, $0xb8;
	[tilespmem:$0x1C800] =	vst v63  }
0x31c: {  	_ = 	snop  }
0x31d: {  	[spmem:s3] =	stream.indirect.scatter.add.f32 [tilespmem:s17], [sflag:$0x4], $0x8, s6, s28, $0xb8;
	[tilespmem:$0x1C800] =	vst v63  }
0x31e: {  	_ = 	snop  }
0x31f: {  	[spmem:s1] =	stream.indirect.scatter.add.bf16 [tilespmem:s22], [sflag:$0x4], $0x20, s7, s28, $0xb8;
	[tilespmem:$0x1C800] =	vst v63  }
0x320: {  	_ = 	snop  }
0x321: {  	[spmem:s3] =	stream.indirect.scatter.add.f32 [tilespmem:s17], [sflag:$0x4], $0x8, s7, s28, $0xb8;
	[tilespmem:$0x1C800] =	vst v63  }
0x322: {  	_ = 	snop  }
0x323: {  	[spmem:s1] =	stream.indirect.scatter.add.bf16 [tilespmem:s24], [sflag:$0x4], $0x20, s8, s28, $0xb8;
	[tilespmem:$0x1C800] =	vst v63  }
0x324: {  	_ = 	snop  }
0x325: {  	[spmem:s3] =	stream.indirect.scatter.add.f32 [tilespmem:s17], [sflag:$0x4], $0x8, s8, s28, $0xb8;
	[tilespmem:$0x1C800] =	vst v63  }
0x326: {  	_ = 	snop  }
0x327: {  	[spmem:s1] =	stream.indirect.scatter.add.bf16 [tilespmem:s0], [sflag:$0x4], $0x20, s11, s28, $0xb8;
	[tilespmem:$0x1C800] =	vst v63  }
0x328: {  	_ = 	snop  }
0x329: {  	[spmem:s3] =	stream.indirect.scatter.add.f32 [tilespmem:s17], [sflag:$0x4], $0x8, s11, s28, $0xb8;
	[tilespmem:$0x1C800] =	vst v63  }
0x32a: {  	_ = 	snop  }
0x32b: {  	[spmem:s1] =	stream.indirect.scatter.add.bf16 [tilespmem:s25], [sflag:$0x4], $0x20, s12, s28, $0xb8;
	[tilespmem:$0x1C800] =	vst v63  }
0x32c: {  	_ = 	snop  }
0x32d: {  	[spmem:s3] =	stream.indirect.scatter.add.f32 [tilespmem:s17], [sflag:$0x4], $0x8, s12, s28, $0xb8;
	[tilespmem:$0x1C800] =	vst v63  }
0x32e: {  	_ = 	snop  }
0x32f: {  	[spmem:s1] =	stream.indirect.scatter.add.bf16 [tilespmem:s5], [sflag:$0x4], $0x20, s13, s28, $0xb8;
	[tilespmem:$0x1C800] =	vst v63  }
0x330: {  	s22 =	simm.s32 $0x4  }
0x331: {  	[spmem:s3] =	stream.indirect.scatter.add.f32 [tilespmem:s17], [sflag:$0x4], $0x8, s13, s28, $0xb8;
	[tilespmem:$0x1C800] =	vst v63  }
0x332: {  	_ =	swait.ge [sflag:s22], $0x1000  }
0x333: {  	[sflag:s22] =	ssyncset.done $0x0  }
0x334: {  	[sflag:s22] =	ssyncadd.s32 $0xFFFFF000  }
0x335: {  	_ =	swait.ge [sflag:s22], $0x400  }
0x336: {  	[sflag:s22] =	ssyncset.done $0x0  }
0x337: {  	[sflag:s22] =	ssyncadd.s32 $0xFFFFFC00  }
0x338: {  	_ =	swait.ge [sflag:s22], $0x1000  }
0x339: {  	[sflag:s22] =	ssyncset.done $0x0  }
0x33a: {  	[sflag:s22] =	ssyncadd.s32 $0xFFFFF000  }
0x33b: {  	_ =	swait.ge [sflag:s22], $0x400  }
0x33c: {  	[sflag:s22] =	ssyncset.done $0x0  }
0x33d: {  	[sflag:s22] =	ssyncadd.s32 $0xFFFFFC00  }
0x33e: {  	_ =	swait.ge [sflag:s22], $0x1000  }
0x33f: {  	[sflag:s22] =	ssyncset.done $0x0  }
0x340: {  	[sflag:s22] =	ssyncadd.s32 $0xFFFFF000  }
0x341: {  	_ =	swait.ge [sflag:s22], $0x400  }
0x342: {  	[sflag:s22] =	ssyncset.done $0x0  }
0x343: {  	[sflag:s22] =	ssyncadd.s32 $0xFFFFFC00  }
0x344: {  	_ =	swait.ge [sflag:s22], $0x1000  }
0x345: {  	[sflag:s22] =	ssyncset.done $0x0  }
0x346: {  	[sflag:s22] =	ssyncadd.s32 $0xFFFFF000  }
0x347: {  	_ =	swait.ge [sflag:s22], $0x400  }
0x348: {  	[sflag:s22] =	ssyncset.done $0x0  }
0x349: {  	[sflag:s22] =	ssyncadd.s32 $0xFFFFFC00  }
0x34a: {  	_ =	swait.ge [sflag:s22], $0x1000  }
0x34b: {  	[sflag:s22] =	ssyncset.done $0x0  }
0x34c: {  	[sflag:s22] =	ssyncadd.s32 $0xFFFFF000  }
0x34d: {  	_ =	swait.ge [sflag:s22], $0x400  }
0x34e: {  	[sflag:s22] =	ssyncset.done $0x0  }
0x34f: {  	[sflag:s22] =	ssyncadd.s32 $0xFFFFFC00  }
0x350: {  	_ =	swait.ge [sflag:s22], $0x1000  }
0x351: {  	[sflag:s22] =	ssyncset.done $0x0  }
0x352: {  	[sflag:s22] =	ssyncadd.s32 $0xFFFFF000  }
0x353: {  	_ =	swait.ge [sflag:s22], $0x400  }
0x354: {  	[sflag:s22] =	ssyncset.done $0x0  }
0x355: {  	[sflag:s22] =	ssyncadd.s32 $0xFFFFFC00  }
0x356: {  	_ =	swait.ge [sflag:s22], $0x1000  }
0x357: {  	[sflag:s22] =	ssyncset.done $0x0  }
0x358: {  	[sflag:s22] =	ssyncadd.s32 $0xFFFFF000  }
0x359: {  	_ =	swait.ge [sflag:s22], $0x400  }
0x35a: {  	[sflag:s22] =	ssyncset.done $0x0  }
0x35b: {  	[sflag:s22] =	ssyncadd.s32 $0xFFFFFC00  }
0x35c: {  	_ =	swait.ge [sflag:s22], $0x1000  }
0x35d: {  	[sflag:s22] =	ssyncset.done $0x0  }
0x35e: {  	[sflag:s22] =	ssyncadd.s32 $0xFFFFF000  }
0x35f: {  	_ =	swait.ge [sflag:s22], $0x400  }
0x360: {  	[sflag:s22] =	ssyncset.done $0x0  }
0x361: {  	[sflag:s22] =	ssyncadd.s32 $0xFFFFFC00  }
0x362: {  	[bflag:$0x0] =	sbarrier.arrive $0xFFFF  }
0x363: {  	s16 =	rddreg [dreg:$0x13]  }
0x364: {  	s14 =	rddreg [dreg:$0x18]  }
0x365: {  	s24 =	rddreg [dreg:$0x1a]  }
0x366: {  	[hbm:s24], [sflag:s16] =	dma.local [spmem:s14], $0xA00  }
0x367: {  	s4 =	rddreg [dreg:$0x1b]  }
0x368: {  	s25 =	rddreg [dreg:$0x1d]  }
0x369: {  	s29 =	rddreg [dreg:$0x1e]  }
0x36a: {  	[hbm:s4], [sflag:s25] =	dma.local [spmem:s29], $0x280  }
0x36b: {  	_ =	swait.ge [sflag:s18], $0xA00  }
0x36c: {  	[sflag:s18] =	ssyncset.done $0x0  }
0x36d: {  	[sflag:s18] =	ssyncadd.s32 $0xFFFFF600  }
0x36e: {  	_ =	swait.ge [sflag:s19], $0x280  }
0x36f: {  	s30 =	rddreg [dreg:$0x1c]  }
0x370: {  	s31 =	rddreg [dreg:$0x17];
	s0 =	sadd.s32 $0x1, s30  }
0x371: {  	p0 =	sne.s32 s0, s31  }
.Ltmp1:
0x372: {  	_ = 	snop;
	(pc) =	sbr.rel @p0 .LBB2_1-.Ltmp1, $3  }
0x373: {  	_ =	sdelay $0x1  }
0x374: {  	[sflag:s19] =	ssyncset.done $0x0  }
0x375: {  	[sflag:s19] =	ssyncadd.s32 $0xFFFFFD80  }
0x376: {  	_ =	sfence.sel $0x180000  }
0x377: {  	[bflag:$0x0] =	sbarrier.arrive $0xFFFF  }
0x378: {  	_ =	strace $0x90000047  }
0x379: {  	s0 =	stileid.u32;
	[bflag:$0x2] =	sbarrier.arrive $0xFFFF  }
0x37a: {  	p0 =	sne.s32 s0, $0x0;
	s0 =	rddreg [dreg:$0x5]  }
0x37b: {  	s0 =	sadd.s32 @!p0 $0x100000, s0  }
0x37c: {  	[sflag:s0] =	ssyncadd.tile.s32 @!p0 $0x1;
	_ =	shalt  }
.Lfunc_end2:
_tile_overlayer_lowered:
.L_overlay_start_2:
0x37d: {  	(tag) =	ssettag $0x2  }
0x37e: {  	s0 =	rddreg [dreg:$0x0];
	s2 =	stileid.u32  }
0x37f: {  	s1 =	rddreg [dreg:$0x1];
	p0 =	sne.s32 s2, $0x0  }
0x380: {  	s3 =	rddreg [dreg:$0x2];
	[bflag:$0x3] =	sbarrier.arrive $0xFFFF;
	s2 =	simm.s32 @!p0 $0x1C05  }
0x381: {  	[timem:s3], [sflag:s2] =	dma.local @!p0 [hbm:s0], s1  }
0x382: {  	s0 =	simm.s32 @!p0 $0x5  }
0x383: {  	_ =	swait.ge @!p0 [sflag:s0], s1  }
0x384: {  	s1 =	ssub.s32 @!p0 $0x0, s1;
	[sflag:s0] =	ssyncset.done @!p0 $0x0  }
0x385: {  	[sflag:s0] =	ssyncadd.s32 @!p0 s1  }
0x386: {  	[bflag:$0x3] =	sbarrier.arrive $0xFFFF  }
0x387: {  	_ =	shalt  }

</sc_bundles>
